<compile_context>
chip_gen: v7x
topology: tpu7x:2x2x1
jax: 0.10.2.dev20260603
libtpu: 0.0.44.dev20260713+nightly
codegen_flags: <defaults>
</compile_context>

<pallas_src>
import functools

import jax
import jax.numpy as jnp
from jax import lax
from jax.experimental import pallas as pl
from jax.experimental.pallas import tpu as pltpu
from jax.experimental.pallas import tpu_sc as plsc

N_TIME_INTERVAL = 64
TIME_DIM = 32
PASS_TIME = 1000000.0
PER_TIME = PASS_TIME / N_TIME_INTERVAL
INV_PER_TIME = 1.0 / PER_TIME

NUM_CORES = 2
NUM_SUBCORES = 16
NUM_WORKERS = NUM_CORES * NUM_SUBCORES

BATCH = 4096
MAX_LEN = 200
TS_LEN = MAX_LEN + 1
BPW = BATCH // NUM_WORKERS
RPW = BPW * MAX_LEN
SLEN = 320
NBLOCK = RPW // SLEN
NBUF = 2
LANES = 16
TPAD = TIME_DIM + 1
DIV_MUL = 5243
DIV_SHIFT = 20
BPG = (8 * MAX_LEN) // SLEN
PBROWS = 8
NGROUPS = BPW // PBROWS


def _sc_body(ts_hbm, table_hbm, out_hbm, pass_hbm, ts_v, table_v, obufs, pbufs,
             sems, psems):
    wid = lax.axis_index("s") * NUM_CORES + lax.axis_index("c")

    pltpu.sync_copy(ts_hbm.at[pl.ds(wid * BPW, BPW)], ts_v)
    pltpu.sync_copy(table_hbm, table_v)

    lane = lax.iota(jnp.int32, LANES)
    swz = [jnp.bitwise_and(lane + c, TIME_DIM - 1) for c in range(TIME_DIM)]

    def out_dma(j, b):
        return pltpu.make_async_copy(
            obufs.at[b],
            out_hbm.at[pl.ds(wid * RPW + j * SLEN, SLEN)],
            sems.at[b])

    def pass_dma(g, q):
        return pltpu.make_async_copy(
            pbufs.at[pl.ds(q * PBROWS, PBROWS)],
            pass_hbm.at[pl.ds(wid * BPW + g * PBROWS, PBROWS)],
            psems.at[q])

    def block_body(j0, carry):
        for b in range(NBUF):
            j = j0 * NBUF + b
            g = lax.div(j, BPG)
            q = lax.rem(g, 2)
            m = lax.rem(j, BPG)

            @pl.when(j >= NBUF)
            def _():
                out_dma(j - NBUF, b).wait()

            @pl.when(jnp.logical_and(m == 0, g >= 2))
            def _():
                pass_dma(g - 2, q).wait()

            obuf = obufs.at[b]
            jbase = j * SLEN
            prow_off = (g - q) * PBROWS

            @plsc.parallel_loop(0, SLEN, LANES, unroll=4)
            def _(r):
                p = lane + (jbase + r)
                bp = jnp.right_shift(p * DIV_MUL, DIV_SHIFT)
                col = p - bp * MAX_LEN
                t_lo = plsc.load_gather(ts_v, [bp, col])
                t_hi = plsc.load_gather(ts_v, [bp, col + 1])
                plsc.store_scatter(pbufs, [bp - prow_off, col], t_lo)
                delta = (t_hi - t_lo) * INV_PER_TIME
                vi = lax.convert_element_type(delta, jnp.int32)
                vi = jnp.minimum(jnp.maximum(vi, 0), N_TIME_INTERVAL - 1)
                base = vi * TPAD
                row = lane + r
                for c0 in range(0, TIME_DIM, 8):
                    vals = [plsc.load_gather(table_v, [base + swz[c0 + k]])
                            for k in range(8)]
                    for k in range(8):
                        plsc.store_scatter(obuf, [row, swz[c0 + k]], vals[k])

            out_dma(j, b).start()

            @pl.when(m == BPG - 1)
            def _():
                pass_dma(g, q).start()
        return carry

    lax.fori_loop(0, NBLOCK // NBUF, block_body, 0)

    for b in range(NBUF):
        out_dma(NBLOCK - NBUF + b, b).wait()
    pass_dma(NGROUPS - 2, 0).wait()
    pass_dma(NGROUPS - 1, 1).wait()


@functools.partial(
    pl.kernel,
    mesh=plsc.VectorSubcoreMesh(core_axis_name="c", subcore_axis_name="s"),
    out_type=[
        jax.ShapeDtypeStruct((BATCH * MAX_LEN, TIME_DIM), jnp.float32),
        jax.ShapeDtypeStruct((BATCH, MAX_LEN), jnp.float32),
    ],
    scratch_types=[
        pltpu.VMEM((BPW, TS_LEN), jnp.float32),
        pltpu.VMEM((2176,), jnp.float32),
        pltpu.VMEM((NBUF, SLEN, TIME_DIM), jnp.float32),
        pltpu.VMEM((2 * PBROWS, MAX_LEN), jnp.float32),
        pltpu.SemaphoreType.DMA((NBUF,)),
        pltpu.SemaphoreType.DMA((2,)),
    ],
    compiler_params=pltpu.CompilerParams(
        use_tc_tiling_on_sc=True, needs_layout_passes=False),
)
def _time_encode_sc(ts_hbm, table_hbm, out_hbm, pass_hbm, ts_v, table_v,
                    obufs, pbufs, sems, psems):
    _sc_body(ts_hbm, table_hbm, out_hbm, pass_hbm, ts_v, table_v, obufs, pbufs,
             sems, psems)


def kernel(input, timestamp, train, W, b):
    batch_size, max_len = input.shape
    table = jnp.pad(W.T + b[None, :], ((0, 0), (0, 1))).reshape(-1)
    table = jnp.pad(table, (0, 2176 - table.shape[0]))
    flat, ts_pass = _time_encode_sc(timestamp, table)
    time_embedding = flat.reshape(batch_size, max_len, TIME_DIM)
    return (time_embedding, ts_pass)

# --- scband reference (transcript-rebuilt; emitter-appended) ---
"""Pipeline reference for scband-interval-time-encoder-77653008712021 (READ-ONLY COPY).

The authoritative reference and input builder live on the scoring server;
editing this copy changes nothing except your own understanding.
"""

import jax, jax.numpy as jnp
import numpy as np

N_TIME_INTERVAL = 64
TIME_DIM = 32
PASS_TIME = 1000000.0
PER_TIME = PASS_TIME / N_TIME_INTERVAL
BATCH = 4096
MAX_LEN = 200


def setup_inputs(seed: int = 0) -> dict:
    key = jax.random.key(seed)
    k1, k2, k3 = jax.random.split(key, 3)
    inp = jax.random.normal(k1, (BATCH, MAX_LEN), dtype=jnp.float32)
    ts = jax.random.uniform(k2, (BATCH, MAX_LEN + 1), dtype=jnp.float32) * PASS_TIME
    ts = jnp.sort(ts, axis=1)
    std = (2.0 / (TIME_DIM + N_TIME_INTERVAL)) ** 0.5
    W = jax.random.normal(k3, (TIME_DIM, N_TIME_INTERVAL), dtype=jnp.float32) * std
    b = jnp.zeros((TIME_DIM,), dtype=jnp.float32)
    return {"input": inp, "timestamp": ts, "train": 1, "W": W, "b": b}


def reference(input, timestamp, train, W, b):
    batch_size, max_len = input.shape
    t_1 = timestamp[:, 1:]
    t_2 = timestamp[:, :-1]
    pass_time = (t_1 - t_2) / PER_TIME
    idx = jnp.maximum(jnp.floor(pass_time), 0.0).astype(jnp.int32)
    idx = jnp.clip(idx, 0, N_TIME_INTERVAL - 1).reshape(batch_size * max_len, 1)
    rows = jnp.arange(batch_size * max_len)[:, None]
    one_hot = jnp.zeros((batch_size * max_len, N_TIME_INTERVAL), dtype=jnp.float32)
    one_hot = one_hot.at[rows, idx].set(1.0)
    time_embedding = one_hot @ W.T + b
    time_embedding = time_embedding.reshape(batch_size, max_len, TIME_DIM)
    return (time_embedding, timestamp[:, :-1])

if __name__ == "__main__":
    import jax
    _d = setup_inputs()
    print(jax.jit(kernel)(*tuple(_d.values())))

</pallas_src>

<mosaic_0001>
#map = affine_map<(d0, d1) -> (0, 0)>
#map1 = affine_map<(d0, d1) -> (0)>
module attributes {stable_mosaic.version = 14 : i64} {
  func.func @_time_encode_sc(%arg0: i32, %arg1: i32, %arg2: memref<4096x201xf32, #tpu.memory_space<hbm>>, %arg3: memref<2176xf32, #tpu.memory_space<hbm>>, %arg4: memref<819200x32xf32, #tpu.memory_space<hbm>>, %arg5: memref<4096x200xf32, #tpu.memory_space<hbm>>, %arg6: memref<128x201xf32, #tpu.memory_space<vmem>>, %arg7: memref<2176xf32, #tpu.memory_space<vmem>>, %arg8: memref<2x320x32xf32, #tpu.memory_space<vmem>>, %arg9: memref<16x200xf32, #tpu.memory_space<vmem>>, %arg10: memref<2x!tpu.dma_semaphore, #tpu.memory_space<semaphore_mem>>, %arg11: memref<2x!tpu.dma_semaphore, #tpu.memory_space<semaphore_mem>>) attributes {dimension_semantics = [#tpu.dimension_semantics<core_parallel>, #tpu.dimension_semantics<subcore_parallel>], iteration_bounds = array<i64: 2, 16>, scalar_prefetch = 0 : i64, scratch_operands = 6 : i64, tpu.core_type = #tpu.core_type<sc_vector_subcore>, window_params = [{transform_indices = #map}, {transform_indices = #map1}, {transform_indices = #map}, {transform_indices = #map}]} {
    %mul3A = arith.constant 2 : i32
    %mul3A_0 = arith.muli %arg1, %mul3A : i32
    %add3A = arith.addi %mul3A_0, %arg0 : i32
    %mul3A_1 = arith.constant 128 : i32
    %mul3A_2 = arith.muli %add3A, %mul3A_1 : i32
    "tpu.region"() ({
      %run_scoped3A = tpu.sem_alloc : memref<!tpu.dma_semaphore, #tpu.memory_space<semaphore_mem>>
      %dma_start3A = arith.constant 0 : i32
      %dma_start3A_272 = tpu.memref_slice %arg2[%mul3A_2, %dma_start3A] : memref<4096x201xf32, #tpu.memory_space<hbm>> -> memref<128x201xf32, #tpu.memory_space<hbm>>
      %dma_start3A_273 = arith.constant 0 : i32
      %dma_start3A_274 = tpu.memref_slice %arg2[%mul3A_2, %dma_start3A_273] : memref<4096x201xf32, #tpu.memory_space<hbm>> -> memref<128x201xf32, #tpu.memory_space<hbm>>
      tpu.enqueue_dma source(%dma_start3A_274 : memref<128x201xf32, #tpu.memory_space<hbm>>) target(%arg6 : memref<128x201xf32, #tpu.memory_space<vmem>>) target_semaphore(%run_scoped3A : memref<!tpu.dma_semaphore, #tpu.memory_space<semaphore_mem>>)
      %dma_wait3A_275 = arith.constant 0 : i32
      %dma_wait3A_276 = tpu.memref_slice %arg2[%mul3A_2, %dma_wait3A_275] : memref<4096x201xf32, #tpu.memory_space<hbm>> -> memref<128x201xf32, #tpu.memory_space<hbm>>
      %dma_wait3A_277 = arith.constant 0 : i32
      %dma_wait3A_278 = tpu.memref_slice %arg2[%mul3A_2, %dma_wait3A_277] : memref<4096x201xf32, #tpu.memory_space<hbm>> -> memref<128x201xf32, #tpu.memory_space<hbm>>
      tpu.wait_dma2 semaphore(%run_scoped3A : memref<!tpu.dma_semaphore, #tpu.memory_space<semaphore_mem>>) src(%dma_wait3A_278 : memref<128x201xf32, #tpu.memory_space<hbm>>) dst(%arg6 : memref<128x201xf32, #tpu.memory_space<vmem>>)
      tpu.yield
    }) : () -> ()
    "tpu.region"() ({
      %run_scoped3A = tpu.sem_alloc : memref<!tpu.dma_semaphore, #tpu.memory_space<semaphore_mem>>
      tpu.enqueue_dma source(%arg3 : memref<2176xf32, #tpu.memory_space<hbm>>) target(%arg7 : memref<2176xf32, #tpu.memory_space<vmem>>) target_semaphore(%run_scoped3A : memref<!tpu.dma_semaphore, #tpu.memory_space<semaphore_mem>>)
      tpu.wait_dma2 semaphore(%run_scoped3A : memref<!tpu.dma_semaphore, #tpu.memory_space<semaphore_mem>>) src(%arg3 : memref<2176xf32, #tpu.memory_space<hbm>>) dst(%arg7 : memref<2176xf32, #tpu.memory_space<vmem>>)
      tpu.yield
    }) : () -> ()
    %iota3A = tpu.iota {dimensions = array<i32: 0>} : vector<16xi32>
    %add3A_3 = arith.constant 0 : i32
    %add3A_4 = vector.broadcast %add3A_3 : i32 to vector<16xi32>
    %add3A_5 = arith.addi %iota3A, %add3A_4 : vector<16xi32>
    %and3A = arith.constant 31 : i32
    %and3A_6 = vector.broadcast %and3A : i32 to vector<16xi32>
    %and3A_7 = arith.andi %add3A_5, %and3A_6 : vector<16xi32>
    %add3A_8 = arith.constant 1 : i32
    %add3A_9 = vector.broadcast %add3A_8 : i32 to vector<16xi32>
    %add3A_10 = arith.addi %iota3A, %add3A_9 : vector<16xi32>
    %and3A_11 = arith.constant 31 : i32
    %and3A_12 = vector.broadcast %and3A_11 : i32 to vector<16xi32>
    %and3A_13 = arith.andi %add3A_10, %and3A_12 : vector<16xi32>
    %add3A_14 = arith.constant 2 : i32
    %add3A_15 = vector.broadcast %add3A_14 : i32 to vector<16xi32>
    %add3A_16 = arith.addi %iota3A, %add3A_15 : vector<16xi32>
    %and3A_17 = arith.constant 31 : i32
    %and3A_18 = vector.broadcast %and3A_17 : i32 to vector<16xi32>
    %and3A_19 = arith.andi %add3A_16, %and3A_18 : vector<16xi32>
    %add3A_20 = arith.constant 3 : i32
    %add3A_21 = vector.broadcast %add3A_20 : i32 to vector<16xi32>
    %add3A_22 = arith.addi %iota3A, %add3A_21 : vector<16xi32>
    %and3A_23 = arith.constant 31 : i32
    %and3A_24 = vector.broadcast %and3A_23 : i32 to vector<16xi32>
    %and3A_25 = arith.andi %add3A_22, %and3A_24 : vector<16xi32>
    %add3A_26 = arith.constant 4 : i32
    %add3A_27 = vector.broadcast %add3A_26 : i32 to vector<16xi32>
    %add3A_28 = arith.addi %iota3A, %add3A_27 : vector<16xi32>
    %and3A_29 = arith.constant 31 : i32
    %and3A_30 = vector.broadcast %and3A_29 : i32 to vector<16xi32>
    %and3A_31 = arith.andi %add3A_28, %and3A_30 : vector<16xi32>
    %add3A_32 = arith.constant 5 : i32
    %add3A_33 = vector.broadcast %add3A_32 : i32 to vector<16xi32>
    %add3A_34 = arith.addi %iota3A, %add3A_33 : vector<16xi32>
    %and3A_35 = arith.constant 31 : i32
    %and3A_36 = vector.broadcast %and3A_35 : i32 to vector<16xi32>
    %and3A_37 = arith.andi %add3A_34, %and3A_36 : vector<16xi32>
    %add3A_38 = arith.constant 6 : i32
    %add3A_39 = vector.broadcast %add3A_38 : i32 to vector<16xi32>
    %add3A_40 = arith.addi %iota3A, %add3A_39 : vector<16xi32>
    %and3A_41 = arith.constant 31 : i32
    %and3A_42 = vector.broadcast %and3A_41 : i32 to vector<16xi32>
    %and3A_43 = arith.andi %add3A_40, %and3A_42 : vector<16xi32>
    %add3A_44 = arith.constant 7 : i32
    %add3A_45 = vector.broadcast %add3A_44 : i32 to vector<16xi32>
    %add3A_46 = arith.addi %iota3A, %add3A_45 : vector<16xi32>
    %and3A_47 = arith.constant 31 : i32
    %and3A_48 = vector.broadcast %and3A_47 : i32 to vector<16xi32>
    %and3A_49 = arith.andi %add3A_46, %and3A_48 : vector<16xi32>
    %add3A_50 = arith.constant 8 : i32
    %add3A_51 = vector.broadcast %add3A_50 : i32 to vector<16xi32>
    %add3A_52 = arith.addi %iota3A, %add3A_51 : vector<16xi32>
    %and3A_53 = arith.constant 31 : i32
    %and3A_54 = vector.broadcast %and3A_53 : i32 to vector<16xi32>
    %and3A_55 = arith.andi %add3A_52, %and3A_54 : vector<16xi32>
    %add3A_56 = arith.constant 9 : i32
    %add3A_57 = vector.broadcast %add3A_56 : i32 to vector<16xi32>
    %add3A_58 = arith.addi %iota3A, %add3A_57 : vector<16xi32>
    %and3A_59 = arith.constant 31 : i32
    %and3A_60 = vector.broadcast %and3A_59 : i32 to vector<16xi32>
    %and3A_61 = arith.andi %add3A_58, %and3A_60 : vector<16xi32>
    %add3A_62 = arith.constant 10 : i32
    %add3A_63 = vector.broadcast %add3A_62 : i32 to vector<16xi32>
    %add3A_64 = arith.addi %iota3A, %add3A_63 : vector<16xi32>
    %and3A_65 = arith.constant 31 : i32
    %and3A_66 = vector.broadcast %and3A_65 : i32 to vector<16xi32>
    %and3A_67 = arith.andi %add3A_64, %and3A_66 : vector<16xi32>
    %add3A_68 = arith.constant 11 : i32
    %add3A_69 = vector.broadcast %add3A_68 : i32 to vector<16xi32>
    %add3A_70 = arith.addi %iota3A, %add3A_69 : vector<16xi32>
    %and3A_71 = arith.constant 31 : i32
    %and3A_72 = vector.broadcast %and3A_71 : i32 to vector<16xi32>
    %and3A_73 = arith.andi %add3A_70, %and3A_72 : vector<16xi32>
    %add3A_74 = arith.constant 12 : i32
    %add3A_75 = vector.broadcast %add3A_74 : i32 to vector<16xi32>
    %add3A_76 = arith.addi %iota3A, %add3A_75 : vector<16xi32>
    %and3A_77 = arith.constant 31 : i32
    %and3A_78 = vector.broadcast %and3A_77 : i32 to vector<16xi32>
    %and3A_79 = arith.andi %add3A_76, %and3A_78 : vector<16xi32>
    %add3A_80 = arith.constant 13 : i32
    %add3A_81 = vector.broadcast %add3A_80 : i32 to vector<16xi32>
    %add3A_82 = arith.addi %iota3A, %add3A_81 : vector<16xi32>
    %and3A_83 = arith.constant 31 : i32
    %and3A_84 = vector.broadcast %and3A_83 : i32 to vector<16xi32>
    %and3A_85 = arith.andi %add3A_82, %and3A_84 : vector<16xi32>
    %add3A_86 = arith.constant 14 : i32
    %add3A_87 = vector.broadcast %add3A_86 : i32 to vector<16xi32>
    %add3A_88 = arith.addi %iota3A, %add3A_87 : vector<16xi32>
    %and3A_89 = arith.constant 31 : i32
    %and3A_90 = vector.broadcast %and3A_89 : i32 to vector<16xi32>
    %and3A_91 = arith.andi %add3A_88, %and3A_90 : vector<16xi32>
    %add3A_92 = arith.constant 15 : i32
    %add3A_93 = vector.broadcast %add3A_92 : i32 to vector<16xi32>
    %add3A_94 = arith.addi %iota3A, %add3A_93 : vector<16xi32>
    %and3A_95 = arith.constant 31 : i32
    %and3A_96 = vector.broadcast %and3A_95 : i32 to vector<16xi32>
    %and3A_97 = arith.andi %add3A_94, %and3A_96 : vector<16xi32>
    %add3A_98 = arith.constant 16 : i32
    %add3A_99 = vector.broadcast %add3A_98 : i32 to vector<16xi32>
    %add3A_100 = arith.addi %iota3A, %add3A_99 : vector<16xi32>
    %and3A_101 = arith.constant 31 : i32
    %and3A_102 = vector.broadcast %and3A_101 : i32 to vector<16xi32>
    %and3A_103 = arith.andi %add3A_100, %and3A_102 : vector<16xi32>
    %add3A_104 = arith.constant 17 : i32
    %add3A_105 = vector.broadcast %add3A_104 : i32 to vector<16xi32>
    %add3A_106 = arith.addi %iota3A, %add3A_105 : vector<16xi32>
    %and3A_107 = arith.constant 31 : i32
    %and3A_108 = vector.broadcast %and3A_107 : i32 to vector<16xi32>
    %and3A_109 = arith.andi %add3A_106, %and3A_108 : vector<16xi32>
    %add3A_110 = arith.constant 18 : i32
    %add3A_111 = vector.broadcast %add3A_110 : i32 to vector<16xi32>
    %add3A_112 = arith.addi %iota3A, %add3A_111 : vector<16xi32>
    %and3A_113 = arith.constant 31 : i32
    %and3A_114 = vector.broadcast %and3A_113 : i32 to vector<16xi32>
    %and3A_115 = arith.andi %add3A_112, %and3A_114 : vector<16xi32>
    %add3A_116 = arith.constant 19 : i32
    %add3A_117 = vector.broadcast %add3A_116 : i32 to vector<16xi32>
    %add3A_118 = arith.addi %iota3A, %add3A_117 : vector<16xi32>
    %and3A_119 = arith.constant 31 : i32
    %and3A_120 = vector.broadcast %and3A_119 : i32 to vector<16xi32>
    %and3A_121 = arith.andi %add3A_118, %and3A_120 : vector<16xi32>
    %add3A_122 = arith.constant 20 : i32
    %add3A_123 = vector.broadcast %add3A_122 : i32 to vector<16xi32>
    %add3A_124 = arith.addi %iota3A, %add3A_123 : vector<16xi32>
    %and3A_125 = arith.constant 31 : i32
    %and3A_126 = vector.broadcast %and3A_125 : i32 to vector<16xi32>
    %and3A_127 = arith.andi %add3A_124, %and3A_126 : vector<16xi32>
    %add3A_128 = arith.constant 21 : i32
    %add3A_129 = vector.broadcast %add3A_128 : i32 to vector<16xi32>
    %add3A_130 = arith.addi %iota3A, %add3A_129 : vector<16xi32>
    %and3A_131 = arith.constant 31 : i32
    %and3A_132 = vector.broadcast %and3A_131 : i32 to vector<16xi32>
    %and3A_133 = arith.andi %add3A_130, %and3A_132 : vector<16xi32>
    %add3A_134 = arith.constant 22 : i32
    %add3A_135 = vector.broadcast %add3A_134 : i32 to vector<16xi32>
    %add3A_136 = arith.addi %iota3A, %add3A_135 : vector<16xi32>
    %and3A_137 = arith.constant 31 : i32
    %and3A_138 = vector.broadcast %and3A_137 : i32 to vector<16xi32>
    %and3A_139 = arith.andi %add3A_136, %and3A_138 : vector<16xi32>
    %add3A_140 = arith.constant 23 : i32
    %add3A_141 = vector.broadcast %add3A_140 : i32 to vector<16xi32>
    %add3A_142 = arith.addi %iota3A, %add3A_141 : vector<16xi32>
    %and3A_143 = arith.constant 31 : i32
    %and3A_144 = vector.broadcast %and3A_143 : i32 to vector<16xi32>
    %and3A_145 = arith.andi %add3A_142, %and3A_144 : vector<16xi32>
    %add3A_146 = arith.constant 24 : i32
    %add3A_147 = vector.broadcast %add3A_146 : i32 to vector<16xi32>
    %add3A_148 = arith.addi %iota3A, %add3A_147 : vector<16xi32>
    %and3A_149 = arith.constant 31 : i32
    %and3A_150 = vector.broadcast %and3A_149 : i32 to vector<16xi32>
    %and3A_151 = arith.andi %add3A_148, %and3A_150 : vector<16xi32>
    %add3A_152 = arith.constant 25 : i32
    %add3A_153 = vector.broadcast %add3A_152 : i32 to vector<16xi32>
    %add3A_154 = arith.addi %iota3A, %add3A_153 : vector<16xi32>
    %and3A_155 = arith.constant 31 : i32
    %and3A_156 = vector.broadcast %and3A_155 : i32 to vector<16xi32>
    %and3A_157 = arith.andi %add3A_154, %and3A_156 : vector<16xi32>
    %add3A_158 = arith.constant 26 : i32
    %add3A_159 = vector.broadcast %add3A_158 : i32 to vector<16xi32>
    %add3A_160 = arith.addi %iota3A, %add3A_159 : vector<16xi32>
    %and3A_161 = arith.constant 31 : i32
    %and3A_162 = vector.broadcast %and3A_161 : i32 to vector<16xi32>
    %and3A_163 = arith.andi %add3A_160, %and3A_162 : vector<16xi32>
    %add3A_164 = arith.constant 27 : i32
    %add3A_165 = vector.broadcast %add3A_164 : i32 to vector<16xi32>
    %add3A_166 = arith.addi %iota3A, %add3A_165 : vector<16xi32>
    %and3A_167 = arith.constant 31 : i32
    %and3A_168 = vector.broadcast %and3A_167 : i32 to vector<16xi32>
    %and3A_169 = arith.andi %add3A_166, %and3A_168 : vector<16xi32>
    %add3A_170 = arith.constant 28 : i32
    %add3A_171 = vector.broadcast %add3A_170 : i32 to vector<16xi32>
    %add3A_172 = arith.addi %iota3A, %add3A_171 : vector<16xi32>
    %and3A_173 = arith.constant 31 : i32
    %and3A_174 = vector.broadcast %and3A_173 : i32 to vector<16xi32>
    %and3A_175 = arith.andi %add3A_172, %and3A_174 : vector<16xi32>
    %add3A_176 = arith.constant 29 : i32
    %add3A_177 = vector.broadcast %add3A_176 : i32 to vector<16xi32>
    %add3A_178 = arith.addi %iota3A, %add3A_177 : vector<16xi32>
    %and3A_179 = arith.constant 31 : i32
    %and3A_180 = vector.broadcast %and3A_179 : i32 to vector<16xi32>
    %and3A_181 = arith.andi %add3A_178, %and3A_180 : vector<16xi32>
    %add3A_182 = arith.constant 30 : i32
    %add3A_183 = vector.broadcast %add3A_182 : i32 to vector<16xi32>
    %add3A_184 = arith.addi %iota3A, %add3A_183 : vector<16xi32>
    %and3A_185 = arith.constant 31 : i32
    %and3A_186 = vector.broadcast %and3A_185 : i32 to vector<16xi32>
    %and3A_187 = arith.andi %add3A_184, %and3A_186 : vector<16xi32>
    %add3A_188 = arith.constant 31 : i32
    %add3A_189 = vector.broadcast %add3A_188 : i32 to vector<16xi32>
    %add3A_190 = arith.addi %iota3A, %add3A_189 : vector<16xi32>
    %and3A_191 = arith.constant 31 : i32
    %and3A_192 = vector.broadcast %and3A_191 : i32 to vector<16xi32>
    %and3A_193 = arith.andi %add3A_190, %and3A_192 : vector<16xi32>
    %scan3A = arith.constant 0 : i32
    %scan3A_194 = arith.constant 0 : i32
    %scan3A_195 = arith.constant 40 : i32
    %scan3A_196 = arith.addi %scan3A_194, %scan3A_195 : i32
    %scan3A_197 = arith.constant 1 : i32
    scf.for %scan3A_272 = %scan3A_194 to %scan3A_196 step %scan3A_197  : i32 {
      %mul3A_273 = arith.constant 2 : i32
      %mul3A_274 = arith.muli %scan3A_272, %mul3A_273 : i32
      %add3A_275 = arith.constant 0 : i32
      %add3A_276 = arith.addi %mul3A_274, %add3A_275 : i32
      %div3A = arith.constant 5 : i32
      %div3A_277 = arith.divsi %add3A_276, %div3A : i32
      %rem3A = arith.constant 2 : i32
      %rem3A_278 = arith.remsi %div3A_277, %rem3A : i32
      %rem3A_279 = arith.constant 5 : i32
      %rem3A_280 = arith.remsi %add3A_276, %rem3A_279 : i32
      %ge3A = arith.constant 2 : i32
      %ge3A_281 = arith.cmpi sge, %add3A_276, %ge3A : i32
      %convert_element_type3A = arith.extui %ge3A_281 : i1 to i32
      %cond3A = arith.constant 0 : i32
      %cond3A_282 = arith.cmpi ne, %convert_element_type3A, %cond3A : i32
      scf.if %cond3A_282 {
        %sub3A_380 = arith.constant 2 : i32
        %sub3A_381 = arith.subi %add3A_276, %sub3A_380 : i32
        %mul3A_382 = arith.constant 25600 : i32
        %mul3A_383 = arith.muli %add3A, %mul3A_382 : i32
        %mul3A_384 = arith.constant 320 : i32
        %mul3A_385 = arith.muli %sub3A_381, %mul3A_384 : i32
        %add3A_386 = arith.addi %mul3A_383, %mul3A_385 : i32
        %dma_wait3A_387 = arith.constant 0 : i32
        %dma_wait3A_388 = arith.constant 0 : i32
        %dma_wait3A_389 = arith.constant 0 : i32
        %dma_wait3A_390 = arith.constant 0 : i32
        %dma_wait3A_391 = tpu.memref_slice %arg8[%dma_wait3A_387, %dma_wait3A_389, %dma_wait3A_390] : memref<2x320x32xf32, #tpu.memory_space<vmem>> -> memref<1x320x32xf32, #tpu.memory_space<vmem>>
        %dma_wait3A_392 = tpu.memref_squeeze %dma_wait3A_391 : memref<1x320x32xf32, #tpu.memory_space<vmem>> -> memref<320x32xf32, #tpu.memory_space<vmem>>
        %dma_wait3A_393 = arith.constant 0 : i32
        %dma_wait3A_394 = tpu.memref_slice %arg4[%add3A_386, %dma_wait3A_393] : memref<819200x32xf32, #tpu.memory_space<hbm>> -> memref<320x32xf32, #tpu.memory_space<hbm>>
        %dma_wait3A_395 = tpu.memref_slice %arg10[%dma_wait3A_388] : memref<2x!tpu.dma_semaphore, #tpu.memory_space<semaphore_mem>> -> memref<1x!tpu.dma_semaphore, #tpu.memory_space<semaphore_mem>>
        %dma_wait3A_396 = tpu.memref_squeeze %dma_wait3A_395 : memref<1x!tpu.dma_semaphore, #tpu.memory_space<semaphore_mem>> -> memref<!tpu.dma_semaphore, #tpu.memory_space<semaphore_mem>>
        %dma_wait3A_397 = arith.constant 0 : i32
        %dma_wait3A_398 = tpu.memref_slice %arg4[%add3A_386, %dma_wait3A_397] : memref<819200x32xf32, #tpu.memory_space<hbm>> -> memref<320x32xf32, #tpu.memory_space<hbm>>
        %dma_wait3A_399 = arith.constant 0 : i32
        %dma_wait3A_400 = arith.constant 0 : i32
        %dma_wait3A_401 = tpu.memref_slice %arg8[%dma_wait3A_387, %dma_wait3A_399, %dma_wait3A_400] : memref<2x320x32xf32, #tpu.memory_space<vmem>> -> memref<1x320x32xf32, #tpu.memory_space<vmem>>
        %dma_wait3A_402 = tpu.memref_squeeze %dma_wait3A_401 : memref<1x320x32xf32, #tpu.memory_space<vmem>> -> memref<320x32xf32, #tpu.memory_space<vmem>>
        tpu.wait_dma2 semaphore(%dma_wait3A_396 : memref<!tpu.dma_semaphore, #tpu.memory_space<semaphore_mem>>) src(%dma_wait3A_402 : memref<320x32xf32, #tpu.memory_space<vmem>>) dst(%dma_wait3A_398 : memref<320x32xf32, #tpu.memory_space<hbm>>)
      } else {
      }
      %eq3A = arith.constant 0 : i32
      %eq3A_283 = arith.cmpi eq, %rem3A_280, %eq3A : i32
      %ge3A_284 = arith.constant 2 : i32
      %ge3A_285 = arith.cmpi sge, %div3A_277, %ge3A_284 : i32
      %and3A_286 = arith.andi %eq3A_283, %ge3A_285 : i1
      %convert_element_type3A_287 = arith.extui %and3A_286 : i1 to i32
      %cond3A_288 = arith.constant 0 : i32
      %cond3A_289 = arith.cmpi ne, %convert_element_type3A_287, %cond3A_288 : i32
      scf.if %cond3A_289 {
        %sub3A_380 = arith.constant 2 : i32
        %sub3A_381 = arith.subi %div3A_277, %sub3A_380 : i32
        %mul3A_382 = arith.constant 8 : i32
        %mul3A_383 = arith.muli %rem3A_278, %mul3A_382 : i32
        %mul3A_384 = arith.constant 128 : i32
        %mul3A_385 = arith.muli %add3A, %mul3A_384 : i32
        %mul3A_386 = arith.constant 8 : i32
        %mul3A_387 = arith.muli %sub3A_381, %mul3A_386 : i32
        %add3A_388 = arith.addi %mul3A_385, %mul3A_387 : i32
        %dma_wait3A_389 = arith.constant 0 : i32
        %dma_wait3A_390 = tpu.memref_slice %arg9[%mul3A_383, %dma_wait3A_389] : memref<16x200xf32, #tpu.memory_space<vmem>> -> memref<8x200xf32, #tpu.memory_space<vmem>>
        %dma_wait3A_391 = arith.constant 0 : i32
        %dma_wait3A_392 = tpu.memref_slice %arg5[%add3A_388, %dma_wait3A_391] : memref<4096x200xf32, #tpu.memory_space<hbm>> -> memref<8x200xf32, #tpu.memory_space<hbm>>
        %dma_wait3A_393 = tpu.memref_slice %arg11[%rem3A_278] : memref<2x!tpu.dma_semaphore, #tpu.memory_space<semaphore_mem>> -> memref<1x!tpu.dma_semaphore, #tpu.memory_space<semaphore_mem>>
        %dma_wait3A_394 = tpu.memref_squeeze %dma_wait3A_393 : memref<1x!tpu.dma_semaphore, #tpu.memory_space<semaphore_mem>> -> memref<!tpu.dma_semaphore, #tpu.memory_space<semaphore_mem>>
        %dma_wait3A_395 = arith.constant 0 : i32
        %dma_wait3A_396 = tpu.memref_slice %arg5[%add3A_388, %dma_wait3A_395] : memref<4096x200xf32, #tpu.memory_space<hbm>> -> memref<8x200xf32, #tpu.memory_space<hbm>>
        %dma_wait3A_397 = arith.constant 0 : i32
        %dma_wait3A_398 = tpu.memref_slice %arg9[%mul3A_383, %dma_wait3A_397] : memref<16x200xf32, #tpu.memory_space<vmem>> -> memref<8x200xf32, #tpu.memory_space<vmem>>
        tpu.wait_dma2 semaphore(%dma_wait3A_394 : memref<!tpu.dma_semaphore, #tpu.memory_space<semaphore_mem>>) src(%dma_wait3A_398 : memref<8x200xf32, #tpu.memory_space<vmem>>) dst(%dma_wait3A_396 : memref<8x200xf32, #tpu.memory_space<hbm>>)
      } else {
      }
      %mul3A_290 = arith.constant 320 : i32
      %mul3A_291 = arith.muli %add3A_276, %mul3A_290 : i32
      %sub3A = arith.subi %div3A_277, %rem3A_278 : i32
      %mul3A_292 = arith.constant 8 : i32
      %mul3A_293 = arith.muli %sub3A, %mul3A_292 : i32
      %parallel_loop3A = arith.constant 0 : i32
      %parallel_loop3A_294 = arith.constant 320 : i32
      %parallel_loop3A_295 = arith.constant 16 : i32
      %parallel_loop3A_296 = arith.constant 0 : i32
      scf.for %parallel_loop3A_380 = %parallel_loop3A to %parallel_loop3A_294 step %parallel_loop3A_295  : i32 {
        %parallel_loop3A_381 = arith.addi %mul3A_291, %parallel_loop3A_380 : i32
        %parallel_loop3A_382 = vector.broadcast %parallel_loop3A_381 : i32 to vector<16xi32>
        %parallel_loop3A_383 = arith.addi %iota3A, %parallel_loop3A_382 : vector<16xi32>
        %parallel_loop3A_384 = arith.constant 5243 : i32
        %parallel_loop3A_385 = vector.broadcast %parallel_loop3A_384 : i32 to vector<16xi32>
        %parallel_loop3A_386 = arith.muli %parallel_loop3A_383, %parallel_loop3A_385 : vector<16xi32>
        %parallel_loop3A_387 = arith.constant 20 : i32
        %parallel_loop3A_388 = vector.broadcast %parallel_loop3A_387 : i32 to vector<16xi32>
        %parallel_loop3A_389 = arith.shrsi %parallel_loop3A_386, %parallel_loop3A_388 : vector<16xi32>
        %parallel_loop3A_390 = arith.constant 200 : i32
        %parallel_loop3A_391 = vector.broadcast %parallel_loop3A_390 : i32 to vector<16xi32>
        %parallel_loop3A_392 = arith.muli %parallel_loop3A_389, %parallel_loop3A_391 : vector<16xi32>
        %parallel_loop3A_393 = arith.subi %parallel_loop3A_383, %parallel_loop3A_392 : vector<16xi32>
        %parallel_loop3A_394 = tpu.vector_load_idx %arg6[%parallel_loop3A_389, %parallel_loop3A_393] : memref<128x201xf32, #tpu.memory_space<vmem>>[vector<16xi32>, vector<16xi32>], vector<16xf32>,
        %parallel_loop3A_395 = arith.constant 1 : i32
        %parallel_loop3A_396 = vector.broadcast %parallel_loop3A_395 : i32 to vector<16xi32>
        %parallel_loop3A_397 = arith.addi %parallel_loop3A_393, %parallel_loop3A_396 : vector<16xi32>
        %parallel_loop3A_398 = tpu.vector_load_idx %arg6[%parallel_loop3A_389, %parallel_loop3A_397] : memref<128x201xf32, #tpu.memory_space<vmem>>[vector<16xi32>, vector<16xi32>], vector<16xf32>,
        %parallel_loop3A_399 = vector.broadcast %mul3A_293 : i32 to vector<16xi32>
        %parallel_loop3A_400 = arith.subi %parallel_loop3A_389, %parallel_loop3A_399 : vector<16xi32>
        tpu.vector_store_idx %arg9[%parallel_loop3A_400, %parallel_loop3A_393], %parallel_loop3A_394 : memref<16x200xf32, #tpu.memory_space<vmem>>[vector<16xi32>, vector<16xi32>], vector<16xf32>,
        %parallel_loop3A_401 = arith.subf %parallel_loop3A_398, %parallel_loop3A_394 : vector<16xf32>
        %parallel_loop3A_402 = arith.constant 6.400000e-05 : f32
        %parallel_loop3A_403 = vector.broadcast %parallel_loop3A_402 : f32 to vector<16xf32>
        %parallel_loop3A_404 = arith.mulf %parallel_loop3A_401, %parallel_loop3A_403 : vector<16xf32>
        %parallel_loop3A_405 = arith.fptosi %parallel_loop3A_404 : vector<16xf32> to vector<16xi32>
        %parallel_loop3A_406 = arith.constant 0 : i32
        %parallel_loop3A_407 = vector.broadcast %parallel_loop3A_406 : i32 to vector<16xi32>
        %parallel_loop3A_408 = arith.maxsi %parallel_loop3A_405, %parallel_loop3A_407 : vector<16xi32>
        %parallel_loop3A_409 = arith.constant 63 : i32
        %parallel_loop3A_410 = vector.broadcast %parallel_loop3A_409 : i32 to vector<16xi32>
        %parallel_loop3A_411 = arith.minsi %parallel_loop3A_408, %parallel_loop3A_410 : vector<16xi32>
        %parallel_loop3A_412 = arith.constant 33 : i32
        %parallel_loop3A_413 = vector.broadcast %parallel_loop3A_412 : i32 to vector<16xi32>
        %parallel_loop3A_414 = arith.muli %parallel_loop3A_411, %parallel_loop3A_413 : vector<16xi32>
        %parallel_loop3A_415 = vector.broadcast %parallel_loop3A_380 : i32 to vector<16xi32>
        %parallel_loop3A_416 = arith.addi %iota3A, %parallel_loop3A_415 : vector<16xi32>
        %parallel_loop3A_417 = arith.addi %parallel_loop3A_414, %and3A_7 : vector<16xi32>
        %parallel_loop3A_418 = tpu.vector_load_idx %arg7[%parallel_loop3A_417] : memref<2176xf32, #tpu.memory_space<vmem>>[vector<16xi32>], vector<16xf32>,
        %parallel_loop3A_419 = arith.addi %parallel_loop3A_414, %and3A_13 : vector<16xi32>
        %parallel_loop3A_420 = tpu.vector_load_idx %arg7[%parallel_loop3A_419] : memref<2176xf32, #tpu.memory_space<vmem>>[vector<16xi32>], vector<16xf32>,
        %parallel_loop3A_421 = arith.addi %parallel_loop3A_414, %and3A_19 : vector<16xi32>
        %parallel_loop3A_422 = tpu.vector_load_idx %arg7[%parallel_loop3A_421] : memref<2176xf32, #tpu.memory_space<vmem>>[vector<16xi32>], vector<16xf32>,
        %parallel_loop3A_423 = arith.addi %parallel_loop3A_414, %and3A_25 : vector<16xi32>
        %parallel_loop3A_424 = tpu.vector_load_idx %arg7[%parallel_loop3A_423] : memref<2176xf32, #tpu.memory_space<vmem>>[vector<16xi32>], vector<16xf32>,
        %parallel_loop3A_425 = arith.addi %parallel_loop3A_414, %and3A_31 : vector<16xi32>
        %parallel_loop3A_426 = tpu.vector_load_idx %arg7[%parallel_loop3A_425] : memref<2176xf32, #tpu.memory_space<vmem>>[vector<16xi32>], vector<16xf32>,
        %parallel_loop3A_427 = arith.addi %parallel_loop3A_414, %and3A_37 : vector<16xi32>
        %parallel_loop3A_428 = tpu.vector_load_idx %arg7[%parallel_loop3A_427] : memref<2176xf32, #tpu.memory_space<vmem>>[vector<16xi32>], vector<16xf32>,
        %parallel_loop3A_429 = arith.addi %parallel_loop3A_414, %and3A_43 : vector<16xi32>
        %parallel_loop3A_430 = tpu.vector_load_idx %arg7[%parallel_loop3A_429] : memref<2176xf32, #tpu.memory_space<vmem>>[vector<16xi32>], vector<16xf32>,
        %parallel_loop3A_431 = arith.addi %parallel_loop3A_414, %and3A_49 : vector<16xi32>
        %parallel_loop3A_432 = tpu.vector_load_idx %arg7[%parallel_loop3A_431] : memref<2176xf32, #tpu.memory_space<vmem>>[vector<16xi32>], vector<16xf32>,
        %parallel_loop3A_433 = arith.constant 0 : i32
        %parallel_loop3A_434 = arith.constant 0 : i32
        %parallel_loop3A_435 = tpu.memref_slice %arg8[%parallel_loop3A_296, %parallel_loop3A_433, %parallel_loop3A_434] : memref<2x320x32xf32, #tpu.memory_space<vmem>> -> memref<1x320x32xf32, #tpu.memory_space<vmem>>
        %parallel_loop3A_436 = tpu.memref_squeeze %parallel_loop3A_435 : memref<1x320x32xf32, #tpu.memory_space<vmem>> -> memref<320x32xf32, #tpu.memory_space<vmem>>
        tpu.vector_store_idx %parallel_loop3A_436[%parallel_loop3A_416, %and3A_7], %parallel_loop3A_418 : memref<320x32xf32, #tpu.memory_space<vmem>>[vector<16xi32>, vector<16xi32>], vector<16xf32>,
        %parallel_loop3A_437 = arith.constant 0 : i32
        %parallel_loop3A_438 = arith.constant 0 : i32
        %parallel_loop3A_439 = tpu.memref_slice %arg8[%parallel_loop3A_296, %parallel_loop3A_437, %parallel_loop3A_438] : memref<2x320x32xf32, #tpu.memory_space<vmem>> -> memref<1x320x32xf32, #tpu.memory_space<vmem>>
        %parallel_loop3A_440 = tpu.memref_squeeze %parallel_loop3A_439 : memref<1x320x32xf32, #tpu.memory_space<vmem>> -> memref<320x32xf32, #tpu.memory_space<vmem>>
        tpu.vector_store_idx %parallel_loop3A_440[%parallel_loop3A_416, %and3A_13], %parallel_loop3A_420 : memref<320x32xf32, #tpu.memory_space<vmem>>[vector<16xi32>, vector<16xi32>], vector<16xf32>,
        %parallel_loop3A_441 = arith.constant 0 : i32
        %parallel_loop3A_442 = arith.constant 0 : i32
        %parallel_loop3A_443 = tpu.memref_slice %arg8[%parallel_loop3A_296, %parallel_loop3A_441, %parallel_loop3A_442] : memref<2x320x32xf32, #tpu.memory_space<vmem>> -> memref<1x320x32xf32, #tpu.memory_space<vmem>>
        %parallel_loop3A_444 = tpu.memref_squeeze %parallel_loop3A_443 : memref<1x320x32xf32, #tpu.memory_space<vmem>> -> memref<320x32xf32, #tpu.memory_space<vmem>>
        tpu.vector_store_idx %parallel_loop3A_444[%parallel_loop3A_416, %and3A_19], %parallel_loop3A_422 : memref<320x32xf32, #tpu.memory_space<vmem>>[vector<16xi32>, vector<16xi32>], vector<16xf32>,
        %parallel_loop3A_445 = arith.constant 0 : i32
        %parallel_loop3A_446 = arith.constant 0 : i32
        %parallel_loop3A_447 = tpu.memref_slice %arg8[%parallel_loop3A_296, %parallel_loop3A_445, %parallel_loop3A_446] : memref<2x320x32xf32, #tpu.memory_space<vmem>> -> memref<1x320x32xf32, #tpu.memory_space<vmem>>
        %parallel_loop3A_448 = tpu.memref_squeeze %parallel_loop3A_447 : memref<1x320x32xf32, #tpu.memory_space<vmem>> -> memref<320x32xf32, #tpu.memory_space<vmem>>
        tpu.vector_store_idx %parallel_loop3A_448[%parallel_loop3A_416, %and3A_25], %parallel_loop3A_424 : memref<320x32xf32, #tpu.memory_space<vmem>>[vector<16xi32>, vector<16xi32>], vector<16xf32>,
        %parallel_loop3A_449 = arith.constant 0 : i32
        %parallel_loop3A_450 = arith.constant 0 : i32
        %parallel_loop3A_451 = tpu.memref_slice %arg8[%parallel_loop3A_296, %parallel_loop3A_449, %parallel_loop3A_450] : memref<2x320x32xf32, #tpu.memory_space<vmem>> -> memref<1x320x32xf32, #tpu.memory_space<vmem>>
        %parallel_loop3A_452 = tpu.memref_squeeze %parallel_loop3A_451 : memref<1x320x32xf32, #tpu.memory_space<vmem>> -> memref<320x32xf32, #tpu.memory_space<vmem>>
        tpu.vector_store_idx %parallel_loop3A_452[%parallel_loop3A_416, %and3A_31], %parallel_loop3A_426 : memref<320x32xf32, #tpu.memory_space<vmem>>[vector<16xi32>, vector<16xi32>], vector<16xf32>,
        %parallel_loop3A_453 = arith.constant 0 : i32
        %parallel_loop3A_454 = arith.constant 0 : i32
        %parallel_loop3A_455 = tpu.memref_slice %arg8[%parallel_loop3A_296, %parallel_loop3A_453, %parallel_loop3A_454] : memref<2x320x32xf32, #tpu.memory_space<vmem>> -> memref<1x320x32xf32, #tpu.memory_space<vmem>>
        %parallel_loop3A_456 = tpu.memref_squeeze %parallel_loop3A_455 : memref<1x320x32xf32, #tpu.memory_space<vmem>> -> memref<320x32xf32, #tpu.memory_space<vmem>>
        tpu.vector_store_idx %parallel_loop3A_456[%parallel_loop3A_416, %and3A_37], %parallel_loop3A_428 : memref<320x32xf32, #tpu.memory_space<vmem>>[vector<16xi32>, vector<16xi32>], vector<16xf32>,
        %parallel_loop3A_457 = arith.constant 0 : i32
        %parallel_loop3A_458 = arith.constant 0 : i32
        %parallel_loop3A_459 = tpu.memref_slice %arg8[%parallel_loop3A_296, %parallel_loop3A_457, %parallel_loop3A_458] : memref<2x320x32xf32, #tpu.memory_space<vmem>> -> memref<1x320x32xf32, #tpu.memory_space<vmem>>
        %parallel_loop3A_460 = tpu.memref_squeeze %parallel_loop3A_459 : memref<1x320x32xf32, #tpu.memory_space<vmem>> -> memref<320x32xf32, #tpu.memory_space<vmem>>
        tpu.vector_store_idx %parallel_loop3A_460[%parallel_loop3A_416, %and3A_43], %parallel_loop3A_430 : memref<320x32xf32, #tpu.memory_space<vmem>>[vector<16xi32>, vector<16xi32>], vector<16xf32>,
        %parallel_loop3A_461 = arith.constant 0 : i32
        %parallel_loop3A_462 = arith.constant 0 : i32
        %parallel_loop3A_463 = tpu.memref_slice %arg8[%parallel_loop3A_296, %parallel_loop3A_461, %parallel_loop3A_462] : memref<2x320x32xf32, #tpu.memory_space<vmem>> -> memref<1x320x32xf32, #tpu.memory_space<vmem>>
        %parallel_loop3A_464 = tpu.memref_squeeze %parallel_loop3A_463 : memref<1x320x32xf32, #tpu.memory_space<vmem>> -> memref<320x32xf32, #tpu.memory_space<vmem>>
        tpu.vector_store_idx %parallel_loop3A_464[%parallel_loop3A_416, %and3A_49], %parallel_loop3A_432 : memref<320x32xf32, #tpu.memory_space<vmem>>[vector<16xi32>, vector<16xi32>], vector<16xf32>,
        %parallel_loop3A_465 = arith.addi %parallel_loop3A_414, %and3A_55 : vector<16xi32>
        %parallel_loop3A_466 = tpu.vector_load_idx %arg7[%parallel_loop3A_465] : memref<2176xf32, #tpu.memory_space<vmem>>[vector<16xi32>], vector<16xf32>,
        %parallel_loop3A_467 = arith.addi %parallel_loop3A_414, %and3A_61 : vector<16xi32>
        %parallel_loop3A_468 = tpu.vector_load_idx %arg7[%parallel_loop3A_467] : memref<2176xf32, #tpu.memory_space<vmem>>[vector<16xi32>], vector<16xf32>,
        %parallel_loop3A_469 = arith.addi %parallel_loop3A_414, %and3A_67 : vector<16xi32>
        %parallel_loop3A_470 = tpu.vector_load_idx %arg7[%parallel_loop3A_469] : memref<2176xf32, #tpu.memory_space<vmem>>[vector<16xi32>], vector<16xf32>,
        %parallel_loop3A_471 = arith.addi %parallel_loop3A_414, %and3A_73 : vector<16xi32>
        %parallel_loop3A_472 = tpu.vector_load_idx %arg7[%parallel_loop3A_471] : memref<2176xf32, #tpu.memory_space<vmem>>[vector<16xi32>], vector<16xf32>,
        %parallel_loop3A_473 = arith.addi %parallel_loop3A_414, %and3A_79 : vector<16xi32>
        %parallel_loop3A_474 = tpu.vector_load_idx %arg7[%parallel_loop3A_473] : memref<2176xf32, #tpu.memory_space<vmem>>[vector<16xi32>], vector<16xf32>,
        %parallel_loop3A_475 = arith.addi %parallel_loop3A_414, %and3A_85 : vector<16xi32>
        %parallel_loop3A_476 = tpu.vector_load_idx %arg7[%parallel_loop3A_475] : memref<2176xf32, #tpu.memory_space<vmem>>[vector<16xi32>], vector<16xf32>,
        %parallel_loop3A_477 = arith.addi %parallel_loop3A_414, %and3A_91 : vector<16xi32>
        %parallel_loop3A_478 = tpu.vector_load_idx %arg7[%parallel_loop3A_477] : memref<2176xf32, #tpu.memory_space<vmem>>[vector<16xi32>], vector<16xf32>,
        %parallel_loop3A_479 = arith.addi %parallel_loop3A_414, %and3A_97 : vector<16xi32>
        %parallel_loop3A_480 = tpu.vector_load_idx %arg7[%parallel_loop3A_479] : memref<2176xf32, #tpu.memory_space<vmem>>[vector<16xi32>], vector<16xf32>,
        %parallel_loop3A_481 = arith.constant 0 : i32
        %parallel_loop3A_482 = arith.constant 0 : i32
        %parallel_loop3A_483 = tpu.memref_slice %arg8[%parallel_loop3A_296, %parallel_loop3A_481, %parallel_loop3A_482] : memref<2x320x32xf32, #tpu.memory_space<vmem>> -> memref<1x320x32xf32, #tpu.memory_space<vmem>>
        %parallel_loop3A_484 = tpu.memref_squeeze %parallel_loop3A_483 : memref<1x320x32xf32, #tpu.memory_space<vmem>> -> memref<320x32xf32, #tpu.memory_space<vmem>>
        tpu.vector_store_idx %parallel_loop3A_484[%parallel_loop3A_416, %and3A_55], %parallel_loop3A_466 : memref<320x32xf32, #tpu.memory_space<vmem>>[vector<16xi32>, vector<16xi32>], vector<16xf32>,
        %parallel_loop3A_485 = arith.constant 0 : i32
        %parallel_loop3A_486 = arith.constant 0 : i32
        %parallel_loop3A_487 = tpu.memref_slice %arg8[%parallel_loop3A_296, %parallel_loop3A_485, %parallel_loop3A_486] : memref<2x320x32xf32, #tpu.memory_space<vmem>> -> memref<1x320x32xf32, #tpu.memory_space<vmem>>
        %parallel_loop3A_488 = tpu.memref_squeeze %parallel_loop3A_487 : memref<1x320x32xf32, #tpu.memory_space<vmem>> -> memref<320x32xf32, #tpu.memory_space<vmem>>
        tpu.vector_store_idx %parallel_loop3A_488[%parallel_loop3A_416, %and3A_61], %parallel_loop3A_468 : memref<320x32xf32, #tpu.memory_space<vmem>>[vector<16xi32>, vector<16xi32>], vector<16xf32>,
        %parallel_loop3A_489 = arith.constant 0 : i32
        %parallel_loop3A_490 = arith.constant 0 : i32
        %parallel_loop3A_491 = tpu.memref_slice %arg8[%parallel_loop3A_296, %parallel_loop3A_489, %parallel_loop3A_490] : memref<2x320x32xf32, #tpu.memory_space<vmem>> -> memref<1x320x32xf32, #tpu.memory_space<vmem>>
        %parallel_loop3A_492 = tpu.memref_squeeze %parallel_loop3A_491 : memref<1x320x32xf32, #tpu.memory_space<vmem>> -> memref<320x32xf32, #tpu.memory_space<vmem>>
        tpu.vector_store_idx %parallel_loop3A_492[%parallel_loop3A_416, %and3A_67], %parallel_loop3A_470 : memref<320x32xf32, #tpu.memory_space<vmem>>[vector<16xi32>, vector<16xi32>], vector<16xf32>,
        %parallel_loop3A_493 = arith.constant 0 : i32
        %parallel_loop3A_494 = arith.constant 0 : i32
        %parallel_loop3A_495 = tpu.memref_slice %arg8[%parallel_loop3A_296, %parallel_loop3A_493, %parallel_loop3A_494] : memref<2x320x32xf32, #tpu.memory_space<vmem>> -> memref<1x320x32xf32, #tpu.memory_space<vmem>>
        %parallel_loop3A_496 = tpu.memref_squeeze %parallel_loop3A_495 : memref<1x320x32xf32, #tpu.memory_space<vmem>> -> memref<320x32xf32, #tpu.memory_space<vmem>>
        tpu.vector_store_idx %parallel_loop3A_496[%parallel_loop3A_416, %and3A_73], %parallel_loop3A_472 : memref<320x32xf32, #tpu.memory_space<vmem>>[vector<16xi32>, vector<16xi32>], vector<16xf32>,
        %parallel_loop3A_497 = arith.constant 0 : i32
        %parallel_loop3A_498 = arith.constant 0 : i32
        %parallel_loop3A_499 = tpu.memref_slice %arg8[%parallel_loop3A_296, %parallel_loop3A_497, %parallel_loop3A_498] : memref<2x320x32xf32, #tpu.memory_space<vmem>> -> memref<1x320x32xf32, #tpu.memory_space<vmem>>
        %parallel_loop3A_500 = tpu.memref_squeeze %parallel_loop3A_499 : memref<1x320x32xf32, #tpu.memory_space<vmem>> -> memref<320x32xf32, #tpu.memory_space<vmem>>
        tpu.vector_store_idx %parallel_loop3A_500[%parallel_loop3A_416, %and3A_79], %parallel_loop3A_474 : memref<320x32xf32, #tpu.memory_space<vmem>>[vector<16xi32>, vector<16xi32>], vector<16xf32>,
        %parallel_loop3A_501 = arith.constant 0 : i32
        %parallel_loop3A_502 = arith.constant 0 : i32
        %parallel_loop3A_503 = tpu.memref_slice %arg8[%parallel_loop3A_296, %parallel_loop3A_501, %parallel_loop3A_502] : memref<2x320x32xf32, #tpu.memory_space<vmem>> -> memref<1x320x32xf32, #tpu.memory_space<vmem>>
        %parallel_loop3A_504 = tpu.memref_squeeze %parallel_loop3A_503 : memref<1x320x32xf32, #tpu.memory_space<vmem>> -> memref<320x32xf32, #tpu.memory_space<vmem>>
        tpu.vector_store_idx %parallel_loop3A_504[%parallel_loop3A_416, %and3A_85], %parallel_loop3A_476 : memref<320x32xf32, #tpu.memory_space<vmem>>[vector<16xi32>, vector<16xi32>], vector<16xf32>,
        %parallel_loop3A_505 = arith.constant 0 : i32
        %parallel_loop3A_506 = arith.constant 0 : i32
        %parallel_loop3A_507 = tpu.memref_slice %arg8[%parallel_loop3A_296, %parallel_loop3A_505, %parallel_loop3A_506] : memref<2x320x32xf32, #tpu.memory_space<vmem>> -> memref<1x320x32xf32, #tpu.memory_space<vmem>>
        %parallel_loop3A_508 = tpu.memref_squeeze %parallel_loop3A_507 : memref<1x320x32xf32, #tpu.memory_space<vmem>> -> memref<320x32xf32, #tpu.memory_space<vmem>>
        tpu.vector_store_idx %parallel_loop3A_508[%parallel_loop3A_416, %and3A_91], %parallel_loop3A_478 : memref<320x32xf32, #tpu.memory_space<vmem>>[vector<16xi32>, vector<16xi32>], vector<16xf32>,
        %parallel_loop3A_509 = arith.constant 0 : i32
        %parallel_loop3A_510 = arith.constant 0 : i32
        %parallel_loop3A_511 = tpu.memref_slice %arg8[%parallel_loop3A_296, %parallel_loop3A_509, %parallel_loop3A_510] : memref<2x320x32xf32, #tpu.memory_space<vmem>> -> memref<1x320x32xf32, #tpu.memory_space<vmem>>
        %parallel_loop3A_512 = tpu.memref_squeeze %parallel_loop3A_511 : memref<1x320x32xf32, #tpu.memory_space<vmem>> -> memref<320x32xf32, #tpu.memory_space<vmem>>
        tpu.vector_store_idx %parallel_loop3A_512[%parallel_loop3A_416, %and3A_97], %parallel_loop3A_480 : memref<320x32xf32, #tpu.memory_space<vmem>>[vector<16xi32>, vector<16xi32>], vector<16xf32>,
        %parallel_loop3A_513 = arith.addi %parallel_loop3A_414, %and3A_103 : vector<16xi32>
        %parallel_loop3A_514 = tpu.vector_load_idx %arg7[%parallel_loop3A_513] : memref<2176xf32, #tpu.memory_space<vmem>>[vector<16xi32>], vector<16xf32>,
        %parallel_loop3A_515 = arith.addi %parallel_loop3A_414, %and3A_109 : vector<16xi32>
        %parallel_loop3A_516 = tpu.vector_load_idx %arg7[%parallel_loop3A_515] : memref<2176xf32, #tpu.memory_space<vmem>>[vector<16xi32>], vector<16xf32>,
        %parallel_loop3A_517 = arith.addi %parallel_loop3A_414, %and3A_115 : vector<16xi32>
        %parallel_loop3A_518 = tpu.vector_load_idx %arg7[%parallel_loop3A_517] : memref<2176xf32, #tpu.memory_space<vmem>>[vector<16xi32>], vector<16xf32>,
        %parallel_loop3A_519 = arith.addi %parallel_loop3A_414, %and3A_121 : vector<16xi32>
        %parallel_loop3A_520 = tpu.vector_load_idx %arg7[%parallel_loop3A_519] : memref<2176xf32, #tpu.memory_space<vmem>>[vector<16xi32>], vector<16xf32>,
        %parallel_loop3A_521 = arith.addi %parallel_loop3A_414, %and3A_127 : vector<16xi32>
        %parallel_loop3A_522 = tpu.vector_load_idx %arg7[%parallel_loop3A_521] : memref<2176xf32, #tpu.memory_space<vmem>>[vector<16xi32>], vector<16xf32>,
        %parallel_loop3A_523 = arith.addi %parallel_loop3A_414, %and3A_133 : vector<16xi32>
        %parallel_loop3A_524 = tpu.vector_load_idx %arg7[%parallel_loop3A_523] : memref<2176xf32, #tpu.memory_space<vmem>>[vector<16xi32>], vector<16xf32>,
        %parallel_loop3A_525 = arith.addi %parallel_loop3A_414, %and3A_139 : vector<16xi32>
        %parallel_loop3A_526 = tpu.vector_load_idx %arg7[%parallel_loop3A_525] : memref<2176xf32, #tpu.memory_space<vmem>>[vector<16xi32>], vector<16xf32>,
        %parallel_loop3A_527 = arith.addi %parallel_loop3A_414, %and3A_145 : vector<16xi32>
        %parallel_loop3A_528 = tpu.vector_load_idx %arg7[%parallel_loop3A_527] : memref<2176xf32, #tpu.memory_space<vmem>>[vector<16xi32>], vector<16xf32>,
        %parallel_loop3A_529 = arith.constant 0 : i32
        %parallel_loop3A_530 = arith.constant 0 : i32
        %parallel_loop3A_531 = tpu.memref_slice %arg8[%parallel_loop3A_296, %parallel_loop3A_529, %parallel_loop3A_530] : memref<2x320x32xf32, #tpu.memory_space<vmem>> -> memref<1x320x32xf32, #tpu.memory_space<vmem>>
        %parallel_loop3A_532 = tpu.memref_squeeze %parallel_loop3A_531 : memref<1x320x32xf32, #tpu.memory_space<vmem>> -> memref<320x32xf32, #tpu.memory_space<vmem>>
        tpu.vector_store_idx %parallel_loop3A_532[%parallel_loop3A_416, %and3A_103], %parallel_loop3A_514 : memref<320x32xf32, #tpu.memory_space<vmem>>[vector<16xi32>, vector<16xi32>], vector<16xf32>,
        %parallel_loop3A_533 = arith.constant 0 : i32
        %parallel_loop3A_534 = arith.constant 0 : i32
        %parallel_loop3A_535 = tpu.memref_slice %arg8[%parallel_loop3A_296, %parallel_loop3A_533, %parallel_loop3A_534] : memref<2x320x32xf32, #tpu.memory_space<vmem>> -> memref<1x320x32xf32, #tpu.memory_space<vmem>>
        %parallel_loop3A_536 = tpu.memref_squeeze %parallel_loop3A_535 : memref<1x320x32xf32, #tpu.memory_space<vmem>> -> memref<320x32xf32, #tpu.memory_space<vmem>>
        tpu.vector_store_idx %parallel_loop3A_536[%parallel_loop3A_416, %and3A_109], %parallel_loop3A_516 : memref<320x32xf32, #tpu.memory_space<vmem>>[vector<16xi32>, vector<16xi32>], vector<16xf32>,
        %parallel_loop3A_537 = arith.constant 0 : i32
        %parallel_loop3A_538 = arith.constant 0 : i32
        %parallel_loop3A_539 = tpu.memref_slice %arg8[%parallel_loop3A_296, %parallel_loop3A_537, %parallel_loop3A_538] : memref<2x320x32xf32, #tpu.memory_space<vmem>> -> memref<1x320x32xf32, #tpu.memory_space<vmem>>
        %parallel_loop3A_540 = tpu.memref_squeeze %parallel_loop3A_539 : memref<1x320x32xf32, #tpu.memory_space<vmem>> -> memref<320x32xf32, #tpu.memory_space<vmem>>
        tpu.vector_store_idx %parallel_loop3A_540[%parallel_loop3A_416, %and3A_115], %parallel_loop3A_518 : memref<320x32xf32, #tpu.memory_space<vmem>>[vector<16xi32>, vector<16xi32>], vector<16xf32>,
        %parallel_loop3A_541 = arith.constant 0 : i32
        %parallel_loop3A_542 = arith.constant 0 : i32
        %parallel_loop3A_543 = tpu.memref_slice %arg8[%parallel_loop3A_296, %parallel_loop3A_541, %parallel_loop3A_542] : memref<2x320x32xf32, #tpu.memory_space<vmem>> -> memref<1x320x32xf32, #tpu.memory_space<vmem>>
        %parallel_loop3A_544 = tpu.memref_squeeze %parallel_loop3A_543 : memref<1x320x32xf32, #tpu.memory_space<vmem>> -> memref<320x32xf32, #tpu.memory_space<vmem>>
        tpu.vector_store_idx %parallel_loop3A_544[%parallel_loop3A_416, %and3A_121], %parallel_loop3A_520 : memref<320x32xf32, #tpu.memory_space<vmem>>[vector<16xi32>, vector<16xi32>], vector<16xf32>,
        %parallel_loop3A_545 = arith.constant 0 : i32
        %parallel_loop3A_546 = arith.constant 0 : i32
        %parallel_loop3A_547 = tpu.memref_slice %arg8[%parallel_loop3A_296, %parallel_loop3A_545, %parallel_loop3A_546] : memref<2x320x32xf32, #tpu.memory_space<vmem>> -> memref<1x320x32xf32, #tpu.memory_space<vmem>>
        %parallel_loop3A_548 = tpu.memref_squeeze %parallel_loop3A_547 : memref<1x320x32xf32, #tpu.memory_space<vmem>> -> memref<320x32xf32, #tpu.memory_space<vmem>>
        tpu.vector_store_idx %parallel_loop3A_548[%parallel_loop3A_416, %and3A_127], %parallel_loop3A_522 : memref<320x32xf32, #tpu.memory_space<vmem>>[vector<16xi32>, vector<16xi32>], vector<16xf32>,
        %parallel_loop3A_549 = arith.constant 0 : i32
        %parallel_loop3A_550 = arith.constant 0 : i32
        %parallel_loop3A_551 = tpu.memref_slice %arg8[%parallel_loop3A_296, %parallel_loop3A_549, %parallel_loop3A_550] : memref<2x320x32xf32, #tpu.memory_space<vmem>> -> memref<1x320x32xf32, #tpu.memory_space<vmem>>
        %parallel_loop3A_552 = tpu.memref_squeeze %parallel_loop3A_551 : memref<1x320x32xf32, #tpu.memory_space<vmem>> -> memref<320x32xf32, #tpu.memory_space<vmem>>
        tpu.vector_store_idx %parallel_loop3A_552[%parallel_loop3A_416, %and3A_133], %parallel_loop3A_524 : memref<320x32xf32, #tpu.memory_space<vmem>>[vector<16xi32>, vector<16xi32>], vector<16xf32>,
        %parallel_loop3A_553 = arith.constant 0 : i32
        %parallel_loop3A_554 = arith.constant 0 : i32
        %parallel_loop3A_555 = tpu.memref_slice %arg8[%parallel_loop3A_296, %parallel_loop3A_553, %parallel_loop3A_554] : memref<2x320x32xf32, #tpu.memory_space<vmem>> -> memref<1x320x32xf32, #tpu.memory_space<vmem>>
        %parallel_loop3A_556 = tpu.memref_squeeze %parallel_loop3A_555 : memref<1x320x32xf32, #tpu.memory_space<vmem>> -> memref<320x32xf32, #tpu.memory_space<vmem>>
        tpu.vector_store_idx %parallel_loop3A_556[%parallel_loop3A_416, %and3A_139], %parallel_loop3A_526 : memref<320x32xf32, #tpu.memory_space<vmem>>[vector<16xi32>, vector<16xi32>], vector<16xf32>,
        %parallel_loop3A_557 = arith.constant 0 : i32
        %parallel_loop3A_558 = arith.constant 0 : i32
        %parallel_loop3A_559 = tpu.memref_slice %arg8[%parallel_loop3A_296, %parallel_loop3A_557, %parallel_loop3A_558] : memref<2x320x32xf32, #tpu.memory_space<vmem>> -> memref<1x320x32xf32, #tpu.memory_space<vmem>>
        %parallel_loop3A_560 = tpu.memref_squeeze %parallel_loop3A_559 : memref<1x320x32xf32, #tpu.memory_space<vmem>> -> memref<320x32xf32, #tpu.memory_space<vmem>>
        tpu.vector_store_idx %parallel_loop3A_560[%parallel_loop3A_416, %and3A_145], %parallel_loop3A_528 : memref<320x32xf32, #tpu.memory_space<vmem>>[vector<16xi32>, vector<16xi32>], vector<16xf32>,
        %parallel_loop3A_561 = arith.addi %parallel_loop3A_414, %and3A_151 : vector<16xi32>
        %parallel_loop3A_562 = tpu.vector_load_idx %arg7[%parallel_loop3A_561] : memref<2176xf32, #tpu.memory_space<vmem>>[vector<16xi32>], vector<16xf32>,
        %parallel_loop3A_563 = arith.addi %parallel_loop3A_414, %and3A_157 : vector<16xi32>
        %parallel_loop3A_564 = tpu.vector_load_idx %arg7[%parallel_loop3A_563] : memref<2176xf32, #tpu.memory_space<vmem>>[vector<16xi32>], vector<16xf32>,
        %parallel_loop3A_565 = arith.addi %parallel_loop3A_414, %and3A_163 : vector<16xi32>
        %parallel_loop3A_566 = tpu.vector_load_idx %arg7[%parallel_loop3A_565] : memref<2176xf32, #tpu.memory_space<vmem>>[vector<16xi32>], vector<16xf32>,
        %parallel_loop3A_567 = arith.addi %parallel_loop3A_414, %and3A_169 : vector<16xi32>
        %parallel_loop3A_568 = tpu.vector_load_idx %arg7[%parallel_loop3A_567] : memref<2176xf32, #tpu.memory_space<vmem>>[vector<16xi32>], vector<16xf32>,
        %parallel_loop3A_569 = arith.addi %parallel_loop3A_414, %and3A_175 : vector<16xi32>
        %parallel_loop3A_570 = tpu.vector_load_idx %arg7[%parallel_loop3A_569] : memref<2176xf32, #tpu.memory_space<vmem>>[vector<16xi32>], vector<16xf32>,
        %parallel_loop3A_571 = arith.addi %parallel_loop3A_414, %and3A_181 : vector<16xi32>
        %parallel_loop3A_572 = tpu.vector_load_idx %arg7[%parallel_loop3A_571] : memref<2176xf32, #tpu.memory_space<vmem>>[vector<16xi32>], vector<16xf32>,
        %parallel_loop3A_573 = arith.addi %parallel_loop3A_414, %and3A_187 : vector<16xi32>
        %parallel_loop3A_574 = tpu.vector_load_idx %arg7[%parallel_loop3A_573] : memref<2176xf32, #tpu.memory_space<vmem>>[vector<16xi32>], vector<16xf32>,
        %parallel_loop3A_575 = arith.addi %parallel_loop3A_414, %and3A_193 : vector<16xi32>
        %parallel_loop3A_576 = tpu.vector_load_idx %arg7[%parallel_loop3A_575] : memref<2176xf32, #tpu.memory_space<vmem>>[vector<16xi32>], vector<16xf32>,
        %parallel_loop3A_577 = arith.constant 0 : i32
        %parallel_loop3A_578 = arith.constant 0 : i32
        %parallel_loop3A_579 = tpu.memref_slice %arg8[%parallel_loop3A_296, %parallel_loop3A_577, %parallel_loop3A_578] : memref<2x320x32xf32, #tpu.memory_space<vmem>> -> memref<1x320x32xf32, #tpu.memory_space<vmem>>
        %parallel_loop3A_580 = tpu.memref_squeeze %parallel_loop3A_579 : memref<1x320x32xf32, #tpu.memory_space<vmem>> -> memref<320x32xf32, #tpu.memory_space<vmem>>
        tpu.vector_store_idx %parallel_loop3A_580[%parallel_loop3A_416, %and3A_151], %parallel_loop3A_562 : memref<320x32xf32, #tpu.memory_space<vmem>>[vector<16xi32>, vector<16xi32>], vector<16xf32>,
        %parallel_loop3A_581 = arith.constant 0 : i32
        %parallel_loop3A_582 = arith.constant 0 : i32
        %parallel_loop3A_583 = tpu.memref_slice %arg8[%parallel_loop3A_296, %parallel_loop3A_581, %parallel_loop3A_582] : memref<2x320x32xf32, #tpu.memory_space<vmem>> -> memref<1x320x32xf32, #tpu.memory_space<vmem>>
        %parallel_loop3A_584 = tpu.memref_squeeze %parallel_loop3A_583 : memref<1x320x32xf32, #tpu.memory_space<vmem>> -> memref<320x32xf32, #tpu.memory_space<vmem>>
        tpu.vector_store_idx %parallel_loop3A_584[%parallel_loop3A_416, %and3A_157], %parallel_loop3A_564 : memref<320x32xf32, #tpu.memory_space<vmem>>[vector<16xi32>, vector<16xi32>], vector<16xf32>,
        %parallel_loop3A_585 = arith.constant 0 : i32
        %parallel_loop3A_586 = arith.constant 0 : i32
        %parallel_loop3A_587 = tpu.memref_slice %arg8[%parallel_loop3A_296, %parallel_loop3A_585, %parallel_loop3A_586] : memref<2x320x32xf32, #tpu.memory_space<vmem>> -> memref<1x320x32xf32, #tpu.memory_space<vmem>>
        %parallel_loop3A_588 = tpu.memref_squeeze %parallel_loop3A_587 : memref<1x320x32xf32, #tpu.memory_space<vmem>> -> memref<320x32xf32, #tpu.memory_space<vmem>>
        tpu.vector_store_idx %parallel_loop3A_588[%parallel_loop3A_416, %and3A_163], %parallel_loop3A_566 : memref<320x32xf32, #tpu.memory_space<vmem>>[vector<16xi32>, vector<16xi32>], vector<16xf32>,
        %parallel_loop3A_589 = arith.constant 0 : i32
        %parallel_loop3A_590 = arith.constant 0 : i32
        %parallel_loop3A_591 = tpu.memref_slice %arg8[%parallel_loop3A_296, %parallel_loop3A_589, %parallel_loop3A_590] : memref<2x320x32xf32, #tpu.memory_space<vmem>> -> memref<1x320x32xf32, #tpu.memory_space<vmem>>
        %parallel_loop3A_592 = tpu.memref_squeeze %parallel_loop3A_591 : memref<1x320x32xf32, #tpu.memory_space<vmem>> -> memref<320x32xf32, #tpu.memory_space<vmem>>
        tpu.vector_store_idx %parallel_loop3A_592[%parallel_loop3A_416, %and3A_169], %parallel_loop3A_568 : memref<320x32xf32, #tpu.memory_space<vmem>>[vector<16xi32>, vector<16xi32>], vector<16xf32>,
        %parallel_loop3A_593 = arith.constant 0 : i32
        %parallel_loop3A_594 = arith.constant 0 : i32
        %parallel_loop3A_595 = tpu.memref_slice %arg8[%parallel_loop3A_296, %parallel_loop3A_593, %parallel_loop3A_594] : memref<2x320x32xf32, #tpu.memory_space<vmem>> -> memref<1x320x32xf32, #tpu.memory_space<vmem>>
        %parallel_loop3A_596 = tpu.memref_squeeze %parallel_loop3A_595 : memref<1x320x32xf32, #tpu.memory_space<vmem>> -> memref<320x32xf32, #tpu.memory_space<vmem>>
        tpu.vector_store_idx %parallel_loop3A_596[%parallel_loop3A_416, %and3A_175], %parallel_loop3A_570 : memref<320x32xf32, #tpu.memory_space<vmem>>[vector<16xi32>, vector<16xi32>], vector<16xf32>,
        %parallel_loop3A_597 = arith.constant 0 : i32
        %parallel_loop3A_598 = arith.constant 0 : i32
        %parallel_loop3A_599 = tpu.memref_slice %arg8[%parallel_loop3A_296, %parallel_loop3A_597, %parallel_loop3A_598] : memref<2x320x32xf32, #tpu.memory_space<vmem>> -> memref<1x320x32xf32, #tpu.memory_space<vmem>>
        %parallel_loop3A_600 = tpu.memref_squeeze %parallel_loop3A_599 : memref<1x320x32xf32, #tpu.memory_space<vmem>> -> memref<320x32xf32, #tpu.memory_space<vmem>>
        tpu.vector_store_idx %parallel_loop3A_600[%parallel_loop3A_416, %and3A_181], %parallel_loop3A_572 : memref<320x32xf32, #tpu.memory_space<vmem>>[vector<16xi32>, vector<16xi32>], vector<16xf32>,
        %parallel_loop3A_601 = arith.constant 0 : i32
        %parallel_loop3A_602 = arith.constant 0 : i32
        %parallel_loop3A_603 = tpu.memref_slice %arg8[%parallel_loop3A_296, %parallel_loop3A_601, %parallel_loop3A_602] : memref<2x320x32xf32, #tpu.memory_space<vmem>> -> memref<1x320x32xf32, #tpu.memory_space<vmem>>
        %parallel_loop3A_604 = tpu.memref_squeeze %parallel_loop3A_603 : memref<1x320x32xf32, #tpu.memory_space<vmem>> -> memref<320x32xf32, #tpu.memory_space<vmem>>
        tpu.vector_store_idx %parallel_loop3A_604[%parallel_loop3A_416, %and3A_187], %parallel_loop3A_574 : memref<320x32xf32, #tpu.memory_space<vmem>>[vector<16xi32>, vector<16xi32>], vector<16xf32>,
        %parallel_loop3A_605 = arith.constant 0 : i32
        %parallel_loop3A_606 = arith.constant 0 : i32
        %parallel_loop3A_607 = tpu.memref_slice %arg8[%parallel_loop3A_296, %parallel_loop3A_605, %parallel_loop3A_606] : memref<2x320x32xf32, #tpu.memory_space<vmem>> -> memref<1x320x32xf32, #tpu.memory_space<vmem>>
        %parallel_loop3A_608 = tpu.memref_squeeze %parallel_loop3A_607 : memref<1x320x32xf32, #tpu.memory_space<vmem>> -> memref<320x32xf32, #tpu.memory_space<vmem>>
        tpu.vector_store_idx %parallel_loop3A_608[%parallel_loop3A_416, %and3A_193], %parallel_loop3A_576 : memref<320x32xf32, #tpu.memory_space<vmem>>[vector<16xi32>, vector<16xi32>], vector<16xf32>,
      } {sc.loop_unroll_factor = 4 : i64, sc.parallel_access}
      %mul3A_297 = arith.constant 25600 : i32
      %mul3A_298 = arith.muli %add3A, %mul3A_297 : i32
      %mul3A_299 = arith.constant 320 : i32
      %mul3A_300 = arith.muli %add3A_276, %mul3A_299 : i32
      %add3A_301 = arith.addi %mul3A_298, %mul3A_300 : i32
      %dma_start3A = arith.constant 0 : i32
      %dma_start3A_302 = arith.constant 0 : i32
      %dma_start3A_303 = arith.constant 0 : i32
      %dma_start3A_304 = arith.constant 0 : i32
      %dma_start3A_305 = tpu.memref_slice %arg8[%dma_start3A, %dma_start3A_303, %dma_start3A_304] : memref<2x320x32xf32, #tpu.memory_space<vmem>> -> memref<1x320x32xf32, #tpu.memory_space<vmem>>
      %dma_start3A_306 = tpu.memref_squeeze %dma_start3A_305 : memref<1x320x32xf32, #tpu.memory_space<vmem>> -> memref<320x32xf32, #tpu.memory_space<vmem>>
      %dma_start3A_307 = arith.constant 0 : i32
      %dma_start3A_308 = tpu.memref_slice %arg4[%add3A_301, %dma_start3A_307] : memref<819200x32xf32, #tpu.memory_space<hbm>> -> memref<320x32xf32, #tpu.memory_space<hbm>>
      %dma_start3A_309 = tpu.memref_slice %arg10[%dma_start3A_302] : memref<2x!tpu.dma_semaphore, #tpu.memory_space<semaphore_mem>> -> memref<1x!tpu.dma_semaphore, #tpu.memory_space<semaphore_mem>>
      %dma_start3A_310 = tpu.memref_squeeze %dma_start3A_309 : memref<1x!tpu.dma_semaphore, #tpu.memory_space<semaphore_mem>> -> memref<!tpu.dma_semaphore, #tpu.memory_space<semaphore_mem>>
      %dma_start3A_311 = arith.constant 0 : i32
      %dma_start3A_312 = tpu.memref_slice %arg4[%add3A_301, %dma_start3A_311] : memref<819200x32xf32, #tpu.memory_space<hbm>> -> memref<320x32xf32, #tpu.memory_space<hbm>>
      %dma_start3A_313 = arith.constant 0 : i32
      %dma_start3A_314 = arith.constant 0 : i32
      %dma_start3A_315 = tpu.memref_slice %arg8[%dma_start3A, %dma_start3A_313, %dma_start3A_314] : memref<2x320x32xf32, #tpu.memory_space<vmem>> -> memref<1x320x32xf32, #tpu.memory_space<vmem>>
      %dma_start3A_316 = tpu.memref_squeeze %dma_start3A_315 : memref<1x320x32xf32, #tpu.memory_space<vmem>> -> memref<320x32xf32, #tpu.memory_space<vmem>>
      tpu.enqueue_dma source(%dma_start3A_316 : memref<320x32xf32, #tpu.memory_space<vmem>>) target(%dma_start3A_312 : memref<320x32xf32, #tpu.memory_space<hbm>>) target_semaphore(%dma_start3A_310 : memref<!tpu.dma_semaphore, #tpu.memory_space<semaphore_mem>>)
      %eq3A_317 = arith.constant 4 : i32
      %eq3A_318 = arith.cmpi eq, %rem3A_280, %eq3A_317 : i32
      %convert_element_type3A_319 = arith.extui %eq3A_318 : i1 to i32
      %cond3A_320 = arith.constant 0 : i32
      %cond3A_321 = arith.cmpi ne, %convert_element_type3A_319, %cond3A_320 : i32
      scf.if %cond3A_321 {
        %mul3A_380 = arith.constant 8 : i32
        %mul3A_381 = arith.muli %rem3A_278, %mul3A_380 : i32
        %mul3A_382 = arith.constant 128 : i32
        %mul3A_383 = arith.muli %add3A, %mul3A_382 : i32
        %mul3A_384 = arith.constant 8 : i32
        %mul3A_385 = arith.muli %div3A_277, %mul3A_384 : i32
        %add3A_386 = arith.addi %mul3A_383, %mul3A_385 : i32
        %dma_start3A_387 = arith.constant 0 : i32
        %dma_start3A_388 = tpu.memref_slice %arg9[%mul3A_381, %dma_start3A_387] : memref<16x200xf32, #tpu.memory_space<vmem>> -> memref<8x200xf32, #tpu.memory_space<vmem>>
        %dma_start3A_389 = arith.constant 0 : i32
        %dma_start3A_390 = tpu.memref_slice %arg5[%add3A_386, %dma_start3A_389] : memref<4096x200xf32, #tpu.memory_space<hbm>> -> memref<8x200xf32, #tpu.memory_space<hbm>>
        %dma_start3A_391 = tpu.memref_slice %arg11[%rem3A_278] : memref<2x!tpu.dma_semaphore, #tpu.memory_space<semaphore_mem>> -> memref<1x!tpu.dma_semaphore, #tpu.memory_space<semaphore_mem>>
        %dma_start3A_392 = tpu.memref_squeeze %dma_start3A_391 : memref<1x!tpu.dma_semaphore, #tpu.memory_space<semaphore_mem>> -> memref<!tpu.dma_semaphore, #tpu.memory_space<semaphore_mem>>
        %dma_start3A_393 = arith.constant 0 : i32
        %dma_start3A_394 = tpu.memref_slice %arg5[%add3A_386, %dma_start3A_393] : memref<4096x200xf32, #tpu.memory_space<hbm>> -> memref<8x200xf32, #tpu.memory_space<hbm>>
        %dma_start3A_395 = arith.constant 0 : i32
        %dma_start3A_396 = tpu.memref_slice %arg9[%mul3A_381, %dma_start3A_395] : memref<16x200xf32, #tpu.memory_space<vmem>> -> memref<8x200xf32, #tpu.memory_space<vmem>>
        tpu.enqueue_dma source(%dma_start3A_396 : memref<8x200xf32, #tpu.memory_space<vmem>>) target(%dma_start3A_394 : memref<8x200xf32, #tpu.memory_space<hbm>>) target_semaphore(%dma_start3A_392 : memref<!tpu.dma_semaphore, #tpu.memory_space<semaphore_mem>>)
      } else {
      }
      %mul3A_322 = arith.constant 2 : i32
      %mul3A_323 = arith.muli %scan3A_272, %mul3A_322 : i32
      %add3A_324 = arith.constant 1 : i32
      %add3A_325 = arith.addi %mul3A_323, %add3A_324 : i32
      %div3A_326 = arith.constant 5 : i32
      %div3A_327 = arith.divsi %add3A_325, %div3A_326 : i32
      %rem3A_328 = arith.constant 2 : i32
      %rem3A_329 = arith.remsi %div3A_327, %rem3A_328 : i32
      %rem3A_330 = arith.constant 5 : i32
      %rem3A_331 = arith.remsi %add3A_325, %rem3A_330 : i32
      %ge3A_332 = arith.constant 2 : i32
      %ge3A_333 = arith.cmpi sge, %add3A_325, %ge3A_332 : i32
      %convert_element_type3A_334 = arith.extui %ge3A_333 : i1 to i32
      %cond3A_335 = arith.constant 0 : i32
      %cond3A_336 = arith.cmpi ne, %convert_element_type3A_334, %cond3A_335 : i32
      scf.if %cond3A_336 {
        %sub3A_380 = arith.constant 2 : i32
        %sub3A_381 = arith.subi %add3A_325, %sub3A_380 : i32
        %mul3A_382 = arith.constant 25600 : i32
        %mul3A_383 = arith.muli %add3A, %mul3A_382 : i32
        %mul3A_384 = arith.constant 320 : i32
        %mul3A_385 = arith.muli %sub3A_381, %mul3A_384 : i32
        %add3A_386 = arith.addi %mul3A_383, %mul3A_385 : i32
        %dma_wait3A_387 = arith.constant 1 : i32
        %dma_wait3A_388 = arith.constant 1 : i32
        %dma_wait3A_389 = arith.constant 0 : i32
        %dma_wait3A_390 = arith.constant 0 : i32
        %dma_wait3A_391 = tpu.memref_slice %arg8[%dma_wait3A_387, %dma_wait3A_389, %dma_wait3A_390] : memref<2x320x32xf32, #tpu.memory_space<vmem>> -> memref<1x320x32xf32, #tpu.memory_space<vmem>>
        %dma_wait3A_392 = tpu.memref_squeeze %dma_wait3A_391 : memref<1x320x32xf32, #tpu.memory_space<vmem>> -> memref<320x32xf32, #tpu.memory_space<vmem>>
        %dma_wait3A_393 = arith.constant 0 : i32
        %dma_wait3A_394 = tpu.memref_slice %arg4[%add3A_386, %dma_wait3A_393] : memref<819200x32xf32, #tpu.memory_space<hbm>> -> memref<320x32xf32, #tpu.memory_space<hbm>>
        %dma_wait3A_395 = tpu.memref_slice %arg10[%dma_wait3A_388] : memref<2x!tpu.dma_semaphore, #tpu.memory_space<semaphore_mem>> -> memref<1x!tpu.dma_semaphore, #tpu.memory_space<semaphore_mem>>
        %dma_wait3A_396 = tpu.memref_squeeze %dma_wait3A_395 : memref<1x!tpu.dma_semaphore, #tpu.memory_space<semaphore_mem>> -> memref<!tpu.dma_semaphore, #tpu.memory_space<semaphore_mem>>
        %dma_wait3A_397 = arith.constant 0 : i32
        %dma_wait3A_398 = tpu.memref_slice %arg4[%add3A_386, %dma_wait3A_397] : memref<819200x32xf32, #tpu.memory_space<hbm>> -> memref<320x32xf32, #tpu.memory_space<hbm>>
        %dma_wait3A_399 = arith.constant 0 : i32
        %dma_wait3A_400 = arith.constant 0 : i32
        %dma_wait3A_401 = tpu.memref_slice %arg8[%dma_wait3A_387, %dma_wait3A_399, %dma_wait3A_400] : memref<2x320x32xf32, #tpu.memory_space<vmem>> -> memref<1x320x32xf32, #tpu.memory_space<vmem>>
        %dma_wait3A_402 = tpu.memref_squeeze %dma_wait3A_401 : memref<1x320x32xf32, #tpu.memory_space<vmem>> -> memref<320x32xf32, #tpu.memory_space<vmem>>
        tpu.wait_dma2 semaphore(%dma_wait3A_396 : memref<!tpu.dma_semaphore, #tpu.memory_space<semaphore_mem>>) src(%dma_wait3A_402 : memref<320x32xf32, #tpu.memory_space<vmem>>) dst(%dma_wait3A_398 : memref<320x32xf32, #tpu.memory_space<hbm>>)
      } else {
      }
      %eq3A_337 = arith.constant 0 : i32
      %eq3A_338 = arith.cmpi eq, %rem3A_331, %eq3A_337 : i32
      %ge3A_339 = arith.constant 2 : i32
      %ge3A_340 = arith.cmpi sge, %div3A_327, %ge3A_339 : i32
      %and3A_341 = arith.andi %eq3A_338, %ge3A_340 : i1
      %convert_element_type3A_342 = arith.extui %and3A_341 : i1 to i32
      %cond3A_343 = arith.constant 0 : i32
      %cond3A_344 = arith.cmpi ne, %convert_element_type3A_342, %cond3A_343 : i32
      scf.if %cond3A_344 {
        %sub3A_380 = arith.constant 2 : i32
        %sub3A_381 = arith.subi %div3A_327, %sub3A_380 : i32
        %mul3A_382 = arith.constant 8 : i32
        %mul3A_383 = arith.muli %rem3A_329, %mul3A_382 : i32
        %mul3A_384 = arith.constant 128 : i32
        %mul3A_385 = arith.muli %add3A, %mul3A_384 : i32
        %mul3A_386 = arith.constant 8 : i32
        %mul3A_387 = arith.muli %sub3A_381, %mul3A_386 : i32
        %add3A_388 = arith.addi %mul3A_385, %mul3A_387 : i32
        %dma_wait3A_389 = arith.constant 0 : i32
        %dma_wait3A_390 = tpu.memref_slice %arg9[%mul3A_383, %dma_wait3A_389] : memref<16x200xf32, #tpu.memory_space<vmem>> -> memref<8x200xf32, #tpu.memory_space<vmem>>
        %dma_wait3A_391 = arith.constant 0 : i32
        %dma_wait3A_392 = tpu.memref_slice %arg5[%add3A_388, %dma_wait3A_391] : memref<4096x200xf32, #tpu.memory_space<hbm>> -> memref<8x200xf32, #tpu.memory_space<hbm>>
        %dma_wait3A_393 = tpu.memref_slice %arg11[%rem3A_329] : memref<2x!tpu.dma_semaphore, #tpu.memory_space<semaphore_mem>> -> memref<1x!tpu.dma_semaphore, #tpu.memory_space<semaphore_mem>>
        %dma_wait3A_394 = tpu.memref_squeeze %dma_wait3A_393 : memref<1x!tpu.dma_semaphore, #tpu.memory_space<semaphore_mem>> -> memref<!tpu.dma_semaphore, #tpu.memory_space<semaphore_mem>>
        %dma_wait3A_395 = arith.constant 0 : i32
        %dma_wait3A_396 = tpu.memref_slice %arg5[%add3A_388, %dma_wait3A_395] : memref<4096x200xf32, #tpu.memory_space<hbm>> -> memref<8x200xf32, #tpu.memory_space<hbm>>
        %dma_wait3A_397 = arith.constant 0 : i32
        %dma_wait3A_398 = tpu.memref_slice %arg9[%mul3A_383, %dma_wait3A_397] : memref<16x200xf32, #tpu.memory_space<vmem>> -> memref<8x200xf32, #tpu.memory_space<vmem>>
        tpu.wait_dma2 semaphore(%dma_wait3A_394 : memref<!tpu.dma_semaphore, #tpu.memory_space<semaphore_mem>>) src(%dma_wait3A_398 : memref<8x200xf32, #tpu.memory_space<vmem>>) dst(%dma_wait3A_396 : memref<8x200xf32, #tpu.memory_space<hbm>>)
      } else {
      }
      %mul3A_345 = arith.constant 320 : i32
      %mul3A_346 = arith.muli %add3A_325, %mul3A_345 : i32
      %sub3A_347 = arith.subi %div3A_327, %rem3A_329 : i32
      %mul3A_348 = arith.constant 8 : i32
      %mul3A_349 = arith.muli %sub3A_347, %mul3A_348 : i32
      %parallel_loop3A_350 = arith.constant 0 : i32
      %parallel_loop3A_351 = arith.constant 320 : i32
      %parallel_loop3A_352 = arith.constant 16 : i32
      %parallel_loop3A_353 = arith.constant 1 : i32
      scf.for %parallel_loop3A_380 = %parallel_loop3A_350 to %parallel_loop3A_351 step %parallel_loop3A_352  : i32 {
        %parallel_loop3A_381 = arith.addi %mul3A_346, %parallel_loop3A_380 : i32
        %parallel_loop3A_382 = vector.broadcast %parallel_loop3A_381 : i32 to vector<16xi32>
        %parallel_loop3A_383 = arith.addi %iota3A, %parallel_loop3A_382 : vector<16xi32>
        %parallel_loop3A_384 = arith.constant 5243 : i32
        %parallel_loop3A_385 = vector.broadcast %parallel_loop3A_384 : i32 to vector<16xi32>
        %parallel_loop3A_386 = arith.muli %parallel_loop3A_383, %parallel_loop3A_385 : vector<16xi32>
        %parallel_loop3A_387 = arith.constant 20 : i32
        %parallel_loop3A_388 = vector.broadcast %parallel_loop3A_387 : i32 to vector<16xi32>
        %parallel_loop3A_389 = arith.shrsi %parallel_loop3A_386, %parallel_loop3A_388 : vector<16xi32>
        %parallel_loop3A_390 = arith.constant 200 : i32
        %parallel_loop3A_391 = vector.broadcast %parallel_loop3A_390 : i32 to vector<16xi32>
        %parallel_loop3A_392 = arith.muli %parallel_loop3A_389, %parallel_loop3A_391 : vector<16xi32>
        %parallel_loop3A_393 = arith.subi %parallel_loop3A_383, %parallel_loop3A_392 : vector<16xi32>
        %parallel_loop3A_394 = tpu.vector_load_idx %arg6[%parallel_loop3A_389, %parallel_loop3A_393] : memref<128x201xf32, #tpu.memory_space<vmem>>[vector<16xi32>, vector<16xi32>], vector<16xf32>,
        %parallel_loop3A_395 = arith.constant 1 : i32
        %parallel_loop3A_396 = vector.broadcast %parallel_loop3A_395 : i32 to vector<16xi32>
        %parallel_loop3A_397 = arith.addi %parallel_loop3A_393, %parallel_loop3A_396 : vector<16xi32>
        %parallel_loop3A_398 = tpu.vector_load_idx %arg6[%parallel_loop3A_389, %parallel_loop3A_397] : memref<128x201xf32, #tpu.memory_space<vmem>>[vector<16xi32>, vector<16xi32>], vector<16xf32>,
        %parallel_loop3A_399 = vector.broadcast %mul3A_349 : i32 to vector<16xi32>
        %parallel_loop3A_400 = arith.subi %parallel_loop3A_389, %parallel_loop3A_399 : vector<16xi32>
        tpu.vector_store_idx %arg9[%parallel_loop3A_400, %parallel_loop3A_393], %parallel_loop3A_394 : memref<16x200xf32, #tpu.memory_space<vmem>>[vector<16xi32>, vector<16xi32>], vector<16xf32>,
        %parallel_loop3A_401 = arith.subf %parallel_loop3A_398, %parallel_loop3A_394 : vector<16xf32>
        %parallel_loop3A_402 = arith.constant 6.400000e-05 : f32
        %parallel_loop3A_403 = vector.broadcast %parallel_loop3A_402 : f32 to vector<16xf32>
        %parallel_loop3A_404 = arith.mulf %parallel_loop3A_401, %parallel_loop3A_403 : vector<16xf32>
        %parallel_loop3A_405 = arith.fptosi %parallel_loop3A_404 : vector<16xf32> to vector<16xi32>
        %parallel_loop3A_406 = arith.constant 0 : i32
        %parallel_loop3A_407 = vector.broadcast %parallel_loop3A_406 : i32 to vector<16xi32>
        %parallel_loop3A_408 = arith.maxsi %parallel_loop3A_405, %parallel_loop3A_407 : vector<16xi32>
        %parallel_loop3A_409 = arith.constant 63 : i32
        %parallel_loop3A_410 = vector.broadcast %parallel_loop3A_409 : i32 to vector<16xi32>
        %parallel_loop3A_411 = arith.minsi %parallel_loop3A_408, %parallel_loop3A_410 : vector<16xi32>
        %parallel_loop3A_412 = arith.constant 33 : i32
        %parallel_loop3A_413 = vector.broadcast %parallel_loop3A_412 : i32 to vector<16xi32>
        %parallel_loop3A_414 = arith.muli %parallel_loop3A_411, %parallel_loop3A_413 : vector<16xi32>
        %parallel_loop3A_415 = vector.broadcast %parallel_loop3A_380 : i32 to vector<16xi32>
        %parallel_loop3A_416 = arith.addi %iota3A, %parallel_loop3A_415 : vector<16xi32>
        %parallel_loop3A_417 = arith.addi %parallel_loop3A_414, %and3A_7 : vector<16xi32>
        %parallel_loop3A_418 = tpu.vector_load_idx %arg7[%parallel_loop3A_417] : memref<2176xf32, #tpu.memory_space<vmem>>[vector<16xi32>], vector<16xf32>,
        %parallel_loop3A_419 = arith.addi %parallel_loop3A_414, %and3A_13 : vector<16xi32>
        %parallel_loop3A_420 = tpu.vector_load_idx %arg7[%parallel_loop3A_419] : memref<2176xf32, #tpu.memory_space<vmem>>[vector<16xi32>], vector<16xf32>,
        %parallel_loop3A_421 = arith.addi %parallel_loop3A_414, %and3A_19 : vector<16xi32>
        %parallel_loop3A_422 = tpu.vector_load_idx %arg7[%parallel_loop3A_421] : memref<2176xf32, #tpu.memory_space<vmem>>[vector<16xi32>], vector<16xf32>,
        %parallel_loop3A_423 = arith.addi %parallel_loop3A_414, %and3A_25 : vector<16xi32>
        %parallel_loop3A_424 = tpu.vector_load_idx %arg7[%parallel_loop3A_423] : memref<2176xf32, #tpu.memory_space<vmem>>[vector<16xi32>], vector<16xf32>,
        %parallel_loop3A_425 = arith.addi %parallel_loop3A_414, %and3A_31 : vector<16xi32>
        %parallel_loop3A_426 = tpu.vector_load_idx %arg7[%parallel_loop3A_425] : memref<2176xf32, #tpu.memory_space<vmem>>[vector<16xi32>], vector<16xf32>,
        %parallel_loop3A_427 = arith.addi %parallel_loop3A_414, %and3A_37 : vector<16xi32>
        %parallel_loop3A_428 = tpu.vector_load_idx %arg7[%parallel_loop3A_427] : memref<2176xf32, #tpu.memory_space<vmem>>[vector<16xi32>], vector<16xf32>,
        %parallel_loop3A_429 = arith.addi %parallel_loop3A_414, %and3A_43 : vector<16xi32>
        %parallel_loop3A_430 = tpu.vector_load_idx %arg7[%parallel_loop3A_429] : memref<2176xf32, #tpu.memory_space<vmem>>[vector<16xi32>], vector<16xf32>,
        %parallel_loop3A_431 = arith.addi %parallel_loop3A_414, %and3A_49 : vector<16xi32>
        %parallel_loop3A_432 = tpu.vector_load_idx %arg7[%parallel_loop3A_431] : memref<2176xf32, #tpu.memory_space<vmem>>[vector<16xi32>], vector<16xf32>,
        %parallel_loop3A_433 = arith.constant 0 : i32
        %parallel_loop3A_434 = arith.constant 0 : i32
        %parallel_loop3A_435 = tpu.memref_slice %arg8[%parallel_loop3A_353, %parallel_loop3A_433, %parallel_loop3A_434] : memref<2x320x32xf32, #tpu.memory_space<vmem>> -> memref<1x320x32xf32, #tpu.memory_space<vmem>>
        %parallel_loop3A_436 = tpu.memref_squeeze %parallel_loop3A_435 : memref<1x320x32xf32, #tpu.memory_space<vmem>> -> memref<320x32xf32, #tpu.memory_space<vmem>>
        tpu.vector_store_idx %parallel_loop3A_436[%parallel_loop3A_416, %and3A_7], %parallel_loop3A_418 : memref<320x32xf32, #tpu.memory_space<vmem>>[vector<16xi32>, vector<16xi32>], vector<16xf32>,
        %parallel_loop3A_437 = arith.constant 0 : i32
        %parallel_loop3A_438 = arith.constant 0 : i32
        %parallel_loop3A_439 = tpu.memref_slice %arg8[%parallel_loop3A_353, %parallel_loop3A_437, %parallel_loop3A_438] : memref<2x320x32xf32, #tpu.memory_space<vmem>> -> memref<1x320x32xf32, #tpu.memory_space<vmem>>
        %parallel_loop3A_440 = tpu.memref_squeeze %parallel_loop3A_439 : memref<1x320x32xf32, #tpu.memory_space<vmem>> -> memref<320x32xf32, #tpu.memory_space<vmem>>
        tpu.vector_store_idx %parallel_loop3A_440[%parallel_loop3A_416, %and3A_13], %parallel_loop3A_420 : memref<320x32xf32, #tpu.memory_space<vmem>>[vector<16xi32>, vector<16xi32>], vector<16xf32>,
        %parallel_loop3A_441 = arith.constant 0 : i32
        %parallel_loop3A_442 = arith.constant 0 : i32
        %parallel_loop3A_443 = tpu.memref_slice %arg8[%parallel_loop3A_353, %parallel_loop3A_441, %parallel_loop3A_442] : memref<2x320x32xf32, #tpu.memory_space<vmem>> -> memref<1x320x32xf32, #tpu.memory_space<vmem>>
        %parallel_loop3A_444 = tpu.memref_squeeze %parallel_loop3A_443 : memref<1x320x32xf32, #tpu.memory_space<vmem>> -> memref<320x32xf32, #tpu.memory_space<vmem>>
        tpu.vector_store_idx %parallel_loop3A_444[%parallel_loop3A_416, %and3A_19], %parallel_loop3A_422 : memref<320x32xf32, #tpu.memory_space<vmem>>[vector<16xi32>, vector<16xi32>], vector<16xf32>,
        %parallel_loop3A_445 = arith.constant 0 : i32
        %parallel_loop3A_446 = arith.constant 0 : i32
        %parallel_loop3A_447 = tpu.memref_slice %arg8[%parallel_loop3A_353, %parallel_loop3A_445, %parallel_loop3A_446] : memref<2x320x32xf32, #tpu.memory_space<vmem>> -> memref<1x320x32xf32, #tpu.memory_space<vmem>>
        %parallel_loop3A_448 = tpu.memref_squeeze %parallel_loop3A_447 : memref<1x320x32xf32, #tpu.memory_space<vmem>> -> memref<320x32xf32, #tpu.memory_space<vmem>>
        tpu.vector_store_idx %parallel_loop3A_448[%parallel_loop3A_416, %and3A_25], %parallel_loop3A_424 : memref<320x32xf32, #tpu.memory_space<vmem>>[vector<16xi32>, vector<16xi32>], vector<16xf32>,
        %parallel_loop3A_449 = arith.constant 0 : i32
        %parallel_loop3A_450 = arith.constant 0 : i32
        %parallel_loop3A_451 = tpu.memref_slice %arg8[%parallel_loop3A_353, %parallel_loop3A_449, %parallel_loop3A_450] : memref<2x320x32xf32, #tpu.memory_space<vmem>> -> memref<1x320x32xf32, #tpu.memory_space<vmem>>
        %parallel_loop3A_452 = tpu.memref_squeeze %parallel_loop3A_451 : memref<1x320x32xf32, #tpu.memory_space<vmem>> -> memref<320x32xf32, #tpu.memory_space<vmem>>
        tpu.vector_store_idx %parallel_loop3A_452[%parallel_loop3A_416, %and3A_31], %parallel_loop3A_426 : memref<320x32xf32, #tpu.memory_space<vmem>>[vector<16xi32>, vector<16xi32>], vector<16xf32>,
        %parallel_loop3A_453 = arith.constant 0 : i32
        %parallel_loop3A_454 = arith.constant 0 : i32
        %parallel_loop3A_455 = tpu.memref_slice %arg8[%parallel_loop3A_353, %parallel_loop3A_453, %parallel_loop3A_454] : memref<2x320x32xf32, #tpu.memory_space<vmem>> -> memref<1x320x32xf32, #tpu.memory_space<vmem>>
        %parallel_loop3A_456 = tpu.memref_squeeze %parallel_loop3A_455 : memref<1x320x32xf32, #tpu.memory_space<vmem>> -> memref<320x32xf32, #tpu.memory_space<vmem>>
        tpu.vector_store_idx %parallel_loop3A_456[%parallel_loop3A_416, %and3A_37], %parallel_loop3A_428 : memref<320x32xf32, #tpu.memory_space<vmem>>[vector<16xi32>, vector<16xi32>], vector<16xf32>,
        %parallel_loop3A_457 = arith.constant 0 : i32
        %parallel_loop3A_458 = arith.constant 0 : i32
        %parallel_loop3A_459 = tpu.memref_slice %arg8[%parallel_loop3A_353, %parallel_loop3A_457, %parallel_loop3A_458] : memref<2x320x32xf32, #tpu.memory_space<vmem>> -> memref<1x320x32xf32, #tpu.memory_space<vmem>>
        %parallel_loop3A_460 = tpu.memref_squeeze %parallel_loop3A_459 : memref<1x320x32xf32, #tpu.memory_space<vmem>> -> memref<320x32xf32, #tpu.memory_space<vmem>>
        tpu.vector_store_idx %parallel_loop3A_460[%parallel_loop3A_416, %and3A_43], %parallel_loop3A_430 : memref<320x32xf32, #tpu.memory_space<vmem>>[vector<16xi32>, vector<16xi32>], vector<16xf32>,
        %parallel_loop3A_461 = arith.constant 0 : i32
        %parallel_loop3A_462 = arith.constant 0 : i32
        %parallel_loop3A_463 = tpu.memref_slice %arg8[%parallel_loop3A_353, %parallel_loop3A_461, %parallel_loop3A_462] : memref<2x320x32xf32, #tpu.memory_space<vmem>> -> memref<1x320x32xf32, #tpu.memory_space<vmem>>
        %parallel_loop3A_464 = tpu.memref_squeeze %parallel_loop3A_463 : memref<1x320x32xf32, #tpu.memory_space<vmem>> -> memref<320x32xf32, #tpu.memory_space<vmem>>
        tpu.vector_store_idx %parallel_loop3A_464[%parallel_loop3A_416, %and3A_49], %parallel_loop3A_432 : memref<320x32xf32, #tpu.memory_space<vmem>>[vector<16xi32>, vector<16xi32>], vector<16xf32>,
        %parallel_loop3A_465 = arith.addi %parallel_loop3A_414, %and3A_55 : vector<16xi32>
        %parallel_loop3A_466 = tpu.vector_load_idx %arg7[%parallel_loop3A_465] : memref<2176xf32, #tpu.memory_space<vmem>>[vector<16xi32>], vector<16xf32>,
        %parallel_loop3A_467 = arith.addi %parallel_loop3A_414, %and3A_61 : vector<16xi32>
        %parallel_loop3A_468 = tpu.vector_load_idx %arg7[%parallel_loop3A_467] : memref<2176xf32, #tpu.memory_space<vmem>>[vector<16xi32>], vector<16xf32>,
        %parallel_loop3A_469 = arith.addi %parallel_loop3A_414, %and3A_67 : vector<16xi32>
        %parallel_loop3A_470 = tpu.vector_load_idx %arg7[%parallel_loop3A_469] : memref<2176xf32, #tpu.memory_space<vmem>>[vector<16xi32>], vector<16xf32>,
        %parallel_loop3A_471 = arith.addi %parallel_loop3A_414, %and3A_73 : vector<16xi32>
        %parallel_loop3A_472 = tpu.vector_load_idx %arg7[%parallel_loop3A_471] : memref<2176xf32, #tpu.memory_space<vmem>>[vector<16xi32>], vector<16xf32>,
        %parallel_loop3A_473 = arith.addi %parallel_loop3A_414, %and3A_79 : vector<16xi32>
        %parallel_loop3A_474 = tpu.vector_load_idx %arg7[%parallel_loop3A_473] : memref<2176xf32, #tpu.memory_space<vmem>>[vector<16xi32>], vector<16xf32>,
        %parallel_loop3A_475 = arith.addi %parallel_loop3A_414, %and3A_85 : vector<16xi32>
        %parallel_loop3A_476 = tpu.vector_load_idx %arg7[%parallel_loop3A_475] : memref<2176xf32, #tpu.memory_space<vmem>>[vector<16xi32>], vector<16xf32>,
        %parallel_loop3A_477 = arith.addi %parallel_loop3A_414, %and3A_91 : vector<16xi32>
        %parallel_loop3A_478 = tpu.vector_load_idx %arg7[%parallel_loop3A_477] : memref<2176xf32, #tpu.memory_space<vmem>>[vector<16xi32>], vector<16xf32>,
        %parallel_loop3A_479 = arith.addi %parallel_loop3A_414, %and3A_97 : vector<16xi32>
        %parallel_loop3A_480 = tpu.vector_load_idx %arg7[%parallel_loop3A_479] : memref<2176xf32, #tpu.memory_space<vmem>>[vector<16xi32>], vector<16xf32>,
        %parallel_loop3A_481 = arith.constant 0 : i32
        %parallel_loop3A_482 = arith.constant 0 : i32
        %parallel_loop3A_483 = tpu.memref_slice %arg8[%parallel_loop3A_353, %parallel_loop3A_481, %parallel_loop3A_482] : memref<2x320x32xf32, #tpu.memory_space<vmem>> -> memref<1x320x32xf32, #tpu.memory_space<vmem>>
        %parallel_loop3A_484 = tpu.memref_squeeze %parallel_loop3A_483 : memref<1x320x32xf32, #tpu.memory_space<vmem>> -> memref<320x32xf32, #tpu.memory_space<vmem>>
        tpu.vector_store_idx %parallel_loop3A_484[%parallel_loop3A_416, %and3A_55], %parallel_loop3A_466 : memref<320x32xf32, #tpu.memory_space<vmem>>[vector<16xi32>, vector<16xi32>], vector<16xf32>,
        %parallel_loop3A_485 = arith.constant 0 : i32
        %parallel_loop3A_486 = arith.constant 0 : i32
        %parallel_loop3A_487 = tpu.memref_slice %arg8[%parallel_loop3A_353, %parallel_loop3A_485, %parallel_loop3A_486] : memref<2x320x32xf32, #tpu.memory_space<vmem>> -> memref<1x320x32xf32, #tpu.memory_space<vmem>>
        %parallel_loop3A_488 = tpu.memref_squeeze %parallel_loop3A_487 : memref<1x320x32xf32, #tpu.memory_space<vmem>> -> memref<320x32xf32, #tpu.memory_space<vmem>>
        tpu.vector_store_idx %parallel_loop3A_488[%parallel_loop3A_416, %and3A_61], %parallel_loop3A_468 : memref<320x32xf32, #tpu.memory_space<vmem>>[vector<16xi32>, vector<16xi32>], vector<16xf32>,
        %parallel_loop3A_489 = arith.constant 0 : i32
        %parallel_loop3A_490 = arith.constant 0 : i32
        %parallel_loop3A_491 = tpu.memref_slice %arg8[%parallel_loop3A_353, %parallel_loop3A_489, %parallel_loop3A_490] : memref<2x320x32xf32, #tpu.memory_space<vmem>> -> memref<1x320x32xf32, #tpu.memory_space<vmem>>
        %parallel_loop3A_492 = tpu.memref_squeeze %parallel_loop3A_491 : memref<1x320x32xf32, #tpu.memory_space<vmem>> -> memref<320x32xf32, #tpu.memory_space<vmem>>
        tpu.vector_store_idx %parallel_loop3A_492[%parallel_loop3A_416, %and3A_67], %parallel_loop3A_470 : memref<320x32xf32, #tpu.memory_space<vmem>>[vector<16xi32>, vector<16xi32>], vector<16xf32>,
        %parallel_loop3A_493 = arith.constant 0 : i32
        %parallel_loop3A_494 = arith.constant 0 : i32
        %parallel_loop3A_495 = tpu.memref_slice %arg8[%parallel_loop3A_353, %parallel_loop3A_493, %parallel_loop3A_494] : memref<2x320x32xf32, #tpu.memory_space<vmem>> -> memref<1x320x32xf32, #tpu.memory_space<vmem>>
        %parallel_loop3A_496 = tpu.memref_squeeze %parallel_loop3A_495 : memref<1x320x32xf32, #tpu.memory_space<vmem>> -> memref<320x32xf32, #tpu.memory_space<vmem>>
        tpu.vector_store_idx %parallel_loop3A_496[%parallel_loop3A_416, %and3A_73], %parallel_loop3A_472 : memref<320x32xf32, #tpu.memory_space<vmem>>[vector<16xi32>, vector<16xi32>], vector<16xf32>,
        %parallel_loop3A_497 = arith.constant 0 : i32
        %parallel_loop3A_498 = arith.constant 0 : i32
        %parallel_loop3A_499 = tpu.memref_slice %arg8[%parallel_loop3A_353, %parallel_loop3A_497, %parallel_loop3A_498] : memref<2x320x32xf32, #tpu.memory_space<vmem>> -> memref<1x320x32xf32, #tpu.memory_space<vmem>>
        %parallel_loop3A_500 = tpu.memref_squeeze %parallel_loop3A_499 : memref<1x320x32xf32, #tpu.memory_space<vmem>> -> memref<320x32xf32, #tpu.memory_space<vmem>>
        tpu.vector_store_idx %parallel_loop3A_500[%parallel_loop3A_416, %and3A_79], %parallel_loop3A_474 : memref<320x32xf32, #tpu.memory_space<vmem>>[vector<16xi32>, vector<16xi32>], vector<16xf32>,
        %parallel_loop3A_501 = arith.constant 0 : i32
        %parallel_loop3A_502 = arith.constant 0 : i32
        %parallel_loop3A_503 = tpu.memref_slice %arg8[%parallel_loop3A_353, %parallel_loop3A_501, %parallel_loop3A_502] : memref<2x320x32xf32, #tpu.memory_space<vmem>> -> memref<1x320x32xf32, #tpu.memory_space<vmem>>
        %parallel_loop3A_504 = tpu.memref_squeeze %parallel_loop3A_503 : memref<1x320x32xf32, #tpu.memory_space<vmem>> -> memref<320x32xf32, #tpu.memory_space<vmem>>
        tpu.vector_store_idx %parallel_loop3A_504[%parallel_loop3A_416, %and3A_85], %parallel_loop3A_476 : memref<320x32xf32, #tpu.memory_space<vmem>>[vector<16xi32>, vector<16xi32>], vector<16xf32>,
        %parallel_loop3A_505 = arith.constant 0 : i32
        %parallel_loop3A_506 = arith.constant 0 : i32
        %parallel_loop3A_507 = tpu.memref_slice %arg8[%parallel_loop3A_353, %parallel_loop3A_505, %parallel_loop3A_506] : memref<2x320x32xf32, #tpu.memory_space<vmem>> -> memref<1x320x32xf32, #tpu.memory_space<vmem>>
        %parallel_loop3A_508 = tpu.memref_squeeze %parallel_loop3A_507 : memref<1x320x32xf32, #tpu.memory_space<vmem>> -> memref<320x32xf32, #tpu.memory_space<vmem>>
        tpu.vector_store_idx %parallel_loop3A_508[%parallel_loop3A_416, %and3A_91], %parallel_loop3A_478 : memref<320x32xf32, #tpu.memory_space<vmem>>[vector<16xi32>, vector<16xi32>], vector<16xf32>,
        %parallel_loop3A_509 = arith.constant 0 : i32
        %parallel_loop3A_510 = arith.constant 0 : i32
        %parallel_loop3A_511 = tpu.memref_slice %arg8[%parallel_loop3A_353, %parallel_loop3A_509, %parallel_loop3A_510] : memref<2x320x32xf32, #tpu.memory_space<vmem>> -> memref<1x320x32xf32, #tpu.memory_space<vmem>>
        %parallel_loop3A_512 = tpu.memref_squeeze %parallel_loop3A_511 : memref<1x320x32xf32, #tpu.memory_space<vmem>> -> memref<320x32xf32, #tpu.memory_space<vmem>>
        tpu.vector_store_idx %parallel_loop3A_512[%parallel_loop3A_416, %and3A_97], %parallel_loop3A_480 : memref<320x32xf32, #tpu.memory_space<vmem>>[vector<16xi32>, vector<16xi32>], vector<16xf32>,
        %parallel_loop3A_513 = arith.addi %parallel_loop3A_414, %and3A_103 : vector<16xi32>
        %parallel_loop3A_514 = tpu.vector_load_idx %arg7[%parallel_loop3A_513] : memref<2176xf32, #tpu.memory_space<vmem>>[vector<16xi32>], vector<16xf32>,
        %parallel_loop3A_515 = arith.addi %parallel_loop3A_414, %and3A_109 : vector<16xi32>
        %parallel_loop3A_516 = tpu.vector_load_idx %arg7[%parallel_loop3A_515] : memref<2176xf32, #tpu.memory_space<vmem>>[vector<16xi32>], vector<16xf32>,
        %parallel_loop3A_517 = arith.addi %parallel_loop3A_414, %and3A_115 : vector<16xi32>
        %parallel_loop3A_518 = tpu.vector_load_idx %arg7[%parallel_loop3A_517] : memref<2176xf32, #tpu.memory_space<vmem>>[vector<16xi32>], vector<16xf32>,
        %parallel_loop3A_519 = arith.addi %parallel_loop3A_414, %and3A_121 : vector<16xi32>
        %parallel_loop3A_520 = tpu.vector_load_idx %arg7[%parallel_loop3A_519] : memref<2176xf32, #tpu.memory_space<vmem>>[vector<16xi32>], vector<16xf32>,
        %parallel_loop3A_521 = arith.addi %parallel_loop3A_414, %and3A_127 : vector<16xi32>
        %parallel_loop3A_522 = tpu.vector_load_idx %arg7[%parallel_loop3A_521] : memref<2176xf32, #tpu.memory_space<vmem>>[vector<16xi32>], vector<16xf32>,
        %parallel_loop3A_523 = arith.addi %parallel_loop3A_414, %and3A_133 : vector<16xi32>
        %parallel_loop3A_524 = tpu.vector_load_idx %arg7[%parallel_loop3A_523] : memref<2176xf32, #tpu.memory_space<vmem>>[vector<16xi32>], vector<16xf32>,
        %parallel_loop3A_525 = arith.addi %parallel_loop3A_414, %and3A_139 : vector<16xi32>
        %parallel_loop3A_526 = tpu.vector_load_idx %arg7[%parallel_loop3A_525] : memref<2176xf32, #tpu.memory_space<vmem>>[vector<16xi32>], vector<16xf32>,
        %parallel_loop3A_527 = arith.addi %parallel_loop3A_414, %and3A_145 : vector<16xi32>
        %parallel_loop3A_528 = tpu.vector_load_idx %arg7[%parallel_loop3A_527] : memref<2176xf32, #tpu.memory_space<vmem>>[vector<16xi32>], vector<16xf32>,
        %parallel_loop3A_529 = arith.constant 0 : i32
        %parallel_loop3A_530 = arith.constant 0 : i32
        %parallel_loop3A_531 = tpu.memref_slice %arg8[%parallel_loop3A_353, %parallel_loop3A_529, %parallel_loop3A_530] : memref<2x320x32xf32, #tpu.memory_space<vmem>> -> memref<1x320x32xf32, #tpu.memory_space<vmem>>
        %parallel_loop3A_532 = tpu.memref_squeeze %parallel_loop3A_531 : memref<1x320x32xf32, #tpu.memory_space<vmem>> -> memref<320x32xf32, #tpu.memory_space<vmem>>
        tpu.vector_store_idx %parallel_loop3A_532[%parallel_loop3A_416, %and3A_103], %parallel_loop3A_514 : memref<320x32xf32, #tpu.memory_space<vmem>>[vector<16xi32>, vector<16xi32>], vector<16xf32>,
        %parallel_loop3A_533 = arith.constant 0 : i32
        %parallel_loop3A_534 = arith.constant 0 : i32
        %parallel_loop3A_535 = tpu.memref_slice %arg8[%parallel_loop3A_353, %parallel_loop3A_533, %parallel_loop3A_534] : memref<2x320x32xf32, #tpu.memory_space<vmem>> -> memref<1x320x32xf32, #tpu.memory_space<vmem>>
        %parallel_loop3A_536 = tpu.memref_squeeze %parallel_loop3A_535 : memref<1x320x32xf32, #tpu.memory_space<vmem>> -> memref<320x32xf32, #tpu.memory_space<vmem>>
        tpu.vector_store_idx %parallel_loop3A_536[%parallel_loop3A_416, %and3A_109], %parallel_loop3A_516 : memref<320x32xf32, #tpu.memory_space<vmem>>[vector<16xi32>, vector<16xi32>], vector<16xf32>,
        %parallel_loop3A_537 = arith.constant 0 : i32
        %parallel_loop3A_538 = arith.constant 0 : i32
        %parallel_loop3A_539 = tpu.memref_slice %arg8[%parallel_loop3A_353, %parallel_loop3A_537, %parallel_loop3A_538] : memref<2x320x32xf32, #tpu.memory_space<vmem>> -> memref<1x320x32xf32, #tpu.memory_space<vmem>>
        %parallel_loop3A_540 = tpu.memref_squeeze %parallel_loop3A_539 : memref<1x320x32xf32, #tpu.memory_space<vmem>> -> memref<320x32xf32, #tpu.memory_space<vmem>>
        tpu.vector_store_idx %parallel_loop3A_540[%parallel_loop3A_416, %and3A_115], %parallel_loop3A_518 : memref<320x32xf32, #tpu.memory_space<vmem>>[vector<16xi32>, vector<16xi32>], vector<16xf32>,
        %parallel_loop3A_541 = arith.constant 0 : i32
        %parallel_loop3A_542 = arith.constant 0 : i32
        %parallel_loop3A_543 = tpu.memref_slice %arg8[%parallel_loop3A_353, %parallel_loop3A_541, %parallel_loop3A_542] : memref<2x320x32xf32, #tpu.memory_space<vmem>> -> memref<1x320x32xf32, #tpu.memory_space<vmem>>
        %parallel_loop3A_544 = tpu.memref_squeeze %parallel_loop3A_543 : memref<1x320x32xf32, #tpu.memory_space<vmem>> -> memref<320x32xf32, #tpu.memory_space<vmem>>
        tpu.vector_store_idx %parallel_loop3A_544[%parallel_loop3A_416, %and3A_121], %parallel_loop3A_520 : memref<320x32xf32, #tpu.memory_space<vmem>>[vector<16xi32>, vector<16xi32>], vector<16xf32>,
        %parallel_loop3A_545 = arith.constant 0 : i32
        %parallel_loop3A_546 = arith.constant 0 : i32
        %parallel_loop3A_547 = tpu.memref_slice %arg8[%parallel_loop3A_353, %parallel_loop3A_545, %parallel_loop3A_546] : memref<2x320x32xf32, #tpu.memory_space<vmem>> -> memref<1x320x32xf32, #tpu.memory_space<vmem>>
        %parallel_loop3A_548 = tpu.memref_squeeze %parallel_loop3A_547 : memref<1x320x32xf32, #tpu.memory_space<vmem>> -> memref<320x32xf32, #tpu.memory_space<vmem>>
        tpu.vector_store_idx %parallel_loop3A_548[%parallel_loop3A_416, %and3A_127], %parallel_loop3A_522 : memref<320x32xf32, #tpu.memory_space<vmem>>[vector<16xi32>, vector<16xi32>], vector<16xf32>,
        %parallel_loop3A_549 = arith.constant 0 : i32
        %parallel_loop3A_550 = arith.constant 0 : i32
        %parallel_loop3A_551 = tpu.memref_slice %arg8[%parallel_loop3A_353, %parallel_loop3A_549, %parallel_loop3A_550] : memref<2x320x32xf32, #tpu.memory_space<vmem>> -> memref<1x320x32xf32, #tpu.memory_space<vmem>>
        %parallel_loop3A_552 = tpu.memref_squeeze %parallel_loop3A_551 : memref<1x320x32xf32, #tpu.memory_space<vmem>> -> memref<320x32xf32, #tpu.memory_space<vmem>>
        tpu.vector_store_idx %parallel_loop3A_552[%parallel_loop3A_416, %and3A_133], %parallel_loop3A_524 : memref<320x32xf32, #tpu.memory_space<vmem>>[vector<16xi32>, vector<16xi32>], vector<16xf32>,
        %parallel_loop3A_553 = arith.constant 0 : i32
        %parallel_loop3A_554 = arith.constant 0 : i32
        %parallel_loop3A_555 = tpu.memref_slice %arg8[%parallel_loop3A_353, %parallel_loop3A_553, %parallel_loop3A_554] : memref<2x320x32xf32, #tpu.memory_space<vmem>> -> memref<1x320x32xf32, #tpu.memory_space<vmem>>
        %parallel_loop3A_556 = tpu.memref_squeeze %parallel_loop3A_555 : memref<1x320x32xf32, #tpu.memory_space<vmem>> -> memref<320x32xf32, #tpu.memory_space<vmem>>
        tpu.vector_store_idx %parallel_loop3A_556[%parallel_loop3A_416, %and3A_139], %parallel_loop3A_526 : memref<320x32xf32, #tpu.memory_space<vmem>>[vector<16xi32>, vector<16xi32>], vector<16xf32>,
        %parallel_loop3A_557 = arith.constant 0 : i32
        %parallel_loop3A_558 = arith.constant 0 : i32
        %parallel_loop3A_559 = tpu.memref_slice %arg8[%parallel_loop3A_353, %parallel_loop3A_557, %parallel_loop3A_558] : memref<2x320x32xf32, #tpu.memory_space<vmem>> -> memref<1x320x32xf32, #tpu.memory_space<vmem>>
        %parallel_loop3A_560 = tpu.memref_squeeze %parallel_loop3A_559 : memref<1x320x32xf32, #tpu.memory_space<vmem>> -> memref<320x32xf32, #tpu.memory_space<vmem>>
        tpu.vector_store_idx %parallel_loop3A_560[%parallel_loop3A_416, %and3A_145], %parallel_loop3A_528 : memref<320x32xf32, #tpu.memory_space<vmem>>[vector<16xi32>, vector<16xi32>], vector<16xf32>,
        %parallel_loop3A_561 = arith.addi %parallel_loop3A_414, %and3A_151 : vector<16xi32>
        %parallel_loop3A_562 = tpu.vector_load_idx %arg7[%parallel_loop3A_561] : memref<2176xf32, #tpu.memory_space<vmem>>[vector<16xi32>], vector<16xf32>,
        %parallel_loop3A_563 = arith.addi %parallel_loop3A_414, %and3A_157 : vector<16xi32>
        %parallel_loop3A_564 = tpu.vector_load_idx %arg7[%parallel_loop3A_563] : memref<2176xf32, #tpu.memory_space<vmem>>[vector<16xi32>], vector<16xf32>,
        %parallel_loop3A_565 = arith.addi %parallel_loop3A_414, %and3A_163 : vector<16xi32>
        %parallel_loop3A_566 = tpu.vector_load_idx %arg7[%parallel_loop3A_565] : memref<2176xf32, #tpu.memory_space<vmem>>[vector<16xi32>], vector<16xf32>,
        %parallel_loop3A_567 = arith.addi %parallel_loop3A_414, %and3A_169 : vector<16xi32>
        %parallel_loop3A_568 = tpu.vector_load_idx %arg7[%parallel_loop3A_567] : memref<2176xf32, #tpu.memory_space<vmem>>[vector<16xi32>], vector<16xf32>,
        %parallel_loop3A_569 = arith.addi %parallel_loop3A_414, %and3A_175 : vector<16xi32>
        %parallel_loop3A_570 = tpu.vector_load_idx %arg7[%parallel_loop3A_569] : memref<2176xf32, #tpu.memory_space<vmem>>[vector<16xi32>], vector<16xf32>,
        %parallel_loop3A_571 = arith.addi %parallel_loop3A_414, %and3A_181 : vector<16xi32>
        %parallel_loop3A_572 = tpu.vector_load_idx %arg7[%parallel_loop3A_571] : memref<2176xf32, #tpu.memory_space<vmem>>[vector<16xi32>], vector<16xf32>,
        %parallel_loop3A_573 = arith.addi %parallel_loop3A_414, %and3A_187 : vector<16xi32>
        %parallel_loop3A_574 = tpu.vector_load_idx %arg7[%parallel_loop3A_573] : memref<2176xf32, #tpu.memory_space<vmem>>[vector<16xi32>], vector<16xf32>,
        %parallel_loop3A_575 = arith.addi %parallel_loop3A_414, %and3A_193 : vector<16xi32>
        %parallel_loop3A_576 = tpu.vector_load_idx %arg7[%parallel_loop3A_575] : memref<2176xf32, #tpu.memory_space<vmem>>[vector<16xi32>], vector<16xf32>,
        %parallel_loop3A_577 = arith.constant 0 : i32
        %parallel_loop3A_578 = arith.constant 0 : i32
        %parallel_loop3A_579 = tpu.memref_slice %arg8[%parallel_loop3A_353, %parallel_loop3A_577, %parallel_loop3A_578] : memref<2x320x32xf32, #tpu.memory_space<vmem>> -> memref<1x320x32xf32, #tpu.memory_space<vmem>>
        %parallel_loop3A_580 = tpu.memref_squeeze %parallel_loop3A_579 : memref<1x320x32xf32, #tpu.memory_space<vmem>> -> memref<320x32xf32, #tpu.memory_space<vmem>>
        tpu.vector_store_idx %parallel_loop3A_580[%parallel_loop3A_416, %and3A_151], %parallel_loop3A_562 : memref<320x32xf32, #tpu.memory_space<vmem>>[vector<16xi32>, vector<16xi32>], vector<16xf32>,
        %parallel_loop3A_581 = arith.constant 0 : i32
        %parallel_loop3A_582 = arith.constant 0 : i32
        %parallel_loop3A_583 = tpu.memref_slice %arg8[%parallel_loop3A_353, %parallel_loop3A_581, %parallel_loop3A_582] : memref<2x320x32xf32, #tpu.memory_space<vmem>> -> memref<1x320x32xf32, #tpu.memory_space<vmem>>
        %parallel_loop3A_584 = tpu.memref_squeeze %parallel_loop3A_583 : memref<1x320x32xf32, #tpu.memory_space<vmem>> -> memref<320x32xf32, #tpu.memory_space<vmem>>
        tpu.vector_store_idx %parallel_loop3A_584[%parallel_loop3A_416, %and3A_157], %parallel_loop3A_564 : memref<320x32xf32, #tpu.memory_space<vmem>>[vector<16xi32>, vector<16xi32>], vector<16xf32>,
        %parallel_loop3A_585 = arith.constant 0 : i32
        %parallel_loop3A_586 = arith.constant 0 : i32
        %parallel_loop3A_587 = tpu.memref_slice %arg8[%parallel_loop3A_353, %parallel_loop3A_585, %parallel_loop3A_586] : memref<2x320x32xf32, #tpu.memory_space<vmem>> -> memref<1x320x32xf32, #tpu.memory_space<vmem>>
        %parallel_loop3A_588 = tpu.memref_squeeze %parallel_loop3A_587 : memref<1x320x32xf32, #tpu.memory_space<vmem>> -> memref<320x32xf32, #tpu.memory_space<vmem>>
        tpu.vector_store_idx %parallel_loop3A_588[%parallel_loop3A_416, %and3A_163], %parallel_loop3A_566 : memref<320x32xf32, #tpu.memory_space<vmem>>[vector<16xi32>, vector<16xi32>], vector<16xf32>,
        %parallel_loop3A_589 = arith.constant 0 : i32
        %parallel_loop3A_590 = arith.constant 0 : i32
        %parallel_loop3A_591 = tpu.memref_slice %arg8[%parallel_loop3A_353, %parallel_loop3A_589, %parallel_loop3A_590] : memref<2x320x32xf32, #tpu.memory_space<vmem>> -> memref<1x320x32xf32, #tpu.memory_space<vmem>>
        %parallel_loop3A_592 = tpu.memref_squeeze %parallel_loop3A_591 : memref<1x320x32xf32, #tpu.memory_space<vmem>> -> memref<320x32xf32, #tpu.memory_space<vmem>>
        tpu.vector_store_idx %parallel_loop3A_592[%parallel_loop3A_416, %and3A_169], %parallel_loop3A_568 : memref<320x32xf32, #tpu.memory_space<vmem>>[vector<16xi32>, vector<16xi32>], vector<16xf32>,
        %parallel_loop3A_593 = arith.constant 0 : i32
        %parallel_loop3A_594 = arith.constant 0 : i32
        %parallel_loop3A_595 = tpu.memref_slice %arg8[%parallel_loop3A_353, %parallel_loop3A_593, %parallel_loop3A_594] : memref<2x320x32xf32, #tpu.memory_space<vmem>> -> memref<1x320x32xf32, #tpu.memory_space<vmem>>
        %parallel_loop3A_596 = tpu.memref_squeeze %parallel_loop3A_595 : memref<1x320x32xf32, #tpu.memory_space<vmem>> -> memref<320x32xf32, #tpu.memory_space<vmem>>
        tpu.vector_store_idx %parallel_loop3A_596[%parallel_loop3A_416, %and3A_175], %parallel_loop3A_570 : memref<320x32xf32, #tpu.memory_space<vmem>>[vector<16xi32>, vector<16xi32>], vector<16xf32>,
        %parallel_loop3A_597 = arith.constant 0 : i32
        %parallel_loop3A_598 = arith.constant 0 : i32
        %parallel_loop3A_599 = tpu.memref_slice %arg8[%parallel_loop3A_353, %parallel_loop3A_597, %parallel_loop3A_598] : memref<2x320x32xf32, #tpu.memory_space<vmem>> -> memref<1x320x32xf32, #tpu.memory_space<vmem>>
        %parallel_loop3A_600 = tpu.memref_squeeze %parallel_loop3A_599 : memref<1x320x32xf32, #tpu.memory_space<vmem>> -> memref<320x32xf32, #tpu.memory_space<vmem>>
        tpu.vector_store_idx %parallel_loop3A_600[%parallel_loop3A_416, %and3A_181], %parallel_loop3A_572 : memref<320x32xf32, #tpu.memory_space<vmem>>[vector<16xi32>, vector<16xi32>], vector<16xf32>,
        %parallel_loop3A_601 = arith.constant 0 : i32
        %parallel_loop3A_602 = arith.constant 0 : i32
        %parallel_loop3A_603 = tpu.memref_slice %arg8[%parallel_loop3A_353, %parallel_loop3A_601, %parallel_loop3A_602] : memref<2x320x32xf32, #tpu.memory_space<vmem>> -> memref<1x320x32xf32, #tpu.memory_space<vmem>>
        %parallel_loop3A_604 = tpu.memref_squeeze %parallel_loop3A_603 : memref<1x320x32xf32, #tpu.memory_space<vmem>> -> memref<320x32xf32, #tpu.memory_space<vmem>>
        tpu.vector_store_idx %parallel_loop3A_604[%parallel_loop3A_416, %and3A_187], %parallel_loop3A_574 : memref<320x32xf32, #tpu.memory_space<vmem>>[vector<16xi32>, vector<16xi32>], vector<16xf32>,
        %parallel_loop3A_605 = arith.constant 0 : i32
        %parallel_loop3A_606 = arith.constant 0 : i32
        %parallel_loop3A_607 = tpu.memref_slice %arg8[%parallel_loop3A_353, %parallel_loop3A_605, %parallel_loop3A_606] : memref<2x320x32xf32, #tpu.memory_space<vmem>> -> memref<1x320x32xf32, #tpu.memory_space<vmem>>
        %parallel_loop3A_608 = tpu.memref_squeeze %parallel_loop3A_607 : memref<1x320x32xf32, #tpu.memory_space<vmem>> -> memref<320x32xf32, #tpu.memory_space<vmem>>
        tpu.vector_store_idx %parallel_loop3A_608[%parallel_loop3A_416, %and3A_193], %parallel_loop3A_576 : memref<320x32xf32, #tpu.memory_space<vmem>>[vector<16xi32>, vector<16xi32>], vector<16xf32>,
      } {sc.loop_unroll_factor = 4 : i64, sc.parallel_access}
      %mul3A_354 = arith.constant 25600 : i32
      %mul3A_355 = arith.muli %add3A, %mul3A_354 : i32
      %mul3A_356 = arith.constant 320 : i32
      %mul3A_357 = arith.muli %add3A_325, %mul3A_356 : i32
      %add3A_358 = arith.addi %mul3A_355, %mul3A_357 : i32
      %dma_start3A_359 = arith.constant 1 : i32
      %dma_start3A_360 = arith.constant 1 : i32
      %dma_start3A_361 = arith.constant 0 : i32
      %dma_start3A_362 = arith.constant 0 : i32
      %dma_start3A_363 = tpu.memref_slice %arg8[%dma_start3A_359, %dma_start3A_361, %dma_start3A_362] : memref<2x320x32xf32, #tpu.memory_space<vmem>> -> memref<1x320x32xf32, #tpu.memory_space<vmem>>
      %dma_start3A_364 = tpu.memref_squeeze %dma_start3A_363 : memref<1x320x32xf32, #tpu.memory_space<vmem>> -> memref<320x32xf32, #tpu.memory_space<vmem>>
      %dma_start3A_365 = arith.constant 0 : i32
      %dma_start3A_366 = tpu.memref_slice %arg4[%add3A_358, %dma_start3A_365] : memref<819200x32xf32, #tpu.memory_space<hbm>> -> memref<320x32xf32, #tpu.memory_space<hbm>>
      %dma_start3A_367 = tpu.memref_slice %arg10[%dma_start3A_360] : memref<2x!tpu.dma_semaphore, #tpu.memory_space<semaphore_mem>> -> memref<1x!tpu.dma_semaphore, #tpu.memory_space<semaphore_mem>>
      %dma_start3A_368 = tpu.memref_squeeze %dma_start3A_367 : memref<1x!tpu.dma_semaphore, #tpu.memory_space<semaphore_mem>> -> memref<!tpu.dma_semaphore, #tpu.memory_space<semaphore_mem>>
      %dma_start3A_369 = arith.constant 0 : i32
      %dma_start3A_370 = tpu.memref_slice %arg4[%add3A_358, %dma_start3A_369] : memref<819200x32xf32, #tpu.memory_space<hbm>> -> memref<320x32xf32, #tpu.memory_space<hbm>>
      %dma_start3A_371 = arith.constant 0 : i32
      %dma_start3A_372 = arith.constant 0 : i32
      %dma_start3A_373 = tpu.memref_slice %arg8[%dma_start3A_359, %dma_start3A_371, %dma_start3A_372] : memref<2x320x32xf32, #tpu.memory_space<vmem>> -> memref<1x320x32xf32, #tpu.memory_space<vmem>>
      %dma_start3A_374 = tpu.memref_squeeze %dma_start3A_373 : memref<1x320x32xf32, #tpu.memory_space<vmem>> -> memref<320x32xf32, #tpu.memory_space<vmem>>
      tpu.enqueue_dma source(%dma_start3A_374 : memref<320x32xf32, #tpu.memory_space<vmem>>) target(%dma_start3A_370 : memref<320x32xf32, #tpu.memory_space<hbm>>) target_semaphore(%dma_start3A_368 : memref<!tpu.dma_semaphore, #tpu.memory_space<semaphore_mem>>)
      %eq3A_375 = arith.constant 4 : i32
      %eq3A_376 = arith.cmpi eq, %rem3A_331, %eq3A_375 : i32
      %convert_element_type3A_377 = arith.extui %eq3A_376 : i1 to i32
      %cond3A_378 = arith.constant 0 : i32
      %cond3A_379 = arith.cmpi ne, %convert_element_type3A_377, %cond3A_378 : i32
      scf.if %cond3A_379 {
        %mul3A_380 = arith.constant 8 : i32
        %mul3A_381 = arith.muli %rem3A_329, %mul3A_380 : i32
        %mul3A_382 = arith.constant 128 : i32
        %mul3A_383 = arith.muli %add3A, %mul3A_382 : i32
        %mul3A_384 = arith.constant 8 : i32
        %mul3A_385 = arith.muli %div3A_327, %mul3A_384 : i32
        %add3A_386 = arith.addi %mul3A_383, %mul3A_385 : i32
        %dma_start3A_387 = arith.constant 0 : i32
        %dma_start3A_388 = tpu.memref_slice %arg9[%mul3A_381, %dma_start3A_387] : memref<16x200xf32, #tpu.memory_space<vmem>> -> memref<8x200xf32, #tpu.memory_space<vmem>>
        %dma_start3A_389 = arith.constant 0 : i32
        %dma_start3A_390 = tpu.memref_slice %arg5[%add3A_386, %dma_start3A_389] : memref<4096x200xf32, #tpu.memory_space<hbm>> -> memref<8x200xf32, #tpu.memory_space<hbm>>
        %dma_start3A_391 = tpu.memref_slice %arg11[%rem3A_329] : memref<2x!tpu.dma_semaphore, #tpu.memory_space<semaphore_mem>> -> memref<1x!tpu.dma_semaphore, #tpu.memory_space<semaphore_mem>>
        %dma_start3A_392 = tpu.memref_squeeze %dma_start3A_391 : memref<1x!tpu.dma_semaphore, #tpu.memory_space<semaphore_mem>> -> memref<!tpu.dma_semaphore, #tpu.memory_space<semaphore_mem>>
        %dma_start3A_393 = arith.constant 0 : i32
        %dma_start3A_394 = tpu.memref_slice %arg5[%add3A_386, %dma_start3A_393] : memref<4096x200xf32, #tpu.memory_space<hbm>> -> memref<8x200xf32, #tpu.memory_space<hbm>>
        %dma_start3A_395 = arith.constant 0 : i32
        %dma_start3A_396 = tpu.memref_slice %arg9[%mul3A_381, %dma_start3A_395] : memref<16x200xf32, #tpu.memory_space<vmem>> -> memref<8x200xf32, #tpu.memory_space<vmem>>
        tpu.enqueue_dma source(%dma_start3A_396 : memref<8x200xf32, #tpu.memory_space<vmem>>) target(%dma_start3A_394 : memref<8x200xf32, #tpu.memory_space<hbm>>) target_semaphore(%dma_start3A_392 : memref<!tpu.dma_semaphore, #tpu.memory_space<semaphore_mem>>)
      } else {
      }
    }
    %scan3A_198 = arith.constant 40 : i32
    %mul3A_199 = arith.constant 25600 : i32
    %mul3A_200 = arith.muli %add3A, %mul3A_199 : i32
    %add3A_201 = arith.constant 24960 : i32
    %add3A_202 = arith.addi %mul3A_200, %add3A_201 : i32
    %dma_wait3A = arith.constant 0 : i32
    %dma_wait3A_203 = arith.constant 0 : i32
    %dma_wait3A_204 = arith.constant 0 : i32
    %dma_wait3A_205 = arith.constant 0 : i32
    %dma_wait3A_206 = tpu.memref_slice %arg8[%dma_wait3A, %dma_wait3A_204, %dma_wait3A_205] : memref<2x320x32xf32, #tpu.memory_space<vmem>> -> memref<1x320x32xf32, #tpu.memory_space<vmem>>
    %dma_wait3A_207 = tpu.memref_squeeze %dma_wait3A_206 : memref<1x320x32xf32, #tpu.memory_space<vmem>> -> memref<320x32xf32, #tpu.memory_space<vmem>>
    %dma_wait3A_208 = arith.constant 0 : i32
    %dma_wait3A_209 = tpu.memref_slice %arg4[%add3A_202, %dma_wait3A_208] : memref<819200x32xf32, #tpu.memory_space<hbm>> -> memref<320x32xf32, #tpu.memory_space<hbm>>
    %dma_wait3A_210 = tpu.memref_slice %arg10[%dma_wait3A_203] : memref<2x!tpu.dma_semaphore, #tpu.memory_space<semaphore_mem>> -> memref<1x!tpu.dma_semaphore, #tpu.memory_space<semaphore_mem>>
    %dma_wait3A_211 = tpu.memref_squeeze %dma_wait3A_210 : memref<1x!tpu.dma_semaphore, #tpu.memory_space<semaphore_mem>> -> memref<!tpu.dma_semaphore, #tpu.memory_space<semaphore_mem>>
    %dma_wait3A_212 = arith.constant 0 : i32
    %dma_wait3A_213 = tpu.memref_slice %arg4[%add3A_202, %dma_wait3A_212] : memref<819200x32xf32, #tpu.memory_space<hbm>> -> memref<320x32xf32, #tpu.memory_space<hbm>>
    %dma_wait3A_214 = arith.constant 0 : i32
    %dma_wait3A_215 = arith.constant 0 : i32
    %dma_wait3A_216 = tpu.memref_slice %arg8[%dma_wait3A, %dma_wait3A_214, %dma_wait3A_215] : memref<2x320x32xf32, #tpu.memory_space<vmem>> -> memref<1x320x32xf32, #tpu.memory_space<vmem>>
    %dma_wait3A_217 = tpu.memref_squeeze %dma_wait3A_216 : memref<1x320x32xf32, #tpu.memory_space<vmem>> -> memref<320x32xf32, #tpu.memory_space<vmem>>
    tpu.wait_dma2 semaphore(%dma_wait3A_211 : memref<!tpu.dma_semaphore, #tpu.memory_space<semaphore_mem>>) src(%dma_wait3A_217 : memref<320x32xf32, #tpu.memory_space<vmem>>) dst(%dma_wait3A_213 : memref<320x32xf32, #tpu.memory_space<hbm>>)
    %mul3A_218 = arith.constant 25600 : i32
    %mul3A_219 = arith.muli %add3A, %mul3A_218 : i32
    %add3A_220 = arith.constant 25280 : i32
    %add3A_221 = arith.addi %mul3A_219, %add3A_220 : i32
    %dma_wait3A_222 = arith.constant 1 : i32
    %dma_wait3A_223 = arith.constant 1 : i32
    %dma_wait3A_224 = arith.constant 0 : i32
    %dma_wait3A_225 = arith.constant 0 : i32
    %dma_wait3A_226 = tpu.memref_slice %arg8[%dma_wait3A_222, %dma_wait3A_224, %dma_wait3A_225] : memref<2x320x32xf32, #tpu.memory_space<vmem>> -> memref<1x320x32xf32, #tpu.memory_space<vmem>>
    %dma_wait3A_227 = tpu.memref_squeeze %dma_wait3A_226 : memref<1x320x32xf32, #tpu.memory_space<vmem>> -> memref<320x32xf32, #tpu.memory_space<vmem>>
    %dma_wait3A_228 = arith.constant 0 : i32
    %dma_wait3A_229 = tpu.memref_slice %arg4[%add3A_221, %dma_wait3A_228] : memref<819200x32xf32, #tpu.memory_space<hbm>> -> memref<320x32xf32, #tpu.memory_space<hbm>>
    %dma_wait3A_230 = tpu.memref_slice %arg10[%dma_wait3A_223] : memref<2x!tpu.dma_semaphore, #tpu.memory_space<semaphore_mem>> -> memref<1x!tpu.dma_semaphore, #tpu.memory_space<semaphore_mem>>
    %dma_wait3A_231 = tpu.memref_squeeze %dma_wait3A_230 : memref<1x!tpu.dma_semaphore, #tpu.memory_space<semaphore_mem>> -> memref<!tpu.dma_semaphore, #tpu.memory_space<semaphore_mem>>
    %dma_wait3A_232 = arith.constant 0 : i32
    %dma_wait3A_233 = tpu.memref_slice %arg4[%add3A_221, %dma_wait3A_232] : memref<819200x32xf32, #tpu.memory_space<hbm>> -> memref<320x32xf32, #tpu.memory_space<hbm>>
    %dma_wait3A_234 = arith.constant 0 : i32
    %dma_wait3A_235 = arith.constant 0 : i32
    %dma_wait3A_236 = tpu.memref_slice %arg8[%dma_wait3A_222, %dma_wait3A_234, %dma_wait3A_235] : memref<2x320x32xf32, #tpu.memory_space<vmem>> -> memref<1x320x32xf32, #tpu.memory_space<vmem>>
    %dma_wait3A_237 = tpu.memref_squeeze %dma_wait3A_236 : memref<1x320x32xf32, #tpu.memory_space<vmem>> -> memref<320x32xf32, #tpu.memory_space<vmem>>
    tpu.wait_dma2 semaphore(%dma_wait3A_231 : memref<!tpu.dma_semaphore, #tpu.memory_space<semaphore_mem>>) src(%dma_wait3A_237 : memref<320x32xf32, #tpu.memory_space<vmem>>) dst(%dma_wait3A_233 : memref<320x32xf32, #tpu.memory_space<hbm>>)
    %mul3A_238 = arith.constant 128 : i32
    %mul3A_239 = arith.muli %add3A, %mul3A_238 : i32
    %add3A_240 = arith.constant 112 : i32
    %add3A_241 = arith.addi %mul3A_239, %add3A_240 : i32
    %dma_wait3A_242 = arith.constant 0 : i32
    %dma_wait3A_243 = arith.constant 0 : i32
    %dma_wait3A_244 = arith.constant 0 : i32
    %dma_wait3A_245 = tpu.memref_slice %arg9[%dma_wait3A_243, %dma_wait3A_244] : memref<16x200xf32, #tpu.memory_space<vmem>> -> memref<8x200xf32, #tpu.memory_space<vmem>>
    %dma_wait3A_246 = arith.constant 0 : i32
    %dma_wait3A_247 = tpu.memref_slice %arg5[%add3A_241, %dma_wait3A_246] : memref<4096x200xf32, #tpu.memory_space<hbm>> -> memref<8x200xf32, #tpu.memory_space<hbm>>
    %dma_wait3A_248 = tpu.memref_slice %arg11[%dma_wait3A_242] : memref<2x!tpu.dma_semaphore, #tpu.memory_space<semaphore_mem>> -> memref<1x!tpu.dma_semaphore, #tpu.memory_space<semaphore_mem>>
    %dma_wait3A_249 = tpu.memref_squeeze %dma_wait3A_248 : memref<1x!tpu.dma_semaphore, #tpu.memory_space<semaphore_mem>> -> memref<!tpu.dma_semaphore, #tpu.memory_space<semaphore_mem>>
    %dma_wait3A_250 = arith.constant 0 : i32
    %dma_wait3A_251 = tpu.memref_slice %arg5[%add3A_241, %dma_wait3A_250] : memref<4096x200xf32, #tpu.memory_space<hbm>> -> memref<8x200xf32, #tpu.memory_space<hbm>>
    %dma_wait3A_252 = arith.constant 0 : i32
    %dma_wait3A_253 = arith.constant 0 : i32
    %dma_wait3A_254 = tpu.memref_slice %arg9[%dma_wait3A_252, %dma_wait3A_253] : memref<16x200xf32, #tpu.memory_space<vmem>> -> memref<8x200xf32, #tpu.memory_space<vmem>>
    tpu.wait_dma2 semaphore(%dma_wait3A_249 : memref<!tpu.dma_semaphore, #tpu.memory_space<semaphore_mem>>) src(%dma_wait3A_254 : memref<8x200xf32, #tpu.memory_space<vmem>>) dst(%dma_wait3A_251 : memref<8x200xf32, #tpu.memory_space<hbm>>)
    %mul3A_255 = arith.constant 128 : i32
    %mul3A_256 = arith.muli %add3A, %mul3A_255 : i32
    %add3A_257 = arith.constant 120 : i32
    %add3A_258 = arith.addi %mul3A_256, %add3A_257 : i32
    %dma_wait3A_259 = arith.constant 1 : i32
    %dma_wait3A_260 = arith.constant 8 : i32
    %dma_wait3A_261 = arith.constant 0 : i32
    %dma_wait3A_262 = tpu.memref_slice %arg9[%dma_wait3A_260, %dma_wait3A_261] : memref<16x200xf32, #tpu.memory_space<vmem>> -> memref<8x200xf32, #tpu.memory_space<vmem>>
    %dma_wait3A_263 = arith.constant 0 : i32
    %dma_wait3A_264 = tpu.memref_slice %arg5[%add3A_258, %dma_wait3A_263] : memref<4096x200xf32, #tpu.memory_space<hbm>> -> memref<8x200xf32, #tpu.memory_space<hbm>>
    %dma_wait3A_265 = tpu.memref_slice %arg11[%dma_wait3A_259] : memref<2x!tpu.dma_semaphore, #tpu.memory_space<semaphore_mem>> -> memref<1x!tpu.dma_semaphore, #tpu.memory_space<semaphore_mem>>
    %dma_wait3A_266 = tpu.memref_squeeze %dma_wait3A_265 : memref<1x!tpu.dma_semaphore, #tpu.memory_space<semaphore_mem>> -> memref<!tpu.dma_semaphore, #tpu.memory_space<semaphore_mem>>
    %dma_wait3A_267 = arith.constant 0 : i32
    %dma_wait3A_268 = tpu.memref_slice %arg5[%add3A_258, %dma_wait3A_267] : memref<4096x200xf32, #tpu.memory_space<hbm>> -> memref<8x200xf32, #tpu.memory_space<hbm>>
    %dma_wait3A_269 = arith.constant 8 : i32
    %dma_wait3A_270 = arith.constant 0 : i32
    %dma_wait3A_271 = tpu.memref_slice %arg9[%dma_wait3A_269, %dma_wait3A_270] : memref<16x200xf32, #tpu.memory_space<vmem>> -> memref<8x200xf32, #tpu.memory_space<vmem>>
    tpu.wait_dma2 semaphore(%dma_wait3A_266 : memref<!tpu.dma_semaphore, #tpu.memory_space<semaphore_mem>>) src(%dma_wait3A_271 : memref<8x200xf32, #tpu.memory_space<vmem>>) dst(%dma_wait3A_268 : memref<8x200xf32, #tpu.memory_space<hbm>>)
    return
  }
}

</mosaic_0001>

<sc_bundles>
// kernel: kernel.3.cloned.1.call-start
scs
__scs_entry_jumppad:
0x0: {  	(pc) =	sbr.rel $0x88, $3  }
0x1: {  	(tag) =	ssettag $0x0;
	lr =	simm.s32 $0x1  }
0x2: {  	[smem:$0x3F9E] =	sst lr;
	_ =	strace $0xD0000000  }
0x3: {  	_ = 	snop  }
0x4: {  	_ = 	snop  }
0x5: {  	_ = 	snop  }
0x6: {  	_ = 	snop  }
0x7: {  	_ = 	snop  }
__scs_overlays_trampoline_lowered:
0x8: {  	[smem:$0x3FAD] =	sst s0  }
0x9: {  	[smem:$0x3FAE] =	sst s1  }
0xa: {  	[smem:$0x3FAF] =	sst s2  }
0xb: {  	[smem:$0x3FB0] =	sst s3  }
0xc: {  	[smem:$0x3FB1] =	sst s4  }
0xd: {  	[smem:$0x3FB2] =	sst s5  }
0xe: {  	[smem:$0x3FB3] =	sst s6  }
0xf: {  	[smem:$0x3FB4] =	sst s7  }
0x10: {  	[smem:$0x3FB5] =	sst s8  }
0x11: {  	[smem:$0x3FB6] =	sst s9;
	s0 =	simm.s32 @!p0 $0x0  }
0x12: {  	s1 =	sld [smem:$0x3F9C];
	s0 =	simm.s32 @p0 $0x1  }
0x13: {  	[smem:$0x3FB7] =	sst s0;
	s0 =	simm.s32 @!p1 $0x0  }
0x14: {  	s2 =	sld [smem:$0x3F9B];
	s0 =	simm.s32 @p1 $0x1  }
0x15: {  	[smem:$0x3FB8] =	sst s0;
	s0 =	simm.s32 @!p2 $0x0  }
0x16: {  	s3 =	sld [smem:$0x3FDB];
	s0 =	simm.s32 @p2 $0x1  }
0x17: {  	s4 =	simm.s32 $0x1BF5;
	[smem:$0x3FBA] =	sst s0  }
0x18: {  	s0 =	sld [smem:$0x3F9D];
	_ =	swait.ge [sflag:s4], $0x0  }
0x19: {  	s7 =	sld [smem:$0x3F9E]  }
0x1a: {  	s8 =	sadd.s32 $0xFFFFE003, lr  }
0x1b: {  	s9 =	sadd.s32 $0xFFFFFEF7, lr;
	s5 =	simm.s32 $0xFFFFFFFF;
	p2 =	slt.u32 s8, $0xFFFFF086  }
0x1c: {  	p1 =	slt.u32 s9, $0xF7A;
	s5 =	simm.s32 @!p2 $0x0  }
0x1d: {  	s5 =	simm.s32 @p1 $0x1;
	p0 =	seq.s32 s7, s2  }
0x1e: {  	s7 =	smul.u32 @!p0 $0xF7A, s2;
	p2 =	seq.s32 @!p0 s5, $0x0  }
0x1f: {  	s9 =	smul.u32 $0xF7A, s1;
	s8 =	simm.s32 @!p0 $0x1BF5;
	p2 =	por !p2, p0  }
0x20: {  	[sflag:s8] =	ssyncset.s32 @!p0 $0xFFFFF086;
	s6 =	sadd.s32 @!p0 s3, s7;
	s7 =	simm.s32 @!p0 $0x108  }
0x21: {  	s3 =	sadd.s32 s3, s9;
	s6 =	sadd.s32 @!p0 $0x88, s6;
	s7 =	simm.s32 @p2 $0x1082  }
0x22: {  	[simem:s7], [sflag:s8] =	dma.local @!p0 [hbm:s6], $0xF7A  }
0x23: {  	s9 =	sor.u32 $0xD0000000, s2;
	s6 =	simm.s32 $0x108;
	_ =	swait.ge @!p0 [sflag:s8], $0x0  }
0x24: {  	s3 =	sadd.s32 $0x88, s3;
	s6 =	simm.s32 @!p1 $0x1082;
	[sflag:s4] =	ssyncset.s32 $0xFFFFF086  }
0x25: {  	[simem:s6], [sflag:s4] =	dma.local [hbm:s3], $0xF7A  }
0x26: {  	[smem:$0x3F9E] =	sst s1;
	(tag) =	ssettag s2;
	_ =	strace s9  }
0x27: {  	s1 =	sld [smem:$0x3FAE]  }
0x28: {  	s2 =	sld [smem:$0x3FAF]  }
0x29: {  	s4 =	sld [smem:$0x3FB1]  }
0x2a: {  	p0 =	seq.s32 s5, $0x0;
	s5 =	sld [smem:$0x3FB2]  }
0x2b: {  	s6 =	sld [smem:$0x3FB3]  }
0x2c: {  	s7 =	sld [smem:$0x3FB4]  }
0x2d: {  	s3 =	simm.s32 $0x108;
	s8 =	sld [smem:$0x3FB5]  }
0x2e: {  	s3 =	simm.s32 @!p0 $0x1082;
	s9 =	sld [smem:$0x3FB6]  }
0x2f: {  	lr =	sadd.s32 s0, s3;
	s0 =	sld [smem:$0x3FAD]  }
0x30: {  	s3 =	sld [smem:$0x3FB0]  }
0x31: {  	[smem:$0x3FB9] =	sst s10  }
0x32: {  	s10 =	sld [smem:$0x3FB7];
	_ =	sdelay $0x3  }
0x33: {  	p0 =	seq.s32 s10, $0x1;
	s10 =	sld [smem:$0x3FB9];
	_ =	sdelay $0x3  }
0x34: {  	[smem:$0x3FB9] =	sst s10  }
0x35: {  	s10 =	sld [smem:$0x3FB8];
	_ =	sdelay $0x3  }
0x36: {  	p1 =	seq.s32 s10, $0x1;
	s10 =	sld [smem:$0x3FB9];
	_ =	sdelay $0x3  }
0x37: {  	[smem:$0x3FB9] =	sst s10  }
0x38: {  	s10 =	sld [smem:$0x3FBA]  }
0x39: {  	_ = 	snop;
	(pc) =	sbr.ind lr, $3  }
0x3a: {  	_ = 	snop  }
0x3b: {  	_ = 	snop  }
0x3c: {  	p2 =	seq.s32 s10, $0x1;
	s10 =	sld [smem:$0x3FB9]  }
0x3d: {  	_ =	shalt  }
0x3e: {  	_ =	shalt  }
0x3f: {  	_ =	shalt  }
0x40: {  	_ =	shalt  }
0x41: {  	_ =	shalt  }
0x42: {  	_ =	shalt  }
0x43: {  	_ =	shalt  }
0x44: {  	_ =	shalt  }
0x45: {  	_ =	shalt  }
0x46: {  	_ =	shalt  }
0x47: {  	_ =	shalt  }
0x48: {  	_ =	shalt  }
0x49: {  	_ =	shalt  }
0x4a: {  	_ =	shalt  }
0x4b: {  	_ =	shalt  }
0x4c: {  	_ =	shalt  }
0x4d: {  	_ =	shalt  }
0x4e: {  	_ =	shalt  }
0x4f: {  	_ =	shalt  }
0x50: {  	_ =	shalt  }
0x51: {  	_ =	shalt  }
0x52: {  	_ =	shalt  }
0x53: {  	_ =	shalt  }
0x54: {  	_ =	shalt  }
0x55: {  	_ =	shalt  }
0x56: {  	_ =	shalt  }
0x57: {  	_ =	shalt  }
0x58: {  	_ =	shalt  }
0x59: {  	_ =	shalt  }
0x5a: {  	_ =	shalt  }
0x5b: {  	_ =	shalt  }
0x5c: {  	_ =	shalt  }
0x5d: {  	_ =	shalt  }
0x5e: {  	_ =	shalt  }
0x5f: {  	_ =	shalt  }
0x60: {  	_ =	shalt  }
0x61: {  	_ =	shalt  }
0x62: {  	_ =	shalt  }
0x63: {  	_ =	shalt  }
0x64: {  	_ =	shalt  }
0x65: {  	_ =	shalt  }
0x66: {  	_ =	shalt  }
0x67: {  	_ =	shalt  }
0x68: {  	_ =	shalt  }
0x69: {  	_ =	shalt  }
0x6a: {  	_ =	shalt  }
0x6b: {  	_ =	shalt  }
0x6c: {  	_ =	shalt  }
0x6d: {  	_ =	shalt  }
0x6e: {  	_ =	shalt  }
0x6f: {  	_ =	shalt  }
0x70: {  	_ =	shalt  }
0x71: {  	_ =	shalt  }
0x72: {  	_ =	shalt  }
0x73: {  	_ =	shalt  }
0x74: {  	_ =	shalt  }
0x75: {  	_ =	shalt  }
0x76: {  	_ =	shalt  }
0x77: {  	_ =	shalt  }
0x78: {  	_ =	shalt  }
0x79: {  	_ =	shalt  }
0x7a: {  	_ =	shalt  }
0x7b: {  	_ =	shalt  }
0x7c: {  	_ =	shalt  }
0x7d: {  	_ =	shalt  }
0x7e: {  	_ =	shalt  }
0x7f: {  	_ =	shalt  }
0x80: {  	_ =	shalt  }
0x81: {  	_ =	shalt  }
0x82: {  	_ =	shalt  }
0x83: {  	_ =	shalt  }
0x84: {  	_ =	shalt  }
0x85: {  	_ =	shalt  }
0x86: {  	_ =	shalt  }
0x87: {  	_ =	shalt  }
.Lfunc_end0:
.L_simem_size_0:
called_computation.1_lowered:
.L_overlay_start_0:
0x88: {  	s2 =	sld [smem:$0x3FD9]  }
0x89: {  	s3 =	sld [smem:$0x3FFE];
	_ =	sdelay $0x1  }
0x8a: {  	s1 =	srdreg.scid  }
0x8b: {  	s0 =	sand.u32 $0x1, s1  }
0x8c: {  	s14 =	sshll.u32 s0, $0xA;
	s2 =	sadd.s32 s3, s2  }
0x8d: {  	s2 =	sadd.s32 s2, s14  }
0x8e: {  	[smem:$0x3FC5] =	sst s2  }
0x8f: {  	_ = 	snop  }
0x90: {  	s2 =	sld [smem:$0x3FD0];
	_ =	sdelay $0x2  }
0x91: {  	s15 =	simm.s32 $0xA;
	s4 =	simm.s32 $0x10  }
0x92: {  	[smem:s4], [sflag:s15] =	dma.local [hbm:s2], $0x1  }
0x93: {  	_ =	swait.eq [sflag:s15], $0x1  }
0x94: {  	[sflag:s15] =	ssyncset.done $0x0  }
0x95: {  	s16 =	sld [smem:$0x10];
	[sflag:s15] =	ssyncadd.s32 $0xFFFFFFFF  }
0x96: {  	s17 =	sld [smem:$0x11];
	(tm) =	ssettm $0x1  }
0x97: {  	s18 =	sld [smem:$0x3FFB];
	_ =	sdelay $0x3  }
0x98: {  	_ =	strace s18  }
0x99: {  	s4 =	sld [smem:$0x3FFC];
	_ =	sdelay $0x3  }
0x9a: {  	_ =	strace s4  }
0x9b: {  	s4 =	sld [smem:$0x3FFD];
	_ =	sdelay $0x3  }
0x9c: {  	_ =	strace s4  }
0x9d: {  	_ =	strace $0x8FFFFFFF  }
0x9e: {  	s19 =	sld [smem:$0x3FDB];
	_ =	sdelay $0x1  }
0x9f: {  	s5 =	simm.s32 $_scs_section_size  }
0xa0: {  	s6 =	simm.s32 $_size__tile_overlayer_lowered;
	s7 =	simm.s32 $_tile_overlayer_lowered  }
0xa1: {  	s22 =	simm.s32 $0x1BFF;
	s21 =	sshll.u32 s7, $0x1;
	s4 =	sadd.s32 s5, s19  }
0xa2: {  	s8 =	simm.s32 $0x0;
	s20 =	sshll.u32 s6, $0x1;
	s6 =	sadd.s32 s21, s4  }
0xa3: {  	[timem:s8], [sflag:s22] =	dma.local [hbm:s6], s20  }
0xa4: {  	_ =	swait.ge [sflag:s22], s20  }
0xa5: {  	s5 =	ssub.s32 $0x0, s20;
	[sflag:s22] =	ssyncset.done $0x0  }
0xa6: {  	[sflag:s22] =	ssyncadd.s32 s5;
	_ =	sdelay $0x1  }
0xa7: {  	s23 =	simm.s32 $0x1B8B  }
0xa8: {  	_ =	swait.ge [sflag:s23], $0x1  }
0xa9: {  	[sflag:s23] =	ssyncset.done $0x0  }
0xaa: {  	s25 =	simm.s32 $0x1B8E;
	s24 =	sld [smem:$0x3FFE];
	[sflag:s23] =	ssyncadd.s32 $0xFFFFFFFF  }
0xab: {  	s26 =	simm.s32 $execute0_lowered;
	[smem:$0x3FD2] =	sst s25  }
0xac: {  	s6 =	sshll.u32 s26, $0x1;
	_ =	strace $0x80000046;
	[dreg:$0x1] =	wrdreg $0xFFFFFFFF  }
0xad: {  	s28 =	simm.s32 $_size_execute0_lowered;
	s4 =	sadd.s32 s4, s6;
	[dreg:$0x0] =	wrdreg $0x0  }
0xae: {  	s6 =	sshll.u32 s28, $0x1;
	[dreg:$0x2] =	wrdreg s4  }
0xaf: {  	[dreg:$0x3] =	wrdreg s6  }
0xb0: {  	[dreg:$0x4] =	wrdreg $0xC0  }
0xb1: {  	_ =	task [dreg:s8], $0x5FFFF  }
0xb2: {  	[dreg:$0x1] =	wrdreg $0xFFFFFFFF  }
0xb3: {  	[dreg:$0x0] =	wrdreg $0x60  }
0xb4: {  	[dreg:$0x2] =	wrdreg s16  }
0xb5: {  	[dreg:$0x3] =	wrdreg s17  }
0xb6: {  	[dreg:$0x4] =	wrdreg s24  }
0xb7: {  	[dreg:$0x5] =	wrdreg $0x9  }
0xb8: {  	_ =	task.clear_ibuf [dreg:s8], $0x6FFFF;
	_ =	strace $0x90000046  }
0xb9: {  	s29 =	simm.s32 $0x9;
	_ =	strace $0x80000048  }
0xba: {  	_ =	swait.ge [sflag:s29], $0x1  }
0xbb: {  	[sflag:s29] =	ssyncadd.s32 $0xFFFFFFFF  }
0xbc: {  	_ =	strace $0x90000048  }
0xbd: {  	_ =	sfence  }
0xbe: {  	s30 =	sld [smem:$0x0];
	_ =	sdelay $0x2  }
0xbf: {  	s31 =	sshll.u32 s1, $0xD;
	s1 =	sshrl.u32 s1, $0x2  }
0xc0: {  	s3 =	sand.u32 $0x4000, s31;
	s1 =	sadd.s32 s1, s30  }
0xc1: {  	s0 =	sor.u32 s3, s0;
	s1 =	sshll.u32 s1, $0x11  }
0xc2: {  	s0 =	sor.u32 s1, s0  }
0xc3: {  	s0 =	sadd.s32 $0x8F2B, s0  }
0xc4: {  	[sflag:s0] =	ssyncadd.remote.s32 $0x1  }
0xc5: {  	_ =	sfence.sel $0xFFFF  }
0xc6: {  	[dreg:$0x0] =	wrdreg $0xFFFFFFFF;
	(pc) =	sbr.abs _section_cstart, $3  }
0xc7: {  	[dreg:$0x1] =	wrdreg $0xFFFFFFFF  }
0xc8: {  	_ =	task.clear_ibuf [dreg:s8], $0x2FFFF;
	_ =	strace $0x9FFFFFFF  }
0xc9: {  	(tm) =	ssettm $0x7FFFFFFF  }
tec
execute0_lowered:
.L_overlay_start_1:
0x0: {  	(tag) =	ssettag $0x1  }
0x1: {  	v30 =	vlaneseq.u32  }
0x2: {  	v53 =	vimm.s32 $0x14131211;
	v1 =	vimm.s32 $0x18171615;
	v2 =	vimm.s32 $0x1C1B1A19  }
0x3: {  	v3 =	vimm.s32 $0x1F1E1D;
	v4 =	vimm.s32 $0x15141312;
	v5 =	vimm.s32 $0x19181716  }
0x4: {  	vm0 =	vcmask $0x1F10;
	v7 =	vimm.s32 $0x1D1C1B1A;
	v57 =	vimm.s32 $0x1001F1E  }
0x5: {  	v8 =	vimm.s32 $0x16151413;
	v9 =	vimm.s32 $0x1A191817;
	v10 =	vimm.s32 $0x1E1D1C1B  }
0x6: {  	v11 =	vimm.s32 $0x201001F;
	v12 =	vimm.s32 $0x3020100;
	v13 =	vimm.s32 $0x1F1E1D1C  }
0x7: {  	v14 =	vimm.s32 $0x17161514;
	v15 =	vimm.s32 $0x1B1A1918;
	v18 =	vimm.s32 $0x4030201  }
0x8: {  	v59 =	vimm.s32 $0x5040302;
	v61 =	vimm.s32 $0x6050403;
	v32 =	vimm.s32 $0x76543210  }
0x9: {  	v33 =	vimm.s32 $0x87654321;
	v34 =	vimm.s32 $0x98765432;
	v40 =	vimm.s32 $0xA9876543  }
0xa: {  	v41 =	vimm.s32 $0x32107654;
	v49 =	vimm.s32 $0x43218765;
	v50 =	vimm.s32 $0x54329876  }
0xb: {  	vm15 =	vcmask $0x2F10;
	vm1 =	vcmask $0x3F30;
	v19 =	vmul.u32 $0x80, v30  }
0xc: {  	v63 =	vadd.s32 $0x1, v30;
	v0 =	vadd.s32 $0x2, v30;
	v35 =	vadd.s32 $0x3, v30  }
0xd: {  	v36 =	vadd.s32 $0x4, v30;
	v39 =	vadd.s32 $0x5, v30;
	v51 =	vadd.s32 $0x6, v30  }
0xe: {  	v55 =	vadd.s32 $0x7, v30;
	v52 =	vadd.s32 $0x8, v30;
	v20 =	vadd.s32 $0x9, v30  }
0xf: {  	s7 =	rddreg [dreg:$0x0];
	v21 =	vadd.s32 $0xA, v30;
	v22 =	vadd.s32 $0xB, v30;
	v23 =	vadd.s32 $0xC, v30  }
0x10: {  	s0 =	rddreg [dreg:$0x1];
	s2 =	simm.s32 $0x0;
	v24 =	vadd.s32 $0xD, v30;
	v25 =	vadd.s32 $0xE, v30;
	v26 =	vadd.s32 $0xF, v30;
	[tilespmem:$0x1FE00] =	vst v0  }
0x11: {  	v1 =	vunpack.c.0.s8.s32 v1;
	v2 =	vunpack.c.0.s8.s32 v2;
	v3 =	vunpack.c.0.s8.s32 v3;
	[smem:$0x7FF] =	sst s2;
	[tilespmem:$0x1FE10] =	vst v52  }
0x12: {  	s5 =	rddreg [dreg:$0x2];
	v4 =	vunpack.c.0.s8.s32 v4;
	v5 =	vunpack.c.0.s8.s32 v5;
	v56 =	vunpack.c.0.s8.s32 v7;
	_ =	strace $0x80000047;
	[tilespmem:$0x1FE20] =	vst v63  }
0x13: {  	v7 =	vunpack.c.0.s8.s32 v57;
	v8 =	vunpack.c.0.s8.s32 v8;
	v9 =	vunpack.c.0.s8.s32 v9;
	[tilespmem:$0x1FE30] =	vst v35  }
0x14: {  	v10 =	vunpack.c.0.s8.s32 v10;
	v11 =	vunpack.c.0.s8.s32 v11;
	v12 =	vunpack.c.0.s8.s32 v12;
	[tilespmem:$0x1FE40] =	vst v36  }
0x15: {  	v13 =	vunpack.c.0.s8.s32 v13;
	v14 =	vunpack.c.0.s8.s32 v14;
	v15 =	vunpack.c.0.s8.s32 v15;
	[tilespmem:$0x1FE50] =	vst v39  }
0x16: {  	v58 =	vunpack.c.0.s8.s32 v18;
	v60 =	vunpack.c.0.s8.s32 v59;
	v62 =	vunpack.c.0.s8.s32 v61;
	[tilespmem:$0x1FE60] =	vst v51  }
0x17: {  	v38 =	vunpack.c.l.s4.s8 v34;
	v44 =	vunpack.c.l.s4.s8 v41;
	v57 =	vimm.s32 $0xD0C0B0A;
	[tilespmem:$0x1FE70] =	vst v55  }
0x18: {  	v0 =	vunpack.c.0.s8.s32 v53;
	v52 =	vimm.s32 $0x6543A987;
	v53 =	vimm.s32 $0xB0A0908;
	[tilespmem:$0x1FE80] =	vst v22  }
0x19: {  	v6 =	vsel vm0, v3, v2;
	v54 =	vsel vm0, v5, v4;
	v16 =	vsel vm0, v7, v56;
	[tilespmem:$0x1FE90] =	vst v23  }
0x1a: {  	v8 =	vsel vm0, v9, v8;
	v17 =	vsel vm0, v11, v10;
	v12 =	vsel vm0, v12, v13;
	[tilespmem:$0x1FEA0] =	vst v24  }
0x1b: {  	v14 =	vsel vm0, v15, v14;
	v4 =	vsel vm0, v56, v5;
	v31 =	vsel vm0, v10, v9;
	[tilespmem:$0x1FEB0] =	vst v25  }
0x1c: {  	v37 =	vsel vm0, v13, v15;
	v5 =	vunpack.c.l.s4.s8 v40;
	v48 =	vunpack.c.0.s8.s32 v44;
	[tilespmem:$0x1FEC0] =	vst v26  }
0x1d: {  	[tilespmem:$0x1FED0] =	vst v19;
	v0 =	vsel vm0, v1, v0;
	v28 =	vcombine.low v14, v12;
	v1 =	vsel vm0, v2, v1  }
0x1e: {  	[tilespmem:$0x1FFA0] =	vst v20;
	v18 =	vcombine.low v54, v16;
	v29 =	vcombine.low v8, v17;
	v14 =	vsel vm0, v58, v3  }
0x1f: {  	[tilespmem:$0x1FFB0] =	vst v21;
	v2 =	vsel vm0, v60, v7;
	v60 =	vor.u32 $0x10, v30;
	v27 =	vcombine.low v0, v6  }
0x20: {  	v58 =	vimm.s32 $0xE0D0C0B;
	v12 =	vcombine.low v1, v14;
	v14 =	vcombine.low v4, v2;
	[tilespmem:$0x1FF70] =	vst v60  }
0x21: {  	v0 =	vsel vm0, v62, v11;
	v2 =	vunpack.c.l.s4.s8 v32;
	v4 =	vunpack.c.l.s4.s8 v33;
	[tilespmem:$0x1FFD0] =	vst v28  }
0x22: {  	v1 =	vunpack.c.0.s8.s32 v38;
	v47 =	vunpack.c.0.s8.s32 v5;
	v5 =	vunpack.c.l.s4.s8 v52;
	[tilespmem:$0x1FFE0] =	vst v18  }
0x23: {  	v8 =	vunpack.c.0.s8.s32 v58;
	v9 =	vcombine.low v31, v0;
	v0 =	vand.u32 $0xF, v48;
	[tilespmem:$0x1FFF0] =	vst v29  }
0x24: {  	v2 =	vunpack.c.0.s8.s32 v2;
	v4 =	vunpack.c.0.s8.s32 v4;
	v46 =	vand.u32 $0xF, v1;
	[tilespmem:$0x1FF00] =	vst v12  }
0x25: {  	v1 =	vand.u32 $0xF, v47;
	v0 =	vsel vm15, v0, v13;
	[tilespmem:$0x1FF10] =	vst v14;
	v16 =	vcombine.low v16, v46  }
0x26: {  	v5 =	vunpack.c.0.s8.s32 v5;
	[tilespmem:$0x1FFC0] =	vst v27;
	v59 =	vcombine.low v17, v1;
	v42 =	vcombine.low v37, v2  }
0x27: {  	s4 =	srdreg.scid;
	[tilespmem:$0x1FF20] =	vst v9;
	v43 =	vand.u32 $0xF, v4;
	v2 =	vunpack.c.l.s4.s8 v49;
	v4 =	vunpack.c.l.s4.s8 v50  }
0x28: {  	s1 =	stileid.u32;
	s11 =	simm.s32 $0x5;
	s12 =	simm.s32 $0x8000;
	v5 =	vand.u32 $0xF, v5;
	v45 =	vcombine.low v6, v43;
	v6 =	vunpack.c.0.s8.s32 v53;
	[tilespmem:$0x1FF50] =	vst v16  }
0x29: {  	s13 =	simm.s32 $0x1C880;
	s14 =	simm.s32 $0x8880;
	s15 =	simm.s32 $0x12880;
	v5 =	vsel vm15, v5, v11;
	[tilespmem:$0x1FF60] =	vst v59;
	v2 =	vunpack.c.0.s8.s32 v2;
	v4 =	vunpack.c.0.s8.s32 v4  }
0x2a: {  	s16 =	simm.s32 $0x1;
	s17 =	simm.s32 $0x2;
	s18 =	simm.s32 $0x3;
	v56 =	vimm.s32 $0xC0B0A09;
	v62 =	vsel vm1, v8, v5;
	[tilespmem:$0x1FF30] =	vst v42;
	v6 =	vsel vm1, v6, v0  }
0x2b: {  	s19 =	simm.s32 $0x4;
	s20 =	simm.s32 $0x0;
	s6 =	sand.u32 $0x1, s4;
	[tilespmem:$0x1FEF0] =	vst v62;
	v2 =	vand.u32 $0xF, v2;
	v54 =	vand.u32 $0xF, v4;
	v4 =	vunpack.c.0.s8.s32 v56  }
0x2c: {  	s8 =	sshll.u32 s1, $0x1;
	s4 =	sadd.s32 $0x20E00, s5;
	s9 =	ssub.s32 $0x2, s6;
	[tilespmem:$0x1FF40] =	vst v45;
	v2 =	vsel vm15, v2, v3;
	v3 =	vsel vm15, v54, v7;
	v7 =	vunpack.c.0.s8.s32 v57  }
0x2d: {  	s5 =	sadd.s32 $0xE00, s5;
	s8 =	sor.u32 s6, s8;
	s10 =	sshrl.u32 s9, $0x1;
	[tilespmem:$0x1FF80] =	vst v6;
	v2 =	vsel vm1, v4, v2  }
0x2e: {  	s6 =	sshll.u32 s8, $0xC;
	s8 =	smul.u32 $0x6400, s8;
	s10 =	ssub.s32 s9, s10;
	v61 =	vsel vm1, v7, v3;
	[tilespmem:$0x1FF90] =	vst v2  }
0x2f: {  	s7 =	sadd.s32 s7, s6;
	s9 =	sadd.s32 s5, s6;
	s10 =	smax.u32 s10, $0x1;
	[tilespmem:$0x1FEE0] =	vst v61  }
.LBB2_1:
0x30: {  	[tilespmem:s2], [sflag:$0x5] =	stream.linear.gather [hbm4b:s7+s2], $0x8000, $0x38;
	[tilespmem:$0x1D880] =	vst v63  }
0x31: {  	_ =	swait.ge [sflag:s11], $0x8000  }
0x32: {  	[sflag:s11] =	ssyncset.done $0x0  }
0x33: {  	[sflag:s11] =	ssyncadd.s32 $0xFFFF8000  }
0x34: {  	[tilespmem:s12], [sflag:$0x5] =	stream.linear.gather [hbm4b:s0+s2], $0x880, $0x38;
	[tilespmem:$0x1D880] =	vst v63  }
0x35: {  	_ =	swait.ge [sflag:s11], $0x880  }
0x36: {  	[sflag:s11] =	ssyncset.done $0x0  }
0x37: {  	s21 =	simm.s32 $0x0;
	s22 =	simm.s32 $0x0;
	[sflag:s11] =	ssyncadd.s32 $0xFFFFF780  }
.LBB2_2:
0x38: {  	s29 =	simm.s32 $0x0  }
0x39: {  	v0 =	vmov s29  }
0x3a: {  	v8 =	vld [tilespmem:$0x1FE10];
	s31 =	simm.s32 $0x10;
	s25 =	simm.s32 $0x20;
	v5 =	vlaneseq.u32;
	v0 =	vshll.u32 v0, $0x7  }
0x3b: {  	v1 =	vmov s31;
	v2 =	vmov s25;
	v3 =	vor.u32 v19, v0  }
0x3c: {  	v4 =	vld [tilespmem:$0x1FE00];
	v0 =	vshll.u32 v1, $0x7;
	v1 =	vshll.u32 v2, $0x7;
	v2 =	vor.u32 v5, v3;
	[tilespmem:$0x1FC60] =	vst v3  }
0x3d: {  	v0 =	vor.u32 v19, v0;
	[tilespmem:$0x1FBF0] =	vst v2  }
0x3e: {  	v2 =	vor.u32 v63, v3;
	[tilespmem:$0x1FD50] =	vst v0  }
0x3f: {  	v62 =	vor.u32 v19, v1;
	v1 =	vor.u32 v8, v0;
	[tilespmem:$0x1FC00] =	vst v2  }
0x40: {  	v6 =	vor.u32 v51, v62;
	[tilespmem:$0x1FC80] =	vst v1  }
0x41: {  	v2 =	vor.u32 v4, v3;
	[tilespmem:$0x1FDD0] =	vst v6  }
0x42: {  	v1 =	vor.u32 v20, v0;
	[tilespmem:$0x1FC10] =	vst v2  }
0x43: {  	v2 =	vor.u32 v35, v3;
	[tilespmem:$0x1FC90] =	vst v1  }
0x44: {  	v1 =	vor.u32 v21, v0;
	[tilespmem:$0x1FC20] =	vst v2  }
0x45: {  	v2 =	vor.u32 v36, v3;
	[tilespmem:$0x1FCA0] =	vst v1  }
0x46: {  	v1 =	vor.u32 v22, v0;
	[tilespmem:$0x1FC30] =	vst v2  }
0x47: {  	v2 =	vor.u32 v39, v3;
	[tilespmem:$0x1FCB0] =	vst v1  }
0x48: {  	v1 =	vor.u32 v23, v0;
	[tilespmem:$0x1FC40] =	vst v2  }
0x49: {  	v2 =	vor.u32 v51, v3;
	[tilespmem:$0x1FCC0] =	vst v1  }
0x4a: {  	v1 =	vor.u32 v24, v0;
	[tilespmem:$0x1FC50] =	vst v2  }
0x4b: {  	v2 =	vor.u32 v55, v3;
	[tilespmem:$0x1FCD0] =	vst v1  }
0x4c: {  	v1 =	vor.u32 v25, v0;
	[tilespmem:$0x1FC70] =	vst v2  }
0x4d: {  	[tilespmem:$0x1FCE0] =	vst v1;
	v1 =	vor.u32 v26, v0  }
0x4e: {  	[tilespmem:$0x1FCF0] =	vst v1;
	v1 =	vor.u32 v63, v0  }
0x4f: {  	[tilespmem:$0x1FD00] =	vst v1;
	v1 =	vor.u32 v35, v0  }
0x50: {  	[tilespmem:$0x1FD10] =	vst v1;
	v1 =	vor.u32 v36, v0  }
0x51: {  	s23 =	smul.u32 $0x19A, s22;
	[tilespmem:$0x1FD20] =	vst v1;
	v1 =	vor.u32 v39, v0  }
0x52: {  	[tilespmem:$0x1FD30] =	vst v1;
	v1 =	vor.u32 v51, v0  }
0x53: {  	s26 =	sshrl.u32 s23, $0xA;
	v38 =	vor.u32 v5, v0;
	v37 =	vor.u32 v4, v0;
	v0 =	vor.u32 v55, v0;
	[tilespmem:$0x1FD40] =	vst v1  }
0x54: {  	s1 =	sadd.s32 $0x0, s21;
	s23 =	sand.u32 $0x3F, s26;
	[tilespmem:$0x1FD60] =	vst v0;
	v0 =	vor.u32 v5, v62  }
0x55: {  	s28 =	sadd.s32 $0x20, s1;
	s24 =	sshll.u32 s23, $0x3;
	[tilespmem:$0x1FD70] =	vst v0;
	v0 =	vor.u32 v63, v62  }
0x56: {  	s24 =	sand.u32 $0xF0, s24;
	v2 =	vor.u32 s28, v5;
	[tilespmem:$0x1FD80] =	vst v0;
	v0 =	vor.u32 v4, v62  }
0x57: {  	v7 =	vmov s24;
	s24 =	sadd.s32 $0x30, s1;
	v12 =	vmul.u32 $0x147B, v2;
	[tilespmem:$0x1FD90] =	vst v0;
	v0 =	vor.u32 v35, v62  }
0x58: {  	v6 =	vor.u32 v55, v62;
	v3 =	vor.u32 s24, v5;
	[tilespmem:$0x1FDA0] =	vst v0;
	v0 =	vor.u32 v36, v62  }
0x59: {  	s3 =	sadd.s32 $0x10, s1;
	v41 =	vshrl.u32 v12, $0x14;
	v60 =	vshrl.u32 v12, $0xC;
	[tilespmem:$0x1FDB0] =	vst v0;
	v0 =	vor.u32 v39, v62  }
0x5a: {  	v1 =	vor.u32 s3, v5;
	[tilespmem:$0x1FDC0] =	vst v0;
	v0 =	vor.u32 s1, v5;
	v5 =	vmul.u32 $0x147B, v3  }
0x5b: {  	v12 =	vshrl.u32 v12, $0xD;
	v4 =	vmul.u32 $0x147B, v1;
	v13 =	vmul.u32 $0x147B, v0  }
0x5c: {  	v17 =	vmul.u32 $0xFFFFFF38, v41;
	v24 =	vand.u32 $0x7F800, v60;
	v18 =	vshrl.u32 v5, $0x14  }
0x5d: {  	v40 =	vshrl.u32 v4, $0x14;
	v42 =	vshrl.u32 v13, $0x14;
	v14 =	vmul.u32 $0xFFFFFF38, v18  }
0x5e: {  	p0 =	seq.s32 s22, $0x0;
	s31 =	smul.u32 $0x5, s23;
	[tilespmem:$0x1FDE0] =	vst v6;
	v2 =	vadd.s32 v2, v17;
	v6 =	vmul.u32 $0xFFFFFF38, v40;
	v15 =	vmul.u32 $0xFFFFFF38, v42  }
0x5f: {  	p1 =	slt.u32 @!p0 s22, $0x5;
	s24 =	sshll.u32 s22, $0x1;
	v3 =	vadd.s32 v3, v14;
	v14 =	vshrl.u32 v5, $0xC;
	v5 =	vshrl.u32 v5, $0xD  }
0x60: {  	p2 =	por p1, p0;
	s25 =	ssub.s32 s24, s31;
	v19 =	vshll.u32 v3, $0x3;
	v50 =	vand.u32 $0x380, v5;
	v20 =	vadd.s32 $0x1, v3  }
0x61: {  	s28 =	sand.u32 @!p2 $0xFF, s25;
	v14 =	vand.u32 $0x7F800, v14;
	v5 =	vand.u32 $0xFFFFFC00, v19;
	v19 =	vshll.u32 v20, $0x3  }
0x62: {  	s30 =	simm.s32 @!p0 $0x1;
	p2 =	sne.s32 @!p2 s28, $0x0;
	v3 =	vand.u32 $0x7F, v3;
	v56 =	vadd.s32 v14, v5;
	v19 =	vand.u32 $0xFFFFFC00, v19  }
0x63: {  	p3 =	por @!p0 p2, p1;
	_ =	swait.ge @!p0 [sflag:s30], $0xA000;
	v20 =	vand.u32 $0x7F, v20;
	v21 =	vor.u32 v50, v56;
	v14 =	vadd.s32 v14, v19  }
0x64: {  	s26 =	sand.u32 $0x1, s26;
	p3 =	por p3, p0;
	v1 =	vadd.s32 v1, v6;
	[sflag:s30] =	ssyncset.done @!p0 $0x0;
	v6 =	vor.u32 v3, v21;
	v14 =	vor.u32 v20, v14  }
0x65: {  	s28 =	sadd.s32 @!p3 $0x3, s26;
	v17 =	vadd.s32 $0x1, v2;
	[sflag:s30] =	ssyncadd.s32 @!p0 $0xFFFF6000;
	v19 =	vadd.s32 v0, v15;
	v0 =	vor.u32 v50, v14  }
0x66: {  	v46 =	vand.u32 $0x380, v12;
	v58 =	vshll.u32 v17, $0x3;
	v17 =	vand.u32 $0x7F, v17;
	_ =	swait.ge @!p3 [sflag:s28], $0x800  }
0x67: {  	v22 =	vand.u32 $0xFFFFFC00, v58;
	v16 =	vshrl.u32 v4, $0xC;
	[sflag:s28] =	ssyncset.done @!p3 $0x0;
	v15 =	vadd.s32 $0x1, v1  }
0x68: {  	v4 =	vshrl.u32 v4, $0xD;
	v16 =	vand.u32 $0x7F800, v16;
	[sflag:s28] =	ssyncadd.s32 @!p3 $0xFFFFF800;
	v57 =	vshll.u32 v15, $0x3  }
0x69: {  	v4 =	vand.u32 $0x380, v4;
	v47 =	vand.u32 $0x7F, v1;
	v21 =	vand.u32 $0xFFFFFC00, v57;
	v6 =	vld.idx.msk [tilespmem:v6+s2+$0x0], $0xffff  }
0x6a: {  	v15 =	vand.u32 $0x7F, v15;
	v14 =	vadd.s32 $0x1, v19;
	v21 =	vadd.s32 v16, v21;
	v61 =	vld.idx.msk [tilespmem:v0+s2+$0x0], $0xffff  }
0x6b: {  	v20 =	vshll.u32 v14, $0x3;
	v21 =	vor.u32 v15, v21;
	v15 =	vshrl.u32 v13, $0xC  }
0x6c: {  	v20 =	vand.u32 $0xFFFFFC00, v20;
	v15 =	vand.u32 $0x7F800, v15;
	v0 =	vadd.s32 v24, v22  }
0x6d: {  	v14 =	vand.u32 $0x7F, v14;
	v22 =	vor.u32 v17, v0;
	v17 =	vadd.s32 v15, v20  }
0x6e: {  	v18 =	vsub.s32 v18, v7;
	v20 =	vor.u32 v14, v17;
	v14 =	vshll.u32 v2, $0x3  }
0x6f: {  	v18 =	vshll.u32 v18, $0x8;
	v48 =	vand.u32 $0xFFFFFC00, v14;
	v14 =	vsub.f32 v61, v6  }
0x70: {  	v59 =	vshll.u32 v19, $0x3;
	v43 =	vand.u32 $0x7F, v19;
	v13 =	vshrl.u32 v13, $0xD  }
0x71: {  	v45 =	vand.u32 $0x380, v13;
	v0 =	vshll.u32 v1, $0x3;
	v12 =	vmul.f32 $6.399999980e-05, v14  }
0x72: {  	p4 =	sgt.u32 @!p0 s22, $0x4;
	p2 =	por @!p0 !p2, p1;
	v49 =	vand.u32 $0xFFFFFC00, v0;
	v0 =	vand.u32 $0xFFFFFC00, v59;
	v2 =	vand.u32 $0x7F, v2  }
0x73: {  	p5 =	por p4, p4;
	p2 =	por !p2, p0;
	p3 =	por @!p3 $0x1, $0x1;
	v16 =	vadd.s32 v16, v49;
	v17 =	vadd.s32 v15, v0;
	v1 =	vtrunc.f32 v12  }
0x74: {  	p1 =	por !p1, p0;
	p5 =	por @!p2 p3, p3;
	v63 =	vadd.s32 v24, v48;
	v14 =	vor.u32 v45, v17;
	v17 =	vcvt.f32.s32 v1  }
0x75: {  	p5 =	por @!p1 p4, p4;
	p1 =	por $0x0, $0x0;
	v15 =	vor.u32 v4, v16;
	v16 =	vor.u32 v4, v21;
	v13 =	vor.u32 v46, v63  }
0x76: {  	s30 =	simm.s32 $0x40;
	s28 =	smul.u32 $0x280, s22;
	p1 =	por @!p0 p5, p5;
	[tilespmem:$0x1FDF0] =	vst v7;
	v12 =	vor.u32 v45, v20;
	v1 =	vor.u32 v46, v22;
	vm0 =	vgt.s32 v17, $0x0  }
.LBB2_3:
0x77: {  	_ =	sdelay $0x2  }
0x78: {  	v51 =	vld [tilespmem:$0x1FE00]  }
0x79: {  	v16 =	vld.idx.msk [tilespmem:v16+s2+$0x0], $0xffff  }
0x7a: {  	v7 =	vld [tilespmem:$0x1FDF0]  }
0x7b: {  	v1 =	vld.idx.msk [tilespmem:v1+s2+$0x0], $0xffff  }
0x7c: {  	v18 =	vand.u32 $0xFFFFF800, v18;
	v13 =	vor.u32 v2, v13;
	v34 =	vld [tilespmem:$0x1FE20]  }
0x7d: {  	v15 =	vor.u32 v47, v15;
	v17 =	vnsel vm0, $0x0, v17;
	v28 =	vld [tilespmem:$0x1FE30];
	v5 =	vadd.s32 v18, v5  }
0x7e: {  	v14 =	vor.u32 v43, v14;
	v12 =	vld.idx.msk [tilespmem:v12+s2+$0x0], $0xffff;
	v17 =	vmin.u32 v17, $0x3F;
	v5 =	vor.u32 v50, v5  }
0x7f: {  	v10 =	vld [tilespmem:$0x1FE40];
	v44 =	vmul.u32 $0x21, v17;
	v50 =	vlaneseq.u32;
	v17 =	vsub.s32 v40, v7  }
0x80: {  	v32 =	vld [tilespmem:$0x1FE50];
	v19 =	vor.u32 v3, v5;
	v18 =	vsub.s32 v41, v7;
	v5 =	vshll.u32 v17, $0x8  }
0x81: {  	v3 =	vsub.s32 v42, v7;
	v20 =	vadd.s32 v34, v44;
	v59 =	vld.idx.msk [tilespmem:v13+s2+$0x0], $0xffff;
	v5 =	vand.u32 $0xFFFFF800, v5  }
0x82: {  	v13 =	vadd.s32 v28, v44;
	v3 =	vshll.u32 v3, $0x8;
	v23 =	vadd.s32 v5, v49;
	v5 =	vld [tilespmem:$0x1FED0]  }
0x83: {  	v17 =	vadd.s32 v50, v44;
	v18 =	vshll.u32 v18, $0x8;
	v22 =	vand.u32 $0xFFFFF800, v3;
	v3 =	vld [tilespmem:$0x1FE60]  }
0x84: {  	s31 =	sadd.s32 $0x30, s29;
	v15 =	vld.idx.msk [tilespmem:v15+s2+$0x0], $0xffff;
	v21 =	vadd.s32 v51, v44;
	v18 =	vand.u32 $0xFFFFF800, v18  }
0x85: {  	v63 =	vld.idx.msk [tilespmem:v14+s2+$0x0], $0xffff;
	v14 =	vadd.s32 v18, v48;
	[tilespmem:v19+s13+$0x0] =	vst.idx.msk $0xffff, v6;
	v6 =	vmov s31;
	v18 =	vadd.s32 v10, v44  }
0x86: {  	v19 =	vadd.s32 v32, v44;
	v6 =	vshll.u32 v6, $0x7;
	v20 =	vld.idx.msk [tilespmem:v20+s12+$0x0], $0xffff  }
0x87: {  	v0 =	vadd.s32 v22, v0;
	v49 =	vadd.s32 v55, v44;
	v13 =	vld.idx.msk [tilespmem:v13+s12+$0x0], $0xffff;
	v42 =	vor.u32 v5, v6  }
0x88: {  	v24 =	vor.u32 v45, v0;
	v17 =	vld.idx.msk [tilespmem:v17+s12+$0x0], $0xffff;
	v48 =	vadd.s32 v3, v44;
	v52 =	vor.u32 v50, v42  }
0x89: {  	v0 =	vsub.f32 v16, v15;
	v6 =	vor.u32 v46, v14;
	v14 =	vld.idx.msk [tilespmem:v21+s12+$0x0], $0xffff;
	v16 =	vor.u32 v34, v42  }
0x8a: {  	v18 =	vld.idx.msk [tilespmem:v18+s12+$0x0], $0xffff;
	v26 =	vor.u32 v51, v42  }
0x8b: {  	v19 =	vld.idx.msk [tilespmem:v19+s12+$0x0], $0xffff;
	v27 =	vor.u32 v28, v42  }
0x8c: {  	[tilespmem:$0x1F740] =	vst v37;
	v25 =	vsub.f32 v1, v59;
	v0 =	vmul.f32 $6.399999980e-05, v0;
	v21 =	vld.idx.msk [tilespmem:v49+s12+$0x0], $0xffff;
	v53 =	vor.u32 v10, v42  }
0x8d: {  	v1 =	vor.u32 v2, v6;
	v6 =	vld.idx.msk [tilespmem:v48+s12+$0x0], $0xffff;
	[tilespmem:v52+s14+$0x0] =	vst.idx.msk $0xffff, v17;
	v17 =	vor.u32 v32, v42  }
0x8e: {  	[tilespmem:v16+s14+$0x0] =	vst.idx.msk $0xffff, v20  }
0x8f: {  	v12 =	vsub.f32 v12, v63;
	v0 =	vtrunc.f32 v0;
	[tilespmem:v26+s14+$0x0] =	vst.idx.msk $0xffff, v14  }
0x90: {  	v33 =	vld [tilespmem:$0x1FE10];
	v0 =	vcvt.f32.s32 v0;
	[tilespmem:v27+s14+$0x0] =	vst.idx.msk $0xffff, v13  }
0x91: {  	v39 =	vld [tilespmem:$0x1FFA0];
	v4 =	vor.u32 v4, v23;
	v12 =	vmul.f32 $6.399999980e-05, v12;
	[tilespmem:v53+s14+$0x0] =	vst.idx.msk $0xffff, v18  }
0x92: {  	v4 =	vor.u32 v47, v4;
	v2 =	vmul.f32 $6.399999980e-05, v25;
	vm0 =	vgt.s32 v0, $0x0;
	[tilespmem:v17+s14+$0x0] =	vst.idx.msk $0xffff, v19  }
0x93: {  	v12 =	vtrunc.f32 v12;
	v0 =	vnsel vm0, $0x0, v0;
	v16 =	vor.u32 v3, v42;
	v37 =	vld [tilespmem:$0x1FFB0]  }
0x94: {  	v2 =	vtrunc.f32 v2;
	v0 =	vmin.u32 v0, $0x3F;
	v14 =	vor.u32 v55, v42;
	v7 =	vld [tilespmem:$0x1FE80]  }
0x95: {  	v2 =	vcvt.f32.s32 v2;
	v41 =	vmul.u32 $0x21, v0;
	v13 =	vadd.s32 v33, v44;
	v47 =	vld [tilespmem:$0x1FE90]  }
0x96: {  	v12 =	vcvt.f32.s32 v12;
	v18 =	vadd.s32 v39, v44;
	v48 =	vld [tilespmem:$0x1FEA0]  }
0x97: {  	vm0 =	vgt.s32 v2, $0x0;
	v19 =	vadd.s32 v34, v41;
	v9 =	vld [tilespmem:$0x1FEB0]  }
0x98: {  	vm1 =	vgt.s32 v12, $0x0;
	v2 =	vnsel vm0, $0x0, v2;
	[tilespmem:v16+s14+$0x0] =	vst.idx.msk $0xffff, v6;
	v5 =	vld [tilespmem:$0x1FEC0];
	v17 =	vadd.s32 v37, v44  }
0x99: {  	v12 =	vnsel vm1, $0x0, v12;
	v2 =	vmin.u32 v2, $0x3F;
	[tilespmem:v14+s14+$0x0] =	vst.idx.msk $0xffff, v21;
	v6 =	vadd.s32 v7, v44  }
0x9a: {  	v12 =	vmin.u32 v12, $0x3F;
	v0 =	vmul.u32 $0x21, v2;
	v2 =	vld.idx.msk [tilespmem:v13+s12+$0x0], $0xffff;
	v14 =	vadd.s32 v47, v44  }
0x9b: {  	v40 =	vmul.u32 $0x21, v12;
	[tilespmem:v4+s13+$0x0] =	vst.idx.msk $0xffff, v15;
	v12 =	vld.idx.msk [tilespmem:v18+s12+$0x0], $0xffff;
	v4 =	vadd.s32 v48, v44  }
0x9c: {  	v52 =	vld.idx.msk [tilespmem:v19+s12+$0x0], $0xffff;
	v13 =	vadd.s32 v9, v44  }
0x9d: {  	v16 =	vld.idx.msk [tilespmem:v17+s12+$0x0], $0xffff;
	v17 =	vadd.s32 v5, v44  }
0x9e: {  	v18 =	vor.u32 v33, v42;
	v6 =	vld.idx.msk [tilespmem:v6+s12+$0x0], $0xffff  }
0x9f: {  	v54 =	vor.u32 v39, v42;
	v14 =	vld.idx.msk [tilespmem:v14+s12+$0x0], $0xffff  }
0xa0: {  	v58 =	vor.u32 v37, v42;
	v4 =	vld.idx.msk [tilespmem:v4+s12+$0x0], $0xffff  }
0xa1: {  	v13 =	vld.idx.msk [tilespmem:v13+s12+$0x0], $0xffff  }
0xa2: {  	v11 =	vmov v28;
	v20 =	vadd.s32 v51, v41;
	v15 =	vadd.s32 v50, v41;
	v17 =	vld.idx.msk [tilespmem:v17+s12+$0x0], $0xffff  }
0xa3: {  	v19 =	vadd.s32 v11, v0;
	v61 =	vor.u32 v7, v42;
	[tilespmem:v18+s14+$0x0] =	vst.idx.msk $0xffff, v2;
	v18 =	vmov v11;
	v11 =	vld [tilespmem:$0x1FF70]  }
0xa4: {  	v46 =	vld [tilespmem:$0x1FFD0];
	v31 =	vor.u32 v47, v42;
	[tilespmem:v54+s14+$0x0] =	vst.idx.msk $0xffff, v12  }
0xa5: {  	v60 =	vadd.s32 v32, v41;
	v2 =	vor.u32 v48, v42;
	[tilespmem:v58+s14+$0x0] =	vst.idx.msk $0xffff, v16;
	v58 =	vld [tilespmem:$0x1FFE0]  }
0xa6: {  	v21 =	vld [tilespmem:$0x1FFC0];
	v12 =	vor.u32 v9, v42  }
0xa7: {  	v23 =	vor.u32 v43, v24;
	v43 =	vld.idx.msk [tilespmem:v15+s12+$0x0], $0xffff;
	v15 =	vor.u32 v5, v42  }
0xa8: {  	v25 =	vld.idx.msk [tilespmem:v20+s12+$0x0], $0xffff;
	[tilespmem:v61+s14+$0x0] =	vst.idx.msk $0xffff, v6;
	v6 =	vadd.s32 v11, v44  }
0xa9: {  	v20 =	vld [tilespmem:$0x1FF00];
	[tilespmem:v31+s14+$0x0] =	vst.idx.msk $0xffff, v14  }
0xaa: {  	v61 =	vld.idx.msk [tilespmem:v60+s12+$0x0], $0xffff;
	[tilespmem:v2+s14+$0x0] =	vst.idx.msk $0xffff, v4;
	v2 =	vadd.s32 v58, v44  }
0xab: {  	v60 =	vld [tilespmem:$0x1FF20];
	[tilespmem:v12+s14+$0x0] =	vst.idx.msk $0xffff, v13  }
0xac: {  	v13 =	vld [tilespmem:$0x1FFF0];
	[tilespmem:v15+s14+$0x0] =	vst.idx.msk $0xffff, v17  }
0xad: {  	v56 =	vadd.s32 v28, v41;
	v31 =	vld.idx.msk [tilespmem:v6+s12+$0x0], $0xffff  }
0xae: {  	v8 =	vmov v3;
	v57 =	vadd.s32 v10, v41;
	v6 =	vadd.s32 v18, v40;
	v18 =	vld [tilespmem:$0x1FF10]  }
0xaf: {  	v27 =	vadd.s32 v3, v41;
	[tilespmem:v1+s13+$0x0] =	vst.idx.msk $0xffff, v59;
	v54 =	vld.idx.msk [tilespmem:v2+s12+$0x0], $0xffff;
	v2 =	vadd.s32 v8, v40  }
0xb0: {  	v29 =	vadd.s32 v55, v41;
	v35 =	vadd.s32 v34, v0;
	v14 =	vadd.s32 v21, v44;
	[tilespmem:$0x1F7B0] =	vst v2;
	v2 =	vld [tilespmem:$0x1FE70]  }
0xb1: {  	v3 =	vadd.s32 v3, v0;
	[tilespmem:v23+s13+$0x0] =	vst.idx.msk $0xffff, v63;
	v4 =	vadd.s32 v13, v44  }
0xb2: {  	[tilespmem:$0x1F750] =	vst v3;
	v3 =	vadd.s32 v50, v40;
	v36 =	vld.idx.msk [tilespmem:v56+s12+$0x0], $0xffff;
	v26 =	vadd.s32 v20, v44  }
0xb3: {  	[tilespmem:$0x1F760] =	vst v3;
	v24 =	vld.idx.msk [tilespmem:v57+s12+$0x0], $0xffff;
	v56 =	vor.u32 v11, v42;
	v12 =	vadd.s32 v46, v44  }
0xb4: {  	v3 =	vld.idx.msk [tilespmem:v27+s12+$0x0], $0xffff;
	v15 =	vadd.s32 v34, v40;
	v17 =	vadd.s32 v51, v40;
	v34 =	vadd.s32 v60, v44  }
0xb5: {  	[tilespmem:$0x1F770] =	vst v17;
	v27 =	vld.idx.msk [tilespmem:v14+s12+$0x0], $0xffff;
	v53 =	vadd.s32 v18, v44;
	v2 =	vadd.s32 v2, v40  }
0xb6: {  	v57 =	vld.idx.msk [tilespmem:v4+s12+$0x0], $0xffff;
	v4 =	vor.u32 v21, v42;
	[tilespmem:$0x1F7C0] =	vst v2;
	v2 =	vadd.s32 v33, v41  }
0xb7: {  	v59 =	vor.u32 v58, v42;
	v23 =	vld.idx.msk [tilespmem:v26+s12+$0x0], $0xffff;
	[tilespmem:$0x1F7D0] =	vst v2;
	v2 =	vadd.s32 v39, v41  }
0xb8: {  	v1 =	vld.idx.msk [tilespmem:v12+s12+$0x0], $0xffff;
	v26 =	vor.u32 v13, v42;
	[tilespmem:$0x1F7E0] =	vst v2;
	v2 =	vadd.s32 v37, v41  }
0xb9: {  	v22 =	vadd.s32 v55, v0;
	v8 =	vor.u32 v46, v42;
	v55 =	vld.idx.msk [tilespmem:v34+s12+$0x0], $0xffff;
	[tilespmem:$0x1F7F0] =	vst v2  }
0xba: {  	v17 =	vmov v7;
	v2 =	vadd.s32 v7, v41;
	v7 =	vld.idx.msk [tilespmem:v53+s12+$0x0], $0xffff;
	[tilespmem:v56+s14+$0x0] =	vst.idx.msk $0xffff, v31  }
0xbb: {  	[tilespmem:v4+s14+$0x0] =	vst.idx.msk $0xffff, v27  }
0xbc: {  	[tilespmem:v59+s14+$0x0] =	vst.idx.msk $0xffff, v54  }
0xbd: {  	[tilespmem:v26+s14+$0x0] =	vst.idx.msk $0xffff, v57  }
0xbe: {  	[tilespmem:v8+s14+$0x0] =	vst.idx.msk $0xffff, v1;
	v1 =	vadd.s32 v39, v0  }
0xbf: {  	[tilespmem:$0x1F860] =	vst v1;
	v1 =	vadd.s32 v37, v0  }
0xc0: {  	[tilespmem:$0x1F870] =	vst v1;
	v1 =	vadd.s32 v17, v0  }
0xc1: {  	[tilespmem:$0x1F880] =	vst v1;
	v1 =	vadd.s32 v47, v0  }
0xc2: {  	[tilespmem:$0x1F890] =	vst v1;
	v1 =	vld [tilespmem:$0x1FD00];
	_ =	sdelay $0x6  }
0xc3: {  	v34 =	vld.idx.msk [tilespmem:v29+s12+$0x0], $0xffff;
	[tilespmem:v38+s14+$0x0] =	vst.idx.msk $0xffff, v43;
	v53 =	vmov v48  }
0xc4: {  	[tilespmem:v1+s14+$0x0] =	vst.idx.msk $0xffff, v52;
	v1 =	vadd.s32 v53, v0  }
0xc5: {  	[tilespmem:$0x1F8A0] =	vst v1;
	v1 =	vld [tilespmem:$0x1F740];
	_ =	sdelay $0x7  }
0xc6: {  	[tilespmem:v1+s14+$0x0] =	vst.idx.msk $0xffff, v25;
	v1 =	vld [tilespmem:$0x1FD10];
	_ =	sdelay $0x7  }
0xc7: {  	[tilespmem:v1+s14+$0x0] =	vst.idx.msk $0xffff, v36;
	v1 =	vld [tilespmem:$0x1FD20];
	_ =	sdelay $0x4  }
0xc8: {  	v45 =	vadd.s32 v51, v0;
	_ =	sdelay $0x1  }
0xc9: {  	v30 =	vadd.s32 v50, v0  }
0xca: {  	v49 =	vadd.s32 v32, v0;
	v32 =	vadd.s32 v32, v40;
	[tilespmem:v1+s14+$0x0] =	vst.idx.msk $0xffff, v24;
	v1 =	vld [tilespmem:$0x1FD30]  }
0xcb: {  	[tilespmem:$0x1F7A0] =	vst v32;
	v28 =	vld [tilespmem:$0x1FF30]  }
0xcc: {  	v32 =	vld.idx.msk [tilespmem:v45+s12+$0x0], $0xffff;
	[tilespmem:$0x1F780] =	vst v6;
	v6 =	vadd.s32 v10, v40  }
0xcd: {  	v14 =	vld [tilespmem:$0x1FF90]  }
0xce: {  	v12 =	vld [tilespmem:$0x1FEE0];
	[tilespmem:$0x1F790] =	vst v6  }
0xcf: {  	v6 =	vmov v33;
	v33 =	vld.idx.msk [tilespmem:v30+s12+$0x0], $0xffff;
	[tilespmem:$0x1F800] =	vst v2;
	v2 =	vadd.s32 v47, v41  }
0xd0: {  	v16 =	vadd.s32 v10, v0;
	v31 =	vor.u32 v20, v42;
	v4 =	vadd.s32 v6, v0;
	v27 =	vld [tilespmem:$0x1FF40];
	[tilespmem:$0x1F810] =	vst v2  }
0xd1: {  	[tilespmem:$0x1F850] =	vst v4;
	v4 =	vld.idx.msk [tilespmem:v19+s12+$0x0], $0xffff  }
0xd2: {  	v51 =	vor.u32 v18, v42;
	v2 =	vadd.s32 v48, v41;
	[tilespmem:v1+s14+$0x0] =	vst.idx.msk $0xffff, v61;
	v1 =	vld [tilespmem:$0x1FD40]  }
0xd3: {  	v30 =	vor.u32 v60, v42;
	v19 =	vld [tilespmem:$0x1FF60];
	[tilespmem:$0x1F820] =	vst v2;
	v2 =	vadd.s32 v9, v41  }
0xd4: {  	v63 =	vadd.s32 v28, v44;
	v26 =	vld [tilespmem:$0x1FF50];
	[tilespmem:$0x1F830] =	vst v2  }
0xd5: {  	v2 =	vadd.s32 v5, v41;
	[tilespmem:v31+s14+$0x0] =	vst.idx.msk $0xffff, v23;
	v31 =	vld.idx.msk [tilespmem:v16+s12+$0x0], $0xffff  }
0xd6: {  	v43 =	vadd.s32 v14, v44;
	[tilespmem:$0x1F840] =	vst v2;
	v16 =	vld [tilespmem:$0x1FF80]  }
0xd7: {  	v10 =	vmov v9;
	v9 =	vld [tilespmem:$0x1FEF0];
	v8 =	vadd.s32 v27, v44;
	[tilespmem:v51+s14+$0x0] =	vst.idx.msk $0xffff, v7  }
0xd8: {  	v2 =	vld.idx.msk [tilespmem:v35+s12+$0x0], $0xffff;
	v7 =	vadd.s32 v19, v44;
	[tilespmem:v30+s14+$0x0] =	vst.idx.msk $0xffff, v55  }
0xd9: {  	v56 =	vmov v39;
	v55 =	vadd.s32 v12, v44;
	v39 =	vld.idx.msk [tilespmem:v63+s12+$0x0], $0xffff  }
0xda: {  	v35 =	vadd.s32 v26, v44;
	[tilespmem:v1+s14+$0x0] =	vst.idx.msk $0xffff, v3;
	v1 =	vld [tilespmem:$0x1F750]  }
0xdb: {  	v48 =	vmov v47;
	v47 =	vld.idx.msk [tilespmem:v43+s12+$0x0], $0xffff;
	v45 =	vadd.s32 v16, v44  }
0xdc: {  	v63 =	vadd.s32 v9, v44;
	v8 =	vld.idx.msk [tilespmem:v8+s12+$0x0], $0xffff  }
0xdd: {  	v57 =	vmov v37;
	v37 =	vor.u32 v28, v42;
	v7 =	vld.idx.msk [tilespmem:v7+s12+$0x0], $0xffff  }
0xde: {  	v38 =	vld.idx.msk [tilespmem:v55+s12+$0x0], $0xffff  }
0xdf: {  	v23 =	vld.idx.msk [tilespmem:v35+s12+$0x0], $0xffff  }
0xe0: {  	v24 =	vld.idx.msk [tilespmem:v45+s12+$0x0], $0xffff  }
0xe1: {  	v61 =	vld.idx.msk [tilespmem:v63+s12+$0x0], $0xffff  }
0xe2: {  	[tilespmem:v37+s14+$0x0] =	vst.idx.msk $0xffff, v39;
	v39 =	vld.idx.msk [tilespmem:v1+s12+$0x0], $0xffff;
	v1 =	vadd.s32 v48, v40  }
0xe3: {  	[tilespmem:$0x1F8B0] =	vst v1;
	v1 =	vld [tilespmem:$0x1F760];
	_ =	sdelay $0x1  }
0xe4: {  	v36 =	vor.u32 v27, v42  }
0xe5: {  	v35 =	vor.u32 v26, v42;
	_ =	sdelay $0x2  }
0xe6: {  	v43 =	vor.u32 v19, v42;
	v45 =	vor.u32 v16, v42  }
0xe7: {  	v63 =	vor.u32 v14, v42;
	[tilespmem:v36+s14+$0x0] =	vst.idx.msk $0xffff, v8;
	v8 =	vor.u32 v12, v42  }
0xe8: {  	[tilespmem:v35+s14+$0x0] =	vst.idx.msk $0xffff, v23;
	v35 =	vor.u32 v9, v42;
	v42 =	vld.idx.msk [tilespmem:v1+s12+$0x0], $0xffff;
	v1 =	vadd.s32 v10, v40  }
0xe9: {  	[tilespmem:$0x1F8C0] =	vst v1;
	v1 =	vadd.s32 v11, v41  }
0xea: {  	[tilespmem:$0x1F8D0] =	vst v1;
	v1 =	vld [tilespmem:$0x1F770];
	_ =	sdelay $0x6  }
0xeb: {  	v54 =	vmov v6;
	v6 =	vld.idx.msk [tilespmem:v49+s12+$0x0], $0xffff  }
0xec: {  	v59 =	vadd.s32 v10, v0;
	v49 =	vmov v10;
	v10 =	vld.idx.msk [tilespmem:v1+s12+$0x0], $0xffff  }
0xed: {  	v1 =	vld [tilespmem:$0x1F780];
	_ =	sdelay $0x7  }
0xee: {  	v52 =	vld.idx.msk [tilespmem:v1+s12+$0x0], $0xffff;
	v1 =	vadd.s32 v46, v41  }
0xef: {  	[tilespmem:$0x1F8E0] =	vst v1;
	v1 =	vld [tilespmem:$0x1F790];
	_ =	sdelay $0x7  }
0xf0: {  	v23 =	vld.idx.msk [tilespmem:v1+s12+$0x0], $0xffff;
	v1 =	vadd.s32 v20, v41  }
0xf1: {  	[tilespmem:$0x1F8F0] =	vst v1;
	v1 =	vadd.s32 v18, v41  }
0xf2: {  	[tilespmem:$0x1F900] =	vst v1;
	v1 =	vld [tilespmem:$0x1F7A0];
	_ =	sdelay $0x3  }
0xf3: {  	[tilespmem:v43+s14+$0x0] =	vst.idx.msk $0xffff, v7  }
0xf4: {  	[tilespmem:v45+s14+$0x0] =	vst.idx.msk $0xffff, v24  }
0xf5: {  	[tilespmem:v63+s14+$0x0] =	vst.idx.msk $0xffff, v47  }
0xf6: {  	[tilespmem:v8+s14+$0x0] =	vst.idx.msk $0xffff, v38  }
0xf7: {  	[tilespmem:v35+s14+$0x0] =	vst.idx.msk $0xffff, v61;
	v61 =	vld.idx.msk [tilespmem:v1+s12+$0x0], $0xffff  }
0xf8: {  	v1 =	vld [tilespmem:$0x1FD60];
	_ =	sdelay $0x7  }
0xf9: {  	[tilespmem:v1+s14+$0x0] =	vst.idx.msk $0xffff, v34;
	v1 =	vadd.s32 v60, v41  }
0xfa: {  	[tilespmem:$0x1F910] =	vst v1;
	v1 =	vadd.s32 v11, v0  }
0xfb: {  	[tilespmem:$0x1F920] =	vst v1;
	v1 =	vld [tilespmem:$0x1F7B0];
	_ =	sdelay $0x7  }
0xfc: {  	v63 =	vld.idx.msk [tilespmem:v1+s12+$0x0], $0xffff  }
0xfd: {  	v1 =	vld [tilespmem:$0x1FD70]  }
0xfe: {  	v3 =	vld [tilespmem:$0x1FD80];
	_ =	sdelay $0x6  }
0xff: {  	v36 =	vld.idx.msk [tilespmem:v22+s12+$0x0], $0xffff;
	[tilespmem:v1+s14+$0x0] =	vst.idx.msk $0xffff, v33  }
0x100: {  	[tilespmem:v3+s14+$0x0] =	vst.idx.msk $0xffff, v2;
	v3 =	vld [tilespmem:$0x1FD90];
	_ =	sdelay $0x7  }
0x101: {  	[tilespmem:v3+s14+$0x0] =	vst.idx.msk $0xffff, v32;
	v3 =	vadd.s32 v20, v0  }
0x102: {  	[tilespmem:$0x1F970] =	vst v3;
	v3 =	vadd.s32 v18, v0  }
0x103: {  	[tilespmem:$0x1F980] =	vst v3;
	v3 =	vadd.s32 v11, v40  }
0x104: {  	[tilespmem:$0x1F9A0] =	vst v3;
	v3 =	vld [tilespmem:$0x1F7E0];
	_ =	sdelay $0x7  }
0x105: {  	v34 =	vld.idx.msk [tilespmem:v3+s12+$0x0], $0xffff  }
0x106: {  	v3 =	vld [tilespmem:$0x1FDA0];
	_ =	sdelay $0x7  }
0x107: {  	[tilespmem:v3+s14+$0x0] =	vst.idx.msk $0xffff, v4;
	v3 =	vadd.s32 v60, v0  }
0x108: {  	[tilespmem:$0x1F990] =	vst v3;
	v3 =	vadd.s32 v21, v40  }
0x109: {  	[tilespmem:$0x1F9B0] =	vst v3;
	v3 =	vadd.s32 v58, v40  }
0x10a: {  	[tilespmem:$0x1F9C0] =	vst v3;
	v3 =	vld [tilespmem:$0x1F7F0];
	_ =	sdelay $0x7  }
0x10b: {  	v35 =	vld.idx.msk [tilespmem:v3+s12+$0x0], $0xffff  }
0x10c: {  	v3 =	vld [tilespmem:$0x1FDB0]  }
0x10d: {  	v4 =	vld [tilespmem:$0x1FDC0];
	_ =	sdelay $0x6  }
0x10e: {  	v50 =	vmov v17;
	v29 =	vadd.s32 v5, v0;
	[tilespmem:v3+s14+$0x0] =	vst.idx.msk $0xffff, v31  }
0x10f: {  	v17 =	vmov v5;
	v43 =	vadd.s32 v5, v40;
	v5 =	vld [tilespmem:$0x1FDD0];
	[tilespmem:v4+s14+$0x0] =	vst.idx.msk $0xffff, v6;
	v6 =	vadd.s32 v28, v41  }
0x110: {  	[tilespmem:$0x1FA10] =	vst v6;
	v6 =	vld [tilespmem:$0x1FDE0];
	_ =	sdelay $0x3  }
0x111: {  	v1 =	vadd.s32 v21, v0  }
0x112: {  	[tilespmem:$0x1F930] =	vst v1;
	v1 =	vadd.s32 v58, v0  }
0x113: {  	[tilespmem:$0x1F940] =	vst v1  }
0x114: {  	v1 =	vld [tilespmem:$0x1F7C0];
	[tilespmem:v5+s14+$0x0] =	vst.idx.msk $0xffff, v39  }
0x115: {  	[tilespmem:v6+s14+$0x0] =	vst.idx.msk $0xffff, v36;
	v6 =	vld [tilespmem:$0x1FBF0]  }
0x116: {  	v8 =	vld [tilespmem:$0x1FC00];
	_ =	sdelay $0x2  }
0x117: {  	v7 =	vld.idx.msk [tilespmem:v15+s12+$0x0], $0xffff;
	_ =	sdelay $0x3  }
0x118: {  	v1 =	vld.idx.msk [tilespmem:v1+s12+$0x0], $0xffff;
	[tilespmem:v6+s14+$0x0] =	vst.idx.msk $0xffff, v42  }
0x119: {  	[tilespmem:v8+s14+$0x0] =	vst.idx.msk $0xffff, v7;
	v8 =	vadd.s32 v19, v41  }
0x11a: {  	[tilespmem:$0x1FA20] =	vst v8;
	v8 =	vadd.s32 v16, v41  }
0x11b: {  	[tilespmem:$0x1FA30] =	vst v8;
	v8 =	vld [tilespmem:$0x1FC10];
	_ =	sdelay $0x7  }
0x11c: {  	[tilespmem:v8+s14+$0x0] =	vst.idx.msk $0xffff, v10;
	v8 =	vadd.s32 v14, v41  }
0x11d: {  	[tilespmem:$0x1FA40] =	vst v8;
	v8 =	vadd.s32 v12, v41  }
0x11e: {  	[tilespmem:$0x1FA50] =	vst v8;
	v8 =	vld [tilespmem:$0x1F850];
	_ =	sdelay $0x7  }
0x11f: {  	v10 =	vld.idx.msk [tilespmem:v8+s12+$0x0], $0xffff  }
0x120: {  	v8 =	vld [tilespmem:$0x1FC20];
	_ =	sdelay $0x3  }
0x121: {  	v15 =	vadd.s32 v27, v0  }
0x122: {  	[tilespmem:$0x1FA80] =	vst v15;
	v15 =	vadd.s32 v26, v0  }
0x123: {  	[tilespmem:$0x1FA90] =	vst v15;
	v15 =	vld [tilespmem:$0x1F880];
	_ =	sdelay $0x1  }
0x124: {  	[tilespmem:v8+s14+$0x0] =	vst.idx.msk $0xffff, v52;
	v8 =	vadd.s32 v9, v41  }
0x125: {  	[tilespmem:$0x1FA60] =	vst v8;
	v8 =	vld [tilespmem:$0x1F860];
	_ =	sdelay $0x4  }
0x126: {  	v22 =	vld.idx.msk [tilespmem:v15+s12+$0x0], $0xffff;
	v15 =	vadd.s32 v19, v0  }
0x127: {  	[tilespmem:$0x1FAA0] =	vst v15;
	v15 =	vadd.s32 v16, v0  }
0x128: {  	[tilespmem:$0x1FAB0] =	vst v15;
	v15 =	vld [tilespmem:$0x1F890]  }
0x129: {  	v52 =	vld.idx.msk [tilespmem:v8+s12+$0x0], $0xffff;
	v8 =	vadd.s32 v28, v0  }
0x12a: {  	[tilespmem:$0x1FA70] =	vst v8;
	v8 =	vld [tilespmem:$0x1FC30]  }
0x12b: {  	v2 =	vadd.s32 v13, v0  }
0x12c: {  	[tilespmem:$0x1F950] =	vst v2;
	v2 =	vadd.s32 v46, v0  }
0x12d: {  	[tilespmem:$0x1F960] =	vst v2;
	v3 =	vadd.s32 v13, v40  }
0x12e: {  	[tilespmem:$0x1F9D0] =	vst v3;
	v3 =	vadd.s32 v46, v40  }
0x12f: {  	v2 =	vld [tilespmem:$0x1F7D0];
	v4 =	vadd.s32 v20, v40;
	[tilespmem:$0x1F9E0] =	vst v3  }
0x130: {  	v3 =	vld [tilespmem:$0x1F800];
	[tilespmem:$0x1F9F0] =	vst v4;
	v4 =	vadd.s32 v18, v40  }
0x131: {  	v5 =	vld [tilespmem:$0x1F820];
	[tilespmem:$0x1FA00] =	vst v4  }
0x132: {  	[tilespmem:v8+s14+$0x0] =	vst.idx.msk $0xffff, v23;
	v23 =	vld.idx.msk [tilespmem:v15+s12+$0x0], $0xffff;
	v15 =	vadd.s32 v14, v0  }
0x133: {  	v4 =	vld [tilespmem:$0x1F810];
	[tilespmem:$0x1FAC0] =	vst v15;
	v15 =	vadd.s32 v12, v0;
	v0 =	vadd.s32 v9, v0  }
0x134: {  	v6 =	vld [tilespmem:$0x1F830];
	[tilespmem:$0x1FAE0] =	vst v0;
	v0 =	vadd.s32 v27, v40  }
0x135: {  	v7 =	vld [tilespmem:$0x1F840];
	[tilespmem:$0x1FB00] =	vst v0;
	v0 =	vadd.s32 v26, v40  }
0x136: {  	[tilespmem:$0x1FB10] =	vst v0;
	v0 =	vld [tilespmem:$0x1FC80];
	_ =	sdelay $0x2  }
0x137: {  	v2 =	vld.idx.msk [tilespmem:v2+s12+$0x0], $0xffff  }
0x138: {  	v3 =	vld.idx.msk [tilespmem:v3+s12+$0x0], $0xffff  }
0x139: {  	v5 =	vld.idx.msk [tilespmem:v5+s12+$0x0], $0xffff  }
0x13a: {  	v4 =	vld.idx.msk [tilespmem:v4+s12+$0x0], $0xffff  }
0x13b: {  	v6 =	vld.idx.msk [tilespmem:v6+s12+$0x0], $0xffff  }
0x13c: {  	v7 =	vld.idx.msk [tilespmem:v7+s12+$0x0], $0xffff;
	[tilespmem:v0+s14+$0x0] =	vst.idx.msk $0xffff, v2;
	v0 =	vadd.s32 v19, v40  }
0x13d: {  	[tilespmem:$0x1FB20] =	vst v0;
	v0 =	vadd.s32 v16, v40  }
0x13e: {  	[tilespmem:$0x1FB30] =	vst v0;
	v0 =	vld [tilespmem:$0x1FC90];
	_ =	sdelay $0x7  }
0x13f: {  	[tilespmem:v0+s14+$0x0] =	vst.idx.msk $0xffff, v34;
	v0 =	vadd.s32 v14, v40  }
0x140: {  	[tilespmem:$0x1FB40] =	vst v0;
	v0 =	vadd.s32 v12, v40  }
0x141: {  	[tilespmem:$0x1FB50] =	vst v0;
	v0 =	vld [tilespmem:$0x1FCA0];
	_ =	sdelay $0x7  }
0x142: {  	[tilespmem:v0+s14+$0x0] =	vst.idx.msk $0xffff, v35;
	v0 =	vadd.s32 v9, v40  }
0x143: {  	[tilespmem:$0x1FB60] =	vst v0;
	v0 =	vld [tilespmem:$0x1FCB0];
	_ =	sdelay $0x7  }
0x144: {  	[tilespmem:v0+s14+$0x0] =	vst.idx.msk $0xffff, v3;
	v0 =	vld [tilespmem:$0x1FCC0]  }
0x145: {  	v38 =	vld [tilespmem:$0x1FC40];
	_ =	sdelay $0x4  }
0x146: {  	v45 =	vadd.s32 v21, v41;
	v24 =	vadd.s32 v58, v41  }
0x147: {  	v47 =	vadd.s32 v13, v41;
	v36 =	vadd.s32 v27, v41;
	v42 =	vadd.s32 v26, v41;
	v41 =	vld [tilespmem:$0x1FC50]  }
0x148: {  	[tilespmem:v0+s14+$0x0] =	vst.idx.msk $0xffff, v4;
	v0 =	vld [tilespmem:$0x1FCD0]  }
0x149: {  	[tilespmem:v38+s14+$0x0] =	vst.idx.msk $0xffff, v61;
	v61 =	vld [tilespmem:$0x1FC70];
	_ =	sdelay $0x3  }
0x14a: {  	v51 =	vadd.s32 v56, v40;
	_ =	sdelay $0x1  }
0x14b: {  	[tilespmem:v41+s14+$0x0] =	vst.idx.msk $0xffff, v63  }
0x14c: {  	[tilespmem:v0+s14+$0x0] =	vst.idx.msk $0xffff, v5;
	v0 =	vld [tilespmem:$0x1F8B0]  }
0x14d: {  	[tilespmem:v61+s14+$0x0] =	vst.idx.msk $0xffff, v1  }
0x14e: {  	v32 =	vld.idx.msk [tilespmem:v51+s12+$0x0], $0xffff  }
0x14f: {  	v51 =	vld [tilespmem:$0x1FED0];
	_ =	sdelay $0x2  }
0x150: {  	v30 =	vadd.s32 v54, v40;
	v44 =	vadd.s32 v53, v40;
	v63 =	vmov s30  }
0x151: {  	v55 =	vadd.s32 v57, v40;
	v25 =	vadd.s32 v50, v40;
	v35 =	vshll.u32 v63, $0x7  }
0x152: {  	v39 =	vadd.s32 v60, v40;
	v1 =	vadd.s32 v28, v40;
	v40 =	vor.u32 v51, v35;
	v35 =	vld.idx.msk [tilespmem:v0+s12+$0x0], $0xffff  }
0x153: {  	v0 =	vld [tilespmem:$0x1FCE0];
	_ =	sdelay $0x3  }
0x154: {  	[tilespmem:$0x1FAF0] =	vst v1;
	v1 =	vld [tilespmem:$0x1F8A0];
	_ =	sdelay $0x3  }
0x155: {  	v63 =	vmov v50;
	[tilespmem:v0+s14+$0x0] =	vst.idx.msk $0xffff, v6;
	v6 =	vor.u32 v50, v62;
	v50 =	vld [tilespmem:$0x1FC60];
	_ =	sdelay $0x3  }
0x156: {  	v37 =	vld.idx.msk [tilespmem:v1+s12+$0x0], $0xffff  }
0x157: {  	v1 =	vld [tilespmem:$0x1F8C0];
	v0 =	vor.u32 v28, v50  }
0x158: {  	[tilespmem:$0x1FB70] =	vst v0;
	v0 =	vld [tilespmem:$0x1FCF0];
	_ =	sdelay $0x5  }
0x159: {  	v8 =	vld [tilespmem:$0x1F870]  }
0x15a: {  	v61 =	vmov v48  }
0x15b: {  	[tilespmem:v0+s14+$0x0] =	vst.idx.msk $0xffff, v7;
	v0 =	vor.u32 v48, v62;
	v48 =	vld.idx.msk [tilespmem:v1+s12+$0x0], $0xffff;
	v1 =	vor.u32 v27, v50  }
0x15c: {  	[tilespmem:$0x1FB80] =	vst v1;
	v1 =	vor.u32 v26, v50  }
0x15d: {  	[tilespmem:$0x1FB90] =	vst v1;
	v1 =	vor.u32 v19, v50  }
0x15e: {  	[tilespmem:$0x1FBA0] =	vst v1;
	v1 =	vld [tilespmem:$0x1F8D0]  }
0x15f: {  	v3 =	vor.u32 v54, v62  }
0x160: {  	v4 =	vor.u32 v56, v62  }
0x161: {  	v8 =	vld.idx.msk [tilespmem:v8+s12+$0x0], $0xffff;
	v5 =	vor.u32 v57, v62  }
0x162: {  	v41 =	vld.idx.msk [tilespmem:v44+s12+$0x0], $0xffff  }
0x163: {  	v2 =	vld.idx.msk [tilespmem:v59+s12+$0x0], $0xffff  }
0x164: {  	v34 =	vld.idx.msk [tilespmem:v29+s12+$0x0], $0xffff;
	[tilespmem:v3+s14+$0x0] =	vst.idx.msk $0xffff, v10;
	v3 =	vor.u32 v53, v62  }
0x165: {  	v59 =	vor.u32 v49, v62;
	v29 =	vld.idx.msk [tilespmem:v30+s12+$0x0], $0xffff;
	[tilespmem:v4+s14+$0x0] =	vst.idx.msk $0xffff, v52  }
0x166: {  	[tilespmem:v5+s14+$0x0] =	vst.idx.msk $0xffff, v8;
	v44 =	vld.idx.msk [tilespmem:v1+s12+$0x0], $0xffff;
	v1 =	vor.u32 v54, v50  }
0x167: {  	[tilespmem:v6+s14+$0x0] =	vst.idx.msk $0xffff, v22;
	v6 =	vor.u32 v56, v50  }
0x168: {  	v30 =	vld.idx.msk [tilespmem:v55+s12+$0x0], $0xffff;
	[tilespmem:v0+s14+$0x0] =	vst.idx.msk $0xffff, v23;
	v0 =	vor.u32 v57, v50  }
0x169: {  	v25 =	vld.idx.msk [tilespmem:v25+s12+$0x0], $0xffff;
	[tilespmem:v3+s14+$0x0] =	vst.idx.msk $0xffff, v37;
	v3 =	vor.u32 v63, v50  }
0x16a: {  	[tilespmem:v59+s14+$0x0] =	vst.idx.msk $0xffff, v2;
	v2 =	vor.u32 v61, v50  }
0x16b: {  	v43 =	vld.idx.msk [tilespmem:v43+s12+$0x0], $0xffff;
	[tilespmem:v1+s14+$0x0] =	vst.idx.msk $0xffff, v29  }
0x16c: {  	[tilespmem:v6+s14+$0x0] =	vst.idx.msk $0xffff, v32  }
0x16d: {  	[tilespmem:v0+s14+$0x0] =	vst.idx.msk $0xffff, v30  }
0x16e: {  	v7 =	vld [tilespmem:$0x1F8F0];
	[tilespmem:v3+s14+$0x0] =	vst.idx.msk $0xffff, v25  }
0x16f: {  	[tilespmem:v2+s14+$0x0] =	vst.idx.msk $0xffff, v35;
	v2 =	vld [tilespmem:$0x1F940];
	_ =	sdelay $0x1  }
0x170: {  	v5 =	vor.u32 v17, v62;
	v8 =	vor.u32 v16, v50  }
0x171: {  	[tilespmem:$0x1FBB0] =	vst v8;
	v8 =	vor.u32 v14, v50  }
0x172: {  	[tilespmem:$0x1FBC0] =	vst v8;
	v8 =	vor.u32 v12, v50  }
0x173: {  	[tilespmem:$0x1FBD0] =	vst v8;
	v8 =	vld.idx.msk [tilespmem:v47+s12+$0x0], $0xffff  }
0x174: {  	v47 =	vld [tilespmem:$0x1F8E0]  }
0x175: {  	v23 =	vld.idx.msk [tilespmem:v7+s12+$0x0], $0xffff;
	[tilespmem:v5+s14+$0x0] =	vst.idx.msk $0xffff, v34  }
0x176: {  	v7 =	vld.idx.msk [tilespmem:v2+s12+$0x0], $0xffff  }
0x177: {  	v2 =	vld [tilespmem:$0x1F970]  }
0x178: {  	v1 =	vor.u32 v53, v50  }
0x179: {  	v6 =	vor.u32 v49, v50  }
0x17a: {  	v4 =	vld [tilespmem:$0x1F910]  }
0x17b: {  	[tilespmem:$0x1FAD0] =	vst v15;
	v15 =	vld.idx.msk [tilespmem:v24+s12+$0x0], $0xffff  }
0x17c: {  	v24 =	vld.idx.msk [tilespmem:v47+s12+$0x0], $0xffff  }
0x17d: {  	v47 =	vlaneseq.u32;
	v0 =	vld [tilespmem:$0x1F920];
	[tilespmem:v1+s14+$0x0] =	vst.idx.msk $0xffff, v41  }
0x17e: {  	[tilespmem:v6+s14+$0x0] =	vst.idx.msk $0xffff, v48;
	v6 =	vor.u32 v47, v40  }
0x17f: {  	[tilespmem:$0x1FBF0] =	vst v6;
	v6 =	vld.idx.msk [tilespmem:v2+s12+$0x0], $0xffff  }
0x180: {  	v2 =	vld [tilespmem:$0x1F980];
	_ =	sdelay $0x2  }
0x181: {  	v22 =	vld.idx.msk [tilespmem:v4+s12+$0x0], $0xffff;
	v57 =	vmov v49;
	v49 =	vor.u32 v17, v50  }
0x182: {  	v5 =	vld [tilespmem:$0x1F900]  }
0x183: {  	v4 =	vld.idx.msk [tilespmem:v0+s12+$0x0], $0xffff  }
0x184: {  	v0 =	vld [tilespmem:$0x1FD50];
	_ =	sdelay $0x1  }
0x185: {  	[tilespmem:v49+s14+$0x0] =	vst.idx.msk $0xffff, v43;
	v43 =	vld.idx.msk [tilespmem:v2+s12+$0x0], $0xffff  }
0x186: {  	v2 =	vld [tilespmem:$0x1F990];
	_ =	sdelay $0x1  }
0x187: {  	v59 =	vmov v53;
	v47 =	vld [tilespmem:$0x1FE20];
	v53 =	vor.u32 v11, v0;
	_ =	sdelay $0x1  }
0x188: {  	v45 =	vld.idx.msk [tilespmem:v45+s12+$0x0], $0xffff;
	v10 =	vor.u32 v21, v0  }
0x189: {  	v5 =	vld.idx.msk [tilespmem:v5+s12+$0x0], $0xffff;
	v34 =	vor.u32 v58, v0  }
0x18a: {  	v1 =	vld [tilespmem:$0x1F950]  }
0x18b: {  	v49 =	vor.u32 v47, v40;
	[tilespmem:v53+s14+$0x0] =	vst.idx.msk $0xffff, v44;
	v53 =	vld [tilespmem:$0x1FE00]  }
0x18c: {  	[tilespmem:$0x1FC00] =	vst v49;
	v49 =	vld.idx.msk [tilespmem:v2+s12+$0x0], $0xffff  }
0x18d: {  	[tilespmem:v10+s14+$0x0] =	vst.idx.msk $0xffff, v45;
	v2 =	vld [tilespmem:$0x1FE30]  }
0x18e: {  	[tilespmem:v34+s14+$0x0] =	vst.idx.msk $0xffff, v15;
	v15 =	vld [tilespmem:$0x1FE40];
	_ =	sdelay $0x1  }
0x18f: {  	v3 =	vld [tilespmem:$0x1F930]  }
0x190: {  	v44 =	vor.u32 v53, v40;
	v53 =	vld [tilespmem:$0x1F9A0]  }
0x191: {  	v29 =	vld.idx.msk [tilespmem:v1+s12+$0x0], $0xffff;
	v35 =	vor.u32 v13, v0;
	v10 =	vor.u32 v2, v40  }
0x192: {  	v1 =	vld [tilespmem:$0x1F960];
	v48 =	vor.u32 v46, v0;
	[tilespmem:$0x1FC20] =	vst v10;
	v10 =	vor.u32 v15, v40  }
0x193: {  	[tilespmem:$0x1FC30] =	vst v10;
	v10 =	vld [tilespmem:$0x1FE50];
	_ =	sdelay $0x2  }
0x194: {  	v56 =	vmov v17;
	v17 =	vld [tilespmem:$0x1FE60];
	[tilespmem:v35+s14+$0x0] =	vst.idx.msk $0xffff, v8  }
0x195: {  	v25 =	vor.u32 v20, v0;
	[tilespmem:v48+s14+$0x0] =	vst.idx.msk $0xffff, v24;
	v48 =	vld [tilespmem:$0x1F9D0]  }
0x196: {  	[tilespmem:$0x1FC10] =	vst v44;
	v44 =	vld.idx.msk [tilespmem:v53+s12+$0x0], $0xffff;
	v53 =	vor.u32 v10, v40  }
0x197: {  	v32 =	vor.u32 v18, v0;
	[tilespmem:$0x1FC40] =	vst v53;
	v53 =	vld [tilespmem:$0x1FE70]  }
0x198: {  	v3 =	vld.idx.msk [tilespmem:v3+s12+$0x0], $0xffff;
	v35 =	vor.u32 v11, v62  }
0x199: {  	v37 =	vor.u32 v21, v50;
	v21 =	vor.u32 v21, v62;
	v1 =	vld.idx.msk [tilespmem:v1+s12+$0x0], $0xffff  }
0x19a: {  	v45 =	vld [tilespmem:$0x1F9B0];
	v24 =	vor.u32 v17, v40;
	[tilespmem:v25+s14+$0x0] =	vst.idx.msk $0xffff, v23;
	v23 =	vor.u32 v58, v62  }
0x19b: {  	v52 =	vor.u32 v11, v50;
	v54 =	vor.u32 v58, v50;
	v8 =	vld [tilespmem:$0x1F9C0];
	v11 =	vor.u32 v13, v62;
	[tilespmem:$0x1FC50] =	vst v24  }
0x19c: {  	v25 =	vld [tilespmem:$0x1F9E0];
	[tilespmem:v32+s14+$0x0] =	vst.idx.msk $0xffff, v5;
	v58 =	vor.u32 v53, v40;
	v53 =	vor.u32 v46, v62  }
0x19d: {  	v34 =	vor.u32 v60, v0;
	v5 =	vld [tilespmem:$0x1FA00];
	[tilespmem:v35+s14+$0x0] =	vst.idx.msk $0xffff, v4  }
0x19e: {  	v24 =	vld.idx.msk [tilespmem:v48+s12+$0x0], $0xffff;
	[tilespmem:v21+s14+$0x0] =	vst.idx.msk $0xffff, v3  }
0x19f: {  	v48 =	vld [tilespmem:$0x1F9F0];
	[tilespmem:v23+s14+$0x0] =	vst.idx.msk $0xffff, v7  }
0x1a0: {  	v4 =	vld [tilespmem:$0x1FA10];
	[tilespmem:v11+s14+$0x0] =	vst.idx.msk $0xffff, v29  }
0x1a1: {  	[tilespmem:v53+s14+$0x0] =	vst.idx.msk $0xffff, v1;
	v1 =	vld [tilespmem:$0x1FA20]  }
0x1a2: {  	[tilespmem:v34+s14+$0x0] =	vst.idx.msk $0xffff, v22;
	v34 =	vld.idx.msk [tilespmem:v39+s12+$0x0], $0xffff  }
0x1a3: {  	s3 =	sadd.s32 $0x20, s30;
	v45 =	vld.idx.msk [tilespmem:v45+s12+$0x0], $0xffff  }
0x1a4: {  	s1 =	sadd.s32 $0x10, s30;
	v55 =	vmov s3;
	v8 =	vld.idx.msk [tilespmem:v8+s12+$0x0], $0xffff  }
0x1a5: {  	v38 =	vmov s1;
	v33 =	vshll.u32 v55, $0x7;
	v25 =	vld.idx.msk [tilespmem:v25+s12+$0x0], $0xffff  }
0x1a6: {  	v31 =	vshll.u32 v38, $0x7;
	v32 =	vor.u32 v51, v33;
	v33 =	vld.idx.msk [tilespmem:v5+s12+$0x0], $0xffff  }
0x1a7: {  	v30 =	vor.u32 v13, v50;
	v13 =	vor.u32 v51, v31;
	v31 =	vld.idx.msk [tilespmem:v48+s12+$0x0], $0xffff  }
0x1a8: {  	v38 =	vor.u32 v9, v50;
	v39 =	vld.idx.msk [tilespmem:v4+s12+$0x0], $0xffff  }
0x1a9: {  	v55 =	vor.u32 v46, v50;
	[tilespmem:$0x1FBE0] =	vst v38;
	v4 =	vld.idx.msk [tilespmem:v1+s12+$0x0], $0xffff  }
0x1aa: {  	v38 =	vor.u32 v20, v50;
	[tilespmem:v52+s14+$0x0] =	vst.idx.msk $0xffff, v44;
	v1 =	vld [tilespmem:$0x1FA40]  }
0x1ab: {  	v41 =	vor.u32 v18, v50;
	[tilespmem:v37+s14+$0x0] =	vst.idx.msk $0xffff, v45  }
0x1ac: {  	v20 =	vor.u32 v20, v62;
	[tilespmem:v54+s14+$0x0] =	vst.idx.msk $0xffff, v8  }
0x1ad: {  	v3 =	vor.u32 v18, v62;
	[tilespmem:v30+s14+$0x0] =	vst.idx.msk $0xffff, v24  }
0x1ae: {  	[tilespmem:v55+s14+$0x0] =	vst.idx.msk $0xffff, v25  }
0x1af: {  	[tilespmem:v38+s14+$0x0] =	vst.idx.msk $0xffff, v31  }
0x1b0: {  	[tilespmem:v41+s14+$0x0] =	vst.idx.msk $0xffff, v33  }
0x1b1: {  	v33 =	vmov v2;
	[tilespmem:v20+s14+$0x0] =	vst.idx.msk $0xffff, v6;
	v6 =	vor.u32 v2, v13;
	v2 =	vld [tilespmem:$0x1FAC0]  }
0x1b2: {  	[tilespmem:v3+s14+$0x0] =	vst.idx.msk $0xffff, v43;
	v43 =	vld.idx.msk [tilespmem:v1+s12+$0x0], $0xffff  }
0x1b3: {  	v18 =	vor.u32 v60, v62;
	v1 =	vld [tilespmem:$0x1FA50];
	_ =	sdelay $0x4  }
0x1b4: {  	[tilespmem:v18+s14+$0x0] =	vst.idx.msk $0xffff, v49  }
0x1b5: {  	[tilespmem:$0x1FD10] =	vst v6;
	v6 =	vld.idx.msk [tilespmem:v2+s12+$0x0], $0xffff  }
0x1b6: {  	v2 =	vld [tilespmem:$0x1FAD0]  }
0x1b7: {  	v44 =	vld.idx.msk [tilespmem:v1+s12+$0x0], $0xffff  }
0x1b8: {  	v1 =	vld [tilespmem:$0x1FA60];
	_ =	sdelay $0x2  }
0x1b9: {  	v51 =	vor.u32 v9, v0;
	v22 =	vor.u32 v12, v0;
	v23 =	vld.idx.msk [tilespmem:v36+s12+$0x0], $0xffff  }
0x1ba: {  	v35 =	vor.u32 v28, v0;
	v36 =	vor.u32 v16, v0;
	v11 =	vld.idx.msk [tilespmem:v42+s12+$0x0], $0xffff;
	v42 =	vor.u32 v14, v0  }
0x1bb: {  	v48 =	vor.u32 v26, v0;
	v46 =	vor.u32 v27, v0;
	[tilespmem:$0x1FC70] =	vst v58;
	v58 =	vor.u32 v19, v0;
	v0 =	vld [tilespmem:$0x1FA30]  }
0x1bc: {  	v18 =	vor.u32 v19, v62;
	v19 =	vld.idx.msk [tilespmem:v2+s12+$0x0], $0xffff  }
0x1bd: {  	v2 =	vld [tilespmem:$0x1FAE0]  }
0x1be: {  	v5 =	vld.idx.msk [tilespmem:v1+s12+$0x0], $0xffff  }
0x1bf: {  	v1 =	vld [tilespmem:$0x1FE10];
	_ =	sdelay $0x4  }
0x1c0: {  	v1 =	vor.u32 v1, v13  }
0x1c1: {  	[tilespmem:$0x1FC80] =	vst v1;
	v1 =	vld [tilespmem:$0x1FFA0]  }
0x1c2: {  	v7 =	vld.idx.msk [tilespmem:v0+s12+$0x0], $0xffff;
	[tilespmem:v35+s14+$0x0] =	vst.idx.msk $0xffff, v39  }
0x1c3: {  	[tilespmem:v46+s14+$0x0] =	vst.idx.msk $0xffff, v23;
	v23 =	vld.idx.msk [tilespmem:v2+s12+$0x0], $0xffff  }
0x1c4: {  	v2 =	vld [tilespmem:$0x1FAF0];
	_ =	sdelay $0x1  }
0x1c5: {  	v50 =	vor.u32 v60, v50;
	v1 =	vor.u32 v1, v13  }
0x1c6: {  	[tilespmem:$0x1FC90] =	vst v1;
	v1 =	vld [tilespmem:$0x1FA70];
	_ =	sdelay $0x3  }
0x1c7: {  	[tilespmem:v50+s14+$0x0] =	vst.idx.msk $0xffff, v34  }
0x1c8: {  	v25 =	vld.idx.msk [tilespmem:v2+s12+$0x0], $0xffff  }
0x1c9: {  	v2 =	vld [tilespmem:$0x1FB00];
	_ =	sdelay $0x1  }
0x1ca: {  	v21 =	vld.idx.msk [tilespmem:v1+s12+$0x0], $0xffff  }
0x1cb: {  	v1 =	vld [tilespmem:$0x1FFB0];
	_ =	sdelay $0x4  }
0x1cc: {  	[tilespmem:v48+s14+$0x0] =	vst.idx.msk $0xffff, v11;
	v11 =	vld.idx.msk [tilespmem:v2+s12+$0x0], $0xffff;
	v1 =	vor.u32 v1, v13  }
0x1cd: {  	v2 =	vld [tilespmem:$0x1FB10];
	[tilespmem:$0x1FCA0] =	vst v1;
	v1 =	vor.u32 v63, v13  }
0x1ce: {  	[tilespmem:$0x1FCB0] =	vst v1;
	v1 =	vld [tilespmem:$0x1FA80];
	_ =	sdelay $0x4  }
0x1cf: {  	v45 =	vor.u32 v12, v62;
	v12 =	vld [tilespmem:$0x1FE00]  }
0x1d0: {  	v41 =	vld [tilespmem:$0x1FE70]  }
0x1d1: {  	v52 =	vor.u32 v16, v62;
	v8 =	vor.u32 v15, v13;
	v16 =	vld.idx.msk [tilespmem:v2+s12+$0x0], $0xffff  }
0x1d2: {  	[tilespmem:$0x1FD20] =	vst v8;
	v24 =	vld.idx.msk [tilespmem:v1+s12+$0x0], $0xffff;
	v1 =	vor.u32 v61, v13  }
0x1d3: {  	v2 =	vld [tilespmem:$0x1FB20];
	[tilespmem:$0x1FCC0] =	vst v1;
	v1 =	vor.u32 v59, v13  }
0x1d4: {  	v8 =	vor.u32 v10, v13;
	[tilespmem:$0x1FCD0] =	vst v1;
	v1 =	vld [tilespmem:$0x1FA90]  }
0x1d5: {  	[tilespmem:$0x1FD30] =	vst v8;
	v8 =	vor.u32 v17, v13  }
0x1d6: {  	[tilespmem:$0x1FD40] =	vst v8;
	v8 =	vor.u32 v41, v13;
	v46 =	vlaneseq.u32  }
0x1d7: {  	[tilespmem:$0x1FD60] =	vst v8;
	v8 =	vor.u32 v46, v32  }
0x1d8: {  	[tilespmem:$0x1FD70] =	vst v8;
	v8 =	vor.u32 v47, v32  }
0x1d9: {  	[tilespmem:$0x1FD80] =	vst v8;
	v8 =	vor.u32 v12, v32  }
0x1da: {  	s31 =	sadd.s32 s30, s21;
	v12 =	vor.u32 v15, v32;
	[tilespmem:$0x1FD90] =	vst v8;
	v8 =	vor.u32 v33, v32  }
0x1db: {  	s1 =	sadd.s32 $0x10, s31;
	v15 =	vlaneseq.u32;
	[tilespmem:$0x1FDA0] =	vst v8;
	v8 =	vor.u32 v17, v32;
	v17 =	vld.idx.msk [tilespmem:v2+s12+$0x0], $0xffff;
	v2 =	vlaneseq.u32  }
0x1dc: {  	s3 =	sadd.s32 $0x20, s31;
	v15 =	vor.u32 s31, v15;
	s31 =	sadd.s32 $0x30, s31;
	v54 =	vor.u32 s1, v2;
	v3 =	vld.idx.msk [tilespmem:v1+s12+$0x0], $0xffff;
	v1 =	vor.u32 v57, v13  }
0x1dd: {  	v57 =	vor.u32 s31, v2;
	[tilespmem:$0x1FCE0] =	vst v1;
	v1 =	vor.u32 v56, v13;
	v56 =	vor.u32 s3, v2;
	v2 =	vld [tilespmem:$0x1FB30];
	_ =	sdelay $0x7  }
0x1de: {  	[tilespmem:v58+s14+$0x0] =	vst.idx.msk $0xffff, v4;
	v58 =	vld.idx.msk [tilespmem:v2+s12+$0x0], $0xffff  }
0x1df: {  	v2 =	vld [tilespmem:$0x1FB40];
	_ =	sdelay $0x5  }
0x1e0: {  	[tilespmem:$0x1FCF0] =	vst v1;
	v1 =	vld [tilespmem:$0x1FAA0]  }
0x1e1: {  	v30 =	vlaneseq.u32  }
0x1e2: {  	v38 =	vor.u32 v30, v13;
	v30 =	vld.idx.msk [tilespmem:v2+s12+$0x0], $0xffff  }
0x1e3: {  	v2 =	vld [tilespmem:$0x1FB50];
	_ =	sdelay $0x3  }
0x1e4: {  	v55 =	vld [tilespmem:$0x1FE70]  }
0x1e5: {  	v20 =	vor.u32 v27, v62;
	v27 =	vld.idx.msk [tilespmem:v1+s12+$0x0], $0xffff;
	v1 =	vor.u32 v47, v13  }
0x1e6: {  	v50 =	vor.u32 v10, v32;
	[tilespmem:$0x1FD00] =	vst v1;
	v1 =	vld [tilespmem:$0x1FAB0]  }
0x1e7: {  	v60 =	vor.u32 v9, v62;
	[tilespmem:$0x1FDC0] =	vst v50;
	v53 =	vor.u32 v14, v62;
	v49 =	vor.u32 v26, v62  }
0x1e8: {  	v0 =	vor.u32 v28, v62;
	v62 =	vmov v32;
	v4 =	vmov v13;
	[tilespmem:v36+s14+$0x0] =	vst.idx.msk $0xffff, v7;
	v63 =	vld.idx.msk [tilespmem:v2+s12+$0x0], $0xffff  }
0x1e9: {  	[tilespmem:$0x1FD50] =	vst v4;
	v4 =	vor.u32 v55, v62;
	v2 =	vld [tilespmem:$0x1FB60]  }
0x1ea: {  	[tilespmem:$0x1FDE0] =	vst v4;
	v4 =	vld [tilespmem:$0x1FB70]  }
0x1eb: {  	v31 =	vld [tilespmem:$0x1FE00];
	[tilespmem:v42+s14+$0x0] =	vst.idx.msk $0xffff, v43  }
0x1ec: {  	[tilespmem:v22+s14+$0x0] =	vst.idx.msk $0xffff, v44;
	v59 =	vmul.u32 $0x147B, v57  }
0x1ed: {  	[tilespmem:v51+s14+$0x0] =	vst.idx.msk $0xffff, v5  }
0x1ee: {  	v44 =	vshrl.u32 v59, $0x14;
	v1 =	vld.idx.msk [tilespmem:v1+s12+$0x0], $0xffff;
	[tilespmem:v0+s14+$0x0] =	vst.idx.msk $0xffff, v21  }
0x1ef: {  	v61 =	vmul.u32 $0x147B, v15;
	v5 =	vmul.u32 $0xFFFFFF38, v44;
	[tilespmem:v20+s14+$0x0] =	vst.idx.msk $0xffff, v24  }
0x1f0: {  	v37 =	vor.u32 v31, v13;
	v14 =	vshrl.u32 v59, $0xD;
	v13 =	vmul.u32 $0x147B, v54;
	[tilespmem:v49+s14+$0x0] =	vst.idx.msk $0xffff, v3  }
0x1f1: {  	v42 =	vshrl.u32 v61, $0x14;
	v50 =	vand.u32 $0x380, v14;
	v3 =	vadd.s32 v57, v5;
	[tilespmem:v18+s14+$0x0] =	vst.idx.msk $0xffff, v27;
	v34 =	vld.idx.msk [tilespmem:v2+s12+$0x0], $0xffff  }
0x1f2: {  	v7 =	vmovc v40;
	v40 =	vshrl.u32 v13, $0x14;
	v5 =	vshrl.u32 v59, $0xC;
	v2 =	vshll.u32 v3, $0x3;
	[tilespmem:v4+s14+$0x0] =	vst.idx.msk $0xffff, v25;
	v4 =	vld [tilespmem:$0x1FB80]  }
0x1f3: {  	v14 =	vadd.s32 $0x1, v3;
	[tilespmem:v52+s14+$0x0] =	vst.idx.msk $0xffff, v1;
	v1 =	vand.u32 $0x7F800, v5;
	v5 =	vand.u32 $0xFFFFFC00, v2  }
0x1f4: {  	v0 =	vmul.u32 $0xFFFFFF38, v40;
	[tilespmem:v53+s14+$0x0] =	vst.idx.msk $0xffff, v6;
	v2 =	vshll.u32 v14, $0x3;
	v6 =	vadd.s32 v1, v5  }
0x1f5: {  	v3 =	vand.u32 $0x7F, v3;
	v2 =	vand.u32 $0xFFFFFC00, v2;
	v6 =	vor.u32 v50, v6  }
0x1f6: {  	v1 =	vadd.s32 v1, v2;
	v2 =	vadd.s32 v54, v0;
	v0 =	vor.u32 v3, v6  }
0x1f7: {  	v20 =	vmul.u32 $0xFFFFFF38, v42;
	_ =	sdelay $0x1  }
0x1f8: {  	v18 =	vadd.s32 v15, v20;
	v15 =	vadd.s32 $0x1, v2  }
0x1f9: {  	v6 =	vshll.u32 v15, $0x3;
	[tilespmem:v4+s14+$0x0] =	vst.idx.msk $0xffff, v11;
	v4 =	vld [tilespmem:$0x1FB90]  }
0x1fa: {  	v54 =	vand.u32 $0xFFFFFC00, v6;
	v6 =	vld.idx.msk [tilespmem:v0+s2+$0x0], $0xffff  }
0x1fb: {  	v0 =	vld [tilespmem:$0x1FBA0];
	_ =	sdelay $0x6  }
0x1fc: {  	[tilespmem:v4+s14+$0x0] =	vst.idx.msk $0xffff, v16  }
0x1fd: {  	v14 =	vand.u32 $0x7F, v14;
	[tilespmem:v0+s14+$0x0] =	vst.idx.msk $0xffff, v17;
	v0 =	vld [tilespmem:$0x1FBB0]  }
0x1fe: {  	v1 =	vor.u32 v14, v1  }
0x1ff: {  	v32 =	vmul.u32 $0x147B, v56;
	v1 =	vor.u32 v50, v1;
	_ =	sdelay $0x1  }
0x200: {  	[tilespmem:$0x1FDB0] =	vst v12;
	v41 =	vshrl.u32 v32, $0x14  }
0x201: {  	[tilespmem:$0x1FC60] =	vst v7;
	v39 =	vmul.u32 $0xFFFFFF38, v41;
	v36 =	vshrl.u32 v13, $0xC;
	v12 =	vshrl.u32 v13, $0xD  }
0x202: {  	[tilespmem:$0x1FDD0] =	vst v8;
	v8 =	vld [tilespmem:$0x1FBC0];
	v59 =	vshrl.u32 v61, $0xD;
	v7 =	vshll.u32 v18, $0x3;
	v43 =	vand.u32 $0x7F, v18  }
0x203: {  	[tilespmem:v45+s14+$0x0] =	vst.idx.msk $0xffff, v19;
	v19 =	vadd.s32 v56, v39;
	v56 =	vshrl.u32 v32, $0xC;
	v45 =	vand.u32 $0x380, v59;
	v1 =	vld.idx.msk [tilespmem:v1+s2+$0x0], $0xffff  }
0x204: {  	v20 =	vadd.s32 $0x1, v19;
	v53 =	vshll.u32 v19, $0x3;
	v13 =	vand.u32 $0x7F800, v56;
	[tilespmem:v0+s14+$0x0] =	vst.idx.msk $0xffff, v58;
	v58 =	vld [tilespmem:$0x1FBD0]  }
0x205: {  	v47 =	vshll.u32 v20, $0x3;
	v48 =	vand.u32 $0xFFFFFC00, v53;
	v20 =	vand.u32 $0x7F, v20  }
0x206: {  	v57 =	vand.u32 $0xFFFFFC00, v47;
	v14 =	vadd.s32 $0x1, v18;
	v52 =	vshll.u32 v2, $0x3  }
0x207: {  	v47 =	vand.u32 $0x7F, v2;
	v46 =	vshll.u32 v14, $0x3;
	v49 =	vand.u32 $0xFFFFFC00, v52  }
0x208: {  	v15 =	vand.u32 $0x7F, v15;
	v1 =	vsub.f32 v1, v6;
	v16 =	vshrl.u32 v61, $0xC  }
0x209: {  	[tilespmem:v60+s14+$0x0] =	vst.idx.msk $0xffff, v23;
	v4 =	vand.u32 $0xFFFFFC00, v46;
	v0 =	vand.u32 $0xFFFFFC00, v7;
	v7 =	vand.u32 $0x7F800, v36  }
0x20a: {  	v60 =	vld [tilespmem:$0x1FBE0];
	v1 =	vmul.f32 $6.399999980e-05, v1;
	[tilespmem:v8+s14+$0x0] =	vst.idx.msk $0xffff, v30;
	v8 =	vand.u32 $0x7F800, v16;
	v16 =	vadd.s32 v7, v54  }
0x20b: {  	v7 =	vadd.s32 v7, v49;
	v61 =	vadd.s32 v8, v4;
	v4 =	vand.u32 $0x380, v12  }
0x20c: {  	v2 =	vand.u32 $0x7F, v19;
	[tilespmem:v58+s14+$0x0] =	vst.idx.msk $0xffff, v63;
	v63 =	vor.u32 v15, v16;
	v15 =	vor.u32 v4, v7;
	v7 =	vld [tilespmem:$0x1FDF0]  }
0x20d: {  	p2 =	slt.u32 s30, $0x100;
	v11 =	vadd.s32 v13, v57;
	v17 =	vshrl.u32 v32, $0xD;
	v1 =	vtrunc.f32 v1  }
.Ltmp0:
0x20e: {  	v13 =	vadd.s32 v13, v48;
	v46 =	vand.u32 $0x380, v17;
	v17 =	vcvt.f32.s32 v1;
	(pc) =	sbr.rel @p2 .LBB2_3-.Ltmp0, $4  }
0x20f: {  	v14 =	vand.u32 $0x7F, v14;
	v11 =	vor.u32 v20, v11;
	v13 =	vor.u32 v46, v13  }
0x210: {  	v1 =	vor.u32 v46, v11;
	vm0 =	vgt.s32 v17, $0x0;
	v8 =	vadd.s32 v8, v0  }
0x211: {  	v9 =	vor.u32 v14, v61;
	v14 =	vor.u32 v45, v8;
	v7 =	vsub.s32 v44, v7  }
0x212: {  	s29 =	smov.u32 s30;
	s30 =	sadd.s32 $0x40, s30;
	v12 =	vor.u32 v45, v9;
	[tilespmem:v60+s14+$0x0] =	vst.idx.msk $0xffff, v34;
	v16 =	vor.u32 v4, v63;
	v18 =	vshll.u32 v7, $0x8  }
0x213: {  	v7 =	vand.u32 $0xFFFFF800, v18  }
0x214: {  	v8 =	vnsel vm0, $0x0, v17;
	v5 =	vadd.s32 v7, v5  }
0x215: {  	v7 =	vmin.u32 v8, $0x3F;
	v8 =	vor.u32 v50, v5  }
0x216: {  	v3 =	vor.u32 v3, v8;
	_ =	sdelay $0x2  }
0x217: {  	v60 =	vld [tilespmem:$0x1FE20]  }
0x218: {  	v59 =	vld [tilespmem:$0x1FE00]  }
0x219: {  	v29 =	vld [tilespmem:$0x1FE30];
	v5 =	vmul.u32 $0x21, v7;
	[tilespmem:v3+s13+$0x0] =	vst.idx.msk $0xffff, v6  }
0x21a: {  	v63 =	vlaneseq.u32;
	v57 =	vld [tilespmem:$0x1FE40]  }
0x21b: {  	v7 =	vadd.s32 v63, v5;
	v54 =	vld [tilespmem:$0x1FE50]  }
0x21c: {  	v36 =	vadd.s32 v55, v5;
	v56 =	vld [tilespmem:$0x1FED0]  }
0x21d: {  	v8 =	vadd.s32 v60, v5;
	v58 =	vld [tilespmem:$0x1FE60]  }
0x21e: {  	s1 =	sadd.s32 $0x30, s29;
	v9 =	vadd.s32 v59, v5  }
0x21f: {  	v10 =	vadd.s32 v29, v5;
	v3 =	vmov s1  }
0x220: {  	v7 =	vld.idx.msk [tilespmem:v7+s12+$0x0], $0xffff;
	v3 =	vshll.u32 v3, $0x7;
	v6 =	vadd.s32 v57, v5  }
0x221: {  	v18 =	vld.idx.msk [tilespmem:v36+s12+$0x0], $0xffff;
	v11 =	vadd.s32 v54, v5;
	v3 =	vor.u32 v56, v3  }
0x222: {  	v8 =	vld.idx.msk [tilespmem:v8+s12+$0x0], $0xffff;
	v17 =	vadd.s32 v58, v5;
	v19 =	vor.u32 v63, v3  }
0x223: {  	v9 =	vld.idx.msk [tilespmem:v9+s12+$0x0], $0xffff;
	v20 =	vor.u32 v60, v3  }
0x224: {  	v10 =	vld.idx.msk [tilespmem:v10+s12+$0x0], $0xffff;
	v21 =	vor.u32 v59, v3  }
0x225: {  	v22 =	vor.u32 v29, v3;
	v6 =	vld.idx.msk [tilespmem:v6+s12+$0x0], $0xffff  }
0x226: {  	v23 =	vor.u32 v57, v3;
	v11 =	vld.idx.msk [tilespmem:v11+s12+$0x0], $0xffff  }
0x227: {  	v17 =	vld.idx.msk [tilespmem:v17+s12+$0x0], $0xffff;
	[tilespmem:v19+s14+$0x0] =	vst.idx.msk $0xffff, v7;
	v7 =	vor.u32 v54, v3  }
0x228: {  	[tilespmem:v20+s14+$0x0] =	vst.idx.msk $0xffff, v8;
	v8 =	vor.u32 v58, v3  }
0x229: {  	[tilespmem:v21+s14+$0x0] =	vst.idx.msk $0xffff, v9;
	v9 =	vor.u32 v47, v15;
	v15 =	vor.u32 v55, v3  }
0x22a: {  	[tilespmem:v22+s14+$0x0] =	vst.idx.msk $0xffff, v10  }
0x22b: {  	v61 =	vld [tilespmem:$0x1FE10];
	[tilespmem:v23+s14+$0x0] =	vst.idx.msk $0xffff, v6  }
0x22c: {  	v44 =	vld [tilespmem:$0x1FFA0];
	[tilespmem:v7+s14+$0x0] =	vst.idx.msk $0xffff, v11  }
0x22d: {  	v50 =	vld [tilespmem:$0x1FFB0];
	[tilespmem:v8+s14+$0x0] =	vst.idx.msk $0xffff, v17  }
0x22e: {  	v24 =	vld [tilespmem:$0x1FE80];
	[tilespmem:v15+s14+$0x0] =	vst.idx.msk $0xffff, v18  }
0x22f: {  	v25 =	vld [tilespmem:$0x1FE90]  }
0x230: {  	v26 =	vld [tilespmem:$0x1FEA0];
	v10 =	vadd.s32 v61, v5  }
0x231: {  	v27 =	vld [tilespmem:$0x1FEB0];
	v6 =	vadd.s32 v44, v5  }
0x232: {  	v28 =	vld [tilespmem:$0x1FEC0];
	v7 =	vadd.s32 v50, v5  }
0x233: {  	v11 =	vld.idx.msk [tilespmem:v16+s2+$0x0], $0xffff;
	v8 =	vadd.s32 v24, v5  }
0x234: {  	v9 =	vld.idx.msk [tilespmem:v9+s2+$0x0], $0xffff;
	v15 =	vadd.s32 v25, v5  }
0x235: {  	v16 =	vadd.s32 v26, v5;
	v10 =	vld.idx.msk [tilespmem:v10+s12+$0x0], $0xffff  }
0x236: {  	v17 =	vadd.s32 v27, v5;
	v6 =	vld.idx.msk [tilespmem:v6+s12+$0x0], $0xffff  }
0x237: {  	v51 =	vor.u32 v61, v3;
	v39 =	vadd.s32 v28, v5;
	v7 =	vld.idx.msk [tilespmem:v7+s12+$0x0], $0xffff  }
0x238: {  	v52 =	vor.u32 v44, v3;
	v8 =	vld.idx.msk [tilespmem:v8+s12+$0x0], $0xffff  }
0x239: {  	v15 =	vld.idx.msk [tilespmem:v15+s12+$0x0], $0xffff  }
0x23a: {  	v16 =	vld.idx.msk [tilespmem:v16+s12+$0x0], $0xffff  }
0x23b: {  	v53 =	vor.u32 v50, v3;
	v17 =	vld.idx.msk [tilespmem:v17+s12+$0x0], $0xffff  }
0x23c: {  	v18 =	vld.idx.msk [tilespmem:v39+s12+$0x0], $0xffff;
	[tilespmem:v51+s14+$0x0] =	vst.idx.msk $0xffff, v10;
	v10 =	vor.u32 v24, v3  }
0x23d: {  	[tilespmem:v52+s14+$0x0] =	vst.idx.msk $0xffff, v6  }
0x23e: {  	v22 =	vld [tilespmem:$0x1FDF0]  }
0x23f: {  	v11 =	vsub.f32 v11, v9;
	v6 =	vor.u32 v25, v3  }
0x240: {  	[tilespmem:v53+s14+$0x0] =	vst.idx.msk $0xffff, v7  }
0x241: {  	v13 =	vor.u32 v2, v13;
	[tilespmem:v10+s14+$0x0] =	vst.idx.msk $0xffff, v8;
	v10 =	vmul.f32 $6.399999980e-05, v11  }
0x242: {  	v14 =	vor.u32 v43, v14;
	v33 =	vor.u32 v26, v3;
	v11 =	vor.u32 v27, v3  }
0x243: {  	v1 =	vld.idx.msk [tilespmem:v1+s2+$0x0], $0xffff;
	v30 =	vsub.s32 v40, v22;
	v31 =	vsub.s32 v41, v22;
	v10 =	vtrunc.f32 v10  }
0x244: {  	v12 =	vld.idx.msk [tilespmem:v12+s2+$0x0], $0xffff;
	[tilespmem:v6+s14+$0x0] =	vst.idx.msk $0xffff, v15;
	v7 =	vshll.u32 v30, $0x8;
	v8 =	vshll.u32 v31, $0x8;
	v10 =	vcvt.f32.s32 v10  }
0x245: {  	v41 =	vld [tilespmem:$0x1FF70];
	v6 =	vand.u32 $0xFFFFF800, v7;
	v7 =	vand.u32 $0xFFFFF800, v8;
	v8 =	vor.u32 v28, v3  }
0x246: {  	v6 =	vadd.s32 v6, v49;
	v49 =	vld [tilespmem:$0x1FFC0]  }
0x247: {  	v13 =	vld.idx.msk [tilespmem:v13+s2+$0x0], $0xffff;
	vm0 =	vgt.s32 v10, $0x0  }
0x248: {  	v14 =	vld.idx.msk [tilespmem:v14+s2+$0x0], $0xffff;
	[tilespmem:v33+s14+$0x0] =	vst.idx.msk $0xffff, v16;
	v4 =	vor.u32 v4, v6;
	v6 =	vnsel vm0, $0x0, v10  }
0x249: {  	v52 =	vld [tilespmem:$0x1FFE0];
	[tilespmem:v11+s14+$0x0] =	vst.idx.msk $0xffff, v17;
	v6 =	vmin.u32 v6, $0x3F  }
0x24a: {  	v7 =	vadd.s32 v7, v48;
	v15 =	vadd.s32 v41, v5;
	v53 =	vld [tilespmem:$0x1FFF0];
	v48 =	vmul.u32 $0x21, v6;
	[tilespmem:v8+s14+$0x0] =	vst.idx.msk $0xffff, v18  }
0x24b: {  	v4 =	vor.u32 v47, v4;
	v34 =	vadd.s32 v49, v5;
	v51 =	vld [tilespmem:$0x1FFD0]  }
0x24c: {  	v22 =	vsub.s32 v42, v22;
	v30 =	vld [tilespmem:$0x1FF00];
	v35 =	vadd.s32 v63, v48  }
0x24d: {  	v32 =	vshll.u32 v22, $0x8;
	v31 =	vld [tilespmem:$0x1FF10];
	v39 =	vadd.s32 v60, v48  }
0x24e: {  	v19 =	vand.u32 $0xFFFFF800, v32;
	v32 =	vld [tilespmem:$0x1FF20];
	v16 =	vadd.s32 v52, v5  }
0x24f: {  	v11 =	vadd.s32 v53, v5;
	v10 =	vld.idx.msk [tilespmem:v15+s12+$0x0], $0xffff  }
0x250: {  	v7 =	vor.u32 v46, v7;
	[tilespmem:v4+s13+$0x0] =	vst.idx.msk $0xffff, v9;
	v8 =	vadd.s32 v51, v5;
	v6 =	vld.idx.msk [tilespmem:v34+s12+$0x0], $0xffff  }
0x251: {  	v2 =	vor.u32 v2, v7;
	v15 =	vadd.s32 v30, v5;
	v18 =	vld.idx.msk [tilespmem:v35+s12+$0x0], $0xffff  }
0x252: {  	v17 =	vadd.s32 v31, v5;
	v20 =	vld.idx.msk [tilespmem:v39+s12+$0x0], $0xffff  }
0x253: {  	v36 =	vor.u32 v41, v3;
	v7 =	vld.idx.msk [tilespmem:v16+s12+$0x0], $0xffff;
	v16 =	vadd.s32 v32, v5  }
0x254: {  	v0 =	vadd.s32 v19, v0;
	v40 =	vor.u32 v49, v3;
	v42 =	vadd.s32 v59, v48;
	v11 =	vld.idx.msk [tilespmem:v11+s12+$0x0], $0xffff  }
0x255: {  	v0 =	vor.u32 v45, v0;
	v45 =	vor.u32 v52, v3;
	v4 =	vadd.s32 v29, v48;
	v8 =	vld.idx.msk [tilespmem:v8+s12+$0x0], $0xffff  }
0x256: {  	v9 =	vor.u32 v53, v3;
	[tilespmem:v2+s13+$0x0] =	vst.idx.msk $0xffff, v13;
	v2 =	vadd.s32 v57, v48;
	v15 =	vld.idx.msk [tilespmem:v15+s12+$0x0], $0xffff  }
0x257: {  	v1 =	vsub.f32 v1, v13;
	v13 =	vor.u32 v51, v3;
	v17 =	vld.idx.msk [tilespmem:v17+s12+$0x0], $0xffff  }
0x258: {  	v16 =	vld.idx.msk [tilespmem:v16+s12+$0x0], $0xffff;
	[tilespmem:v36+s14+$0x0] =	vst.idx.msk $0xffff, v10  }
0x259: {  	v46 =	vor.u32 v30, v3;
	v22 =	vld.idx.msk [tilespmem:v42+s12+$0x0], $0xffff;
	v10 =	vadd.s32 v54, v48;
	[tilespmem:v40+s14+$0x0] =	vst.idx.msk $0xffff, v6  }
0x25a: {  	v4 =	vld.idx.msk [tilespmem:v4+s12+$0x0], $0xffff;
	[tilespmem:v45+s14+$0x0] =	vst.idx.msk $0xffff, v7  }
0x25b: {  	v47 =	vor.u32 v31, v3;
	v2 =	vld.idx.msk [tilespmem:v2+s12+$0x0], $0xffff;
	v6 =	vadd.s32 v58, v48;
	[tilespmem:v9+s14+$0x0] =	vst.idx.msk $0xffff, v11  }
0x25c: {  	v33 =	vld [tilespmem:$0x1FF30];
	[tilespmem:v13+s14+$0x0] =	vst.idx.msk $0xffff, v8  }
0x25d: {  	v1 =	vmul.f32 $6.399999980e-05, v1;
	v36 =	vor.u32 v32, v3;
	v7 =	vadd.s32 v55, v48;
	v34 =	vld [tilespmem:$0x1FF40]  }
0x25e: {  	v0 =	vor.u32 v43, v0;
	v10 =	vld.idx.msk [tilespmem:v10+s12+$0x0], $0xffff;
	[tilespmem:v46+s14+$0x0] =	vst.idx.msk $0xffff, v15  }
0x25f: {  	v1 =	vtrunc.f32 v1;
	v35 =	vld [tilespmem:$0x1FF50]  }
0x260: {  	v1 =	vcvt.f32.s32 v1;
	v6 =	vld.idx.msk [tilespmem:v6+s12+$0x0], $0xffff;
	[tilespmem:v47+s14+$0x0] =	vst.idx.msk $0xffff, v17  }
0x261: {  	v40 =	vld [tilespmem:$0x1FF60]  }
0x262: {  	vm0 =	vgt.s32 v1, $0x0;
	v7 =	vld.idx.msk [tilespmem:v7+s12+$0x0], $0xffff;
	[tilespmem:v36+s14+$0x0] =	vst.idx.msk $0xffff, v16  }
0x263: {  	v1 =	vnsel vm0, $0x0, v1;
	v42 =	vld [tilespmem:$0x1FF80];
	[tilespmem:v0+s13+$0x0] =	vst.idx.msk $0xffff, v14  }
0x264: {  	v1 =	vmin.u32 v1, $0x3F;
	v36 =	vld [tilespmem:$0x1FF90];
	[tilespmem:v38+s14+$0x0] =	vst.idx.msk $0xffff, v18  }
0x265: {  	v39 =	vmul.u32 $0x21, v1;
	v1 =	vld [tilespmem:$0x1FD00];
	_ =	sdelay $0x7  }
0x266: {  	v21 =	vld [tilespmem:$0x1FEE0];
	[tilespmem:v1+s14+$0x0] =	vst.idx.msk $0xffff, v20  }
0x267: {  	v23 =	vld [tilespmem:$0x1FEF0];
	[tilespmem:v37+s14+$0x0] =	vst.idx.msk $0xffff, v22  }
0x268: {  	v17 =	vld [tilespmem:$0x1FD10];
	_ =	sdelay $0x7  }
0x269: {  	[tilespmem:v17+s14+$0x0] =	vst.idx.msk $0xffff, v4  }
0x26a: {  	v18 =	vld [tilespmem:$0x1FD20];
	_ =	sdelay $0x2  }
0x26b: {  	v0 =	vadd.s32 v36, v5;
	_ =	sdelay $0x4  }
0x26c: {  	v43 =	vld.idx.msk [tilespmem:v0+s12+$0x0], $0xffff;
	[tilespmem:v18+s14+$0x0] =	vst.idx.msk $0xffff, v2  }
0x26d: {  	v0 =	vld [tilespmem:$0x1FD30];
	_ =	sdelay $0x5  }
0x26e: {  	v12 =	vsub.f32 v12, v14  }
0x26f: {  	v9 =	vadd.s32 v33, v5  }
0x270: {  	v11 =	vmul.f32 $6.399999980e-05, v12;
	v12 =	vadd.s32 v35, v5;
	[tilespmem:v0+s14+$0x0] =	vst.idx.msk $0xffff, v10  }
0x271: {  	v8 =	vadd.s32 v34, v5;
	v0 =	vld [tilespmem:$0x1FD40]  }
0x272: {  	v13 =	vadd.s32 v40, v5  }
0x273: {  	v15 =	vadd.s32 v42, v5  }
0x274: {  	v9 =	vld.idx.msk [tilespmem:v9+s12+$0x0], $0xffff;
	v14 =	vadd.s32 v21, v5  }
0x275: {  	v1 =	vld.idx.msk [tilespmem:v12+s12+$0x0], $0xffff;
	v12 =	vor.u32 v33, v3;
	v5 =	vadd.s32 v23, v5  }
0x276: {  	v8 =	vld.idx.msk [tilespmem:v8+s12+$0x0], $0xffff;
	v4 =	vor.u32 v34, v3  }
0x277: {  	v13 =	vld.idx.msk [tilespmem:v13+s12+$0x0], $0xffff;
	v2 =	vor.u32 v35, v3  }
0x278: {  	v15 =	vld.idx.msk [tilespmem:v15+s12+$0x0], $0xffff;
	v10 =	vor.u32 v40, v3  }
0x279: {  	v14 =	vld.idx.msk [tilespmem:v14+s12+$0x0], $0xffff;
	[tilespmem:v0+s14+$0x0] =	vst.idx.msk $0xffff, v6;
	v6 =	vor.u32 v42, v3  }
0x27a: {  	v5 =	vld.idx.msk [tilespmem:v5+s12+$0x0], $0xffff;
	[tilespmem:v12+s14+$0x0] =	vst.idx.msk $0xffff, v9;
	v9 =	vor.u32 v36, v3  }
0x27b: {  	[tilespmem:v4+s14+$0x0] =	vst.idx.msk $0xffff, v8;
	v4 =	vor.u32 v21, v3  }
0x27c: {  	[tilespmem:v2+s14+$0x0] =	vst.idx.msk $0xffff, v1;
	v1 =	vor.u32 v23, v3  }
0x27d: {  	v11 =	vtrunc.f32 v11;
	[tilespmem:v10+s14+$0x0] =	vst.idx.msk $0xffff, v13  }
0x27e: {  	v11 =	vcvt.f32.s32 v11;
	[tilespmem:v6+s14+$0x0] =	vst.idx.msk $0xffff, v15  }
0x27f: {  	[tilespmem:v9+s14+$0x0] =	vst.idx.msk $0xffff, v43  }
0x280: {  	vm0 =	vgt.s32 v11, $0x0;
	[tilespmem:v4+s14+$0x0] =	vst.idx.msk $0xffff, v14  }
0x281: {  	v11 =	vnsel vm0, $0x0, v11;
	[tilespmem:v1+s14+$0x0] =	vst.idx.msk $0xffff, v5  }
0x282: {  	v11 =	vmin.u32 v11, $0x3F;
	v5 =	vld [tilespmem:$0x1FD60]  }
0x283: {  	v0 =	vmul.u32 $0x21, v11;
	_ =	sdelay $0x1  }
0x284: {  	v10 =	vadd.s32 v63, v0;
	_ =	sdelay $0x1  }
0x285: {  	v16 =	vadd.s32 v63, v39  }
0x286: {  	v17 =	vadd.s32 v60, v39  }
0x287: {  	v46 =	vadd.s32 v29, v39  }
0x288: {  	v12 =	vadd.s32 v54, v39;
	[tilespmem:v5+s14+$0x0] =	vst.idx.msk $0xffff, v7;
	v7 =	vld.idx.msk [tilespmem:v10+s12+$0x0], $0xffff  }
0x289: {  	v8 =	vadd.s32 v58, v39;
	v10 =	vld [tilespmem:$0x1FD70]  }
0x28a: {  	v16 =	vld.idx.msk [tilespmem:v16+s12+$0x0], $0xffff;
	v2 =	vadd.s32 v55, v39  }
0x28b: {  	v45 =	vadd.s32 v59, v39;
	v17 =	vld.idx.msk [tilespmem:v17+s12+$0x0], $0xffff  }
0x28c: {  	v13 =	vld.idx.msk [tilespmem:v46+s12+$0x0], $0xffff;
	v11 =	vadd.s32 v57, v39  }
0x28d: {  	v12 =	vld.idx.msk [tilespmem:v12+s12+$0x0], $0xffff  }
0x28e: {  	v8 =	vld.idx.msk [tilespmem:v8+s12+$0x0], $0xffff  }
0x28f: {  	v2 =	vld.idx.msk [tilespmem:v2+s12+$0x0], $0xffff  }
0x290: {  	v3 =	vld.idx.msk [tilespmem:v45+s12+$0x0], $0xffff  }
0x291: {  	v11 =	vld.idx.msk [tilespmem:v11+s12+$0x0], $0xffff;
	[tilespmem:v10+s14+$0x0] =	vst.idx.msk $0xffff, v16  }
0x292: {  	v14 =	vld [tilespmem:$0x1FD80];
	_ =	sdelay $0x7  }
0x293: {  	[tilespmem:v14+s14+$0x0] =	vst.idx.msk $0xffff, v17  }
0x294: {  	v15 =	vld [tilespmem:$0x1FD90];
	_ =	sdelay $0x7  }
0x295: {  	[tilespmem:v15+s14+$0x0] =	vst.idx.msk $0xffff, v3  }
0x296: {  	v15 =	vld [tilespmem:$0x1FDA0];
	_ =	sdelay $0x7  }
0x297: {  	[tilespmem:v15+s14+$0x0] =	vst.idx.msk $0xffff, v13  }
0x298: {  	v15 =	vld [tilespmem:$0x1FDB0];
	_ =	sdelay $0x7  }
0x299: {  	[tilespmem:v15+s14+$0x0] =	vst.idx.msk $0xffff, v11  }
0x29a: {  	v15 =	vld [tilespmem:$0x1FDC0];
	_ =	sdelay $0x7  }
0x29b: {  	[tilespmem:v15+s14+$0x0] =	vst.idx.msk $0xffff, v12  }
0x29c: {  	v15 =	vld [tilespmem:$0x1FDD0];
	_ =	sdelay $0x7  }
0x29d: {  	[tilespmem:v15+s14+$0x0] =	vst.idx.msk $0xffff, v8  }
0x29e: {  	v15 =	vld [tilespmem:$0x1FDE0];
	_ =	sdelay $0x5  }
0x29f: {  	v6 =	vadd.s32 v60, v0  }
0x2a0: {  	v9 =	vadd.s32 v59, v0  }
0x2a1: {  	v4 =	vadd.s32 v29, v0;
	[tilespmem:v15+s14+$0x0] =	vst.idx.msk $0xffff, v2  }
0x2a2: {  	v1 =	vadd.s32 v57, v0;
	v15 =	vld [tilespmem:$0x1FBF0]  }
0x2a3: {  	v5 =	vadd.s32 v54, v0  }
0x2a4: {  	v6 =	vld.idx.msk [tilespmem:v6+s12+$0x0], $0xffff;
	v10 =	vadd.s32 v58, v0  }
0x2a5: {  	v9 =	vld.idx.msk [tilespmem:v9+s12+$0x0], $0xffff;
	v14 =	vadd.s32 v55, v0  }
0x2a6: {  	v4 =	vld.idx.msk [tilespmem:v4+s12+$0x0], $0xffff  }
0x2a7: {  	v1 =	vld.idx.msk [tilespmem:v1+s12+$0x0], $0xffff  }
0x2a8: {  	v5 =	vld.idx.msk [tilespmem:v5+s12+$0x0], $0xffff  }
0x2a9: {  	v10 =	vld.idx.msk [tilespmem:v10+s12+$0x0], $0xffff  }
0x2aa: {  	v14 =	vld.idx.msk [tilespmem:v14+s12+$0x0], $0xffff;
	[tilespmem:v15+s14+$0x0] =	vst.idx.msk $0xffff, v7  }
0x2ab: {  	v15 =	vld [tilespmem:$0x1FC00];
	_ =	sdelay $0x7  }
0x2ac: {  	[tilespmem:v15+s14+$0x0] =	vst.idx.msk $0xffff, v6  }
0x2ad: {  	v15 =	vld [tilespmem:$0x1FC10];
	_ =	sdelay $0x7  }
0x2ae: {  	[tilespmem:v15+s14+$0x0] =	vst.idx.msk $0xffff, v9  }
0x2af: {  	v15 =	vld [tilespmem:$0x1FC20];
	_ =	sdelay $0x7  }
0x2b0: {  	[tilespmem:v15+s14+$0x0] =	vst.idx.msk $0xffff, v4  }
0x2b1: {  	v15 =	vld [tilespmem:$0x1FC30];
	_ =	sdelay $0x7  }
0x2b2: {  	[tilespmem:v15+s14+$0x0] =	vst.idx.msk $0xffff, v1  }
0x2b3: {  	v15 =	vld [tilespmem:$0x1FC40];
	_ =	sdelay $0x7  }
0x2b4: {  	[tilespmem:v15+s14+$0x0] =	vst.idx.msk $0xffff, v5  }
0x2b5: {  	v15 =	vld [tilespmem:$0x1FC50];
	_ =	sdelay $0x7  }
0x2b6: {  	[tilespmem:v15+s14+$0x0] =	vst.idx.msk $0xffff, v10  }
0x2b7: {  	v15 =	vld [tilespmem:$0x1FC70];
	_ =	sdelay $0x4  }
0x2b8: {  	v3 =	vadd.s32 v61, v48  }
0x2b9: {  	v13 =	vadd.s32 v44, v48  }
0x2ba: {  	v11 =	vadd.s32 v50, v48  }
0x2bb: {  	v12 =	vadd.s32 v24, v48;
	[tilespmem:v15+s14+$0x0] =	vst.idx.msk $0xffff, v14  }
0x2bc: {  	v8 =	vadd.s32 v25, v48;
	v15 =	vld [tilespmem:$0x1FC80]  }
0x2bd: {  	v3 =	vld.idx.msk [tilespmem:v3+s12+$0x0], $0xffff;
	v2 =	vadd.s32 v26, v48  }
0x2be: {  	v13 =	vld.idx.msk [tilespmem:v13+s12+$0x0], $0xffff;
	v7 =	vadd.s32 v27, v48  }
0x2bf: {  	v11 =	vld.idx.msk [tilespmem:v11+s12+$0x0], $0xffff;
	v6 =	vadd.s32 v28, v48  }
0x2c0: {  	v12 =	vld.idx.msk [tilespmem:v12+s12+$0x0], $0xffff  }
0x2c1: {  	v8 =	vld.idx.msk [tilespmem:v8+s12+$0x0], $0xffff  }
0x2c2: {  	v2 =	vld.idx.msk [tilespmem:v2+s12+$0x0], $0xffff  }
0x2c3: {  	v7 =	vld.idx.msk [tilespmem:v7+s12+$0x0], $0xffff  }
0x2c4: {  	v6 =	vld.idx.msk [tilespmem:v6+s12+$0x0], $0xffff;
	[tilespmem:v15+s14+$0x0] =	vst.idx.msk $0xffff, v3  }
0x2c5: {  	v15 =	vld [tilespmem:$0x1FC90];
	_ =	sdelay $0x7  }
0x2c6: {  	[tilespmem:v15+s14+$0x0] =	vst.idx.msk $0xffff, v13  }
0x2c7: {  	v15 =	vld [tilespmem:$0x1FCA0];
	_ =	sdelay $0x7  }
0x2c8: {  	[tilespmem:v15+s14+$0x0] =	vst.idx.msk $0xffff, v11  }
0x2c9: {  	v15 =	vld [tilespmem:$0x1FCB0];
	_ =	sdelay $0x7  }
0x2ca: {  	[tilespmem:v15+s14+$0x0] =	vst.idx.msk $0xffff, v12  }
0x2cb: {  	v16 =	vld [tilespmem:$0x1FCC0];
	_ =	sdelay $0x7  }
0x2cc: {  	[tilespmem:v16+s14+$0x0] =	vst.idx.msk $0xffff, v8  }
0x2cd: {  	v17 =	vld [tilespmem:$0x1FCD0];
	_ =	sdelay $0x7  }
0x2ce: {  	[tilespmem:v17+s14+$0x0] =	vst.idx.msk $0xffff, v2  }
0x2cf: {  	v18 =	vld [tilespmem:$0x1FCE0]  }
0x2d0: {  	v9 =	vadd.s32 v61, v39  }
0x2d1: {  	v4 =	vadd.s32 v44, v39  }
0x2d2: {  	v1 =	vadd.s32 v50, v39;
	_ =	sdelay $0x1  }
0x2d3: {  	v5 =	vadd.s32 v24, v39  }
0x2d4: {  	v9 =	vld.idx.msk [tilespmem:v9+s12+$0x0], $0xffff;
	v10 =	vadd.s32 v25, v39  }
0x2d5: {  	v4 =	vld.idx.msk [tilespmem:v4+s12+$0x0], $0xffff;
	v14 =	vadd.s32 v26, v39  }
0x2d6: {  	v1 =	vld.idx.msk [tilespmem:v1+s12+$0x0], $0xffff;
	v3 =	vadd.s32 v27, v39;
	[tilespmem:v18+s14+$0x0] =	vst.idx.msk $0xffff, v7  }
0x2d7: {  	v13 =	vadd.s32 v28, v39;
	v12 =	vor.u32 v61, v62;
	v43 =	vld [tilespmem:$0x1FCF0]  }
0x2d8: {  	v5 =	vld.idx.msk [tilespmem:v5+s12+$0x0], $0xffff;
	v8 =	vor.u32 v44, v62  }
0x2d9: {  	v10 =	vld.idx.msk [tilespmem:v10+s12+$0x0], $0xffff;
	v2 =	vor.u32 v50, v62  }
0x2da: {  	v14 =	vld.idx.msk [tilespmem:v14+s12+$0x0], $0xffff  }
0x2db: {  	v3 =	vld.idx.msk [tilespmem:v3+s12+$0x0], $0xffff  }
0x2dc: {  	v13 =	vld.idx.msk [tilespmem:v13+s12+$0x0], $0xffff;
	[tilespmem:v12+s14+$0x0] =	vst.idx.msk $0xffff, v9  }
0x2dd: {  	[tilespmem:v8+s14+$0x0] =	vst.idx.msk $0xffff, v4  }
0x2de: {  	v11 =	vadd.s32 v61, v0;
	[tilespmem:v2+s14+$0x0] =	vst.idx.msk $0xffff, v1  }
0x2df: {  	v15 =	vadd.s32 v44, v0;
	[tilespmem:v43+s14+$0x0] =	vst.idx.msk $0xffff, v6  }
0x2e0: {  	v16 =	vadd.s32 v50, v0;
	v7 =	vor.u32 v24, v62;
	v37 =	vld [tilespmem:$0x1FC60]  }
0x2e1: {  	v47 =	vadd.s32 v25, v0;
	v6 =	vor.u32 v25, v62  }
0x2e2: {  	v17 =	vadd.s32 v24, v0;
	v9 =	vor.u32 v26, v62  }
0x2e3: {  	v11 =	vld.idx.msk [tilespmem:v11+s12+$0x0], $0xffff;
	v12 =	vadd.s32 v27, v0;
	v4 =	vor.u32 v27, v62  }
0x2e4: {  	v45 =	vadd.s32 v26, v0;
	v15 =	vld.idx.msk [tilespmem:v15+s12+$0x0], $0xffff;
	v1 =	vor.u32 v28, v62  }
0x2e5: {  	v16 =	vld.idx.msk [tilespmem:v16+s12+$0x0], $0xffff;
	v8 =	vadd.s32 v28, v0;
	[tilespmem:v7+s14+$0x0] =	vst.idx.msk $0xffff, v5;
	v46 =	vor.u32 v61, v37  }
0x2e6: {  	v7 =	vld.idx.msk [tilespmem:v47+s12+$0x0], $0xffff;
	[tilespmem:v6+s14+$0x0] =	vst.idx.msk $0xffff, v10;
	v47 =	vor.u32 v44, v37  }
0x2e7: {  	v17 =	vld.idx.msk [tilespmem:v17+s12+$0x0], $0xffff;
	v22 =	vor.u32 v50, v37;
	[tilespmem:v9+s14+$0x0] =	vst.idx.msk $0xffff, v14  }
0x2e8: {  	v12 =	vld.idx.msk [tilespmem:v12+s12+$0x0], $0xffff;
	v14 =	vor.u32 v24, v37;
	[tilespmem:v4+s14+$0x0] =	vst.idx.msk $0xffff, v3  }
0x2e9: {  	v10 =	vld.idx.msk [tilespmem:v45+s12+$0x0], $0xffff;
	[tilespmem:v1+s14+$0x0] =	vst.idx.msk $0xffff, v13  }
0x2ea: {  	v4 =	vld.idx.msk [tilespmem:v8+s12+$0x0], $0xffff;
	[tilespmem:v46+s14+$0x0] =	vst.idx.msk $0xffff, v11  }
0x2eb: {  	v2 =	vadd.s32 v41, v48;
	[tilespmem:v47+s14+$0x0] =	vst.idx.msk $0xffff, v15  }
0x2ec: {  	v38 =	vadd.s32 v32, v48;
	[tilespmem:v22+s14+$0x0] =	vst.idx.msk $0xffff, v16  }
0x2ed: {  	v5 =	vadd.s32 v49, v48;
	[tilespmem:v14+s14+$0x0] =	vst.idx.msk $0xffff, v17  }
0x2ee: {  	v43 =	vadd.s32 v41, v39;
	v22 =	vld [tilespmem:$0x1FD50]  }
0x2ef: {  	v6 =	vadd.s32 v52, v48;
	v8 =	vor.u32 v25, v37  }
0x2f0: {  	v2 =	vld.idx.msk [tilespmem:v2+s12+$0x0], $0xffff;
	v9 =	vadd.s32 v53, v48;
	v11 =	vor.u32 v26, v37  }
0x2f1: {  	v18 =	vld.idx.msk [tilespmem:v38+s12+$0x0], $0xffff;
	v3 =	vadd.s32 v51, v48;
	v15 =	vor.u32 v27, v37  }
0x2f2: {  	v5 =	vld.idx.msk [tilespmem:v5+s12+$0x0], $0xffff;
	v1 =	vadd.s32 v30, v48;
	v16 =	vor.u32 v28, v37  }
0x2f3: {  	v13 =	vadd.s32 v31, v48;
	v19 =	vld.idx.msk [tilespmem:v43+s12+$0x0], $0xffff;
	v14 =	vor.u32 v41, v22  }
0x2f4: {  	v6 =	vld.idx.msk [tilespmem:v6+s12+$0x0], $0xffff;
	v17 =	vadd.s32 v49, v39;
	[tilespmem:v8+s14+$0x0] =	vst.idx.msk $0xffff, v7;
	v7 =	vor.u32 v49, v22  }
0x2f5: {  	v9 =	vld.idx.msk [tilespmem:v9+s12+$0x0], $0xffff;
	v8 =	vadd.s32 v52, v39;
	[tilespmem:v11+s14+$0x0] =	vst.idx.msk $0xffff, v10;
	v10 =	vor.u32 v52, v22  }
0x2f6: {  	v3 =	vld.idx.msk [tilespmem:v3+s12+$0x0], $0xffff;
	v11 =	vadd.s32 v53, v39;
	[tilespmem:v15+s14+$0x0] =	vst.idx.msk $0xffff, v12;
	v12 =	vor.u32 v53, v22  }
0x2f7: {  	v1 =	vld.idx.msk [tilespmem:v1+s12+$0x0], $0xffff;
	v15 =	vadd.s32 v51, v39;
	[tilespmem:v16+s14+$0x0] =	vst.idx.msk $0xffff, v4;
	v4 =	vor.u32 v51, v22  }
0x2f8: {  	v13 =	vld.idx.msk [tilespmem:v13+s12+$0x0], $0xffff;
	v16 =	vadd.s32 v30, v39;
	[tilespmem:v14+s14+$0x0] =	vst.idx.msk $0xffff, v2;
	v2 =	vor.u32 v30, v22  }
0x2f9: {  	v17 =	vld.idx.msk [tilespmem:v17+s12+$0x0], $0xffff;
	v14 =	vadd.s32 v31, v39;
	[tilespmem:v7+s14+$0x0] =	vst.idx.msk $0xffff, v5;
	v5 =	vor.u32 v31, v22  }
0x2fa: {  	v8 =	vld.idx.msk [tilespmem:v8+s12+$0x0], $0xffff;
	v7 =	vadd.s32 v32, v39;
	[tilespmem:v10+s14+$0x0] =	vst.idx.msk $0xffff, v6;
	v6 =	vor.u32 v32, v22  }
0x2fb: {  	v11 =	vld.idx.msk [tilespmem:v11+s12+$0x0], $0xffff;
	v10 =	vadd.s32 v41, v0;
	[tilespmem:v12+s14+$0x0] =	vst.idx.msk $0xffff, v9;
	v9 =	vor.u32 v41, v62  }
0x2fc: {  	v45 =	vadd.s32 v30, v0;
	v15 =	vld.idx.msk [tilespmem:v15+s12+$0x0], $0xffff;
	[tilespmem:v4+s14+$0x0] =	vst.idx.msk $0xffff, v3;
	v3 =	vor.u32 v49, v62  }
0x2fd: {  	v16 =	vld.idx.msk [tilespmem:v16+s12+$0x0], $0xffff;
	v12 =	vadd.s32 v49, v0;
	[tilespmem:v2+s14+$0x0] =	vst.idx.msk $0xffff, v1;
	v1 =	vor.u32 v52, v62  }
0x2fe: {  	v46 =	vadd.s32 v31, v0;
	v14 =	vld.idx.msk [tilespmem:v14+s12+$0x0], $0xffff;
	[tilespmem:v5+s14+$0x0] =	vst.idx.msk $0xffff, v13;
	v5 =	vor.u32 v53, v62  }
0x2ff: {  	v4 =	vadd.s32 v52, v0;
	v7 =	vld.idx.msk [tilespmem:v7+s12+$0x0], $0xffff;
	[tilespmem:v6+s14+$0x0] =	vst.idx.msk $0xffff, v18;
	v6 =	vor.u32 v51, v62  }
0x300: {  	v2 =	vadd.s32 v53, v0;
	v10 =	vld.idx.msk [tilespmem:v10+s12+$0x0], $0xffff;
	[tilespmem:v9+s14+$0x0] =	vst.idx.msk $0xffff, v19;
	v9 =	vor.u32 v30, v62  }
0x301: {  	v13 =	vadd.s32 v51, v0;
	v18 =	vld.idx.msk [tilespmem:v45+s12+$0x0], $0xffff;
	[tilespmem:v3+s14+$0x0] =	vst.idx.msk $0xffff, v17;
	v3 =	vor.u32 v31, v62  }
0x302: {  	v47 =	vor.u32 v41, v37;
	v12 =	vld.idx.msk [tilespmem:v12+s12+$0x0], $0xffff;
	v17 =	vadd.s32 v32, v0;
	[tilespmem:v1+s14+$0x0] =	vst.idx.msk $0xffff, v8  }
0x303: {  	v19 =	vld.idx.msk [tilespmem:v46+s12+$0x0], $0xffff;
	v1 =	vor.u32 v32, v62;
	[tilespmem:v5+s14+$0x0] =	vst.idx.msk $0xffff, v11  }
0x304: {  	v4 =	vld.idx.msk [tilespmem:v4+s12+$0x0], $0xffff;
	v8 =	vadd.s32 v33, v48;
	v11 =	vor.u32 v49, v37;
	[tilespmem:v6+s14+$0x0] =	vst.idx.msk $0xffff, v15  }
0x305: {  	v2 =	vld.idx.msk [tilespmem:v2+s12+$0x0], $0xffff;
	v5 =	vadd.s32 v34, v48;
	v15 =	vor.u32 v52, v37;
	[tilespmem:v9+s14+$0x0] =	vst.idx.msk $0xffff, v16  }
0x306: {  	v13 =	vld.idx.msk [tilespmem:v13+s12+$0x0], $0xffff;
	v6 =	vadd.s32 v35, v48;
	v16 =	vor.u32 v53, v37;
	[tilespmem:v3+s14+$0x0] =	vst.idx.msk $0xffff, v14  }
0x307: {  	v9 =	vadd.s32 v40, v48;
	v14 =	vor.u32 v51, v37;
	v17 =	vld.idx.msk [tilespmem:v17+s12+$0x0], $0xffff;
	[tilespmem:v47+s14+$0x0] =	vst.idx.msk $0xffff, v10  }
0x308: {  	v3 =	vadd.s32 v42, v48;
	[tilespmem:v1+s14+$0x0] =	vst.idx.msk $0xffff, v7;
	v7 =	vor.u32 v30, v37  }
0x309: {  	v10 =	vadd.s32 v21, v48;
	v51 =	vor.u32 v31, v37;
	v8 =	vld.idx.msk [tilespmem:v8+s12+$0x0], $0xffff;
	[tilespmem:v11+s14+$0x0] =	vst.idx.msk $0xffff, v12  }
0x30a: {  	v1 =	vadd.s32 v36, v48;
	v5 =	vld.idx.msk [tilespmem:v5+s12+$0x0], $0xffff;
	v12 =	vor.u32 v32, v37;
	[tilespmem:v15+s14+$0x0] =	vst.idx.msk $0xffff, v4  }
0x30b: {  	v11 =	vadd.s32 v23, v48;
	v6 =	vld.idx.msk [tilespmem:v6+s12+$0x0], $0xffff;
	v15 =	vor.u32 v33, v22;
	[tilespmem:v16+s14+$0x0] =	vst.idx.msk $0xffff, v2  }
0x30c: {  	v53 =	vadd.s32 v42, v39;
	v9 =	vld.idx.msk [tilespmem:v9+s12+$0x0], $0xffff;
	v16 =	vor.u32 v34, v22;
	[tilespmem:v14+s14+$0x0] =	vst.idx.msk $0xffff, v13  }
0x30d: {  	v4 =	vadd.s32 v33, v39;
	v3 =	vld.idx.msk [tilespmem:v3+s12+$0x0], $0xffff;
	v14 =	vor.u32 v35, v22;
	[tilespmem:v7+s14+$0x0] =	vst.idx.msk $0xffff, v18  }
0x30e: {  	v52 =	vor.u32 v40, v22;
	v2 =	vadd.s32 v34, v39;
	v10 =	vld.idx.msk [tilespmem:v10+s12+$0x0], $0xffff;
	[tilespmem:v51+s14+$0x0] =	vst.idx.msk $0xffff, v19  }
0x30f: {  	v30 =	vor.u32 v42, v22;
	v13 =	vadd.s32 v35, v39;
	v1 =	vld.idx.msk [tilespmem:v1+s12+$0x0], $0xffff;
	[tilespmem:v12+s14+$0x0] =	vst.idx.msk $0xffff, v17  }
0x310: {  	v7 =	vadd.s32 v40, v39;
	v11 =	vld.idx.msk [tilespmem:v11+s12+$0x0], $0xffff;
	v17 =	vor.u32 v36, v22;
	[tilespmem:v15+s14+$0x0] =	vst.idx.msk $0xffff, v8  }
0x311: {  	v19 =	vld.idx.msk [tilespmem:v53+s12+$0x0], $0xffff;
	v12 =	vadd.s32 v36, v39;
	v15 =	vor.u32 v21, v22;
	[tilespmem:v16+s14+$0x0] =	vst.idx.msk $0xffff, v5  }
0x312: {  	v4 =	vld.idx.msk [tilespmem:v4+s12+$0x0], $0xffff;
	v8 =	vadd.s32 v21, v39;
	v16 =	vor.u32 v23, v22;
	[tilespmem:v14+s14+$0x0] =	vst.idx.msk $0xffff, v6  }
0x313: {  	v2 =	vld.idx.msk [tilespmem:v2+s12+$0x0], $0xffff;
	v5 =	vadd.s32 v23, v39;
	v14 =	vor.u32 v33, v62;
	[tilespmem:v52+s14+$0x0] =	vst.idx.msk $0xffff, v9  }
0x314: {  	v31 =	vor.u32 v34, v62;
	v13 =	vld.idx.msk [tilespmem:v13+s12+$0x0], $0xffff;
	v6 =	vadd.s32 v33, v0;
	[tilespmem:v30+s14+$0x0] =	vst.idx.msk $0xffff, v3  }
0x315: {  	v32 =	vor.u32 v35, v62;
	v7 =	vld.idx.msk [tilespmem:v7+s12+$0x0], $0xffff;
	v9 =	vadd.s32 v34, v0;
	[tilespmem:v17+s14+$0x0] =	vst.idx.msk $0xffff, v1  }
0x316: {  	v3 =	vadd.s32 v35, v0;
	v12 =	vld.idx.msk [tilespmem:v12+s12+$0x0], $0xffff;
	v17 =	vor.u32 v40, v62;
	[tilespmem:v15+s14+$0x0] =	vst.idx.msk $0xffff, v10  }
0x317: {  	v1 =	vadd.s32 v40, v0;
	v8 =	vld.idx.msk [tilespmem:v8+s12+$0x0], $0xffff;
	v15 =	vor.u32 v42, v62;
	[tilespmem:v16+s14+$0x0] =	vst.idx.msk $0xffff, v11  }
0x318: {  	v10 =	vadd.s32 v42, v0;
	v5 =	vld.idx.msk [tilespmem:v5+s12+$0x0], $0xffff;
	v16 =	vor.u32 v36, v62;
	[tilespmem:v14+s14+$0x0] =	vst.idx.msk $0xffff, v4  }
0x319: {  	v11 =	vadd.s32 v36, v0;
	v6 =	vld.idx.msk [tilespmem:v6+s12+$0x0], $0xffff;
	v14 =	vor.u32 v21, v62;
	[tilespmem:v31+s14+$0x0] =	vst.idx.msk $0xffff, v2  }
0x31a: {  	v4 =	vadd.s32 v21, v0;
	v9 =	vld.idx.msk [tilespmem:v9+s12+$0x0], $0xffff;
	v2 =	vor.u32 v23, v62;
	[tilespmem:v32+s14+$0x0] =	vst.idx.msk $0xffff, v13  }
0x31b: {  	v0 =	vadd.s32 v23, v0;
	v3 =	vld.idx.msk [tilespmem:v3+s12+$0x0], $0xffff;
	v13 =	vor.u32 v33, v37;
	[tilespmem:v17+s14+$0x0] =	vst.idx.msk $0xffff, v7  }
0x31c: {  	v1 =	vld.idx.msk [tilespmem:v1+s12+$0x0], $0xffff;
	v7 =	vor.u32 v34, v37;
	[tilespmem:v15+s14+$0x0] =	vst.idx.msk $0xffff, v19  }
0x31d: {  	v10 =	vld.idx.msk [tilespmem:v10+s12+$0x0], $0xffff;
	v15 =	vor.u32 v35, v37;
	[tilespmem:v16+s14+$0x0] =	vst.idx.msk $0xffff, v12  }
0x31e: {  	v11 =	vld.idx.msk [tilespmem:v11+s12+$0x0], $0xffff;
	[tilespmem:v14+s14+$0x0] =	vst.idx.msk $0xffff, v8  }
0x31f: {  	s29 =	simm.s32 $0x0;
	v4 =	vld.idx.msk [tilespmem:v4+s12+$0x0], $0xffff;
	[tilespmem:v2+s14+$0x0] =	vst.idx.msk $0xffff, v5  }
0x320: {  	v0 =	vld.idx.msk [tilespmem:v0+s12+$0x0], $0xffff;
	[tilespmem:v13+s14+$0x0] =	vst.idx.msk $0xffff, v6;
	v5 =	vmov s29  }
0x321: {  	s31 =	simm.s32 $0x10;
	[tilespmem:v7+s14+$0x0] =	vst.idx.msk $0xffff, v9;
	v5 =	vshll.u32 v5, $0x7  }
0x322: {  	v6 =	vmov s31;
	[tilespmem:v15+s14+$0x0] =	vst.idx.msk $0xffff, v3;
	v9 =	vor.u32 v56, v5  }
0x323: {  	v3 =	vshll.u32 v6, $0x7;
	v6 =	vor.u32 v61, v9;
	[tilespmem:$0x1F600] =	vst v9  }
0x324: {  	[tilespmem:$0x1F510] =	vst v6;
	v6 =	vor.u32 v44, v9  }
0x325: {  	[tilespmem:$0x1F520] =	vst v6;
	v6 =	vor.u32 v50, v9  }
0x326: {  	[tilespmem:$0x1F530] =	vst v6;
	v6 =	vor.u32 v24, v9  }
0x327: {  	[tilespmem:$0x1F540] =	vst v6;
	v6 =	vor.u32 v25, v9  }
0x328: {  	[tilespmem:$0x1F550] =	vst v6;
	v6 =	vor.u32 v26, v9  }
0x329: {  	[tilespmem:$0x1F560] =	vst v6;
	v6 =	vor.u32 v27, v9  }
0x32a: {  	[tilespmem:$0x1F570] =	vst v6;
	v6 =	vor.u32 v63, v9  }
0x32b: {  	[tilespmem:$0x1F580] =	vst v6;
	v6 =	vor.u32 v28, v9  }
0x32c: {  	[tilespmem:$0x1F590] =	vst v6;
	v6 =	vor.u32 v60, v9  }
0x32d: {  	[tilespmem:$0x1F5A0] =	vst v6;
	v6 =	vor.u32 v59, v9  }
0x32e: {  	[tilespmem:$0x1F5B0] =	vst v6;
	v6 =	vor.u32 v29, v9  }
0x32f: {  	[tilespmem:$0x1F5C0] =	vst v6;
	v6 =	vor.u32 v57, v9  }
0x330: {  	[tilespmem:$0x1F5D0] =	vst v6;
	v6 =	vor.u32 v54, v9  }
0x331: {  	[tilespmem:$0x1F5E0] =	vst v6;
	v6 =	vor.u32 v58, v9  }
0x332: {  	[tilespmem:$0x1F5F0] =	vst v6;
	v6 =	vor.u32 v55, v9  }
0x333: {  	[tilespmem:$0x1F610] =	vst v6;
	v6 =	vor.u32 v56, v3  }
0x334: {  	v3 =	vor.u32 v61, v6;
	[tilespmem:$0x1F690] =	vst v6  }
0x335: {  	[tilespmem:$0x1F620] =	vst v3;
	v3 =	vor.u32 v60, v6  }
0x336: {  	[tilespmem:$0x1F630] =	vst v3;
	v3 =	vor.u32 v59, v6  }
0x337: {  	[tilespmem:$0x1F640] =	vst v3;
	v3 =	vor.u32 v29, v6  }
0x338: {  	v12 =	vor.u32 v40, v37;
	[tilespmem:$0x1F650] =	vst v3;
	v3 =	vor.u32 v57, v6  }
0x339: {  	s3 =	simm.s32 $0x20;
	[tilespmem:$0x1F660] =	vst v3;
	v3 =	vor.u32 v54, v6  }
0x33a: {  	v7 =	vmov s3;
	[tilespmem:$0x1F670] =	vst v3;
	v3 =	vor.u32 v58, v6  }
0x33b: {  	s30 =	sor.u32 $0x1, s24;
	v16 =	vor.u32 v42, v37;
	v5 =	vshll.u32 v7, $0x7;
	[tilespmem:$0x1F680] =	vst v3;
	v3 =	vor.u32 v55, v6  }
0x33c: {  	s24 =	smulhi.u32 $0x66666667, s30;
	v9 =	vor.u32 v56, v5;
	[tilespmem:$0x1F6A0] =	vst v3  }
0x33d: {  	[tilespmem:v12+s14+$0x0] =	vst.idx.msk $0xffff, v1;
	v1 =	vor.u32 v63, v9  }
0x33e: {  	s24 =	sshrl.u32 s24, $0x1;
	v8 =	vor.u32 v36, v37;
	[tilespmem:$0x1F6B0] =	vst v1;
	v1 =	vor.u32 v60, v9  }
0x33f: {  	s1 =	sshll.u32 s24, $0x3;
	[tilespmem:$0x1F6C0] =	vst v1  }
0x340: {  	s1 =	sand.u32 $0xF0, s1;
	v3 =	vor.u32 v59, v9;
	[tilespmem:v16+s14+$0x0] =	vst.idx.msk $0xffff, v10  }
0x341: {  	v38 =	vmov s1;
	s1 =	sadd.s32 $0x0, s21;
	v14 =	vor.u32 v21, v37;
	[tilespmem:$0x1F6D0] =	vst v3;
	v3 =	vor.u32 v29, v9  }
0x342: {  	v2 =	vor.u32 v23, v37;
	s31 =	sadd.s32 $0x140, s1;
	[tilespmem:$0x1F6E0] =	vst v3  }
0x343: {  	v5 =	vor.u32 v57, v9;
	v1 =	vor.u32 s31, v63;
	s31 =	sadd.s32 $0x150, s1;
	[tilespmem:v8+s14+$0x0] =	vst.idx.msk $0xffff, v11  }
0x344: {  	v3 =	vor.u32 s31, v63;
	s31 =	sadd.s32 $0x170, s1;
	[tilespmem:$0x1F6F0] =	vst v5;
	v5 =	vor.u32 v54, v9  }
0x345: {  	v40 =	vor.u32 v63, v6;
	s1 =	sadd.s32 $0x160, s1;
	[tilespmem:$0x1F700] =	vst v5;
	v5 =	vor.u32 s31, v63  }
0x346: {  	v6 =	vor.u32 s1, v63;
	[tilespmem:v14+s14+$0x0] =	vst.idx.msk $0xffff, v4;
	v4 =	vmul.u32 $0x147B, v1;
	v7 =	vmul.u32 $0x147B, v5  }
0x347: {  	v62 =	vor.u32 v55, v9;
	[tilespmem:v2+s14+$0x0] =	vst.idx.msk $0xffff, v0;
	v0 =	vmul.u32 $0x147B, v3;
	v2 =	vmul.u32 $0x147B, v6  }
0x348: {  	s25 =	sand.u32 $0xFF, s25;
	v8 =	vor.u32 v58, v9;
	v41 =	vshra.s32 v4, $0x14;
	v11 =	vshra.s32 v7, $0x14  }
0x349: {  	s28 =	sadd.s32 s8, s28;
	p2 =	sne.s32 s25, $0x4;
	v43 =	vshra.s32 v0, $0x14;
	v42 =	vshra.s32 v2, $0x14;
	v0 =	vmul.u32 $0xFFFFFF38, v11  }
0x34a: {  	s23 =	sshll.u32 @!p2 s23, $0x8;
	s25 =	simm.s32 @!p2 $0x0;
	s31 =	sshll.u32 s28, $0x4;
	[tilespmem:$0x1F710] =	vst v8;
	v8 =	vmul.u32 $0xFFFFFF38, v41;
	v4 =	vshll.u32 v11, $0x8;
	v2 =	vshll.u32 v11, $0x7  }
0x34b: {  	s23 =	sadd.s32 @!p2 s23, s9;
	s1 =	sshll.u32 @!p2 s26, $0xB;
	s3 =	sadd.s32 s4, s31;
	[tilespmem:$0x1F720] =	vst v9;
	v52 =	vshll.u32 v41, $0x8;
	v9 =	vmul.u32 $0xFFFFFF38, v43;
	v10 =	vmul.u32 $0xFFFFFF38, v42  }
0x34c: {  	[hbm4b:s3+s2] =	stream.linear.scatter [tilespmem:s14], [sflag:$0x1], $0xA000, $0x38;
	v2 =	vand.u32 $0x380, v2;
	v13 =	vand.u32 $0xFFFFF800, v4;
	v0 =	vadd.s32 v5, v0;
	[tilespmem:$0x1D880] =	vst v63  }
0x34d: {  	s1 =	sadd.s32 @!p2 $0x1C880, s1;
	s31 =	smul.u32 $0x5, s24;
	s3 =	sadd.s32 @!p2 $0x3, s26;
	v53 =	vshll.u32 v43, $0x8;
	v5 =	vshll.u32 v0, $0x3;
	v12 =	vadd.s32 $0x1, v0  }
0x34e: {  	[hbm4b:s23+s25] =	stream.linear.scatter @!p2 [tilespmem:s1], [sflag:s3], $0x800, $0x38;
	v56 =	vshll.u32 v42, $0x8;
	v7 =	vand.u32 $0xFFFFFC00, v5;
	v5 =	vshll.u32 v12, $0x3;
	[tilespmem:$0x1D880] =	vst v63  }
0x34f: {  	s23 =	ssub.s32 s30, s31;
	s1 =	simm.s32 @!p0 $0x2;
	v4 =	vand.u32 $0x7F, v0;
	v0 =	vadd.s32 v13, v7;
	v5 =	vand.u32 $0xFFFFFC00, v5  }
0x350: {  	p1 =	por !p1, !p1;
	_ =	swait.ge @!p0 [sflag:s1], $0xA000;
	p6 =	sne.s32 s23, $0x0;
	v12 =	vand.u32 $0x7F, v12;
	v0 =	vor.u32 v2, v0;
	v5 =	vadd.s32 v13, v5  }
0x351: {  	s25 =	sand.u32 $0x1, s24;
	v1 =	vadd.s32 v1, v8;
	[sflag:s1] =	ssyncset.done @!p0 $0x0;
	p1 =	por p6, p1;
	v0 =	vor.u32 v4, v0;
	v5 =	vor.u32 v12, v5  }
0x352: {  	v59 =	vand.u32 $0xFFFFF800, v56;
	v14 =	vadd.s32 v3, v9;
	[sflag:s1] =	ssyncadd.s32 @!p0 $0xFFFF6000;
	s1 =	sadd.s32 @!p1 $0x3, s25;
	v3 =	vor.u32 v2, v5  }
0x353: {  	v15 =	vadd.s32 v6, v10;
	v16 =	vshll.u32 v1, $0x3;
	v6 =	vadd.s32 $0x1, v14;
	_ =	swait.ge @!p1 [sflag:s1], $0x800  }
0x354: {  	v9 =	vadd.s32 $0x1, v15;
	v17 =	vshll.u32 v14, $0x3;
	v47 =	vshll.u32 v15, $0x3;
	[sflag:s1] =	ssyncset.done @!p1 $0x0  }
0x355: {  	v49 =	vand.u32 $0xFFFFFC00, v16;
	v16 =	vand.u32 $0xFFFFF800, v52;
	v46 =	vand.u32 $0x7F, v14;
	[sflag:s1] =	ssyncadd.s32 @!p1 $0xFFFFF800  }
0x356: {  	v44 =	vand.u32 $0x7F, v15;
	v15 =	vsub.s32 v11, v38;
	v48 =	vand.u32 $0xFFFFFC00, v17;
	v8 =	vld.idx.msk [tilespmem:v0+s2+$0x0], $0xffff  }
0x357: {  	v17 =	vand.u32 $0xFFFFF800, v53;
	v15 =	vshll.u32 v15, $0x8;
	v5 =	vadd.s32 $0x1, v1;
	v3 =	vld.idx.msk [tilespmem:v3+s2+$0x0], $0xffff  }
0x358: {  	v13 =	vshll.u32 v9, $0x3;
	v9 =	vand.u32 $0x7F, v9;
	v10 =	vshll.u32 v5, $0x3  }
0x359: {  	v12 =	vshll.u32 v6, $0x3;
	v13 =	vand.u32 $0xFFFFFC00, v13;
	v10 =	vand.u32 $0xFFFFFC00, v10  }
0x35a: {  	v6 =	vand.u32 $0x7F, v6;
	v5 =	vand.u32 $0x7F, v5;
	v10 =	vadd.s32 v16, v10  }
0x35b: {  	v12 =	vand.u32 $0xFFFFFC00, v12;
	v0 =	vand.u32 $0xFFFFFC00, v47;
	v61 =	vor.u32 v5, v10  }
0x35c: {  	v5 =	vshll.u32 v41, $0x7;
	v10 =	vadd.s32 v17, v12;
	v3 =	vsub.f32 v3, v8  }
0x35d: {  	v12 =	vadd.s32 v59, v13;
	v13 =	vshll.u32 v43, $0x7;
	v63 =	vor.u32 v6, v10  }
0x35e: {  	v10 =	vor.u32 v9, v12;
	v6 =	vand.u32 $0x380, v5;
	v5 =	vmul.f32 $6.399999980e-05, v3  }
0x35f: {  	v12 =	vadd.s32 v16, v49;
	v16 =	vadd.s32 v17, v48;
	v3 =	vand.u32 $0x380, v13  }
0x360: {  	v13 =	vor.u32 v6, v12;
	v12 =	vor.u32 v3, v16;
	v16 =	vtrunc.f32 v5  }
0x361: {  	v51 =	vmovc v58;
	v39 =	vmovc v54;
	v9 =	vshll.u32 v42, $0x7;
	v5 =	vand.u32 $0x7F, v1;
	v1 =	vcvt.f32.s32 v16  }
0x362: {  	v35 =	vmovc v29;
	v36 =	vmovc v57;
	v17 =	vadd.s32 v59, v0;
	v47 =	vand.u32 $0x380, v9;
	v14 =	vor.u32 v6, v61  }
0x363: {  	s28 =	simm.s32 $0x40;
	s26 =	smul.u32 $0x140, s30;
	[tilespmem:$0x1F730] =	vst v38;
	v9 =	vor.u32 v47, v17;
	v11 =	vor.u32 v3, v63;
	v63 =	vmovc v60;
	vm0 =	vgt.s32 v1, $0x0  }
.LBB2_5:
0x364: {  	_ = 	snop  }
0x365: {  	v15 =	vand.u32 $0xFFFFF800, v15  }
0x366: {  	v7 =	vadd.s32 v15, v7  }
0x367: {  	v2 =	vor.u32 v2, v7;
	v7 =	vld.idx.msk [tilespmem:v14+s2+$0x0], $0xffff  }
0x368: {  	v14 =	vld [tilespmem:$0x1F730];
	_ =	sdelay $0x1  }
0x369: {  	v12 =	vor.u32 v46, v12  }
0x36a: {  	v10 =	vor.u32 v47, v10;
	v1 =	vnsel vm0, $0x0, v1  }
0x36b: {  	v13 =	vor.u32 v5, v13;
	v9 =	vor.u32 v44, v9;
	v28 =	vld [tilespmem:$0x1FE00];
	v1 =	vmin.u32 v1, $0x3F  }
0x36c: {  	v45 =	vmul.u32 $0x21, v1;
	v4 =	vor.u32 v4, v2;
	v1 =	vsub.s32 v41, v14  }
0x36d: {  	v11 =	vld.idx.msk [tilespmem:v11+s2+$0x0], $0xffff;
	v26 =	vlaneseq.u32;
	v2 =	vsub.s32 v43, v14;
	v1 =	vshll.u32 v1, $0x8  }
0x36e: {  	v15 =	vadd.s32 v26, v45;
	v2 =	vshll.u32 v2, $0x8;
	v17 =	vand.u32 $0xFFFFF800, v1;
	v1 =	vld.idx.msk [tilespmem:v12+s2+$0x0], $0xffff  }
0x36f: {  	v16 =	vadd.s32 v63, v45;
	v12 =	vand.u32 $0xFFFFF800, v2;
	v2 =	vld [tilespmem:$0x1FED0]  }
0x370: {  	s1 =	sadd.s32 $0x30, s29;
	v19 =	vadd.s32 v35, v45;
	v10 =	vld.idx.msk [tilespmem:v10+s2+$0x0], $0xffff;
	v18 =	vadd.s32 v28, v45;
	v14 =	vsub.s32 v42, v14  }
0x371: {  	v13 =	vld.idx.msk [tilespmem:v13+s2+$0x0], $0xffff;
	v14 =	vshll.u32 v14, $0x8;
	[tilespmem:v4+s13+$0x0] =	vst.idx.msk $0xffff, v8;
	v4 =	vmov s1;
	v8 =	vadd.s32 v36, v45  }
0x372: {  	v31 =	vld.idx.msk [tilespmem:v9+s2+$0x0], $0xffff;
	v14 =	vand.u32 $0xFFFFF800, v14;
	v4 =	vshll.u32 v4, $0x7;
	v17 =	vadd.s32 v17, v49  }
0x373: {  	v9 =	vadd.s32 v12, v48;
	v12 =	vld.idx.msk [tilespmem:v15+s12+$0x0], $0xffff;
	v15 =	vadd.s32 v39, v45;
	v0 =	vadd.s32 v14, v0  }
0x374: {  	v14 =	vld.idx.msk [tilespmem:v16+s12+$0x0], $0xffff;
	v16 =	vadd.s32 v51, v45;
	v3 =	vor.u32 v3, v9;
	v43 =	vor.u32 v2, v4  }
0x375: {  	v9 =	vld.idx.msk [tilespmem:v19+s12+$0x0], $0xffff;
	v4 =	vor.u32 v6, v17;
	v17 =	vadd.s32 v55, v45;
	v50 =	vor.u32 v26, v43  }
0x376: {  	v20 =	vor.u32 v47, v0;
	v0 =	vld.idx.msk [tilespmem:v8+s12+$0x0], $0xffff;
	v52 =	vor.u32 v63, v43  }
0x377: {  	v6 =	vld.idx.msk [tilespmem:v18+s12+$0x0], $0xffff;
	v11 =	vsub.f32 v11, v1;
	v8 =	vor.u32 v28, v43  }
0x378: {  	v7 =	vsub.f32 v7, v13;
	v15 =	vld.idx.msk [tilespmem:v15+s12+$0x0], $0xffff;
	v21 =	vor.u32 v35, v43  }
0x379: {  	[tilespmem:$0x1F100] =	vst v40;
	v4 =	vor.u32 v5, v4;
	v5 =	vmul.f32 $6.399999980e-05, v11;
	v11 =	vld.idx.msk [tilespmem:v16+s12+$0x0], $0xffff;
	v16 =	vor.u32 v36, v43  }
0x37a: {  	v17 =	vld.idx.msk [tilespmem:v17+s12+$0x0], $0xffff;
	[tilespmem:v50+s15+$0x0] =	vst.idx.msk $0xffff, v12;
	v12 =	vor.u32 v39, v43  }
0x37b: {  	v7 =	vmul.f32 $6.399999980e-05, v7;
	[tilespmem:v52+s15+$0x0] =	vst.idx.msk $0xffff, v14  }
0x37c: {  	[tilespmem:v8+s15+$0x0] =	vst.idx.msk $0xffff, v6  }
0x37d: {  	v10 =	vsub.f32 v10, v31;
	v7 =	vtrunc.f32 v7;
	[tilespmem:v21+s15+$0x0] =	vst.idx.msk $0xffff, v9  }
0x37e: {  	v60 =	vld [tilespmem:$0x1FE10];
	v7 =	vcvt.f32.s32 v7;
	[tilespmem:v16+s15+$0x0] =	vst.idx.msk $0xffff, v0  }
0x37f: {  	v30 =	vld [tilespmem:$0x1FFA0];
	v10 =	vmul.f32 $6.399999980e-05, v10;
	v14 =	vor.u32 v51, v43;
	[tilespmem:v12+s15+$0x0] =	vst.idx.msk $0xffff, v15  }
0x380: {  	vm0 =	vgt.s32 v7, $0x0;
	v57 =	vld [tilespmem:$0x1FFB0]  }
0x381: {  	v10 =	vtrunc.f32 v10;
	v7 =	vnsel vm0, $0x0, v7;
	v2 =	vld [tilespmem:$0x1FE80]  }
0x382: {  	v5 =	vtrunc.f32 v5;
	v7 =	vmin.u32 v7, $0x3F;
	v6 =	vor.u32 v55, v43;
	v58 =	vld [tilespmem:$0x1FE90]  }
0x383: {  	v5 =	vcvt.f32.s32 v5;
	v42 =	vmul.u32 $0x21, v7;
	v9 =	vadd.s32 v60, v45;
	v40 =	vld [tilespmem:$0x1FEA0]  }
0x384: {  	v8 =	vcvt.f32.s32 v10;
	v10 =	vadd.s32 v30, v45;
	[tilespmem:v14+s15+$0x0] =	vst.idx.msk $0xffff, v11;
	v14 =	vld [tilespmem:$0x1FEB0]  }
0x385: {  	v49 =	vor.u32 v46, v3;
	vm0 =	vgt.s32 v5, $0x0;
	v15 =	vadd.s32 v63, v42;
	v3 =	vld [tilespmem:$0x1FEC0]  }
0x386: {  	v0 =	vnsel vm0, $0x0, v5;
	vm0 =	vgt.s32 v8, $0x0;
	v61 =	vld [tilespmem:$0x1FF70]  }
0x387: {  	v8 =	vnsel vm0, $0x0, v8;
	v34 =	vld [tilespmem:$0x1FFE0];
	[tilespmem:v6+s15+$0x0] =	vst.idx.msk $0xffff, v17;
	v5 =	vadd.s32 v57, v45  }
0x388: {  	[tilespmem:v4+s13+$0x0] =	vst.idx.msk $0xffff, v13;
	v8 =	vmin.u32 v8, $0x3F;
	v4 =	vld.idx.msk [tilespmem:v9+s12+$0x0], $0xffff;
	v11 =	vadd.s32 v2, v45  }
0x389: {  	v41 =	vmul.u32 $0x21, v8;
	v8 =	vld.idx.msk [tilespmem:v10+s12+$0x0], $0xffff;
	v6 =	vadd.s32 v58, v45  }
0x38a: {  	v29 =	vld.idx.msk [tilespmem:v15+s12+$0x0], $0xffff;
	v7 =	vadd.s32 v40, v45  }
0x38b: {  	v15 =	vld [tilespmem:$0x1FFC0];
	v9 =	vadd.s32 v14, v45  }
0x38c: {  	v12 =	vor.u32 v60, v43;
	v10 =	vadd.s32 v3, v45;
	v5 =	vld.idx.msk [tilespmem:v5+s12+$0x0], $0xffff  }
0x38d: {  	v53 =	vadd.s32 v35, v42;
	v16 =	vor.u32 v30, v43;
	v11 =	vld.idx.msk [tilespmem:v11+s12+$0x0], $0xffff  }
0x38e: {  	v56 =	vadd.s32 v36, v42;
	v54 =	vor.u32 v57, v43;
	v6 =	vld.idx.msk [tilespmem:v6+s12+$0x0], $0xffff  }
0x38f: {  	v22 =	vor.u32 v2, v43;
	v7 =	vld.idx.msk [tilespmem:v7+s12+$0x0], $0xffff  }
0x390: {  	v59 =	vadd.s32 v39, v42;
	v25 =	vor.u32 v58, v43;
	v9 =	vld.idx.msk [tilespmem:v9+s12+$0x0], $0xffff  }
0x391: {  	v0 =	vmin.u32 v0, $0x3F;
	v10 =	vld.idx.msk [tilespmem:v10+s12+$0x0], $0xffff;
	[tilespmem:v12+s15+$0x0] =	vst.idx.msk $0xffff, v4;
	v4 =	vor.u32 v40, v43  }
0x392: {  	v0 =	vmul.u32 $0x21, v0;
	v18 =	vld.idx.msk [tilespmem:v53+s12+$0x0], $0xffff;
	[tilespmem:v16+s15+$0x0] =	vst.idx.msk $0xffff, v8;
	v8 =	vor.u32 v14, v43  }
0x393: {  	v50 =	vor.u32 v44, v20;
	v20 =	vld.idx.msk [tilespmem:v56+s12+$0x0], $0xffff;
	[tilespmem:v54+s15+$0x0] =	vst.idx.msk $0xffff, v5;
	v5 =	vor.u32 v3, v43  }
0x394: {  	v23 =	vadd.s32 v51, v42;
	v38 =	vadd.s32 v51, v0;
	v51 =	vld [tilespmem:$0x1FF20];
	[tilespmem:v22+s15+$0x0] =	vst.idx.msk $0xffff, v11  }
0x395: {  	v21 =	vld.idx.msk [tilespmem:v59+s12+$0x0], $0xffff;
	[tilespmem:v25+s15+$0x0] =	vst.idx.msk $0xffff, v6;
	v6 =	vadd.s32 v15, v45  }
0x396: {  	v54 =	vld [tilespmem:$0x1FF10];
	[tilespmem:v4+s15+$0x0] =	vst.idx.msk $0xffff, v7  }
0x397: {  	v13 =	vadd.s32 v26, v42;
	[tilespmem:v8+s15+$0x0] =	vst.idx.msk $0xffff, v9;
	v9 =	vld [tilespmem:$0x1FFF0]  }
0x398: {  	v11 =	vadd.s32 v61, v45;
	v8 =	vld [tilespmem:$0x1FFD0];
	[tilespmem:v5+s15+$0x0] =	vst.idx.msk $0xffff, v10;
	v5 =	vlaneseq.u32  }
0x399: {  	v44 =	vadd.s32 v51, v45;
	v59 =	vadd.s32 v5, v41;
	v5 =	vld [tilespmem:$0x1FF00]  }
0x39a: {  	v4 =	vadd.s32 v34, v45;
	v32 =	vld.idx.msk [tilespmem:v6+s12+$0x0], $0xffff  }
0x39b: {  	v17 =	vadd.s32 v28, v42;
	v6 =	vld [tilespmem:$0x1FE40]  }
0x39c: {  	v37 =	vadd.s32 v28, v41;
	v27 =	vld.idx.msk [tilespmem:v13+s12+$0x0], $0xffff;
	v12 =	vadd.s32 v28, v0;
	v28 =	vadd.s32 v54, v45  }
0x39d: {  	v11 =	vld.idx.msk [tilespmem:v11+s12+$0x0], $0xffff;
	v7 =	vadd.s32 v9, v45  }
0x39e: {  	v44 =	vld.idx.msk [tilespmem:v44+s12+$0x0], $0xffff;
	v13 =	vadd.s32 v8, v45  }
0x39f: {  	v33 =	vadd.s32 v63, v0;
	v46 =	vor.u32 v61, v43;
	v4 =	vld.idx.msk [tilespmem:v4+s12+$0x0], $0xffff;
	v25 =	vadd.s32 v5, v45  }
0x3a0: {  	v48 =	vor.u32 v15, v43;
	v10 =	vadd.s32 v63, v41;
	v63 =	vadd.s32 v6, v41;
	v6 =	vld [tilespmem:$0x1FE50]  }
0x3a1: {  	[tilespmem:v49+s13+$0x0] =	vst.idx.msk $0xffff, v1;
	v19 =	vadd.s32 v35, v0;
	v16 =	vadd.s32 v39, v0;
	v39 =	vld.idx.msk [tilespmem:v28+s12+$0x0], $0xffff  }
0x3a2: {  	v53 =	vadd.s32 v35, v41;
	v1 =	vadd.s32 v55, v41;
	v35 =	vor.u32 v34, v43;
	v47 =	vld.idx.msk [tilespmem:v7+s12+$0x0], $0xffff  }
0x3a3: {  	[tilespmem:$0x1F120] =	vst v1;
	v1 =	vld.idx.msk [tilespmem:v13+s12+$0x0], $0xffff  }
0x3a4: {  	v56 =	vld.idx.msk [tilespmem:v25+s12+$0x0], $0xffff;
	[tilespmem:v46+s15+$0x0] =	vst.idx.msk $0xffff, v11  }
0x3a5: {  	v6 =	vadd.s32 v6, v41;
	[tilespmem:v48+s15+$0x0] =	vst.idx.msk $0xffff, v32  }
0x3a6: {  	[tilespmem:$0x1F0F0] =	vst v6  }
0x3a7: {  	[tilespmem:v35+s15+$0x0] =	vst.idx.msk $0xffff, v4;
	v4 =	vadd.s32 v14, v42  }
0x3a8: {  	v24 =	vadd.s32 v55, v42;
	v22 =	vadd.s32 v36, v0;
	v6 =	vld [tilespmem:$0x1FE60];
	[tilespmem:$0x1F190] =	vst v4;
	v4 =	vadd.s32 v3, v42  }
0x3a9: {  	v36 =	vadd.s32 v55, v0;
	v55 =	vmovc v57;
	v7 =	vmov v30;
	[tilespmem:$0x1F1A0] =	vst v4;
	v4 =	vadd.s32 v60, v0  }
0x3aa: {  	v49 =	vld.idx.msk [tilespmem:v33+s12+$0x0], $0xffff;
	v33 =	vmov v7;
	[tilespmem:$0x1F1B0] =	vst v4;
	v4 =	vadd.s32 v7, v0;
	v7 =	vadd.s32 v55, v0  }
0x3ab: {  	[tilespmem:$0x1F1D0] =	vst v7;
	v7 =	vld [tilespmem:$0x1F580];
	_ =	sdelay $0x1  }
0x3ac: {  	[tilespmem:v50+s13+$0x0] =	vst.idx.msk $0xffff, v31;
	v6 =	vadd.s32 v6, v41  }
0x3ad: {  	[tilespmem:$0x1F110] =	vst v6;
	v6 =	vadd.s32 v60, v42  }
0x3ae: {  	[tilespmem:$0x1F130] =	vst v6;
	v6 =	vadd.s32 v30, v42  }
0x3af: {  	v23 =	vld.idx.msk [tilespmem:v23+s12+$0x0], $0xffff;
	[tilespmem:$0x1F140] =	vst v6;
	v6 =	vadd.s32 v57, v42  }
0x3b0: {  	v31 =	vld [tilespmem:$0x1FF40];
	v26 =	vadd.s32 v26, v0;
	v25 =	vor.u32 v9, v43;
	[tilespmem:$0x1F150] =	vst v6;
	v6 =	vadd.s32 v2, v42  }
0x3b1: {  	v17 =	vld.idx.msk [tilespmem:v17+s12+$0x0], $0xffff;
	v28 =	vor.u32 v8, v43;
	[tilespmem:$0x1F160] =	vst v6  }
0x3b2: {  	v6 =	vld.idx.msk [tilespmem:v24+s12+$0x0], $0xffff;
	[tilespmem:v7+s15+$0x0] =	vst.idx.msk $0xffff, v27;
	v7 =	vadd.s32 v2, v0  }
0x3b3: {  	v11 =	vor.u32 v5, v43;
	[tilespmem:$0x1F1E0] =	vst v7;
	v7 =	vld [tilespmem:$0x1F5A0]  }
0x3b4: {  	v24 =	vor.u32 v54, v43  }
0x3b5: {  	v52 =	vld.idx.msk [tilespmem:v26+s12+$0x0], $0xffff;
	v26 =	vor.u32 v51, v43;
	[tilespmem:v25+s15+$0x0] =	vst.idx.msk $0xffff, v47  }
0x3b6: {  	[tilespmem:v28+s15+$0x0] =	vst.idx.msk $0xffff, v1;
	v1 =	vadd.s32 v31, v45;
	_ =	sdelay $0x1  }
0x3b7: {  	[tilespmem:v11+s15+$0x0] =	vst.idx.msk $0xffff, v56  }
0x3b8: {  	[tilespmem:v24+s15+$0x0] =	vst.idx.msk $0xffff, v39  }
0x3b9: {  	v13 =	vadd.s32 v58, v42;
	[tilespmem:v26+s15+$0x0] =	vst.idx.msk $0xffff, v44  }
0x3ba: {  	v44 =	vmov v2;
	v2 =	vmov v58;
	[tilespmem:v7+s15+$0x0] =	vst.idx.msk $0xffff, v29;
	v7 =	vadd.s32 v58, v0;
	v58 =	vld.idx.msk [tilespmem:v1+s12+$0x0], $0xffff  }
0x3bb: {  	v1 =	vld [tilespmem:$0x1F5B0];
	_ =	sdelay $0x7  }
0x3bc: {  	[tilespmem:v1+s15+$0x0] =	vst.idx.msk $0xffff, v17;
	v1 =	vld [tilespmem:$0x1F5C0];
	_ =	sdelay $0x2  }
0x3bd: {  	v48 =	vld.idx.msk [tilespmem:v12+s12+$0x0], $0xffff  }
0x3be: {  	v12 =	vld [tilespmem:$0x1FEE0]  }
0x3bf: {  	v35 =	vld [tilespmem:$0x1FF30]  }
0x3c0: {  	v25 =	vld [tilespmem:$0x1FF90]  }
0x3c1: {  	v28 =	vld [tilespmem:$0x1FF60]  }
0x3c2: {  	[tilespmem:v1+s15+$0x0] =	vst.idx.msk $0xffff, v18;
	v1 =	vld [tilespmem:$0x1F5D0]  }
0x3c3: {  	[tilespmem:$0x1F1C0] =	vst v4;
	v4 =	vld.idx.msk [tilespmem:v16+s12+$0x0], $0xffff  }
0x3c4: {  	v30 =	vld [tilespmem:$0x1FF50]  }
0x3c5: {  	v26 =	vld [tilespmem:$0x1FF80]  }
0x3c6: {  	v16 =	vld [tilespmem:$0x1FEF0]  }
0x3c7: {  	[tilespmem:$0x1F170] =	vst v13;
	v13 =	vadd.s32 v40, v42  }
0x3c8: {  	v50 =	vld.idx.msk [tilespmem:v19+s12+$0x0], $0xffff;
	[tilespmem:$0x1F180] =	vst v13;
	v46 =	vadd.s32 v35, v45  }
0x3c9: {  	v13 =	vld.idx.msk [tilespmem:v22+s12+$0x0], $0xffff;
	v19 =	vadd.s32 v28, v45;
	v11 =	vadd.s32 v30, v45;
	v27 =	vadd.s32 v25, v45  }
0x3ca: {  	v2 =	vadd.s32 v2, v41;
	v22 =	vadd.s32 v26, v45;
	[tilespmem:v1+s15+$0x0] =	vst.idx.msk $0xffff, v20;
	v1 =	vld [tilespmem:$0x1F5E0]  }
0x3cb: {  	v29 =	vadd.s32 v12, v45;
	[tilespmem:$0x1F1F0] =	vst v7;
	v7 =	vld [tilespmem:$0x1F5F0];
	v17 =	vadd.s32 v16, v45;
	v45 =	vmov v40  }
0x3cc: {  	[tilespmem:$0x1F220] =	vst v2;
	v2 =	vadd.s32 v45, v41  }
0x3cd: {  	[tilespmem:$0x1F230] =	vst v2;
	v2 =	vadd.s32 v3, v41  }
0x3ce: {  	v24 =	vld.idx.msk [tilespmem:v46+s12+$0x0], $0xffff;
	[tilespmem:$0x1F240] =	vst v2;
	v2 =	vadd.s32 v15, v42  }
0x3cf: {  	v47 =	vmov v55;
	v55 =	vor.u32 v35, v43;
	v11 =	vld.idx.msk [tilespmem:v11+s12+$0x0], $0xffff;
	[tilespmem:$0x1F250] =	vst v2;
	v2 =	vadd.s32 v34, v42  }
0x3d0: {  	[tilespmem:$0x1F260] =	vst v2;
	v2 =	vadd.s32 v9, v42;
	v18 =	vld.idx.msk [tilespmem:v19+s12+$0x0], $0xffff;
	v19 =	vor.u32 v31, v43  }
0x3d1: {  	[tilespmem:$0x1F270] =	vst v2;
	v20 =	vld.idx.msk [tilespmem:v22+s12+$0x0], $0xffff;
	v22 =	vor.u32 v30, v43  }
0x3d2: {  	v32 =	vadd.s32 v40, v0;
	v40 =	vor.u32 v28, v43;
	v17 =	vld.idx.msk [tilespmem:v17+s12+$0x0], $0xffff;
	[tilespmem:v1+s15+$0x0] =	vst.idx.msk $0xffff, v21  }
0x3d3: {  	v46 =	vor.u32 v26, v43;
	v21 =	vld.idx.msk [tilespmem:v27+s12+$0x0], $0xffff;
	[tilespmem:v7+s15+$0x0] =	vst.idx.msk $0xffff, v23  }
0x3d4: {  	v23 =	vld.idx.msk [tilespmem:v29+s12+$0x0], $0xffff;
	[tilespmem:v55+s15+$0x0] =	vst.idx.msk $0xffff, v24;
	v24 =	vor.u32 v25, v43  }
0x3d5: {  	[tilespmem:v19+s15+$0x0] =	vst.idx.msk $0xffff, v58  }
0x3d6: {  	[tilespmem:v22+s15+$0x0] =	vst.idx.msk $0xffff, v11  }
0x3d7: {  	v1 =	vadd.s32 v3, v0;
	v3 =	vld [tilespmem:$0x1F0F0];
	[tilespmem:v40+s15+$0x0] =	vst.idx.msk $0xffff, v18  }
0x3d8: {  	[tilespmem:v46+s15+$0x0] =	vst.idx.msk $0xffff, v20  }
0x3d9: {  	v2 =	vadd.s32 v5, v42;
	[tilespmem:v24+s15+$0x0] =	vst.idx.msk $0xffff, v21;
	v21 =	vmov v5;
	v5 =	vld [tilespmem:$0x1F610];
	_ =	sdelay $0x2  }
0x3da: {  	v56 =	vadd.s32 v44, v41;
	_ =	sdelay $0x2  }
0x3db: {  	[tilespmem:$0x1F210] =	vst v56;
	v56 =	vmov v51;
	v22 =	vadd.s32 v51, v42;
	v51 =	vld.idx.msk [tilespmem:v3+s12+$0x0], $0xffff  }
0x3dc: {  	v3 =	vld [tilespmem:$0x1F100]  }
0x3dd: {  	[tilespmem:v5+s15+$0x0] =	vst.idx.msk $0xffff, v6;
	v5 =	vld [tilespmem:$0x1F630];
	_ =	sdelay $0x5  }
0x3de: {  	v55 =	vld.idx.msk [tilespmem:v38+s12+$0x0], $0xffff  }
0x3df: {  	v58 =	vld.idx.msk [tilespmem:v36+s12+$0x0], $0xffff;
	[tilespmem:v3+s15+$0x0] =	vst.idx.msk $0xffff, v52  }
0x3e0: {  	[tilespmem:v5+s15+$0x0] =	vst.idx.msk $0xffff, v49;
	v5 =	vld [tilespmem:$0x1F640];
	_ =	sdelay $0x7  }
0x3e1: {  	[tilespmem:v5+s15+$0x0] =	vst.idx.msk $0xffff, v48;
	v5 =	vadd.s32 v8, v0  }
0x3e2: {  	[tilespmem:$0x1F2C0] =	vst v5;
	v5 =	vadd.s32 v21, v0  }
0x3e3: {  	[tilespmem:$0x1F2D0] =	vst v5;
	v5 =	vld [tilespmem:$0x1F140];
	_ =	sdelay $0x1  }
0x3e4: {  	v19 =	vor.u32 v12, v43  }
0x3e5: {  	v38 =	vor.u32 v16, v43;
	_ =	sdelay $0x2  }
0x3e6: {  	[tilespmem:$0x1F280] =	vst v2  }
0x3e7: {  	v2 =	vld [tilespmem:$0x1F150];
	[tilespmem:v19+s15+$0x0] =	vst.idx.msk $0xffff, v23  }
0x3e8: {  	[tilespmem:v38+s15+$0x0] =	vst.idx.msk $0xffff, v17;
	v38 =	vld.idx.msk [tilespmem:v5+s12+$0x0], $0xffff  }
0x3e9: {  	v5 =	vld [tilespmem:$0x1F650];
	_ =	sdelay $0x5  }
0x3ea: {  	v36 =	vld.idx.msk [tilespmem:v2+s12+$0x0], $0xffff;
	v2 =	vadd.s32 v15, v41  }
0x3eb: {  	[tilespmem:$0x1F300] =	vst v2  }
0x3ec: {  	v2 =	vld [tilespmem:$0x1F160];
	[tilespmem:v5+s15+$0x0] =	vst.idx.msk $0xffff, v50;
	v5 =	vadd.s32 v54, v0  }
0x3ed: {  	[tilespmem:$0x1F2E0] =	vst v5;
	v5 =	vadd.s32 v56, v0  }
0x3ee: {  	[tilespmem:$0x1F2F0] =	vst v5;
	v5 =	vld [tilespmem:$0x1F660];
	_ =	sdelay $0x5  }
0x3ef: {  	v24 =	vld.idx.msk [tilespmem:v2+s12+$0x0], $0xffff  }
0x3f0: {  	v2 =	vld [tilespmem:$0x1F670]  }
0x3f1: {  	[tilespmem:v5+s15+$0x0] =	vst.idx.msk $0xffff, v13;
	v5 =	vld [tilespmem:$0x1F680];
	_ =	sdelay $0x2  }
0x3f2: {  	v44 =	vmov v61  }
0x3f3: {  	v3 =	vadd.s32 v44, v0  }
0x3f4: {  	[tilespmem:$0x1F290] =	vst v3;
	v3 =	vadd.s32 v15, v0  }
0x3f5: {  	[tilespmem:$0x1F2A0] =	vst v3;
	v3 =	vld [tilespmem:$0x1F110]  }
0x3f6: {  	[tilespmem:v2+s15+$0x0] =	vst.idx.msk $0xffff, v4  }
0x3f7: {  	[tilespmem:v5+s15+$0x0] =	vst.idx.msk $0xffff, v55;
	v5 =	vld [tilespmem:$0x1F6A0];
	_ =	sdelay $0x5  }
0x3f8: {  	v52 =	vld.idx.msk [tilespmem:v3+s12+$0x0], $0xffff;
	v3 =	vadd.s32 v9, v0  }
0x3f9: {  	[tilespmem:$0x1F2B0] =	vst v3  }
0x3fa: {  	[tilespmem:v5+s15+$0x0] =	vst.idx.msk $0xffff, v58;
	v5 =	vadd.s32 v35, v42  }
0x3fb: {  	v3 =	vld [tilespmem:$0x1F120];
	[tilespmem:$0x1F370] =	vst v5;
	v5 =	vadd.s32 v31, v42  }
0x3fc: {  	v6 =	vadd.s32 v28, v42;
	[tilespmem:$0x1F380] =	vst v5;
	v5 =	vld [tilespmem:$0x1F6B0]  }
0x3fd: {  	[tilespmem:$0x1F390] =	vst v6;
	v6 =	vld [tilespmem:$0x1F6C0];
	_ =	sdelay $0x1  }
0x3fe: {  	v43 =	vld.idx.msk [tilespmem:v59+s12+$0x0], $0xffff  }
0x3ff: {  	v59 =	vld.idx.msk [tilespmem:v10+s12+$0x0], $0xffff  }
0x400: {  	v10 =	vld.idx.msk [tilespmem:v63+s12+$0x0], $0xffff  }
0x401: {  	v40 =	vadd.s32 v61, v42;
	v61 =	vld.idx.msk [tilespmem:v53+s12+$0x0], $0xffff  }
0x402: {  	v20 =	vld.idx.msk [tilespmem:v37+s12+$0x0], $0xffff  }
0x403: {  	v39 =	vadd.s32 v47, v41;
	v47 =	vmov v9;
	v9 =	vld.idx.msk [tilespmem:v3+s12+$0x0], $0xffff;
	[tilespmem:v5+s15+$0x0] =	vst.idx.msk $0xffff, v43  }
0x404: {  	[tilespmem:v6+s15+$0x0] =	vst.idx.msk $0xffff, v59;
	v6 =	vadd.s32 v25, v42  }
0x405: {  	[tilespmem:$0x1F3A0] =	vst v6;
	v6 =	vld [tilespmem:$0x1F1B0];
	_ =	sdelay $0x7  }
0x406: {  	v46 =	vmov v34;
	v49 =	vadd.s32 v34, v0;
	v2 =	vadd.s32 v34, v41;
	v34 =	vld.idx.msk [tilespmem:v6+s12+$0x0], $0xffff  }
0x407: {  	v6 =	vld [tilespmem:$0x1F6D0];
	_ =	sdelay $0x7  }
0x408: {  	[tilespmem:v6+s15+$0x0] =	vst.idx.msk $0xffff, v20;
	v6 =	vadd.s32 v12, v42  }
0x409: {  	[tilespmem:$0x1F3B0] =	vst v6;
	v6 =	vadd.s32 v16, v42  }
0x40a: {  	[tilespmem:$0x1F3C0] =	vst v6;
	v6 =	vld [tilespmem:$0x1F1C0];
	_ =	sdelay $0x7  }
0x40b: {  	v19 =	vadd.s32 v8, v42;
	v4 =	vadd.s32 v8, v41;
	v55 =	vmov v8;
	v8 =	vld.idx.msk [tilespmem:v6+s12+$0x0], $0xffff  }
0x40c: {  	v6 =	vld [tilespmem:$0x1F6E0];
	_ =	sdelay $0x7  }
0x40d: {  	[tilespmem:v6+s15+$0x0] =	vst.idx.msk $0xffff, v61;
	v6 =	vld [tilespmem:$0x1F1D0];
	_ =	sdelay $0x7  }
0x40e: {  	v13 =	vld.idx.msk [tilespmem:v6+s12+$0x0], $0xffff;
	v6 =	vadd.s32 v35, v0  }
0x40f: {  	[tilespmem:$0x1F3D0] =	vst v6;
	v6 =	vadd.s32 v31, v0  }
0x410: {  	[tilespmem:$0x1F3E0] =	vst v6;
	v6 =	vld [tilespmem:$0x1F6F0];
	_ =	sdelay $0x7  }
0x411: {  	[tilespmem:v6+s15+$0x0] =	vst.idx.msk $0xffff, v10;
	v6 =	vld [tilespmem:$0x1F1E0];
	_ =	sdelay $0x7  }
0x412: {  	v10 =	vld.idx.msk [tilespmem:v6+s12+$0x0], $0xffff;
	v6 =	vadd.s32 v30, v0  }
0x413: {  	[tilespmem:$0x1F3F0] =	vst v6;
	v6 =	vadd.s32 v28, v0  }
0x414: {  	[tilespmem:$0x1F400] =	vst v6;
	v6 =	vld [tilespmem:$0x1F700];
	_ =	sdelay $0x7  }
0x415: {  	[tilespmem:v6+s15+$0x0] =	vst.idx.msk $0xffff, v51;
	v6 =	vld [tilespmem:$0x1F1F0];
	_ =	sdelay $0x2  }
0x416: {  	v3 =	vld [tilespmem:$0x1F130];
	_ =	sdelay $0x4  }
0x417: {  	v11 =	vld.idx.msk [tilespmem:v6+s12+$0x0], $0xffff;
	v6 =	vadd.s32 v26, v0  }
0x418: {  	[tilespmem:$0x1F410] =	vst v6;
	v6 =	vadd.s32 v25, v0  }
0x419: {  	[tilespmem:$0x1F420] =	vst v6;
	v6 =	vld [tilespmem:$0x1F710]  }
0x41a: {  	v63 =	vld.idx.msk [tilespmem:v3+s12+$0x0], $0xffff;
	v3 =	vadd.s32 v21, v41  }
0x41b: {  	[tilespmem:$0x1F340] =	vst v3  }
0x41c: {  	[tilespmem:$0x1F310] =	vst v2  }
0x41d: {  	v2 =	vadd.s32 v47, v41;
	[tilespmem:$0x1F330] =	vst v4  }
0x41e: {  	v3 =	vld [tilespmem:$0x1F180];
	v4 =	vadd.s32 v54, v41;
	[tilespmem:$0x1F320] =	vst v2  }
0x41f: {  	v2 =	vld [tilespmem:$0x1F170];
	[tilespmem:$0x1F350] =	vst v4;
	v4 =	vadd.s32 v56, v41  }
0x420: {  	v57 =	vadd.s32 v14, v0;
	[tilespmem:$0x1F360] =	vst v4;
	v4 =	vld [tilespmem:$0x1F190]  }
0x421: {  	v5 =	vld [tilespmem:$0x1F1A0];
	[tilespmem:v6+s15+$0x0] =	vst.idx.msk $0xffff, v52;
	v6 =	vadd.s32 v12, v0;
	v0 =	vadd.s32 v16, v0  }
0x422: {  	[tilespmem:$0x1F450] =	vst v0;
	v0 =	vld [tilespmem:$0x1F510];
	_ =	sdelay $0x4  }
0x423: {  	v3 =	vld.idx.msk [tilespmem:v3+s12+$0x0], $0xffff  }
0x424: {  	v2 =	vld.idx.msk [tilespmem:v2+s12+$0x0], $0xffff  }
0x425: {  	v4 =	vld.idx.msk [tilespmem:v4+s12+$0x0], $0xffff  }
0x426: {  	v5 =	vld.idx.msk [tilespmem:v5+s12+$0x0], $0xffff;
	[tilespmem:v0+s15+$0x0] =	vst.idx.msk $0xffff, v63;
	v0 =	vadd.s32 v35, v41  }
0x427: {  	[tilespmem:$0x1F460] =	vst v0;
	v0 =	vadd.s32 v31, v41  }
0x428: {  	[tilespmem:$0x1F470] =	vst v0;
	v0 =	vld [tilespmem:$0x1F520];
	_ =	sdelay $0x6  }
0x429: {  	[tilespmem:$0x1F200] =	vst v1  }
0x42a: {  	[tilespmem:v0+s15+$0x0] =	vst.idx.msk $0xffff, v38;
	v0 =	vld [tilespmem:$0x1F200];
	_ =	sdelay $0x7  }
0x42b: {  	v50 =	vld.idx.msk [tilespmem:v0+s12+$0x0], $0xffff;
	v0 =	vadd.s32 v30, v41  }
0x42c: {  	[tilespmem:$0x1F480] =	vst v0;
	v0 =	vadd.s32 v28, v41  }
0x42d: {  	[tilespmem:$0x1F4A0] =	vst v0;
	v0 =	vld [tilespmem:$0x1F530];
	_ =	sdelay $0x7  }
0x42e: {  	[tilespmem:v0+s15+$0x0] =	vst.idx.msk $0xffff, v36;
	v0 =	vadd.s32 v26, v41  }
0x42f: {  	[tilespmem:$0x1F4B0] =	vst v0;
	v0 =	vadd.s32 v25, v41  }
0x430: {  	[tilespmem:$0x1F4D0] =	vst v0;
	v0 =	vld [tilespmem:$0x1F540];
	_ =	sdelay $0x7  }
0x431: {  	[tilespmem:v0+s15+$0x0] =	vst.idx.msk $0xffff, v24;
	v0 =	vadd.s32 v12, v41  }
0x432: {  	[tilespmem:$0x1F4F0] =	vst v0;
	v0 =	vadd.s32 v16, v41  }
0x433: {  	[tilespmem:$0x1F500] =	vst v0;
	v0 =	vld [tilespmem:$0x1F550];
	_ =	sdelay $0x7  }
0x434: {  	[tilespmem:v0+s15+$0x0] =	vst.idx.msk $0xffff, v2;
	v0 =	vld [tilespmem:$0x1F560];
	_ =	sdelay $0x7  }
0x435: {  	[tilespmem:v0+s15+$0x0] =	vst.idx.msk $0xffff, v3;
	v0 =	vld [tilespmem:$0x1F210]  }
0x436: {  	v7 =	vmov v62  }
0x437: {  	v29 =	vadd.s32 v33, v41;
	_ =	sdelay $0x3  }
0x438: {  	[tilespmem:v7+s15+$0x0] =	vst.idx.msk $0xffff, v9  }
0x439: {  	v37 =	vld.idx.msk [tilespmem:v29+s12+$0x0], $0xffff  }
0x43a: {  	v29 =	vld.idx.msk [tilespmem:v0+s12+$0x0], $0xffff  }
0x43b: {  	v0 =	vld [tilespmem:$0x1F570];
	_ =	sdelay $0x7  }
0x43c: {  	[tilespmem:v0+s15+$0x0] =	vst.idx.msk $0xffff, v4;
	v0 =	vld [tilespmem:$0x1F220];
	_ =	sdelay $0x1  }
0x43d: {  	v27 =	vadd.s32 v60, v41;
	_ =	sdelay $0x4  }
0x43e: {  	v23 =	vadd.s32 v54, v42;
	v58 =	vmov v54;
	v54 =	vld.idx.msk [tilespmem:v27+s12+$0x0], $0xffff  }
0x43f: {  	v27 =	vld.idx.msk [tilespmem:v0+s12+$0x0], $0xffff  }
0x440: {  	v0 =	vld [tilespmem:$0x1F590];
	_ =	sdelay $0x7  }
0x441: {  	[tilespmem:v0+s15+$0x0] =	vst.idx.msk $0xffff, v5;
	v0 =	vld [tilespmem:$0x1F230];
	_ =	sdelay $0x7  }
0x442: {  	v7 =	vld.idx.msk [tilespmem:v0+s12+$0x0], $0xffff  }
0x443: {  	v0 =	vld [tilespmem:$0x1F600];
	_ =	sdelay $0x4  }
0x444: {  	v1 =	vld [tilespmem:$0x1F690];
	[tilespmem:$0x1F440] =	vst v6;
	v6 =	vor.u32 v35, v0  }
0x445: {  	[tilespmem:$0x1F430] =	vst v6;
	v6 =	vld [tilespmem:$0x1F620];
	_ =	sdelay $0x3  }
0x446: {  	v2 =	vor.u32 v33, v1;
	_ =	sdelay $0x2  }
0x447: {  	v32 =	vld.idx.msk [tilespmem:v32+s12+$0x0], $0xffff  }
0x448: {  	v45 =	vmov v15;
	v15 =	vld.idx.msk [tilespmem:v57+s12+$0x0], $0xffff;
	[tilespmem:v6+s15+$0x0] =	vst.idx.msk $0xffff, v34  }
0x449: {  	[tilespmem:v2+s15+$0x0] =	vst.idx.msk $0xffff, v8;
	v8 =	vld [tilespmem:$0x1F240];
	_ =	sdelay $0x1  }
0x44a: {  	v18 =	vadd.s32 v14, v41;
	_ =	sdelay $0x4  }
0x44b: {  	v9 =	vld.idx.msk [tilespmem:v18+s12+$0x0], $0xffff  }
0x44c: {  	v18 =	vld.idx.msk [tilespmem:v8+s12+$0x0], $0xffff  }
0x44d: {  	v8 =	vld [tilespmem:$0x1F250];
	_ =	sdelay $0x1  }
0x44e: {  	v48 =	vmov v21;
	v21 =	vld [tilespmem:$0x1FE80]  }
0x44f: {  	v20 =	vld [tilespmem:$0x1FFB0]  }
0x450: {  	v57 =	vld.idx.msk [tilespmem:v39+s12+$0x0], $0xffff  }
0x451: {  	v39 =	vld [tilespmem:$0x1FE90];
	_ =	sdelay $0x2  }
0x452: {  	v24 =	vmov v33;
	v3 =	vor.u32 v20, v1;
	v33 =	vld.idx.msk [tilespmem:v8+s12+$0x0], $0xffff  }
0x453: {  	v4 =	vor.u32 v21, v1;
	v8 =	vld [tilespmem:$0x1F260]  }
0x454: {  	v5 =	vor.u32 v39, v1;
	_ =	sdelay $0x2  }
0x455: {  	v6 =	vld [tilespmem:$0x1FEA0];
	[tilespmem:v3+s15+$0x0] =	vst.idx.msk $0xffff, v13  }
0x456: {  	[tilespmem:v4+s15+$0x0] =	vst.idx.msk $0xffff, v10  }
0x457: {  	v17 =	vld [tilespmem:$0x1FEC0];
	[tilespmem:v5+s15+$0x0] =	vst.idx.msk $0xffff, v11;
	v11 =	vor.u32 v12, v0  }
0x458: {  	[tilespmem:$0x1F4C0] =	vst v11;
	v11 =	vld [tilespmem:$0x1F280]  }
0x459: {  	v10 =	vld.idx.msk [tilespmem:v8+s12+$0x0], $0xffff  }
0x45a: {  	v34 =	vor.u32 v6, v1;
	v8 =	vld [tilespmem:$0x1F270]  }
0x45b: {  	v36 =	vld.idx.msk [tilespmem:v40+s12+$0x0], $0xffff  }
0x45c: {  	v40 =	vld [tilespmem:$0x1F720];
	_ =	sdelay $0x1  }
0x45d: {  	v38 =	vld [tilespmem:$0x1FED0]  }
0x45e: {  	v2 =	vor.u32 v14, v1;
	[tilespmem:v34+s15+$0x0] =	vst.idx.msk $0xffff, v32;
	v34 =	vld.idx.msk [tilespmem:v19+s12+$0x0], $0xffff  }
0x45f: {  	v62 =	vmov v60;
	v3 =	vor.u32 v17, v1;
	v19 =	vld.idx.msk [tilespmem:v11+s12+$0x0], $0xffff;
	v11 =	vor.u32 v16, v0  }
0x460: {  	v4 =	vor.u32 v62, v40;
	[tilespmem:$0x1F4E0] =	vst v11;
	v11 =	vld [tilespmem:$0x1F290]  }
0x461: {  	v5 =	vor.u32 v24, v40;
	v13 =	vld.idx.msk [tilespmem:v8+s12+$0x0], $0xffff;
	v8 =	vor.u32 v25, v0  }
0x462: {  	v61 =	vmov s28;
	[tilespmem:$0x1F490] =	vst v8;
	v8 =	vor.u32 v20, v40  }
0x463: {  	s30 =	sadd.s32 $0x10, s28;
	v60 =	vadd.s32 v44, v41;
	v41 =	vshll.u32 v61, $0x7;
	[tilespmem:v2+s15+$0x0] =	vst.idx.msk $0xffff, v15;
	v2 =	vor.u32 v21, v40  }
0x464: {  	v63 =	vmov s30;
	v41 =	vor.u32 v38, v41;
	[tilespmem:v3+s15+$0x0] =	vst.idx.msk $0xffff, v50;
	v3 =	vor.u32 v39, v40  }
0x465: {  	v53 =	vshll.u32 v63, $0x7;
	v63 =	vor.u32 v31, v0;
	v52 =	vor.u32 v30, v0;
	[tilespmem:v4+s15+$0x0] =	vst.idx.msk $0xffff, v54  }
0x466: {  	v51 =	vor.u32 v28, v0;
	v61 =	vor.u32 v26, v0;
	[tilespmem:v5+s15+$0x0] =	vst.idx.msk $0xffff, v37  }
0x467: {  	v54 =	vor.u32 v45, v0;
	v37 =	vor.u32 v46, v0;
	[tilespmem:v8+s15+$0x0] =	vst.idx.msk $0xffff, v57  }
0x468: {  	v50 =	vor.u32 v44, v0;
	v32 =	vld.idx.msk [tilespmem:v11+s12+$0x0], $0xffff;
	v11 =	vor.u32 v55, v0;
	[tilespmem:v2+s15+$0x0] =	vst.idx.msk $0xffff, v29  }
0x469: {  	v57 =	vor.u32 v47, v0;
	[tilespmem:v3+s15+$0x0] =	vst.idx.msk $0xffff, v27;
	v3 =	vor.u32 v62, v41  }
0x46a: {  	v2 =	vor.u32 v48, v0;
	v29 =	vor.u32 v58, v0;
	[tilespmem:$0x1F510] =	vst v3;
	v3 =	vor.u32 v56, v0;
	v0 =	vld [tilespmem:$0x1F2B0];
	_ =	sdelay $0x7  }
0x46b: {  	v27 =	vld.idx.msk [tilespmem:v0+s12+$0x0], $0xffff;
	v0 =	vor.u32 v24, v41  }
0x46c: {  	[tilespmem:$0x1F520] =	vst v0;
	v0 =	vor.u32 v20, v41  }
0x46d: {  	[tilespmem:$0x1F530] =	vst v0;
	v0 =	vld [tilespmem:$0x1F2C0];
	_ =	sdelay $0x2  }
0x46e: {  	v4 =	vor.u32 v6, v40;
	_ =	sdelay $0x4  }
0x46f: {  	[tilespmem:v4+s15+$0x0] =	vst.idx.msk $0xffff, v7;
	v4 =	vld.idx.msk [tilespmem:v0+s12+$0x0], $0xffff;
	v0 =	vor.u32 v21, v41  }
0x470: {  	[tilespmem:$0x1F540] =	vst v0;
	v0 =	vor.u32 v39, v41  }
0x471: {  	[tilespmem:$0x1F550] =	vst v0;
	v0 =	vld [tilespmem:$0x1F2D0];
	_ =	sdelay $0x2  }
0x472: {  	v5 =	vor.u32 v14, v40;
	_ =	sdelay $0x4  }
0x473: {  	[tilespmem:v5+s15+$0x0] =	vst.idx.msk $0xffff, v9;
	v5 =	vld.idx.msk [tilespmem:v0+s12+$0x0], $0xffff;
	v0 =	vor.u32 v6, v41  }
0x474: {  	[tilespmem:$0x1F560] =	vst v0;
	v0 =	vor.u32 v14, v41  }
0x475: {  	[tilespmem:$0x1F570] =	vst v0;
	v0 =	vld [tilespmem:$0x1F2E0];
	_ =	sdelay $0x2  }
0x476: {  	v8 =	vor.u32 v17, v40;
	_ =	sdelay $0x3  }
0x477: {  	v9 =	vlaneseq.u32  }
0x478: {  	[tilespmem:v8+s15+$0x0] =	vst.idx.msk $0xffff, v18;
	v8 =	vld.idx.msk [tilespmem:v0+s12+$0x0], $0xffff;
	v0 =	vor.u32 v9, v41  }
0x479: {  	[tilespmem:$0x1F580] =	vst v0;
	v0 =	vor.u32 v17, v41  }
0x47a: {  	[tilespmem:$0x1F590] =	vst v0;
	v0 =	vld [tilespmem:$0x1F2F0];
	_ =	sdelay $0x3  }
0x47b: {  	v9 =	vld [tilespmem:$0x1FE20];
	_ =	sdelay $0x1  }
0x47c: {  	v23 =	vld.idx.msk [tilespmem:v23+s12+$0x0], $0xffff  }
0x47d: {  	v22 =	vld.idx.msk [tilespmem:v22+s12+$0x0], $0xffff  }
0x47e: {  	[tilespmem:v50+s15+$0x0] =	vst.idx.msk $0xffff, v36;
	v20 =	vld.idx.msk [tilespmem:v0+s12+$0x0], $0xffff  }
0x47f: {  	[tilespmem:v54+s15+$0x0] =	vst.idx.msk $0xffff, v33;
	v0 =	vor.u32 v9, v41;
	v9 =	vld [tilespmem:$0x1FE00]  }
0x480: {  	[tilespmem:v37+s15+$0x0] =	vst.idx.msk $0xffff, v10;
	v10 =	vld [tilespmem:$0x1FE30];
	_ =	sdelay $0x3  }
0x481: {  	[tilespmem:$0x1F5A0] =	vst v0;
	v0 =	vor.u32 v9, v41  }
0x482: {  	[tilespmem:$0x1F5B0] =	vst v0;
	v0 =	vor.u32 v10, v41  }
0x483: {  	[tilespmem:$0x1F5C0] =	vst v0;
	v0 =	vld [tilespmem:$0x1F300]  }
0x484: {  	v6 =	vld [tilespmem:$0x1F310];
	_ =	sdelay $0x2  }
0x485: {  	[tilespmem:v57+s15+$0x0] =	vst.idx.msk $0xffff, v13;
	v13 =	vld [tilespmem:$0x1FE40];
	_ =	sdelay $0x3  }
0x486: {  	v10 =	vld.idx.msk [tilespmem:v0+s12+$0x0], $0xffff  }
0x487: {  	v0 =	vor.u32 v13, v41;
	v13 =	vld.idx.msk [tilespmem:v6+s12+$0x0], $0xffff  }
0x488: {  	v6 =	vld [tilespmem:$0x1F320];
	_ =	sdelay $0x2  }
0x489: {  	v14 =	vld [tilespmem:$0x1FE50];
	_ =	sdelay $0x4  }
0x48a: {  	[tilespmem:v11+s15+$0x0] =	vst.idx.msk $0xffff, v34;
	v11 =	vor.u32 v14, v41;
	v14 =	vld.idx.msk [tilespmem:v6+s12+$0x0], $0xffff  }
0x48b: {  	v6 =	vld [tilespmem:$0x1F330];
	_ =	sdelay $0x7  }
0x48c: {  	[tilespmem:v2+s15+$0x0] =	vst.idx.msk $0xffff, v19;
	v19 =	vld.idx.msk [tilespmem:v6+s12+$0x0], $0xffff  }
0x48d: {  	v6 =	vld [tilespmem:$0x1F340];
	_ =	sdelay $0x6  }
0x48e: {  	[tilespmem:v29+s15+$0x0] =	vst.idx.msk $0xffff, v23  }
0x48f: {  	[tilespmem:v3+s15+$0x0] =	vst.idx.msk $0xffff, v22;
	v22 =	vld.idx.msk [tilespmem:v6+s12+$0x0], $0xffff  }
0x490: {  	v6 =	vld [tilespmem:$0x1F350];
	_ =	sdelay $0x5  }
0x491: {  	v15 =	vld [tilespmem:$0x1F2A0]  }
0x492: {  	v9 =	vld.idx.msk [tilespmem:v60+s12+$0x0], $0xffff  }
0x493: {  	v60 =	vld.idx.msk [tilespmem:v6+s12+$0x0], $0xffff  }
0x494: {  	v6 =	vld [tilespmem:$0x1F360]  }
0x495: {  	v50 =	vld [tilespmem:$0x1FE60]  }
0x496: {  	v57 =	vld [tilespmem:$0x1FE70];
	_ =	sdelay $0x3  }
0x497: {  	[tilespmem:$0x1F5E0] =	vst v11;
	v11 =	vor.u32 v50, v41  }
0x498: {  	[tilespmem:$0x1F5F0] =	vst v11;
	v11 =	vor.u32 v57, v41  }
0x499: {  	[tilespmem:$0x1F610] =	vst v11;
	v11 =	vld.idx.msk [tilespmem:v6+s12+$0x0], $0xffff  }
0x49a: {  	v7 =	vor.u32 v44, v1;
	v6 =	vld [tilespmem:$0x1F370]  }
0x49b: {  	v15 =	vld.idx.msk [tilespmem:v15+s12+$0x0], $0xffff;
	[tilespmem:$0x1F5D0] =	vst v0;
	v0 =	vor.u32 v45, v1  }
0x49c: {  	v49 =	vld.idx.msk [tilespmem:v49+s12+$0x0], $0xffff;
	v2 =	vor.u32 v46, v1  }
0x49d: {  	v54 =	vor.u32 v47, v1  }
0x49e: {  	v3 =	vor.u32 v55, v1  }
0x49f: {  	[tilespmem:v7+s15+$0x0] =	vst.idx.msk $0xffff, v32;
	v7 =	vor.u32 v48, v1  }
0x4a0: {  	[tilespmem:v0+s15+$0x0] =	vst.idx.msk $0xffff, v15;
	v0 =	vor.u32 v58, v1  }
0x4a1: {  	v18 =	vor.u32 v31, v1;
	v50 =	vor.u32 v25, v1;
	[tilespmem:v2+s15+$0x0] =	vst.idx.msk $0xffff, v49  }
0x4a2: {  	v17 =	vor.u32 v35, v1;
	v2 =	vor.u32 v56, v1;
	[tilespmem:v54+s15+$0x0] =	vst.idx.msk $0xffff, v27;
	v33 =	vld.idx.msk [tilespmem:v6+s12+$0x0], $0xffff  }
0x4a3: {  	v54 =	vor.u32 v12, v1;
	[tilespmem:v3+s15+$0x0] =	vst.idx.msk $0xffff, v4;
	v4 =	vor.u32 v30, v1;
	v6 =	vld [tilespmem:$0x1F380]  }
0x4a4: {  	v3 =	vor.u32 v45, v40;
	v45 =	vor.u32 v16, v1;
	[tilespmem:v7+s15+$0x0] =	vst.idx.msk $0xffff, v5  }
0x4a5: {  	v5 =	vor.u32 v28, v1;
	[tilespmem:v0+s15+$0x0] =	vst.idx.msk $0xffff, v8;
	v0 =	vor.u32 v26, v1;
	v1 =	vld [tilespmem:$0x1F3D0];
	_ =	sdelay $0x4  }
0x4a6: {  	s31 =	sadd.s32 $0x20, s28  }
0x4a7: {  	v43 =	vadd.s32 v30, v42;
	v59 =	vadd.s32 v26, v42;
	v42 =	vmov s31;
	v34 =	vld.idx.msk [tilespmem:v6+s12+$0x0], $0xffff  }
0x4a8: {  	v42 =	vshll.u32 v42, $0x7;
	[tilespmem:v2+s15+$0x0] =	vst.idx.msk $0xffff, v20;
	v6 =	vld [tilespmem:$0x1F390]  }
0x4a9: {  	v29 =	vor.u32 v38, v42;
	v42 =	vld.idx.msk [tilespmem:v1+s12+$0x0], $0xffff  }
0x4aa: {  	v1 =	vld [tilespmem:$0x1F3E0];
	_ =	sdelay $0x5  }
0x4ab: {  	v32 =	vld.idx.msk [tilespmem:v6+s12+$0x0], $0xffff  }
0x4ac: {  	v6 =	vld [tilespmem:$0x1F3A0]  }
0x4ad: {  	v57 =	vld.idx.msk [tilespmem:v1+s12+$0x0], $0xffff  }
0x4ae: {  	v1 =	vld [tilespmem:$0x1F3F0];
	_ =	sdelay $0x5  }
0x4af: {  	v24 =	vld.idx.msk [tilespmem:v6+s12+$0x0], $0xffff  }
0x4b0: {  	v6 =	vld [tilespmem:$0x1F3B0]  }
0x4b1: {  	v15 =	vor.u32 v44, v40;
	v44 =	vld.idx.msk [tilespmem:v1+s12+$0x0], $0xffff  }
0x4b2: {  	v1 =	vld [tilespmem:$0x1F400]  }
0x4b3: {  	v7 =	vor.u32 v46, v40  }
0x4b4: {  	v8 =	vor.u32 v47, v40  }
0x4b5: {  	v2 =	vor.u32 v55, v40  }
0x4b6: {  	[tilespmem:v15+s15+$0x0] =	vst.idx.msk $0xffff, v9  }
0x4b7: {  	[tilespmem:v3+s15+$0x0] =	vst.idx.msk $0xffff, v10  }
0x4b8: {  	v23 =	vor.u32 v38, v53;
	[tilespmem:v7+s15+$0x0] =	vst.idx.msk $0xffff, v13;
	v53 =	vld.idx.msk [tilespmem:v6+s12+$0x0], $0xffff;
	v6 =	vor.u32 v48, v40  }
0x4b9: {  	v10 =	vor.u32 v58, v40;
	[tilespmem:v8+s15+$0x0] =	vst.idx.msk $0xffff, v14  }
0x4ba: {  	[tilespmem:v2+s15+$0x0] =	vst.idx.msk $0xffff, v19;
	v2 =	vld.idx.msk [tilespmem:v1+s12+$0x0], $0xffff;
	v1 =	vor.u32 v62, v23  }
0x4bb: {  	[tilespmem:$0x1F620] =	vst v1;
	v1 =	vld [tilespmem:$0x1F410];
	_ =	sdelay $0x1  }
0x4bc: {  	[tilespmem:v6+s15+$0x0] =	vst.idx.msk $0xffff, v22  }
0x4bd: {  	[tilespmem:v10+s15+$0x0] =	vst.idx.msk $0xffff, v60;
	v10 =	vld [tilespmem:$0x1FE20];
	_ =	sdelay $0x4  }
0x4be: {  	v7 =	vor.u32 v56, v40;
	v19 =	vld.idx.msk [tilespmem:v1+s12+$0x0], $0xffff;
	v1 =	vor.u32 v10, v23  }
0x4bf: {  	[tilespmem:$0x1F630] =	vst v1;
	v1 =	vld [tilespmem:$0x1F420];
	_ =	sdelay $0x3  }
0x4c0: {  	[tilespmem:v7+s15+$0x0] =	vst.idx.msk $0xffff, v11;
	v7 =	vld [tilespmem:$0x1FE00];
	_ =	sdelay $0x3  }
0x4c1: {  	v10 =	vld.idx.msk [tilespmem:v1+s12+$0x0], $0xffff  }
0x4c2: {  	v1 =	vor.u32 v7, v23;
	v7 =	vld [tilespmem:$0x1FE30];
	_ =	sdelay $0x4  }
0x4c3: {  	v9 =	vld [tilespmem:$0x1F3C0];
	[tilespmem:$0x1F640] =	vst v1;
	v1 =	vor.u32 v7, v23  }
0x4c4: {  	[tilespmem:$0x1F650] =	vst v1;
	v1 =	vld [tilespmem:$0x1F430];
	_ =	sdelay $0x4  }
0x4c5: {  	v21 =	vld.idx.msk [tilespmem:v43+s12+$0x0], $0xffff  }
0x4c6: {  	v43 =	vld.idx.msk [tilespmem:v59+s12+$0x0], $0xffff  }
0x4c7: {  	v55 =	vld.idx.msk [tilespmem:v9+s12+$0x0], $0xffff  }
0x4c8: {  	[tilespmem:v1+s15+$0x0] =	vst.idx.msk $0xffff, v33;
	v1 =	vld [tilespmem:$0x1F440];
	_ =	sdelay $0x3  }
0x4c9: {  	v7 =	vld [tilespmem:$0x1FE40];
	_ =	sdelay $0x3  }
0x4ca: {  	v11 =	vld.idx.msk [tilespmem:v1+s12+$0x0], $0xffff  }
0x4cb: {  	v1 =	vor.u32 v7, v23;
	v7 =	vld [tilespmem:$0x1FE50];
	_ =	sdelay $0x4  }
0x4cc: {  	[tilespmem:$0x1F660] =	vst v1;
	v1 =	vor.u32 v7, v23  }
0x4cd: {  	[tilespmem:$0x1F670] =	vst v1;
	v1 =	vld [tilespmem:$0x1F450];
	_ =	sdelay $0x3  }
0x4ce: {  	v7 =	vld [tilespmem:$0x1FE60];
	_ =	sdelay $0x3  }
0x4cf: {  	v3 =	vor.u32 v12, v40;
	v12 =	vld.idx.msk [tilespmem:v1+s12+$0x0], $0xffff  }
0x4d0: {  	v1 =	vor.u32 v7, v23;
	v7 =	vld [tilespmem:$0x1FE70];
	_ =	sdelay $0x2  }
0x4d1: {  	v36 =	vld [tilespmem:$0x1FE40]  }
0x4d2: {  	v6 =	vor.u32 v16, v40;
	v16 =	vld [tilespmem:$0x1F4B0]  }
0x4d3: {  	v39 =	vld [tilespmem:$0x1FE50];
	[tilespmem:$0x1F680] =	vst v1;
	v1 =	vor.u32 v7, v23  }
0x4d4: {  	[tilespmem:$0x1F6A0] =	vst v1;
	v1 =	vld [tilespmem:$0x1F460];
	_ =	sdelay $0x2  }
0x4d5: {  	[tilespmem:v63+s15+$0x0] =	vst.idx.msk $0xffff, v34;
	v7 =	vor.u32 v36, v29  }
0x4d6: {  	v63 =	vld [tilespmem:$0x1FE20];
	[tilespmem:$0x1F6F0] =	vst v7;
	v7 =	vor.u32 v39, v29  }
0x4d7: {  	[tilespmem:$0x1F700] =	vst v7;
	v7 =	vld [tilespmem:$0x1F490]  }
0x4d8: {  	v14 =	vor.u32 v28, v40;
	v28 =	vld.idx.msk [tilespmem:v16+s12+$0x0], $0xffff;
	v16 =	vmov v23  }
0x4d9: {  	v59 =	vlaneseq.u32;
	[tilespmem:$0x1F690] =	vst v16  }
0x4da: {  	[tilespmem:v52+s15+$0x0] =	vst.idx.msk $0xffff, v21;
	v22 =	vld.idx.msk [tilespmem:v1+s12+$0x0], $0xffff;
	v1 =	vor.u32 v59, v29  }
0x4db: {  	v16 =	vld [tilespmem:$0x1F4C0];
	[tilespmem:$0x1F6B0] =	vst v1;
	v1 =	vor.u32 v63, v29  }
0x4dc: {  	[tilespmem:$0x1F6C0] =	vst v1;
	v1 =	vld [tilespmem:$0x1F470]  }
0x4dd: {  	[tilespmem:v51+s15+$0x0] =	vst.idx.msk $0xffff, v32  }
0x4de: {  	[tilespmem:v61+s15+$0x0] =	vst.idx.msk $0xffff, v43  }
0x4df: {  	[tilespmem:v7+s15+$0x0] =	vst.idx.msk $0xffff, v24;
	v7 =	vld [tilespmem:$0x1F4A0]  }
0x4e0: {  	v52 =	vld [tilespmem:$0x1F4E0];
	_ =	sdelay $0x1  }
0x4e1: {  	s1 =	sadd.s32 s28, s21;
	v58 =	vor.u32 v35, v40;
	v35 =	vld [tilespmem:$0x1FE30]  }
0x4e2: {  	s30 =	sadd.s32 $0x150, s1;
	[tilespmem:v16+s15+$0x0] =	vst.idx.msk $0xffff, v53;
	v16 =	vld [tilespmem:$0x1F4D0]  }
0x4e3: {  	s3 =	sadd.s32 $0x140, s1;
	s31 =	sadd.s32 $0x170, s1;
	s1 =	sadd.s32 $0x160, s1;
	v27 =	vor.u32 s30, v59;
	v20 =	vld.idx.msk [tilespmem:v1+s12+$0x0], $0xffff  }
0x4e4: {  	v38 =	vor.u32 s1, v59;
	v47 =	vmul.u32 $0x147B, v27;
	v15 =	vor.u32 v31, v40;
	v1 =	vld [tilespmem:$0x1FE00]  }
0x4e5: {  	v13 =	vor.u32 v26, v40;
	v26 =	vor.u32 s3, v59;
	v48 =	vmul.u32 $0x147B, v38;
	v51 =	vld [tilespmem:$0x1FE60];
	[tilespmem:v17+s15+$0x0] =	vst.idx.msk $0xffff, v42  }
0x4e6: {  	v8 =	vor.u32 v30, v40;
	v37 =	vmul.u32 $0x147B, v26;
	[tilespmem:v18+s15+$0x0] =	vst.idx.msk $0xffff, v57;
	v21 =	vld.idx.msk [tilespmem:v7+s12+$0x0], $0xffff;
	v7 =	vor.u32 s31, v59  }
0x4e7: {  	v9 =	vor.u32 v25, v40;
	v42 =	vshra.s32 v48, $0x14;
	[tilespmem:v52+s15+$0x0] =	vst.idx.msk $0xffff, v55;
	v55 =	vld [tilespmem:$0x1FE70];
	v46 =	vmul.u32 $0x147B, v7  }
0x4e8: {  	v40 =	vor.u32 v59, v23;
	v34 =	vmovc v41;
	v41 =	vshra.s32 v37, $0x14;
	v61 =	vmul.u32 $0xFFFFFF38, v42;
	[tilespmem:v4+s15+$0x0] =	vst.idx.msk $0xffff, v44  }
0x4e9: {  	v43 =	vshra.s32 v47, $0x14;
	[tilespmem:v5+s15+$0x0] =	vst.idx.msk $0xffff, v2;
	v23 =	vshra.s32 v46, $0x14;
	v1 =	vor.u32 v1, v29  }
0x4ea: {  	v38 =	vadd.s32 v38, v61;
	v24 =	vld.idx.msk [tilespmem:v16+s12+$0x0], $0xffff;
	v56 =	vmul.u32 $0xFFFFFF38, v23;
	[tilespmem:$0x1F6D0] =	vst v1;
	v1 =	vor.u32 v35, v29  }
0x4eb: {  	v60 =	vmul.u32 $0xFFFFFF38, v43;
	v57 =	vshll.u32 v42, $0x8;
	v47 =	vadd.s32 $0x1, v38;
	v16 =	vmovc v29;
	[tilespmem:$0x1F6E0] =	vst v1;
	v1 =	vld [tilespmem:$0x1F480]  }
0x4ec: {  	[tilespmem:$0x1F600] =	vst v34;
	v49 =	vor.u32 v51, v16;
	v62 =	vor.u32 v55, v16;
	v4 =	vadd.s32 v7, v56  }
0x4ed: {  	[tilespmem:v0+s15+$0x0] =	vst.idx.msk $0xffff, v19;
	v53 =	vld [tilespmem:$0x1F4F0];
	v7 =	vshll.u32 v23, $0x8;
	v5 =	vshll.u32 v4, $0x3;
	v37 =	vadd.s32 $0x1, v4  }
0x4ee: {  	[tilespmem:$0x1F720] =	vst v16;
	v16 =	vld [tilespmem:$0x1F500];
	v0 =	vand.u32 $0xFFFFF800, v7;
	v7 =	vand.u32 $0xFFFFFC00, v5;
	v5 =	vshll.u32 v37, $0x3  }
0x4ef: {  	v44 =	vand.u32 $0x7F, v38;
	[tilespmem:v50+s15+$0x0] =	vst.idx.msk $0xffff, v10;
	v34 =	vshll.u32 v23, $0x7;
	v5 =	vand.u32 $0xFFFFFC00, v5  }
0x4f0: {  	[tilespmem:v54+s15+$0x0] =	vst.idx.msk $0xffff, v11;
	v11 =	vand.u32 $0x7F, v37;
	v10 =	vadd.s32 v0, v7;
	v0 =	vadd.s32 v0, v5  }
0x4f1: {  	v59 =	vmul.u32 $0xFFFFFF38, v41;
	v2 =	vand.u32 $0x380, v34;
	v0 =	vor.u32 v11, v0  }
0x4f2: {  	v4 =	vand.u32 $0x7F, v4;
	v10 =	vor.u32 v2, v10;
	v0 =	vor.u32 v2, v0  }
0x4f3: {  	v54 =	vshll.u32 v38, $0x3;
	v52 =	vshll.u32 v47, $0x3;
	v10 =	vor.u32 v4, v10;
	v1 =	vld.idx.msk [tilespmem:v1+s12+$0x0], $0xffff  }
0x4f4: {  	[tilespmem:v45+s15+$0x0] =	vst.idx.msk $0xffff, v12;
	v56 =	vshll.u32 v43, $0x8;
	v5 =	vadd.s32 v26, v59;
	v11 =	vadd.s32 v27, v60  }
0x4f5: {  	v25 =	vld.idx.msk [tilespmem:v53+s12+$0x0], $0xffff;
	[tilespmem:$0x1F710] =	vst v49;
	v59 =	vshll.u32 v42, $0x7;
	v12 =	vadd.s32 $0x1, v5;
	v46 =	vadd.s32 $0x1, v11  }
0x4f6: {  	v17 =	vld.idx.msk [tilespmem:v16+s12+$0x0], $0xffff;
	v16 =	vshll.u32 v12, $0x3;
	v53 =	vshll.u32 v11, $0x3;
	v12 =	vand.u32 $0x7F, v12;
	[tilespmem:v58+s15+$0x0] =	vst.idx.msk $0xffff, v22  }
0x4f7: {  	v50 =	vshll.u32 v46, $0x3;
	v48 =	vand.u32 $0xFFFFFC00, v53;
	v19 =	vand.u32 $0x7F, v46;
	[tilespmem:v15+s15+$0x0] =	vst.idx.msk $0xffff, v20;
	v58 =	vld.idx.msk [tilespmem:v0+s2+$0x0], $0xffff  }
0x4f8: {  	v46 =	vand.u32 $0x7F, v11;
	v15 =	vshll.u32 v5, $0x3;
	v0 =	vand.u32 $0xFFFFFC00, v54;
	[tilespmem:v8+s15+$0x0] =	vst.idx.msk $0xffff, v1;
	v8 =	vld.idx.msk [tilespmem:v10+s2+$0x0], $0xffff  }
0x4f9: {  	v5 =	vand.u32 $0x7F, v5;
	v49 =	vand.u32 $0xFFFFFC00, v15;
	v1 =	vshll.u32 v41, $0x8;
	[tilespmem:v14+s15+$0x0] =	vst.idx.msk $0xffff, v21  }
0x4fa: {  	v15 =	vshll.u32 v43, $0x7;
	v10 =	vand.u32 $0xFFFFFC00, v16;
	v1 =	vand.u32 $0xFFFFF800, v1;
	[tilespmem:v13+s15+$0x0] =	vst.idx.msk $0xffff, v28  }
0x4fb: {  	v16 =	vand.u32 $0xFFFFFC00, v52;
	v13 =	vand.u32 $0xFFFFF800, v57;
	v10 =	vadd.s32 v1, v10;
	[tilespmem:v9+s15+$0x0] =	vst.idx.msk $0xffff, v24  }
0x4fc: {  	v14 =	vand.u32 $0xFFFFFC00, v50;
	v1 =	vadd.s32 v1, v49;
	v16 =	vadd.s32 v13, v16;
	[tilespmem:v3+s15+$0x0] =	vst.idx.msk $0xffff, v25  }
0x4fd: {  	v9 =	vand.u32 $0xFFFFF800, v56;
	[tilespmem:v6+s15+$0x0] =	vst.idx.msk $0xffff, v17;
	v17 =	vadd.s32 v13, v0;
	v13 =	vsub.f32 v58, v8  }
0x4fe: {  	v11 =	vld [tilespmem:$0x1F730];
	v60 =	vor.u32 v12, v10;
	v3 =	vshll.u32 v41, $0x7;
	v14 =	vadd.s32 v9, v14  }
0x4ff: {  	p0 =	slt.u32 s28, $0x100;
	v9 =	vadd.s32 v9, v48;
	v6 =	vand.u32 $0x380, v3;
	v61 =	vmul.f32 $6.399999980e-05, v13  }
.Ltmp1:
0x500: {  	v3 =	vand.u32 $0x380, v15;
	v15 =	vand.u32 $0x7F, v47;
	v47 =	vand.u32 $0x380, v59;
	(pc) =	sbr.rel @p0 .LBB2_5-.Ltmp1, $4  }
0x501: {  	v19 =	vor.u32 v19, v14;
	v13 =	vor.u32 v6, v1;
	v1 =	vtrunc.f32 v61  }
0x502: {  	v10 =	vor.u32 v15, v16;
	v12 =	vor.u32 v3, v9;
	v1 =	vcvt.f32.s32 v1  }
0x503: {  	v9 =	vor.u32 v47, v17;
	v14 =	vor.u32 v6, v60;
	v15 =	vsub.s32 v23, v11  }
0x504: {  	s29 =	smov.u32 s28;
	s28 =	sadd.s32 $0x40, s28;
	v11 =	vor.u32 v3, v19;
	v15 =	vshll.u32 v15, $0x8;
	vm0 =	vgt.s32 v1, $0x0  }
0x505: {  	v15 =	vand.u32 $0xFFFFF800, v15  }
0x506: {  	v7 =	vadd.s32 v15, v7  }
0x507: {  	v7 =	vor.u32 v2, v7  }
0x508: {  	v37 =	vor.u32 v4, v7  }
0x509: {  	v1 =	vnsel vm0, $0x0, v1  }
0x50a: {  	v1 =	vmin.u32 v1, $0x3F  }
0x50b: {  	v2 =	vmul.u32 $0x21, v1  }
0x50c: {  	v58 =	vlaneseq.u32;
	v57 =	vld [tilespmem:$0x1FE00]  }
0x50d: {  	v38 =	vadd.s32 v58, v2;
	[tilespmem:v37+s13+$0x0] =	vst.idx.msk $0xffff, v8  }
0x50e: {  	v45 =	vadd.s32 v63, v2;
	v29 =	vld [tilespmem:$0x1FED0]  }
0x50f: {  	v16 =	vadd.s32 v35, v2  }
0x510: {  	s1 =	sadd.s32 $0x30, s29;
	v52 =	vadd.s32 v36, v2  }
0x511: {  	v53 =	vmov s1;
	v50 =	vadd.s32 v57, v2  }
0x512: {  	v1 =	vshll.u32 v53, $0x7;
	v17 =	vadd.s32 v39, v2;
	v4 =	vld.idx.msk [tilespmem:v38+s12+$0x0], $0xffff  }
0x513: {  	v18 =	vadd.s32 v51, v2;
	v7 =	vld.idx.msk [tilespmem:v45+s12+$0x0], $0xffff;
	v1 =	vor.u32 v29, v1  }
0x514: {  	v19 =	vadd.s32 v55, v2;
	v16 =	vld.idx.msk [tilespmem:v16+s12+$0x0], $0xffff;
	v20 =	vor.u32 v58, v1  }
0x515: {  	v8 =	vld.idx.msk [tilespmem:v52+s12+$0x0], $0xffff;
	v21 =	vor.u32 v63, v1  }
0x516: {  	v15 =	vld.idx.msk [tilespmem:v50+s12+$0x0], $0xffff;
	v22 =	vor.u32 v57, v1  }
0x517: {  	v17 =	vld.idx.msk [tilespmem:v17+s12+$0x0], $0xffff;
	v23 =	vor.u32 v35, v1  }
0x518: {  	v18 =	vld.idx.msk [tilespmem:v18+s12+$0x0], $0xffff;
	v24 =	vor.u32 v36, v1  }
0x519: {  	v19 =	vld.idx.msk [tilespmem:v19+s12+$0x0], $0xffff;
	v54 =	vor.u32 v39, v1;
	[tilespmem:v20+s15+$0x0] =	vst.idx.msk $0xffff, v4  }
0x51a: {  	v60 =	vor.u32 v51, v1;
	[tilespmem:v21+s15+$0x0] =	vst.idx.msk $0xffff, v7  }
0x51b: {  	v61 =	vor.u32 v55, v1;
	[tilespmem:v22+s15+$0x0] =	vst.idx.msk $0xffff, v15  }
0x51c: {  	[tilespmem:v23+s15+$0x0] =	vst.idx.msk $0xffff, v16  }
0x51d: {  	v59 =	vld [tilespmem:$0x1FE10];
	[tilespmem:v24+s15+$0x0] =	vst.idx.msk $0xffff, v8  }
0x51e: {  	v30 =	vld [tilespmem:$0x1FFA0];
	[tilespmem:v54+s15+$0x0] =	vst.idx.msk $0xffff, v17  }
0x51f: {  	v53 =	vld [tilespmem:$0x1FFB0];
	[tilespmem:v60+s15+$0x0] =	vst.idx.msk $0xffff, v18  }
0x520: {  	v24 =	vld [tilespmem:$0x1FE80];
	[tilespmem:v61+s15+$0x0] =	vst.idx.msk $0xffff, v19  }
0x521: {  	v25 =	vld [tilespmem:$0x1FE90]  }
0x522: {  	v26 =	vld [tilespmem:$0x1FEA0];
	v16 =	vadd.s32 v59, v2  }
0x523: {  	v27 =	vld [tilespmem:$0x1FEB0];
	v31 =	vadd.s32 v30, v2  }
0x524: {  	v28 =	vld [tilespmem:$0x1FEC0];
	v32 =	vadd.s32 v53, v2  }
0x525: {  	v33 =	vadd.s32 v24, v2  }
0x526: {  	v34 =	vadd.s32 v25, v2  }
0x527: {  	v17 =	vadd.s32 v26, v2;
	v16 =	vld.idx.msk [tilespmem:v16+s12+$0x0], $0xffff  }
0x528: {  	v18 =	vadd.s32 v27, v2;
	v8 =	vld.idx.msk [tilespmem:v31+s12+$0x0], $0xffff  }
0x529: {  	v20 =	vor.u32 v59, v1;
	v19 =	vadd.s32 v28, v2;
	v4 =	vld.idx.msk [tilespmem:v32+s12+$0x0], $0xffff  }
0x52a: {  	v21 =	vor.u32 v30, v1;
	v7 =	vld.idx.msk [tilespmem:v33+s12+$0x0], $0xffff  }
0x52b: {  	v22 =	vor.u32 v53, v1;
	v15 =	vld.idx.msk [tilespmem:v34+s12+$0x0], $0xffff  }
0x52c: {  	v17 =	vld.idx.msk [tilespmem:v17+s12+$0x0], $0xffff  }
0x52d: {  	v18 =	vld.idx.msk [tilespmem:v18+s12+$0x0], $0xffff  }
0x52e: {  	v19 =	vld.idx.msk [tilespmem:v19+s12+$0x0], $0xffff;
	[tilespmem:v20+s15+$0x0] =	vst.idx.msk $0xffff, v16  }
0x52f: {  	v23 =	vor.u32 v24, v1;
	[tilespmem:v21+s15+$0x0] =	vst.idx.msk $0xffff, v8  }
0x530: {  	v16 =	vor.u32 v25, v1;
	[tilespmem:v22+s15+$0x0] =	vst.idx.msk $0xffff, v4  }
0x531: {  	v13 =	vor.u32 v5, v13;
	v37 =	vor.u32 v26, v1;
	v21 =	vld [tilespmem:$0x1F730];
	_ =	sdelay $0x2  }
0x532: {  	[tilespmem:v23+s15+$0x0] =	vst.idx.msk $0xffff, v7  }
0x533: {  	v14 =	vld.idx.msk [tilespmem:v14+s2+$0x0], $0xffff;
	[tilespmem:v16+s15+$0x0] =	vst.idx.msk $0xffff, v15  }
0x534: {  	v13 =	vld.idx.msk [tilespmem:v13+s2+$0x0], $0xffff;
	[tilespmem:v37+s15+$0x0] =	vst.idx.msk $0xffff, v17;
	v60 =	vsub.s32 v41, v21  }
0x535: {  	v50 =	vld [tilespmem:$0x1FF70];
	v20 =	vsub.s32 v43, v21;
	v61 =	vsub.s32 v42, v21;
	v21 =	vor.u32 v27, v1  }
0x536: {  	v16 =	vor.u32 v28, v1;
	_ =	sdelay $0x1  }
0x537: {  	v45 =	vor.u32 v46, v12;
	v12 =	vshll.u32 v60, $0x8  }
0x538: {  	v14 =	vsub.f32 v14, v13;
	v54 =	vld [tilespmem:$0x1FFE0];
	v32 =	vand.u32 $0xFFFFF800, v12  }
0x539: {  	v31 =	vshll.u32 v20, $0x8;
	v8 =	vadd.s32 v32, v49;
	v49 =	vld [tilespmem:$0x1FFC0];
	v34 =	vadd.s32 v50, v2;
	[tilespmem:v21+s15+$0x0] =	vst.idx.msk $0xffff, v18  }
0x53a: {  	v33 =	vand.u32 $0xFFFFF800, v31;
	v37 =	vld [tilespmem:$0x1FFF0];
	[tilespmem:v16+s15+$0x0] =	vst.idx.msk $0xffff, v19  }
0x53b: {  	v14 =	vmul.f32 $6.399999980e-05, v14;
	v12 =	vadd.s32 v33, v48;
	v48 =	vld [tilespmem:$0x1FFD0]  }
0x53c: {  	v38 =	vor.u32 v47, v10;
	v31 =	vld [tilespmem:$0x1FF00]  }
0x53d: {  	v14 =	vtrunc.f32 v14;
	v41 =	vld [tilespmem:$0x1FF20]  }
0x53e: {  	v14 =	vcvt.f32.s32 v14;
	v20 =	vadd.s32 v54, v2;
	v56 =	vld.idx.msk [tilespmem:v34+s12+$0x0], $0xffff  }
0x53f: {  	v17 =	vadd.s32 v49, v2;
	v34 =	vld [tilespmem:$0x1FF10]  }
0x540: {  	v11 =	vld.idx.msk [tilespmem:v11+s2+$0x0], $0xffff;
	vm13 =	vgt.s32 v14, $0x0;
	v6 =	vor.u32 v6, v8;
	v8 =	vadd.s32 v37, v2  }
0x541: {  	v4 =	vld.idx.msk [tilespmem:v38+s2+$0x0], $0xffff;
	v3 =	vor.u32 v3, v12;
	v38 =	vor.u32 v5, v6;
	v12 =	vadd.s32 v48, v2  }
0x542: {  	v10 =	vld.idx.msk [tilespmem:v45+s2+$0x0], $0xffff;
	v52 =	vnsel vm13, $0x0, v14;
	v7 =	vshll.u32 v61, $0x8;
	v60 =	vadd.s32 v31, v2  }
0x543: {  	v6 =	vmin.u32 v52, $0x3F;
	v3 =	vor.u32 v46, v3;
	v61 =	vld.idx.msk [tilespmem:v20+s12+$0x0], $0xffff;
	v18 =	vadd.s32 v41, v2  }
0x544: {  	v45 =	vmul.u32 $0x21, v6;
	v19 =	vor.u32 v50, v1;
	v16 =	vld.idx.msk [tilespmem:v17+s12+$0x0], $0xffff;
	v17 =	vadd.s32 v34, v2  }
0x545: {  	v9 =	vor.u32 v44, v9;
	v20 =	vor.u32 v49, v1;
	v8 =	vld.idx.msk [tilespmem:v8+s12+$0x0], $0xffff  }
0x546: {  	v43 =	vadd.s32 v35, v45;
	[tilespmem:v38+s13+$0x0] =	vst.idx.msk $0xffff, v13;
	v38 =	vor.u32 v54, v1;
	v12 =	vld.idx.msk [tilespmem:v12+s12+$0x0], $0xffff  }
0x547: {  	v21 =	vadd.s32 v57, v45;
	v42 =	vor.u32 v37, v1;
	v15 =	vld.idx.msk [tilespmem:v60+s12+$0x0], $0xffff  }
0x548: {  	v7 =	vand.u32 $0xFFFFF800, v7;
	[tilespmem:v3+s13+$0x0] =	vst.idx.msk $0xffff, v10;
	v18 =	vld.idx.msk [tilespmem:v18+s12+$0x0], $0xffff  }
0x549: {  	v46 =	vadd.s32 v36, v45;
	v17 =	vld.idx.msk [tilespmem:v17+s12+$0x0], $0xffff;
	[tilespmem:v19+s15+$0x0] =	vst.idx.msk $0xffff, v56;
	v19 =	vor.u32 v48, v1  }
0x54a: {  	v9 =	vld.idx.msk [tilespmem:v9+s2+$0x0], $0xffff;
	v0 =	vadd.s32 v7, v0;
	[tilespmem:v20+s15+$0x0] =	vst.idx.msk $0xffff, v16;
	v20 =	vor.u32 v31, v1  }
0x54b: {  	v10 =	vsub.f32 v11, v10;
	v11 =	vld.idx.msk [tilespmem:v43+s12+$0x0], $0xffff;
	v52 =	vor.u32 v34, v1;
	[tilespmem:v38+s15+$0x0] =	vst.idx.msk $0xffff, v61  }
0x54c: {  	v0 =	vor.u32 v47, v0;
	[tilespmem:v42+s15+$0x0] =	vst.idx.msk $0xffff, v8;
	v8 =	vld.idx.msk [tilespmem:v21+s12+$0x0], $0xffff;
	v21 =	vor.u32 v41, v1  }
0x54d: {  	v0 =	vor.u32 v44, v0;
	v42 =	vld [tilespmem:$0x1FF30]  }
0x54e: {  	[tilespmem:v19+s15+$0x0] =	vst.idx.msk $0xffff, v12;
	v12 =	vld.idx.msk [tilespmem:v46+s12+$0x0], $0xffff  }
0x54f: {  	v43 =	vld [tilespmem:$0x1FF40];
	[tilespmem:v20+s15+$0x0] =	vst.idx.msk $0xffff, v15  }
0x550: {  	v38 =	vld [tilespmem:$0x1FF50];
	[tilespmem:v52+s15+$0x0] =	vst.idx.msk $0xffff, v17  }
0x551: {  	v32 =	vadd.s32 v58, v45;
	v44 =	vld [tilespmem:$0x1FF60];
	[tilespmem:v21+s15+$0x0] =	vst.idx.msk $0xffff, v18  }
0x552: {  	v33 =	vadd.s32 v63, v45;
	v46 =	vld [tilespmem:$0x1FF80];
	[tilespmem:v0+s13+$0x0] =	vst.idx.msk $0xffff, v9  }
0x553: {  	v47 =	vadd.s32 v51, v45;
	v18 =	vld [tilespmem:$0x1F580]  }
0x554: {  	v56 =	vadd.s32 v55, v45  }
0x555: {  	v16 =	vadd.s32 v39, v45  }
0x556: {  	v7 =	vld.idx.msk [tilespmem:v32+s12+$0x0], $0xffff  }
0x557: {  	v5 =	vld.idx.msk [tilespmem:v33+s12+$0x0], $0xffff  }
0x558: {  	v6 =	vld.idx.msk [tilespmem:v47+s12+$0x0], $0xffff  }
0x559: {  	v3 =	vld.idx.msk [tilespmem:v56+s12+$0x0], $0xffff  }
0x55a: {  	v15 =	vld.idx.msk [tilespmem:v16+s12+$0x0], $0xffff  }
0x55b: {  	v47 =	vld [tilespmem:$0x1FF90];
	[tilespmem:v18+s15+$0x0] =	vst.idx.msk $0xffff, v7  }
0x55c: {  	v18 =	vld [tilespmem:$0x1F5A0];
	_ =	sdelay $0x7  }
0x55d: {  	v32 =	vld [tilespmem:$0x1FEE0];
	[tilespmem:v18+s15+$0x0] =	vst.idx.msk $0xffff, v5  }
0x55e: {  	v56 =	vld [tilespmem:$0x1F5B0];
	_ =	sdelay $0x1  }
0x55f: {  	v10 =	vmul.f32 $6.399999980e-05, v10;
	_ =	sdelay $0x1  }
0x560: {  	v10 =	vtrunc.f32 v10  }
0x561: {  	v10 =	vcvt.f32.s32 v10;
	_ =	sdelay $0x1  }
0x562: {  	vm14 =	vgt.s32 v10, $0x0  }
0x563: {  	v61 =	vnsel vm14, $0x0, v10;
	v33 =	vld [tilespmem:$0x1FEF0];
	[tilespmem:v56+s15+$0x0] =	vst.idx.msk $0xffff, v8  }
0x564: {  	v52 =	vmin.u32 v61, $0x3F;
	v61 =	vld [tilespmem:$0x1F5C0];
	_ =	sdelay $0x1  }
0x565: {  	v13 =	vadd.s32 v44, v2  }
0x566: {  	v17 =	vadd.s32 v46, v2;
	_ =	sdelay $0x3  }
0x567: {  	v8 =	vld.idx.msk [tilespmem:v13+s12+$0x0], $0xffff  }
0x568: {  	v13 =	vld.idx.msk [tilespmem:v17+s12+$0x0], $0xffff;
	[tilespmem:v61+s15+$0x0] =	vst.idx.msk $0xffff, v11  }
0x569: {  	v17 =	vld [tilespmem:$0x1F5D0];
	_ =	sdelay $0x7  }
0x56a: {  	[tilespmem:v17+s15+$0x0] =	vst.idx.msk $0xffff, v12  }
0x56b: {  	v18 =	vld [tilespmem:$0x1F5E0];
	_ =	sdelay $0x6  }
0x56c: {  	v22 =	vadd.s32 v42, v2  }
0x56d: {  	v16 =	vadd.s32 v38, v2;
	[tilespmem:v18+s15+$0x0] =	vst.idx.msk $0xffff, v15  }
0x56e: {  	v60 =	vadd.s32 v43, v2;
	v18 =	vld [tilespmem:$0x1F5F0];
	_ =	sdelay $0x2  }
0x56f: {  	v4 =	vsub.f32 v4, v9;
	v0 =	vld.idx.msk [tilespmem:v22+s12+$0x0], $0xffff;
	v9 =	vadd.s32 v47, v2  }
0x570: {  	v7 =	vld.idx.msk [tilespmem:v16+s12+$0x0], $0xffff;
	v14 =	vadd.s32 v32, v2;
	v16 =	vadd.s32 v33, v2;
	v2 =	vmul.u32 $0x21, v52  }
0x571: {  	v10 =	vld.idx.msk [tilespmem:v60+s12+$0x0], $0xffff;
	v60 =	vor.u32 v42, v1  }
0x572: {  	v52 =	vor.u32 v43, v1;
	v56 =	vadd.s32 v58, v2  }
0x573: {  	v17 =	vor.u32 v38, v1  }
0x574: {  	v4 =	vmul.f32 $6.399999980e-05, v4;
	v9 =	vld.idx.msk [tilespmem:v9+s12+$0x0], $0xffff;
	[tilespmem:v18+s15+$0x0] =	vst.idx.msk $0xffff, v6;
	v18 =	vor.u32 v44, v1  }
0x575: {  	v5 =	vor.u32 v46, v1;
	v14 =	vld.idx.msk [tilespmem:v14+s12+$0x0], $0xffff  }
0x576: {  	v4 =	vtrunc.f32 v4;
	v16 =	vld.idx.msk [tilespmem:v16+s12+$0x0], $0xffff;
	v61 =	vor.u32 v47, v1;
	[tilespmem:v60+s15+$0x0] =	vst.idx.msk $0xffff, v0  }
0x577: {  	v4 =	vcvt.f32.s32 v4;
	v12 =	vld.idx.msk [tilespmem:v56+s12+$0x0], $0xffff;
	v56 =	vor.u32 v32, v1;
	[tilespmem:v52+s15+$0x0] =	vst.idx.msk $0xffff, v10  }
0x578: {  	[tilespmem:v17+s15+$0x0] =	vst.idx.msk $0xffff, v7;
	v1 =	vor.u32 v33, v1  }
0x579: {  	vm15 =	vgt.s32 v4, $0x0;
	[tilespmem:v18+s15+$0x0] =	vst.idx.msk $0xffff, v8  }
0x57a: {  	v4 =	vnsel vm15, $0x0, v4;
	v15 =	vadd.s32 v63, v2;
	[tilespmem:v5+s15+$0x0] =	vst.idx.msk $0xffff, v13  }
0x57b: {  	v60 =	vmin.u32 v4, $0x3F;
	v4 =	vadd.s32 v36, v2;
	[tilespmem:v61+s15+$0x0] =	vst.idx.msk $0xffff, v9  }
0x57c: {  	v52 =	vadd.s32 v39, v2;
	[tilespmem:v56+s15+$0x0] =	vst.idx.msk $0xffff, v14  }
0x57d: {  	v17 =	vadd.s32 v51, v2;
	[tilespmem:v1+s15+$0x0] =	vst.idx.msk $0xffff, v16  }
0x57e: {  	v6 =	vadd.s32 v57, v2;
	v14 =	vld [tilespmem:$0x1F610]  }
0x57f: {  	v19 =	vadd.s32 v35, v2;
	v15 =	vld.idx.msk [tilespmem:v15+s12+$0x0], $0xffff  }
0x580: {  	v4 =	vld.idx.msk [tilespmem:v4+s12+$0x0], $0xffff;
	v8 =	vadd.s32 v55, v2  }
0x581: {  	v10 =	vld.idx.msk [tilespmem:v52+s12+$0x0], $0xffff  }
0x582: {  	v11 =	vld.idx.msk [tilespmem:v17+s12+$0x0], $0xffff  }
0x583: {  	v6 =	vld.idx.msk [tilespmem:v6+s12+$0x0], $0xffff  }
0x584: {  	v13 =	vld.idx.msk [tilespmem:v19+s12+$0x0], $0xffff  }
0x585: {  	v8 =	vld.idx.msk [tilespmem:v8+s12+$0x0], $0xffff;
	[tilespmem:v40+s15+$0x0] =	vst.idx.msk $0xffff, v12  }
0x586: {  	[tilespmem:v14+s15+$0x0] =	vst.idx.msk $0xffff, v3  }
0x587: {  	v14 =	vld [tilespmem:$0x1F630];
	_ =	sdelay $0x7  }
0x588: {  	[tilespmem:v14+s15+$0x0] =	vst.idx.msk $0xffff, v15  }
0x589: {  	v15 =	vld [tilespmem:$0x1F640];
	_ =	sdelay $0x7  }
0x58a: {  	[tilespmem:v15+s15+$0x0] =	vst.idx.msk $0xffff, v6  }
0x58b: {  	v15 =	vld [tilespmem:$0x1F650];
	_ =	sdelay $0x7  }
0x58c: {  	[tilespmem:v15+s15+$0x0] =	vst.idx.msk $0xffff, v13  }
0x58d: {  	v15 =	vld [tilespmem:$0x1F660];
	_ =	sdelay $0x7  }
0x58e: {  	[tilespmem:v15+s15+$0x0] =	vst.idx.msk $0xffff, v4  }
0x58f: {  	v15 =	vld [tilespmem:$0x1F670];
	_ =	sdelay $0x7  }
0x590: {  	[tilespmem:v15+s15+$0x0] =	vst.idx.msk $0xffff, v10  }
0x591: {  	v15 =	vld [tilespmem:$0x1F680];
	_ =	sdelay $0x7  }
0x592: {  	[tilespmem:v15+s15+$0x0] =	vst.idx.msk $0xffff, v11  }
0x593: {  	v15 =	vld [tilespmem:$0x1F6A0];
	_ =	sdelay $0x2  }
0x594: {  	v0 =	vmul.u32 $0x21, v60;
	_ =	sdelay $0x1  }
0x595: {  	v58 =	vadd.s32 v58, v0  }
0x596: {  	v60 =	vadd.s32 v63, v0  }
0x597: {  	v52 =	vadd.s32 v35, v0  }
0x598: {  	v61 =	vadd.s32 v57, v0;
	[tilespmem:v15+s15+$0x0] =	vst.idx.msk $0xffff, v8  }
0x599: {  	v57 =	vadd.s32 v39, v0;
	v15 =	vld [tilespmem:$0x1F6B0]  }
0x59a: {  	v5 =	vld.idx.msk [tilespmem:v58+s12+$0x0], $0xffff;
	v56 =	vadd.s32 v36, v0  }
0x59b: {  	v58 =	vadd.s32 v51, v0;
	v9 =	vld.idx.msk [tilespmem:v60+s12+$0x0], $0xffff  }
0x59c: {  	v60 =	vadd.s32 v55, v0;
	v1 =	vld.idx.msk [tilespmem:v52+s12+$0x0], $0xffff  }
0x59d: {  	v7 =	vld.idx.msk [tilespmem:v61+s12+$0x0], $0xffff  }
0x59e: {  	v12 =	vld.idx.msk [tilespmem:v57+s12+$0x0], $0xffff  }
0x59f: {  	v3 =	vld.idx.msk [tilespmem:v56+s12+$0x0], $0xffff  }
0x5a0: {  	v14 =	vld.idx.msk [tilespmem:v58+s12+$0x0], $0xffff  }
0x5a1: {  	v6 =	vld.idx.msk [tilespmem:v60+s12+$0x0], $0xffff;
	[tilespmem:v15+s15+$0x0] =	vst.idx.msk $0xffff, v5  }
0x5a2: {  	v15 =	vld [tilespmem:$0x1F6C0];
	_ =	sdelay $0x7  }
0x5a3: {  	[tilespmem:v15+s15+$0x0] =	vst.idx.msk $0xffff, v9  }
0x5a4: {  	v15 =	vld [tilespmem:$0x1F6D0];
	_ =	sdelay $0x7  }
0x5a5: {  	[tilespmem:v15+s15+$0x0] =	vst.idx.msk $0xffff, v7  }
0x5a6: {  	v15 =	vld [tilespmem:$0x1F6E0];
	_ =	sdelay $0x7  }
0x5a7: {  	[tilespmem:v15+s15+$0x0] =	vst.idx.msk $0xffff, v1  }
0x5a8: {  	v15 =	vld [tilespmem:$0x1F6F0];
	_ =	sdelay $0x7  }
0x5a9: {  	[tilespmem:v15+s15+$0x0] =	vst.idx.msk $0xffff, v3  }
0x5aa: {  	v15 =	vld [tilespmem:$0x1F700];
	_ =	sdelay $0x7  }
0x5ab: {  	[tilespmem:v15+s15+$0x0] =	vst.idx.msk $0xffff, v12  }
0x5ac: {  	v15 =	vld [tilespmem:$0x1F710];
	_ =	sdelay $0x5  }
0x5ad: {  	v61 =	vadd.s32 v59, v45  }
0x5ae: {  	v40 =	vadd.s32 v30, v45  }
0x5af: {  	v52 =	vadd.s32 v53, v45;
	[tilespmem:v15+s15+$0x0] =	vst.idx.msk $0xffff, v14  }
0x5b0: {  	v56 =	vadd.s32 v24, v45;
	[tilespmem:v62+s15+$0x0] =	vst.idx.msk $0xffff, v6  }
0x5b1: {  	v57 =	vadd.s32 v25, v45;
	v15 =	vld [tilespmem:$0x1F510]  }
0x5b2: {  	v58 =	vadd.s32 v26, v45;
	v13 =	vld.idx.msk [tilespmem:v61+s12+$0x0], $0xffff  }
0x5b3: {  	v60 =	vadd.s32 v27, v45;
	v4 =	vld.idx.msk [tilespmem:v40+s12+$0x0], $0xffff  }
0x5b4: {  	v61 =	vadd.s32 v28, v45;
	v10 =	vld.idx.msk [tilespmem:v52+s12+$0x0], $0xffff  }
0x5b5: {  	v11 =	vld.idx.msk [tilespmem:v56+s12+$0x0], $0xffff  }
0x5b6: {  	v8 =	vld.idx.msk [tilespmem:v57+s12+$0x0], $0xffff  }
0x5b7: {  	v5 =	vld.idx.msk [tilespmem:v58+s12+$0x0], $0xffff  }
0x5b8: {  	v9 =	vld.idx.msk [tilespmem:v60+s12+$0x0], $0xffff  }
0x5b9: {  	v7 =	vld.idx.msk [tilespmem:v61+s12+$0x0], $0xffff;
	[tilespmem:v15+s15+$0x0] =	vst.idx.msk $0xffff, v13  }
0x5ba: {  	v15 =	vld [tilespmem:$0x1F520];
	_ =	sdelay $0x7  }
0x5bb: {  	[tilespmem:v15+s15+$0x0] =	vst.idx.msk $0xffff, v4  }
0x5bc: {  	v15 =	vld [tilespmem:$0x1F530];
	_ =	sdelay $0x7  }
0x5bd: {  	[tilespmem:v15+s15+$0x0] =	vst.idx.msk $0xffff, v10  }
0x5be: {  	v15 =	vld [tilespmem:$0x1F540];
	_ =	sdelay $0x7  }
0x5bf: {  	[tilespmem:v15+s15+$0x0] =	vst.idx.msk $0xffff, v11  }
0x5c0: {  	v15 =	vld [tilespmem:$0x1F550];
	_ =	sdelay $0x7  }
0x5c1: {  	[tilespmem:v15+s15+$0x0] =	vst.idx.msk $0xffff, v8  }
0x5c2: {  	v16 =	vld [tilespmem:$0x1F560];
	_ =	sdelay $0x7  }
0x5c3: {  	v22 =	vld [tilespmem:$0x1F690];
	[tilespmem:v16+s15+$0x0] =	vst.idx.msk $0xffff, v5  }
0x5c4: {  	v17 =	vld [tilespmem:$0x1F570];
	_ =	sdelay $0x7  }
0x5c5: {  	[tilespmem:v17+s15+$0x0] =	vst.idx.msk $0xffff, v9  }
0x5c6: {  	v18 =	vld [tilespmem:$0x1F590];
	_ =	sdelay $0x4  }
0x5c7: {  	v40 =	vadd.s32 v59, v2  }
0x5c8: {  	v52 =	vadd.s32 v30, v2  }
0x5c9: {  	v56 =	vadd.s32 v53, v2  }
0x5ca: {  	v57 =	vadd.s32 v24, v2;
	[tilespmem:v18+s15+$0x0] =	vst.idx.msk $0xffff, v7  }
0x5cb: {  	v58 =	vadd.s32 v25, v2;
	v19 =	vld [tilespmem:$0x1F620]  }
0x5cc: {  	v60 =	vadd.s32 v26, v2;
	v1 =	vld.idx.msk [tilespmem:v40+s12+$0x0], $0xffff  }
0x5cd: {  	v61 =	vadd.s32 v27, v2;
	v3 =	vld.idx.msk [tilespmem:v52+s12+$0x0], $0xffff  }
0x5ce: {  	v12 =	vld.idx.msk [tilespmem:v56+s12+$0x0], $0xffff;
	v62 =	vadd.s32 v28, v2  }
0x5cf: {  	v14 =	vld.idx.msk [tilespmem:v57+s12+$0x0], $0xffff;
	v56 =	vor.u32 v30, v22  }
0x5d0: {  	v6 =	vld.idx.msk [tilespmem:v58+s12+$0x0], $0xffff;
	v16 =	vor.u32 v53, v22  }
0x5d1: {  	v13 =	vld.idx.msk [tilespmem:v60+s12+$0x0], $0xffff;
	v17 =	vor.u32 v24, v22  }
0x5d2: {  	v4 =	vld.idx.msk [tilespmem:v61+s12+$0x0], $0xffff  }
0x5d3: {  	v10 =	vld.idx.msk [tilespmem:v62+s12+$0x0], $0xffff;
	[tilespmem:v19+s15+$0x0] =	vst.idx.msk $0xffff, v1  }
0x5d4: {  	[tilespmem:v56+s15+$0x0] =	vst.idx.msk $0xffff, v3  }
0x5d5: {  	v40 =	vadd.s32 v59, v0;
	[tilespmem:v16+s15+$0x0] =	vst.idx.msk $0xffff, v12  }
0x5d6: {  	v52 =	vadd.s32 v30, v0;
	[tilespmem:v17+s15+$0x0] =	vst.idx.msk $0xffff, v14  }
0x5d7: {  	v57 =	vadd.s32 v53, v0;
	v20 =	vld [tilespmem:$0x1F720]  }
0x5d8: {  	v58 =	vadd.s32 v24, v0;
	v18 =	vor.u32 v25, v22  }
0x5d9: {  	v60 =	vadd.s32 v25, v0;
	v19 =	vor.u32 v26, v22  }
0x5da: {  	v61 =	vadd.s32 v26, v0;
	v11 =	vld.idx.msk [tilespmem:v40+s12+$0x0], $0xffff;
	v40 =	vor.u32 v27, v22  }
0x5db: {  	v62 =	vadd.s32 v27, v0;
	v8 =	vld.idx.msk [tilespmem:v52+s12+$0x0], $0xffff;
	v16 =	vor.u32 v28, v22  }
0x5dc: {  	v52 =	vadd.s32 v28, v0;
	v5 =	vld.idx.msk [tilespmem:v57+s12+$0x0], $0xffff;
	v17 =	vor.u32 v59, v20  }
0x5dd: {  	v57 =	vadd.s32 v49, v45;
	v9 =	vld.idx.msk [tilespmem:v58+s12+$0x0], $0xffff;
	[tilespmem:v18+s15+$0x0] =	vst.idx.msk $0xffff, v6;
	v18 =	vor.u32 v30, v20  }
0x5de: {  	v58 =	vadd.s32 v54, v45;
	v7 =	vld.idx.msk [tilespmem:v60+s12+$0x0], $0xffff;
	[tilespmem:v19+s15+$0x0] =	vst.idx.msk $0xffff, v13;
	v19 =	vor.u32 v53, v20  }
0x5df: {  	v1 =	vld.idx.msk [tilespmem:v61+s12+$0x0], $0xffff;
	v56 =	vadd.s32 v50, v45;
	[tilespmem:v40+s15+$0x0] =	vst.idx.msk $0xffff, v4;
	v60 =	vor.u32 v24, v20  }
0x5e0: {  	v3 =	vld.idx.msk [tilespmem:v62+s12+$0x0], $0xffff;
	[tilespmem:v16+s15+$0x0] =	vst.idx.msk $0xffff, v10  }
0x5e1: {  	v61 =	vadd.s32 v48, v45;
	v12 =	vld.idx.msk [tilespmem:v52+s12+$0x0], $0xffff;
	[tilespmem:v17+s15+$0x0] =	vst.idx.msk $0xffff, v11  }
0x5e2: {  	v6 =	vld.idx.msk [tilespmem:v57+s12+$0x0], $0xffff;
	v59 =	vadd.s32 v37, v45;
	[tilespmem:v18+s15+$0x0] =	vst.idx.msk $0xffff, v8  }
0x5e3: {  	v62 =	vadd.s32 v31, v45;
	v13 =	vld.idx.msk [tilespmem:v58+s12+$0x0], $0xffff;
	[tilespmem:v19+s15+$0x0] =	vst.idx.msk $0xffff, v5  }
0x5e4: {  	v14 =	vld.idx.msk [tilespmem:v56+s12+$0x0], $0xffff;
	v40 =	vadd.s32 v34, v45;
	[tilespmem:v60+s15+$0x0] =	vst.idx.msk $0xffff, v9  }
0x5e5: {  	v52 =	vadd.s32 v41, v45;
	v21 =	vld [tilespmem:$0x1F600]  }
0x5e6: {  	v56 =	vadd.s32 v50, v2;
	v10 =	vld.idx.msk [tilespmem:v61+s12+$0x0], $0xffff;
	v16 =	vor.u32 v25, v20  }
0x5e7: {  	v58 =	vadd.s32 v49, v2;
	v17 =	vor.u32 v26, v20;
	v4 =	vld.idx.msk [tilespmem:v59+s12+$0x0], $0xffff  }
0x5e8: {  	v59 =	vadd.s32 v54, v2;
	v11 =	vld.idx.msk [tilespmem:v62+s12+$0x0], $0xffff;
	v18 =	vor.u32 v27, v20  }
0x5e9: {  	v61 =	vadd.s32 v48, v2;
	v62 =	vadd.s32 v31, v2;
	v8 =	vld.idx.msk [tilespmem:v40+s12+$0x0], $0xffff;
	v19 =	vor.u32 v28, v20  }
0x5ea: {  	v5 =	vld.idx.msk [tilespmem:v52+s12+$0x0], $0xffff;
	v52 =	vadd.s32 v34, v2;
	v60 =	vadd.s32 v37, v2;
	v57 =	vor.u32 v50, v21  }
0x5eb: {  	v9 =	vld.idx.msk [tilespmem:v56+s12+$0x0], $0xffff;
	v56 =	vadd.s32 v41, v2;
	[tilespmem:v16+s15+$0x0] =	vst.idx.msk $0xffff, v7;
	v16 =	vor.u32 v49, v21  }
0x5ec: {  	v7 =	vld.idx.msk [tilespmem:v58+s12+$0x0], $0xffff;
	v58 =	vadd.s32 v49, v0;
	[tilespmem:v17+s15+$0x0] =	vst.idx.msk $0xffff, v1;
	v17 =	vor.u32 v54, v21  }
0x5ed: {  	v1 =	vld.idx.msk [tilespmem:v59+s12+$0x0], $0xffff;
	v59 =	vadd.s32 v54, v0;
	[tilespmem:v18+s15+$0x0] =	vst.idx.msk $0xffff, v3;
	v18 =	vor.u32 v37, v21  }
0x5ee: {  	[tilespmem:v19+s15+$0x0] =	vst.idx.msk $0xffff, v12;
	v12 =	vld.idx.msk [tilespmem:v61+s12+$0x0], $0xffff;
	v61 =	vadd.s32 v37, v0;
	v19 =	vor.u32 v48, v21  }
0x5ef: {  	v3 =	vld.idx.msk [tilespmem:v60+s12+$0x0], $0xffff;
	v40 =	vor.u32 v31, v21;
	[tilespmem:v57+s15+$0x0] =	vst.idx.msk $0xffff, v14;
	v57 =	vadd.s32 v50, v0  }
0x5f0: {  	v60 =	vor.u32 v54, v22;
	v14 =	vld.idx.msk [tilespmem:v62+s12+$0x0], $0xffff;
	[tilespmem:v16+s15+$0x0] =	vst.idx.msk $0xffff, v6;
	v16 =	vor.u32 v34, v21  }
0x5f1: {  	v62 =	vadd.s32 v48, v0;
	v6 =	vld.idx.msk [tilespmem:v52+s12+$0x0], $0xffff;
	[tilespmem:v17+s15+$0x0] =	vst.idx.msk $0xffff, v13;
	v17 =	vor.u32 v41, v21  }
0x5f2: {  	v52 =	vadd.s32 v34, v0;
	v13 =	vld.idx.msk [tilespmem:v56+s12+$0x0], $0xffff;
	[tilespmem:v18+s15+$0x0] =	vst.idx.msk $0xffff, v4;
	v18 =	vor.u32 v50, v22  }
0x5f3: {  	v56 =	vadd.s32 v41, v0;
	[tilespmem:v19+s15+$0x0] =	vst.idx.msk $0xffff, v10;
	v19 =	vor.u32 v49, v22;
	v10 =	vld.idx.msk [tilespmem:v58+s12+$0x0], $0xffff  }
0x5f4: {  	v58 =	vadd.s32 v42, v45;
	[tilespmem:v40+s15+$0x0] =	vst.idx.msk $0xffff, v11;
	v40 =	vadd.s32 v31, v0;
	v4 =	vld.idx.msk [tilespmem:v57+s12+$0x0], $0xffff  }
0x5f5: {  	v11 =	vld.idx.msk [tilespmem:v59+s12+$0x0], $0xffff;
	v57 =	vor.u32 v41, v22;
	[tilespmem:v16+s15+$0x0] =	vst.idx.msk $0xffff, v8;
	v16 =	vor.u32 v37, v22  }
0x5f6: {  	v59 =	vadd.s32 v43, v45;
	v8 =	vld.idx.msk [tilespmem:v61+s12+$0x0], $0xffff;
	[tilespmem:v17+s15+$0x0] =	vst.idx.msk $0xffff, v5;
	v17 =	vor.u32 v48, v22  }
0x5f7: {  	v61 =	vadd.s32 v44, v45;
	v5 =	vld.idx.msk [tilespmem:v62+s12+$0x0], $0xffff;
	[tilespmem:v18+s15+$0x0] =	vst.idx.msk $0xffff, v9;
	v18 =	vor.u32 v31, v22  }
0x5f8: {  	v62 =	vadd.s32 v46, v45;
	[tilespmem:v19+s15+$0x0] =	vst.idx.msk $0xffff, v7;
	v19 =	vor.u32 v34, v22;
	v7 =	vld.idx.msk [tilespmem:v52+s12+$0x0], $0xffff  }
0x5f9: {  	v52 =	vadd.s32 v43, v2;
	[tilespmem:v60+s15+$0x0] =	vst.idx.msk $0xffff, v1;
	v60 =	vadd.s32 v38, v45;
	v9 =	vld.idx.msk [tilespmem:v40+s12+$0x0], $0xffff  }
0x5fa: {  	v1 =	vld.idx.msk [tilespmem:v56+s12+$0x0], $0xffff;
	v40 =	vadd.s32 v47, v45;
	v56 =	vadd.s32 v38, v2;
	[tilespmem:v16+s15+$0x0] =	vst.idx.msk $0xffff, v3  }
0x5fb: {  	v16 =	vor.u32 v50, v20;
	v50 =	vadd.s32 v42, v2;
	[tilespmem:v17+s15+$0x0] =	vst.idx.msk $0xffff, v12  }
0x5fc: {  	v3 =	vld.idx.msk [tilespmem:v58+s12+$0x0], $0xffff;
	v58 =	vadd.s32 v46, v2;
	v17 =	vor.u32 v49, v20;
	[tilespmem:v18+s15+$0x0] =	vst.idx.msk $0xffff, v14  }
0x5fd: {  	v12 =	vld.idx.msk [tilespmem:v59+s12+$0x0], $0xffff;
	v49 =	vadd.s32 v33, v45;
	v18 =	vor.u32 v54, v20;
	[tilespmem:v19+s15+$0x0] =	vst.idx.msk $0xffff, v6  }
0x5fe: {  	v19 =	vor.u32 v37, v20;
	v37 =	vor.u32 v48, v20;
	v48 =	vadd.s32 v32, v45;
	v6 =	vld.idx.msk [tilespmem:v61+s12+$0x0], $0xffff  }
0x5ff: {  	v59 =	vadd.s32 v47, v2;
	v54 =	vor.u32 v43, v21;
	[tilespmem:v57+s15+$0x0] =	vst.idx.msk $0xffff, v13;
	v14 =	vld.idx.msk [tilespmem:v60+s12+$0x0], $0xffff  }
0x600: {  	v13 =	vld.idx.msk [tilespmem:v62+s12+$0x0], $0xffff;
	v57 =	vadd.s32 v44, v2;
	v60 =	vadd.s32 v32, v2;
	[tilespmem:v16+s15+$0x0] =	vst.idx.msk $0xffff, v4  }
0x601: {  	v2 =	vadd.s32 v33, v2;
	v16 =	vor.u32 v31, v20;
	v4 =	vld.idx.msk [tilespmem:v40+s12+$0x0], $0xffff;
	[tilespmem:v17+s15+$0x0] =	vst.idx.msk $0xffff, v10  }
0x602: {  	v45 =	vadd.s32 v46, v0;
	v17 =	vor.u32 v34, v20;
	[tilespmem:v18+s15+$0x0] =	vst.idx.msk $0xffff, v11;
	v11 =	vld.idx.msk [tilespmem:v49+s12+$0x0], $0xffff  }
0x603: {  	v31 =	vadd.s32 v42, v0;
	v40 =	vadd.s32 v44, v0;
	v18 =	vor.u32 v41, v20;
	v10 =	vld.idx.msk [tilespmem:v48+s12+$0x0], $0xffff  }
0x604: {  	v34 =	vadd.s32 v43, v0;
	[tilespmem:v19+s15+$0x0] =	vst.idx.msk $0xffff, v8;
	v19 =	vor.u32 v42, v21;
	v8 =	vld.idx.msk [tilespmem:v50+s12+$0x0], $0xffff  }
0x605: {  	v49 =	vadd.s32 v47, v0;
	v50 =	vadd.s32 v32, v0;
	[tilespmem:v37+s15+$0x0] =	vst.idx.msk $0xffff, v5;
	v5 =	vld.idx.msk [tilespmem:v52+s12+$0x0], $0xffff  }
0x606: {  	v37 =	vadd.s32 v38, v0;
	v2 =	vld.idx.msk [tilespmem:v2+s12+$0x0], $0xffff;
	[tilespmem:v16+s15+$0x0] =	vst.idx.msk $0xffff, v9;
	v16 =	vor.u32 v38, v21  }
0x607: {  	v0 =	vadd.s32 v33, v0;
	v9 =	vld.idx.msk [tilespmem:v56+s12+$0x0], $0xffff;
	[tilespmem:v17+s15+$0x0] =	vst.idx.msk $0xffff, v7;
	v17 =	vor.u32 v44, v21  }
0x608: {  	v7 =	vld.idx.msk [tilespmem:v57+s12+$0x0], $0xffff;
	[tilespmem:v18+s15+$0x0] =	vst.idx.msk $0xffff, v1;
	v18 =	vor.u32 v46, v21  }
0x609: {  	v1 =	vld.idx.msk [tilespmem:v58+s12+$0x0], $0xffff;
	[tilespmem:v19+s15+$0x0] =	vst.idx.msk $0xffff, v3;
	v19 =	vor.u32 v47, v21  }
0x60a: {  	v61 =	vor.u32 v32, v21;
	v3 =	vld.idx.msk [tilespmem:v59+s12+$0x0], $0xffff;
	[tilespmem:v54+s15+$0x0] =	vst.idx.msk $0xffff, v12  }
0x60b: {  	v62 =	vor.u32 v33, v21;
	v12 =	vld.idx.msk [tilespmem:v60+s12+$0x0], $0xffff;
	[tilespmem:v16+s15+$0x0] =	vst.idx.msk $0xffff, v14  }
0x60c: {  	v0 =	vld.idx.msk [tilespmem:v0+s12+$0x0], $0xffff;
	v16 =	vor.u32 v42, v22;
	[tilespmem:v17+s15+$0x0] =	vst.idx.msk $0xffff, v6  }
0x60d: {  	v17 =	vor.u32 v43, v22;
	v6 =	vld.idx.msk [tilespmem:v31+s12+$0x0], $0xffff;
	[tilespmem:v18+s15+$0x0] =	vst.idx.msk $0xffff, v13  }
0x60e: {  	v54 =	vor.u32 v42, v20;
	v13 =	vld.idx.msk [tilespmem:v34+s12+$0x0], $0xffff;
	[tilespmem:v19+s15+$0x0] =	vst.idx.msk $0xffff, v4  }
0x60f: {  	v18 =	vor.u32 v38, v22;
	v4 =	vld.idx.msk [tilespmem:v37+s12+$0x0], $0xffff;
	[tilespmem:v61+s15+$0x0] =	vst.idx.msk $0xffff, v10  }
0x610: {  	v56 =	vor.u32 v43, v20;
	v10 =	vld.idx.msk [tilespmem:v40+s12+$0x0], $0xffff;
	[tilespmem:v62+s15+$0x0] =	vst.idx.msk $0xffff, v11  }
0x611: {  	v41 =	vor.u32 v44, v22;
	[tilespmem:v16+s15+$0x0] =	vst.idx.msk $0xffff, v8;
	v11 =	vld.idx.msk [tilespmem:v45+s12+$0x0], $0xffff  }
0x612: {  	v57 =	vor.u32 v38, v20;
	v8 =	vld.idx.msk [tilespmem:v49+s12+$0x0], $0xffff;
	[tilespmem:v17+s15+$0x0] =	vst.idx.msk $0xffff, v5  }
0x613: {  	v48 =	vor.u32 v46, v22;
	v5 =	vld.idx.msk [tilespmem:v50+s12+$0x0], $0xffff;
	[tilespmem:v54+s15+$0x0] =	vst.idx.msk $0xffff, v6  }
0x614: {  	v58 =	vor.u32 v44, v20;
	[tilespmem:v18+s15+$0x0] =	vst.idx.msk $0xffff, v9  }
0x615: {  	v16 =	vor.u32 v47, v22;
	[tilespmem:v56+s15+$0x0] =	vst.idx.msk $0xffff, v13  }
0x616: {  	v59 =	vor.u32 v46, v20;
	[tilespmem:v41+s15+$0x0] =	vst.idx.msk $0xffff, v7  }
0x617: {  	v17 =	vor.u32 v32, v22;
	[tilespmem:v57+s15+$0x0] =	vst.idx.msk $0xffff, v4  }
0x618: {  	v60 =	vor.u32 v47, v20;
	[tilespmem:v48+s15+$0x0] =	vst.idx.msk $0xffff, v1  }
0x619: {  	v52 =	vor.u32 v33, v22;
	[tilespmem:v58+s15+$0x0] =	vst.idx.msk $0xffff, v10  }
0x61a: {  	v61 =	vor.u32 v32, v20;
	[tilespmem:v16+s15+$0x0] =	vst.idx.msk $0xffff, v3  }
0x61b: {  	v62 =	vor.u32 v33, v20;
	[tilespmem:v59+s15+$0x0] =	vst.idx.msk $0xffff, v11  }
0x61c: {  	[tilespmem:v17+s15+$0x0] =	vst.idx.msk $0xffff, v12  }
0x61d: {  	[tilespmem:v60+s15+$0x0] =	vst.idx.msk $0xffff, v8  }
0x61e: {  	s31 =	sadd.s32 s8, s26;
	[tilespmem:v52+s15+$0x0] =	vst.idx.msk $0xffff, v2  }
0x61f: {  	s1 =	sshll.u32 s31, $0x4;
	[tilespmem:v61+s15+$0x0] =	vst.idx.msk $0xffff, v5  }
0x620: {  	p0 =	sne.s32 s23, $0x4;
	s1 =	sadd.s32 s4, s1;
	[tilespmem:v62+s15+$0x0] =	vst.idx.msk $0xffff, v0  }
0x621: {  	[hbm4b:s1+s2] =	stream.linear.scatter [tilespmem:s15], [sflag:$0x2], $0xA000, $0x38;
	[tilespmem:$0x1D880] =	vst v63  }
0x622: {  	s1 =	sshll.u32 @!p0 s24, $0x8  }
0x623: {  	s22 =	sadd.s32 $0x1, s22;
	s1 =	sadd.s32 @!p0 s6, s1  }
0x624: {  	s3 =	sshll.u32 @!p0 s25, $0xB;
	s23 =	sadd.s32 @!p0 $0x3, s25;
	s1 =	sand.u32 @!p0 $0x1FFFFF00, s1  }
0x625: {  	s3 =	sadd.s32 @!p0 $0x1C880, s3;
	s24 =	simm.s32 @!p0 $0x0;
	s1 =	sadd.s32 @!p0 s5, s1  }
0x626: {  	[hbm4b:s1+s24] =	stream.linear.scatter @!p0 [tilespmem:s3], [sflag:s23], $0x800, $0x38;
	[tilespmem:$0x1D880] =	vst v63  }
0x627: {  	p0 =	sne.s32 s22, $0x28  }
.Ltmp2:
0x628: {  	_ = 	snop;
	(pc) =	sbr.rel @p0 .LBB2_2-.Ltmp2, $3  }
0x629: {  	_ =	sdelay $0x1  }
0x62a: {  	v23 =	vmov v25;
	v25 =	vmov v27;
	v21 =	vmov v53  }
0x62b: {  	s21 =	sadd.s32 $0x280, s21;
	v19 =	vmovc v29;
	v20 =	vmovc v30;
	v22 =	vmov v24;
	v24 =	vmov v26;
	v26 =	vmov v28  }
0x62c: {  	_ =	swait.ge [sflag:s16], $0xA000  }
0x62d: {  	[sflag:s16] =	ssyncset.done $0x0  }
0x62e: {  	[sflag:s16] =	ssyncadd.s32 $0xFFFF6000  }
0x62f: {  	_ =	swait.ge [sflag:s17], $0xA000  }
0x630: {  	[sflag:s17] =	ssyncset.done $0x0  }
0x631: {  	s20 =	sadd.s32 $0x1, s20;
	[sflag:s17] =	ssyncadd.s32 $0xFFFF6000  }
0x632: {  	p0 =	sne.s32 s20, s10;
	_ =	swait.ge [sflag:s18], $0x800  }
.Ltmp3:
0x633: {  	[sflag:s18] =	ssyncset.done $0x0;
	(pc) =	sbr.rel @p0 .LBB2_1-.Ltmp3, $4  }
0x634: {  	[sflag:s18] =	ssyncadd.s32 $0xFFFFF800  }
0x635: {  	_ =	swait.ge [sflag:s19], $0x800  }
0x636: {  	[sflag:s19] =	ssyncset.done $0x0  }
0x637: {  	[sflag:s19] =	ssyncadd.s32 $0xFFFFF800  }
0x638: {  	_ =	sfence.sel $0x180000  }
0x639: {  	[bflag:$0x0] =	sbarrier.arrive $0xFFFF  }
0x63a: {  	_ =	strace $0x90000047  }
0x63b: {  	s0 =	stileid.u32;
	[bflag:$0x2] =	sbarrier.arrive $0xFFFF  }
0x63c: {  	p0 =	sne.s32 s0, $0x0;
	s0 =	rddreg [dreg:$0x3]  }
0x63d: {  	s0 =	sadd.s32 @!p0 $0x100000, s0  }
0x63e: {  	[sflag:s0] =	ssyncadd.tile.s32 @!p0 $0x1;
	_ =	shalt  }
.Lfunc_end2:
_tile_overlayer_lowered:
.L_overlay_start_2:
0x63f: {  	(tag) =	ssettag $0x2  }
0x640: {  	s0 =	rddreg [dreg:$0x0];
	s2 =	stileid.u32  }
0x641: {  	s1 =	rddreg [dreg:$0x1];
	p0 =	sne.s32 s2, $0x0  }
0x642: {  	s3 =	rddreg [dreg:$0x2];
	[bflag:$0x3] =	sbarrier.arrive $0xFFFF;
	s2 =	simm.s32 @!p0 $0x1C05  }
0x643: {  	[timem:s3], [sflag:s2] =	dma.local @!p0 [hbm:s0], s1  }
0x644: {  	s0 =	simm.s32 @!p0 $0x5  }
0x645: {  	_ =	swait.ge @!p0 [sflag:s0], s1  }
0x646: {  	s1 =	ssub.s32 @!p0 $0x0, s1;
	[sflag:s0] =	ssyncset.done @!p0 $0x0  }
0x647: {  	[sflag:s0] =	ssyncadd.s32 @!p0 s1  }
0x648: {  	[bflag:$0x3] =	sbarrier.arrive $0xFFFF  }
0x649: {  	_ =	shalt  }

// kernel: sparse-core-data-format-call.cloned.1.call-start
scs
called_computation_lowered:
.L_overlay_start_0:
0x0: {  	s2 =	sld [smem:$0x3FD9]  }
0x1: {  	s3 =	sld [smem:$0x3FFE];
	_ =	sdelay $0x1  }
0x2: {  	s1 =	srdreg.scid  }
0x3: {  	s0 =	sand.u32 $0x1, s1  }
0x4: {  	s15 =	sshll.u32 s0, $0xA;
	s2 =	sadd.s32 s3, s2  }
0x5: {  	s2 =	sadd.s32 s2, s15  }
0x6: {  	[smem:$0x3FC5] =	sst s2  }
0x7: {  	_ = 	snop  }
0x8: {  	s2 =	sld [smem:$0x3FD0];
	_ =	sdelay $0x2  }
0x9: {  	s16 =	simm.s32 $0xA;
	s4 =	simm.s32 $0x10  }
0xa: {  	[smem:s4], [sflag:s16] =	dma.local [hbm:s2], $0x1  }
0xb: {  	_ =	swait.eq [sflag:s16], $0x1  }
0xc: {  	[sflag:s16] =	ssyncset.done $0x0  }
0xd: {  	[sflag:s16] =	ssyncadd.s32 $0xFFFFFFFF  }
0xe: {  	s17 =	sld [smem:$0x10];
	(tm) =	ssettm $0x1  }
0xf: {  	s18 =	sld [smem:$0x3FFB];
	_ =	sdelay $0x3  }
0x10: {  	_ =	strace s18  }
0x11: {  	s3 =	sld [smem:$0x3FFC];
	_ =	sdelay $0x3  }
0x12: {  	_ =	strace s3  }
0x13: {  	s3 =	sld [smem:$0x3FFD];
	_ =	sdelay $0x3  }
0x14: {  	_ =	strace s3  }
0x15: {  	_ =	strace $0x8FFFFFFF  }
0x16: {  	s19 =	sld [smem:$0x3FDB];
	_ =	sdelay $0x1  }
0x17: {  	s20 =	simm.s32 $_scs_section_size  }
0x18: {  	s5 =	simm.s32 $_size__tile_overlayer_lowered;
	s6 =	simm.s32 $_tile_overlayer_lowered  }
0x19: {  	s23 =	simm.s32 $0x1BFF;
	s22 =	sshll.u32 s6, $0x1;
	s3 =	sadd.s32 s20, s19  }
0x1a: {  	s7 =	simm.s32 $0x0;
	s21 =	sshll.u32 s5, $0x1;
	s5 =	sadd.s32 s22, s3  }
0x1b: {  	[timem:s7], [sflag:s23] =	dma.local [hbm:s5], s21  }
0x1c: {  	_ =	swait.ge [sflag:s23], s21  }
0x1d: {  	s4 =	ssub.s32 $0x0, s21;
	[sflag:s23] =	ssyncset.done $0x0  }
0x1e: {  	[sflag:s23] =	ssyncadd.s32 s4;
	_ =	sdelay $0x1  }
0x1f: {  	s24 =	simm.s32 $0x1B8B  }
0x20: {  	_ =	swait.ge [sflag:s24], $0x1  }
0x21: {  	[sflag:s24] =	ssyncset.done $0x0  }
0x22: {  	s26 =	simm.s32 $0x1B8E;
	s25 =	sld [smem:$0x3FFE];
	[sflag:s24] =	ssyncadd.s32 $0xFFFFFFFF  }
0x23: {  	s27 =	simm.s32 $execute0_lowered;
	[smem:$0x3FD2] =	sst s26  }
0x24: {  	s5 =	sshll.u32 s27, $0x1;
	_ =	strace $0x80000049;
	[dreg:$0x1] =	wrdreg $0xFFFFFFFF  }
0x25: {  	s28 =	simm.s32 $_size_execute0_lowered;
	s3 =	sadd.s32 s3, s5;
	[dreg:$0x0] =	wrdreg $0x0  }
0x26: {  	s5 =	sshll.u32 s28, $0x1;
	[dreg:$0x2] =	wrdreg s3  }
0x27: {  	[dreg:$0x3] =	wrdreg s5  }
0x28: {  	[dreg:$0x4] =	wrdreg $0xC0  }
0x29: {  	_ =	task [dreg:s7], $0x5FFFF  }
0x2a: {  	[dreg:$0x1] =	wrdreg $0xFFFFFFFF  }
0x2b: {  	[dreg:$0x0] =	wrdreg $0x60  }
0x2c: {  	[dreg:$0x2] =	wrdreg s25  }
0x2d: {  	[dreg:$0x3] =	wrdreg s17  }
0x2e: {  	[dreg:$0x4] =	wrdreg $0x9  }
0x2f: {  	_ =	task.clear_ibuf [dreg:s7], $0x5FFFF;
	_ =	strace $0x90000049  }
0x30: {  	s29 =	simm.s32 $0x9;
	_ =	strace $0x8000004B  }
0x31: {  	_ =	swait.ge [sflag:s29], $0x1  }
0x32: {  	[sflag:s29] =	ssyncadd.s32 $0xFFFFFFFF  }
0x33: {  	_ =	strace $0x9000004B  }
0x34: {  	_ =	sfence  }
0x35: {  	s30 =	sld [smem:$0x0];
	_ =	sdelay $0x2  }
0x36: {  	s31 =	sshll.u32 s1, $0xD;
	s1 =	sshrl.u32 s1, $0x2  }
0x37: {  	s3 =	sand.u32 $0x4000, s31;
	s1 =	sadd.s32 s1, s30  }
0x38: {  	s0 =	sor.u32 s3, s0;
	s1 =	sshll.u32 s1, $0x11  }
0x39: {  	s0 =	sor.u32 s1, s0  }
0x3a: {  	s0 =	sadd.s32 $0x8F2B, s0  }
0x3b: {  	[sflag:s0] =	ssyncadd.remote.s32 $0x1  }
0x3c: {  	_ =	sfence.sel $0xFFFF  }
0x3d: {  	[dreg:$0x0] =	wrdreg $0xFFFFFFFF;
	(pc) =	sbr.abs _section_cstart, $3  }
0x3e: {  	[dreg:$0x1] =	wrdreg $0xFFFFFFFF  }
0x3f: {  	_ =	task.clear_ibuf [dreg:s7], $0x2FFFF;
	_ =	strace $0x9FFFFFFF  }
0x40: {  	(tm) =	ssettm $0x7FFFFFFF  }
0x41: {  	_ =	shalt  }
tec
execute0_lowered:
.L_overlay_start_1:
0x0: {  	(tag) =	ssettag $0x1  }
0x1: {  	s0 =	srdreg.scid  }
0x2: {  	s1 =	sshll.u32 s0, $0x4  }
0x3: {  	s0 =	stileid.u32;
	s1 =	sand.u32 $0x10, s1  }
0x4: {  	s1 =	sor.u32 s0, s1  }
0x5: {  	s6 =	rddreg [dreg:$0x0];
	s4 =	simm.s32 $0x1;
	s2 =	sshll.u32 s1, $0x7  }
0x6: {  	s7 =	simm.s32 $0x2;
	s12 =	simm.s32 $0x0;
	s1 =	ssub.s32 $0x1000, s2  }
0x7: {  	s8 =	simm.s32 $0x8000;
	s13 =	simm.s32 $0x0;
	s3 =	sand.u32 $0xF80, s1  }
0x8: {  	s9 =	simm.s32 $0x0;
	s5 =	sshrl.u32 s1, $0xC;
	p0 =	sne.s32 s3, $0x0  }
.Ltmp0:
0x9: {  	s1 =	rddreg [dreg:$0x2];
	s4 =	simm.s32 @!p0 $0x0;
	(pc) =	sbr.rel .LBB1_1-.Ltmp0, $4  }
0xa: {  	s11 =	simm.s32 $0x0;
	s3 =	rddreg [dreg:$0x1];
	s5 =	sadd.s32 s4, s5  }
0xb: {  	_ =	strace $0x8000004A;
	s4 =	simm.s32 $0x1;
	s5 =	smul.u32 $0xC8, s5  }
0xc: {  	s6 =	sadd.s32 $0x20E00, s6;
	s10 =	smov.u32 s2;
	[sflag:s4] =	ssyncpa.u1 $0x0  }
0xd: {  	p0 =	por $0x0, $0x0;
	[sflag:s7] =	ssyncpa.u1 $0x0;
	s7 =	sor.u32 $0x1, s5  }
.LBB1_4:
0xe: {  	s16 =	sshll.u32 s13, $0x3;
	s17 =	sand.u32 $0x78, s13  }
0xf: {  	s30 =	sand.u32 $0x3E00, s13;
	s12 =	sshll.u32 s12, $0xE;
	s16 =	sand.u32 $0xC00, s16  }
0x10: {  	s31 =	sand.u32 $0x7, s13;
	s16 =	sor.u32 s17, s16;
	s17 =	sadd.s32 s3, s30  }
0x11: {  	s13 =	sshll.u32 s31, $0x12;
	s16 =	sshrl.u32 s16, $0x3;
	s12 =	sadd.s32 s12, s17  }
0x12: {  	[tilespmem:s15+$0x0 ss:$0x81] =	vst.msk $0xffff, v0;
	s13 =	sor.u32 $0x400, s13;
	s12 =	sadd.s32 s16, s12  }
0x13: {  	[hbm4b:s12+s13] =	stream.strided.scatter [tilespmem:s14], [sflag:$0x2], $0x1000, s8, s13, $0x20;
	[tilespmem:$0x4040] =	vst v63  }
.LBB1_5:
0x14: {  	s14 =	sadd.s32 $0x1, s9  }
0x15: {  	s12 =	sadd.s32 $0x1000, s10;
	s16 =	smov.u32 s10;
	p2 =	sgt.s32 s14, $0xC7  }
0x16: {  	s16 =	smov.u32 @p2 s12  }
0x17: {  	s14 =	simm.s32 @p2 $0x0;
	p2 =	sgt.s32 s16, $0xFFF  }
0x18: {  	s16 =	smov.u32 @p2 s2;
	p2 =	sne.s32 s11, s7  }
.Ltmp1:
0x19: {  	p1 =	slt.u32 s11, $0x2;
	(pc) =	sbr.rel @!p2 .LBB1_6-.Ltmp1, $4  }
0x1a: {  	s15 =	simm.s32 @!p1 $0x2  }
0x1b: {  	s13 =	smov.u32 s10;
	p0 =	por !p0, !p0;
	_ =	swait.ge @!p1 [sflag:s15], $0x1000  }
0x1c: {  	s12 =	smov.u32 s9;
	[sflag:s15] =	ssyncset.done @!p1 $0x0;
	s9 =	smov.u32 s14  }
0x1d: {  	s11 =	sadd.s32 $0x1, s11;
	[sflag:s15] =	ssyncadd.s32 @!p1 $0xFFFFF000;
	s10 =	smov.u32 s16  }
.LBB1_1:
0x1e: {  	p1 =	sge.u32 s11, s5  }
0x1f: {  	s14 =	sand.u32 @!p1 $0x1FFFFFF, s9  }
0x20: {  	s15 =	smulhi.u32 @!p1 $0x147AE15, s14;
	_ =	sdelay $0x1  }
0x21: {  	s15 =	smul.u32 @!p1 $0xC8, s15  }
0x22: {  	s16 =	sxor.u32 @!p1 $0xFFFFFFFF, s11;
	s17 =	smul.u32 @!p1 $0xC80, s10  }
0x23: {  	s31 =	sadd.s32 $0xFFFFFFFF, s11;
	s16 =	sshll.u32 @!p1 s16, $0xC;
	s14 =	ssub.s32 @!p1 s14, s15  }
0x24: {  	s15 =	sand.u32 @!p1 $0x1000, s16;
	s16 =	sadd.s32 @!p1 s6, s17;
	s14 =	sshll.u32 @!p1 s14, $0x4  }
0x25: {  	s17 =	simm.s32 @!p1 $0x6400;
	s14 =	sadd.s32 @!p1 s14, s16;
	s16 =	simm.s32 @!p1 $0x20  }
0x26: {  	[tilespmem:s15], [sflag:$0x1] =	stream.strided.gather @!p1 [hbm4b:s14+s16], $0x1000, s17, s16, $0x38;
	[tilespmem:$0x4040] =	vst v63  }
0x27: {  	p1 =	sge.u32 s31, s5  }
.Ltmp2:
0x28: {  	_ = 	snop;
	(pc) =	sbr.rel @p1 .LBB1_5-.Ltmp2, $1  }
0x29: {  	_ =	sdelay $0x3  }
0x2a: {  	s14 =	simm.s32 $0x1  }
0x2b: {  	_ =	swait.ge [sflag:s4], $0x1000;
	s14 =	simm.s32 @!p0 $0x0  }
0x2c: {  	[sflag:s4] =	ssyncset.done $0x0;
	s15 =	sshll.u32 s14, $0xC  }
0x2d: {  	[sflag:s4] =	ssyncadd.s32 $0xFFFFF000;
	s18 =	sor.u32 $0x10, s15  }
0x2e: {  	s14 =	smul.u32 $0x4080, s14;
	v1 =	vld [tilespmem:s18+$0x0]  }
0x2f: {  	s30 =	sand.u32 $0x1, s11;
	v0 =	vld [tilespmem:s18+$0xFFFFFFF0]  }
0x30: {  	s15 =	smul.u32 $0x4080, s30;
	s14 =	sshrl.u32 s14, $0x2  }
0x31: {  	s16 =	sor.u32 $0x2000, s14  }
0x32: {  	s31 =	sshrl.u32 s15, $0x2;
	s15 =	sadd.s32 $0x0, s16  }
0x33: {  	s17 =	simm.s32 $0x4;
	s18 =	sadd.s32 $0x20, s18;
	s14 =	sor.u32 $0x2000, s31;
	[tilespmem:s15+$0x810 ss:$0x81] =	vst.msk $0xffff, v1  }
.LBB1_3:
0x34: {  	v1 =	vld [tilespmem:s18+$0x0];
	p1 =	sne.s32 s17, $0x1FC;
	[tilespmem:s15+$0x0 ss:$0x81] =	vst.msk $0xffff, v0;
	s15 =	smov.u32 s17;
	s17 =	sadd.s32 $0x4, s17  }
.Ltmp3:
0x35: {  	v0 =	vld [tilespmem:s18+$0xFFFFFFF0];
	(pc) =	sbr.rel @p1 .LBB1_3-.Ltmp3, $4  }
0x36: {  	_ = 	snop  }
0x37: {  	s15 =	sshra.s32 s15, $0x2  }
0x38: {  	s15 =	sadd.s32 s15, s16  }
0x39: {  	s18 =	sadd.s32 $0x20, s18;
	[tilespmem:s15+$0x810 ss:$0x81] =	vst.msk $0xffff, v1  }
.Ltmp4:
0x3a: {  	_ = 	snop;
	(pc) =	sbr.rel .LBB1_4-.Ltmp4, $1  }
0x3b: {  	_ =	sdelay $0x3  }
.LBB1_6:
0x3c: {  	_ =	sfence.sel $0x180000  }
0x3d: {  	s2 =	simm.s32 $0x1;
	[bflag:$0x0] =	sbarrier.arrive $0xFFFF  }
0x3e: {  	s31 =	simm.s32 $0x2;
	[sflag:s2] =	ssyncpa.u1 $0x1  }
0x3f: {  	[sflag:s31] =	ssyncpa.u1 $0x1  }
0x40: {  	p0 =	sne.s32 s0, $0x0;
	_ =	strace $0x9000004A  }
0x41: {  	s0 =	sadd.s32 @!p0 $0x100000, s1;
	[bflag:$0x2] =	sbarrier.arrive $0xFFFF  }
0x42: {  	[sflag:s0] =	ssyncadd.tile.s32 @!p0 $0x1;
	_ =	shalt  }
.Lfunc_end1:
_tile_overlayer_lowered:
.L_overlay_start_2:
0x43: {  	(tag) =	ssettag $0x2  }
0x44: {  	s0 =	rddreg [dreg:$0x0];
	s2 =	stileid.u32  }
0x45: {  	s1 =	rddreg [dreg:$0x1];
	p0 =	sne.s32 s2, $0x0  }
0x46: {  	s3 =	rddreg [dreg:$0x2];
	[bflag:$0x3] =	sbarrier.arrive $0xFFFF;
	s2 =	simm.s32 @!p0 $0x1C01  }
0x47: {  	[timem:s3], [sflag:s2] =	dma.local @!p0 [hbm:s0], s1  }
0x48: {  	s0 =	simm.s32 @!p0 $0x1  }
0x49: {  	_ =	swait.ge @!p0 [sflag:s0], s1  }
0x4a: {  	s1 =	ssub.s32 @!p0 $0x0, s1;
	[sflag:s0] =	ssyncset.done @!p0 $0x0  }
0x4b: {  	[sflag:s0] =	ssyncadd.s32 @!p0 s1  }
0x4c: {  	[bflag:$0x3] =	sbarrier.arrive $0xFFFF  }
0x4d: {  	_ =	shalt  }

</sc_bundles>
